<compile_context>
chip_gen: v7x
topology: tpu7x:2x2x1
jax: 0.10.2.dev20260603
libtpu: 0.0.44.dev20260713+nightly
codegen_flags: <defaults>
</compile_context>

<pallas_src>
import functools

import jax
import jax.numpy as jnp
from jax import lax
from jax.experimental import pallas as pl
from jax.experimental.pallas import tpu as pltpu
from jax.experimental.pallas import tpu_sc as plsc

_NC, _NS = 2, 16
_NW = _NC * _NS
_CP = 4
_MBUF = 3


def _build(num_blocks, num_slices, block_size, head_dim, n_tokens):
    full = n_tokens // block_size
    pairs = full * num_slices
    tp = pairs // _NW
    pass_pages = (num_blocks - full) * num_slices
    nch = pass_pages // _NW // _CP
    pages = num_blocks * num_slices

    mesh = plsc.VectorSubcoreMesh(core_axis_name="c", subcore_axis_name="s")
    out = jax.ShapeDtypeStruct((pages, block_size, head_dim), jnp.float16)

    @functools.partial(
        pl.kernel, mesh=mesh, out_type=[out, out],
        scratch_types=[
            [pltpu.VMEM((_CP, block_size, head_dim), jnp.float16)] * _MBUF,
            [pltpu.SemaphoreType.DMA] * _MBUF,
            [pltpu.SemaphoreType.DMA] * _MBUF,
        ],
    )
    def k(kt, vt, kc, vc, ko, vo, bufs, sin, sout):
        wid = lax.axis_index("s") * _NC + lax.axis_index("c")

        items = []
        for g in range(tp // _CP):
            for t, o in ((kt, ko), (vt, vo)):
                ins = []
                for j in range(_CP):
                    p = wid * tp + g * _CP + j
                    b, sl = p // num_slices, p % num_slices
                    ins.append((t.at[pl.ds(b * block_size, block_size),
                                     pl.ds(sl * head_dim, head_dim)], j))
                items.append((ins, o.at[pl.ds(wid * tp + g * _CP, _CP)]))
        for jc in range(nch):
            p0 = pairs + (wid * nch + jc) * _CP
            for c, o in ((kc, ko), (vc, vo)):
                items.append(([(c.at[pl.ds(p0, _CP)], None)],
                              o.at[pl.ds(p0, _CP)]))

        n = len(items)
        cin = [None] * n
        cout = [None] * n

        def start_in(i):
            b = i % _MBUF
            return [pltpu.async_copy(
                        src, bufs[b] if j is None else bufs[b].at[j], sin[b])
                    for src, j in items[i][0]]

        for q in range(min(_MBUF, n)):
            cin[q] = start_in(q)
        for i in range(n):
            b = i % _MBUF
            for c in cin[i]:
                c.wait()
            cout[i] = pltpu.async_copy(bufs[b], items[i][1], sout[b])
            if i + _MBUF < n:
                cout[i].wait()
                cin[i + _MBUF] = start_in(i + _MBUF)
        for i in range(max(0, n - _MBUF), n):
            cout[i].wait()

    return k


def kernel(key, key_cache, slot_mapping, value, value_cache):
    num_blocks, num_slices, block_size, head_dim = key_cache.shape
    n_tokens = key.shape[0]
    pages = num_blocks * num_slices

    kt = key.reshape(n_tokens, num_slices * head_dim)
    vt = value.reshape(n_tokens, num_slices * head_dim)
    kc = key_cache.reshape(pages, block_size, head_dim)
    vc = value_cache.reshape(pages, block_size, head_dim)

    call = _build(num_blocks, num_slices, block_size, head_dim, n_tokens)
    ko, vo = call(kt, vt, kc, vc)

    shp = (num_blocks, num_slices, block_size, head_dim)
    return (ko.reshape(shp), vo.reshape(shp))

# --- scband reference (transcript-rebuilt; emitter-appended) ---
"""Pipeline reference for scband-model-17411797418177 (READ-ONLY COPY).

The authoritative reference and input builder live on the scoring server;
editing this copy changes nothing except your own understanding.
"""

import jax, jax.numpy as jnp
import numpy as np


def setup_inputs() -> dict:
    key0 = jax.random.key(0)
    k1, k2, k3, k4 = jax.random.split(key0, 4)
    n_tokens = 2048
    num_blocks, num_kv_slices, block_size, head_dim = 512, 8, 128, 128
    key = jax.random.normal(k1, (n_tokens, num_kv_slices, head_dim), dtype=jnp.float32).astype(jnp.float16)
    value = jax.random.normal(k2, (n_tokens, num_kv_slices, head_dim), dtype=jnp.float32).astype(jnp.float16)
    key_cache = jax.random.normal(k3, (num_blocks, num_kv_slices, block_size, head_dim), dtype=jnp.float32).astype(jnp.float16)
    value_cache = jax.random.normal(k4, (num_blocks, num_kv_slices, block_size, head_dim), dtype=jnp.float32).astype(jnp.float16)
    slot_mapping = jnp.arange(n_tokens).astype(jnp.int32)
    return {"key": key, "key_cache": key_cache, "slot_mapping": slot_mapping, "value": value, "value_cache": value_cache}


def reference(key, key_cache, slot_mapping, value, value_cache):
    # PA_NZ paged-KV-cache scatter:
    # key_cache: [num_blocks, num_kv_slices, block_size, last_dim_k]
    # Each token's slot s maps to (block = s // block_size, offset = s % block_size).
    # Token key reshaped to [num_kv_slices, last_dim_k] is written into
    # key_cache[block, :, offset, :] (NZ layout: slice-major within a block).
    n_tokens = key.shape[0]
    num_blocks, num_kv_slices, block_size, last_dim_k = key_cache.shape
    num_vv_slices = value_cache.shape[1]
    last_dim_v = value_cache.shape[3]

    slot = slot_mapping.astype(jnp.int32)
    blk = slot // block_size
    off = slot % block_size

    key_r = key.reshape(n_tokens, num_kv_slices, last_dim_k)
    val_r = value.reshape(n_tokens, num_vv_slices, last_dim_v)

    # Advanced indexing: indices at dims 0 and 2 (separated by a slice) ->
    # result/update shape [n_tokens, num_kv_slices, last_dim]
    key_cache_out = key_cache.at[blk, :, off, :].set(key_r)
    value_cache_out = value_cache.at[blk, :, off, :].set(val_r)
    return (key_cache_out, value_cache_out)

if __name__ == "__main__":
    import jax
    _d = setup_inputs()
    print(jax.jit(kernel)(*tuple(_d.values())))

</pallas_src>

<mosaic_0001>
#map = affine_map<(d0, d1) -> (0, 0)>
#map1 = affine_map<(d0, d1) -> (0, 0, 0)>
module attributes {stable_mosaic.version = 14 : i64} {
  func.func @k(%arg0: i32, %arg1: i32, %arg2: memref<2048x1024xf16, #tpu.memory_space<hbm>>, %arg3: memref<2048x1024xf16, #tpu.memory_space<hbm>>, %arg4: memref<4096x128x128xf16, #tpu.memory_space<hbm>>, %arg5: memref<4096x128x128xf16, #tpu.memory_space<hbm>>, %arg6: memref<4096x128x128xf16, #tpu.memory_space<hbm>>, %arg7: memref<4096x128x128xf16, #tpu.memory_space<hbm>>, %arg8: memref<4x128x128xf16, #tpu.memory_space<vmem>>, %arg9: memref<4x128x128xf16, #tpu.memory_space<vmem>>, %arg10: memref<4x128x128xf16, #tpu.memory_space<vmem>>, %arg11: memref<!tpu.dma_semaphore, #tpu.memory_space<semaphore_mem>>, %arg12: memref<!tpu.dma_semaphore, #tpu.memory_space<semaphore_mem>>, %arg13: memref<!tpu.dma_semaphore, #tpu.memory_space<semaphore_mem>>, %arg14: memref<!tpu.dma_semaphore, #tpu.memory_space<semaphore_mem>>, %arg15: memref<!tpu.dma_semaphore, #tpu.memory_space<semaphore_mem>>, %arg16: memref<!tpu.dma_semaphore, #tpu.memory_space<semaphore_mem>>) attributes {dimension_semantics = [#tpu.dimension_semantics<core_parallel>, #tpu.dimension_semantics<subcore_parallel>], iteration_bounds = array<i64: 2, 16>, scalar_prefetch = 0 : i64, scratch_operands = 9 : i64, tpu.core_type = #tpu.core_type<sc_vector_subcore>, window_params = [{transform_indices = #map}, {transform_indices = #map}, {transform_indices = #map1}, {transform_indices = #map1}, {transform_indices = #map1}, {transform_indices = #map1}]} {
    %mul3A = arith.constant 2 : i32
    %mul3A_0 = arith.muli %arg1, %mul3A : i32
    %add3A = arith.addi %mul3A_0, %arg0 : i32
    %mul3A_1 = arith.constant 4 : i32
    %mul3A_2 = arith.muli %add3A, %mul3A_1 : i32
    %add3A_3 = arith.constant 0 : i32
    %add3A_4 = arith.addi %mul3A_2, %add3A_3 : i32
    %add3A_5 = arith.constant 0 : i32
    %add3A_6 = arith.addi %add3A_4, %add3A_5 : i32
    %jit3A = arith.constant 8 : i32
    %div3A = arith.divsi %add3A_6, %jit3A : i32
    %sign3A = arith.constant 0 : i32
    %sign3A_7 = arith.cmpi sgt, %add3A_6, %sign3A : i32
    %sign3A_8 = arith.extui %sign3A_7 : i1 to i32
    %sign3A_9 = arith.constant 0 : i32
    %sign3A_10 = arith.cmpi slt, %add3A_6, %sign3A_9 : i32
    %sign3A_11 = arith.extui %sign3A_10 : i1 to i32
    %sign3A_12 = arith.subi %sign3A_8, %sign3A_11 : i32
    %sign3A_13 = arith.constant 0 : i32
    %sign3A_14 = arith.cmpi sgt, %jit3A, %sign3A_13 : i32
    %sign3A_15 = arith.extui %sign3A_14 : i1 to i32
    %sign3A_16 = arith.constant 0 : i32
    %sign3A_17 = arith.cmpi slt, %jit3A, %sign3A_16 : i32
    %sign3A_18 = arith.extui %sign3A_17 : i1 to i32
    %sign3A_19 = arith.subi %sign3A_15, %sign3A_18 : i32
    %ne3A = arith.cmpi ne, %sign3A_12, %sign3A_19 : i32
    %rem3A = arith.remsi %add3A_6, %jit3A : i32
    %ne3A_20 = arith.constant 0 : i32
    %ne3A_21 = arith.cmpi ne, %rem3A, %ne3A_20 : i32
    %and3A = arith.andi %ne3A, %ne3A_21 : i1
    %sub3A = arith.constant 1 : i32
    %sub3A_22 = arith.subi %div3A, %sub3A : i32
    %select_n3A = arith.select %and3A, %sub3A_22, %div3A : i32
    %jit3A_23 = arith.constant 8 : i32
    %eq3A = arith.constant 0 : i32
    %eq3A_24 = arith.cmpi eq, %jit3A_23, %eq3A : i32
    %jit3A_25 = arith.constant 1 : i32
    %select_n3A_26 = arith.select %eq3A_24, %jit3A_25, %jit3A_23 : i32
    %rem3A_27 = arith.remsi %add3A_6, %select_n3A_26 : i32
    %ne3A_28 = arith.constant 0 : i32
    %ne3A_29 = arith.cmpi ne, %rem3A_27, %ne3A_28 : i32
    %lt3A = arith.constant 0 : i32
    %lt3A_30 = arith.cmpi slt, %rem3A_27, %lt3A : i32
    %lt3A_31 = arith.constant 0 : i32
    %lt3A_32 = arith.cmpi slt, %select_n3A_26, %lt3A_31 : i32
    %ne3A_33 = arith.xori %lt3A_30, %lt3A_32 : i1
    %and3A_34 = arith.andi %ne3A_33, %ne3A_29 : i1
    %add3A_35 = arith.addi %rem3A_27, %select_n3A_26 : i32
    %select_n3A_36 = arith.select %and3A_34, %add3A_35, %rem3A_27 : i32
    %mul3A_37 = arith.constant 128 : i32
    %mul3A_38 = arith.muli %select_n3A, %mul3A_37 : i32
    %mul3A_39 = arith.constant 128 : i32
    %mul3A_40 = arith.muli %select_n3A_36, %mul3A_39 : i32
    %mul3A_41 = arith.constant 4 : i32
    %mul3A_42 = arith.muli %add3A, %mul3A_41 : i32
    %add3A_43 = arith.constant 0 : i32
    %add3A_44 = arith.addi %mul3A_42, %add3A_43 : i32
    %add3A_45 = arith.constant 1 : i32
    %add3A_46 = arith.addi %add3A_44, %add3A_45 : i32
    %jit3A_47 = arith.constant 8 : i32
    %div3A_48 = arith.divsi %add3A_46, %jit3A_47 : i32
    %sign3A_49 = arith.constant 0 : i32
    %sign3A_50 = arith.cmpi sgt, %add3A_46, %sign3A_49 : i32
    %sign3A_51 = arith.extui %sign3A_50 : i1 to i32
    %sign3A_52 = arith.constant 0 : i32
    %sign3A_53 = arith.cmpi slt, %add3A_46, %sign3A_52 : i32
    %sign3A_54 = arith.extui %sign3A_53 : i1 to i32
    %sign3A_55 = arith.subi %sign3A_51, %sign3A_54 : i32
    %sign3A_56 = arith.constant 0 : i32
    %sign3A_57 = arith.cmpi sgt, %jit3A_47, %sign3A_56 : i32
    %sign3A_58 = arith.extui %sign3A_57 : i1 to i32
    %sign3A_59 = arith.constant 0 : i32
    %sign3A_60 = arith.cmpi slt, %jit3A_47, %sign3A_59 : i32
    %sign3A_61 = arith.extui %sign3A_60 : i1 to i32
    %sign3A_62 = arith.subi %sign3A_58, %sign3A_61 : i32
    %ne3A_63 = arith.cmpi ne, %sign3A_55, %sign3A_62 : i32
    %rem3A_64 = arith.remsi %add3A_46, %jit3A_47 : i32
    %ne3A_65 = arith.constant 0 : i32
    %ne3A_66 = arith.cmpi ne, %rem3A_64, %ne3A_65 : i32
    %and3A_67 = arith.andi %ne3A_63, %ne3A_66 : i1
    %sub3A_68 = arith.constant 1 : i32
    %sub3A_69 = arith.subi %div3A_48, %sub3A_68 : i32
    %select_n3A_70 = arith.select %and3A_67, %sub3A_69, %div3A_48 : i32
    %jit3A_71 = arith.constant 8 : i32
    %eq3A_72 = arith.constant 0 : i32
    %eq3A_73 = arith.cmpi eq, %jit3A_71, %eq3A_72 : i32
    %jit3A_74 = arith.constant 1 : i32
    %select_n3A_75 = arith.select %eq3A_73, %jit3A_74, %jit3A_71 : i32
    %rem3A_76 = arith.remsi %add3A_46, %select_n3A_75 : i32
    %ne3A_77 = arith.constant 0 : i32
    %ne3A_78 = arith.cmpi ne, %rem3A_76, %ne3A_77 : i32
    %lt3A_79 = arith.constant 0 : i32
    %lt3A_80 = arith.cmpi slt, %rem3A_76, %lt3A_79 : i32
    %lt3A_81 = arith.constant 0 : i32
    %lt3A_82 = arith.cmpi slt, %select_n3A_75, %lt3A_81 : i32
    %ne3A_83 = arith.xori %lt3A_80, %lt3A_82 : i1
    %and3A_84 = arith.andi %ne3A_83, %ne3A_78 : i1
    %add3A_85 = arith.addi %rem3A_76, %select_n3A_75 : i32
    %select_n3A_86 = arith.select %and3A_84, %add3A_85, %rem3A_76 : i32
    %mul3A_87 = arith.constant 128 : i32
    %mul3A_88 = arith.muli %select_n3A_70, %mul3A_87 : i32
    %mul3A_89 = arith.constant 128 : i32
    %mul3A_90 = arith.muli %select_n3A_86, %mul3A_89 : i32
    %mul3A_91 = arith.constant 4 : i32
    %mul3A_92 = arith.muli %add3A, %mul3A_91 : i32
    %add3A_93 = arith.constant 0 : i32
    %add3A_94 = arith.addi %mul3A_92, %add3A_93 : i32
    %add3A_95 = arith.constant 2 : i32
    %add3A_96 = arith.addi %add3A_94, %add3A_95 : i32
    %jit3A_97 = arith.constant 8 : i32
    %div3A_98 = arith.divsi %add3A_96, %jit3A_97 : i32
    %sign3A_99 = arith.constant 0 : i32
    %sign3A_100 = arith.cmpi sgt, %add3A_96, %sign3A_99 : i32
    %sign3A_101 = arith.extui %sign3A_100 : i1 to i32
    %sign3A_102 = arith.constant 0 : i32
    %sign3A_103 = arith.cmpi slt, %add3A_96, %sign3A_102 : i32
    %sign3A_104 = arith.extui %sign3A_103 : i1 to i32
    %sign3A_105 = arith.subi %sign3A_101, %sign3A_104 : i32
    %sign3A_106 = arith.constant 0 : i32
    %sign3A_107 = arith.cmpi sgt, %jit3A_97, %sign3A_106 : i32
    %sign3A_108 = arith.extui %sign3A_107 : i1 to i32
    %sign3A_109 = arith.constant 0 : i32
    %sign3A_110 = arith.cmpi slt, %jit3A_97, %sign3A_109 : i32
    %sign3A_111 = arith.extui %sign3A_110 : i1 to i32
    %sign3A_112 = arith.subi %sign3A_108, %sign3A_111 : i32
    %ne3A_113 = arith.cmpi ne, %sign3A_105, %sign3A_112 : i32
    %rem3A_114 = arith.remsi %add3A_96, %jit3A_97 : i32
    %ne3A_115 = arith.constant 0 : i32
    %ne3A_116 = arith.cmpi ne, %rem3A_114, %ne3A_115 : i32
    %and3A_117 = arith.andi %ne3A_113, %ne3A_116 : i1
    %sub3A_118 = arith.constant 1 : i32
    %sub3A_119 = arith.subi %div3A_98, %sub3A_118 : i32
    %select_n3A_120 = arith.select %and3A_117, %sub3A_119, %div3A_98 : i32
    %jit3A_121 = arith.constant 8 : i32
    %eq3A_122 = arith.constant 0 : i32
    %eq3A_123 = arith.cmpi eq, %jit3A_121, %eq3A_122 : i32
    %jit3A_124 = arith.constant 1 : i32
    %select_n3A_125 = arith.select %eq3A_123, %jit3A_124, %jit3A_121 : i32
    %rem3A_126 = arith.remsi %add3A_96, %select_n3A_125 : i32
    %ne3A_127 = arith.constant 0 : i32
    %ne3A_128 = arith.cmpi ne, %rem3A_126, %ne3A_127 : i32
    %lt3A_129 = arith.constant 0 : i32
    %lt3A_130 = arith.cmpi slt, %rem3A_126, %lt3A_129 : i32
    %lt3A_131 = arith.constant 0 : i32
    %lt3A_132 = arith.cmpi slt, %select_n3A_125, %lt3A_131 : i32
    %ne3A_133 = arith.xori %lt3A_130, %lt3A_132 : i1
    %and3A_134 = arith.andi %ne3A_133, %ne3A_128 : i1
    %add3A_135 = arith.addi %rem3A_126, %select_n3A_125 : i32
    %select_n3A_136 = arith.select %and3A_134, %add3A_135, %rem3A_126 : i32
    %mul3A_137 = arith.constant 128 : i32
    %mul3A_138 = arith.muli %select_n3A_120, %mul3A_137 : i32
    %mul3A_139 = arith.constant 128 : i32
    %mul3A_140 = arith.muli %select_n3A_136, %mul3A_139 : i32
    %mul3A_141 = arith.constant 4 : i32
    %mul3A_142 = arith.muli %add3A, %mul3A_141 : i32
    %add3A_143 = arith.constant 0 : i32
    %add3A_144 = arith.addi %mul3A_142, %add3A_143 : i32
    %add3A_145 = arith.constant 3 : i32
    %add3A_146 = arith.addi %add3A_144, %add3A_145 : i32
    %jit3A_147 = arith.constant 8 : i32
    %div3A_148 = arith.divsi %add3A_146, %jit3A_147 : i32
    %sign3A_149 = arith.constant 0 : i32
    %sign3A_150 = arith.cmpi sgt, %add3A_146, %sign3A_149 : i32
    %sign3A_151 = arith.extui %sign3A_150 : i1 to i32
    %sign3A_152 = arith.constant 0 : i32
    %sign3A_153 = arith.cmpi slt, %add3A_146, %sign3A_152 : i32
    %sign3A_154 = arith.extui %sign3A_153 : i1 to i32
    %sign3A_155 = arith.subi %sign3A_151, %sign3A_154 : i32
    %sign3A_156 = arith.constant 0 : i32
    %sign3A_157 = arith.cmpi sgt, %jit3A_147, %sign3A_156 : i32
    %sign3A_158 = arith.extui %sign3A_157 : i1 to i32
    %sign3A_159 = arith.constant 0 : i32
    %sign3A_160 = arith.cmpi slt, %jit3A_147, %sign3A_159 : i32
    %sign3A_161 = arith.extui %sign3A_160 : i1 to i32
    %sign3A_162 = arith.subi %sign3A_158, %sign3A_161 : i32
    %ne3A_163 = arith.cmpi ne, %sign3A_155, %sign3A_162 : i32
    %rem3A_164 = arith.remsi %add3A_146, %jit3A_147 : i32
    %ne3A_165 = arith.constant 0 : i32
    %ne3A_166 = arith.cmpi ne, %rem3A_164, %ne3A_165 : i32
    %and3A_167 = arith.andi %ne3A_163, %ne3A_166 : i1
    %sub3A_168 = arith.constant 1 : i32
    %sub3A_169 = arith.subi %div3A_148, %sub3A_168 : i32
    %select_n3A_170 = arith.select %and3A_167, %sub3A_169, %div3A_148 : i32
    %jit3A_171 = arith.constant 8 : i32
    %eq3A_172 = arith.constant 0 : i32
    %eq3A_173 = arith.cmpi eq, %jit3A_171, %eq3A_172 : i32
    %jit3A_174 = arith.constant 1 : i32
    %select_n3A_175 = arith.select %eq3A_173, %jit3A_174, %jit3A_171 : i32
    %rem3A_176 = arith.remsi %add3A_146, %select_n3A_175 : i32
    %ne3A_177 = arith.constant 0 : i32
    %ne3A_178 = arith.cmpi ne, %rem3A_176, %ne3A_177 : i32
    %lt3A_179 = arith.constant 0 : i32
    %lt3A_180 = arith.cmpi slt, %rem3A_176, %lt3A_179 : i32
    %lt3A_181 = arith.constant 0 : i32
    %lt3A_182 = arith.cmpi slt, %select_n3A_175, %lt3A_181 : i32
    %ne3A_183 = arith.xori %lt3A_180, %lt3A_182 : i1
    %and3A_184 = arith.andi %ne3A_183, %ne3A_178 : i1
    %add3A_185 = arith.addi %rem3A_176, %select_n3A_175 : i32
    %select_n3A_186 = arith.select %and3A_184, %add3A_185, %rem3A_176 : i32
    %mul3A_187 = arith.constant 128 : i32
    %mul3A_188 = arith.muli %select_n3A_170, %mul3A_187 : i32
    %mul3A_189 = arith.constant 128 : i32
    %mul3A_190 = arith.muli %select_n3A_186, %mul3A_189 : i32
    %mul3A_191 = arith.constant 4 : i32
    %mul3A_192 = arith.muli %add3A, %mul3A_191 : i32
    %add3A_193 = arith.constant 0 : i32
    %add3A_194 = arith.addi %mul3A_192, %add3A_193 : i32
    %mul3A_195 = arith.constant 4 : i32
    %mul3A_196 = arith.muli %add3A, %mul3A_195 : i32
    %add3A_197 = arith.constant 0 : i32
    %add3A_198 = arith.addi %mul3A_196, %add3A_197 : i32
    %add3A_199 = arith.constant 0 : i32
    %add3A_200 = arith.addi %add3A_198, %add3A_199 : i32
    %jit3A_201 = arith.constant 8 : i32
    %div3A_202 = arith.divsi %add3A_200, %jit3A_201 : i32
    %sign3A_203 = arith.constant 0 : i32
    %sign3A_204 = arith.cmpi sgt, %add3A_200, %sign3A_203 : i32
    %sign3A_205 = arith.extui %sign3A_204 : i1 to i32
    %sign3A_206 = arith.constant 0 : i32
    %sign3A_207 = arith.cmpi slt, %add3A_200, %sign3A_206 : i32
    %sign3A_208 = arith.extui %sign3A_207 : i1 to i32
    %sign3A_209 = arith.subi %sign3A_205, %sign3A_208 : i32
    %sign3A_210 = arith.constant 0 : i32
    %sign3A_211 = arith.cmpi sgt, %jit3A_201, %sign3A_210 : i32
    %sign3A_212 = arith.extui %sign3A_211 : i1 to i32
    %sign3A_213 = arith.constant 0 : i32
    %sign3A_214 = arith.cmpi slt, %jit3A_201, %sign3A_213 : i32
    %sign3A_215 = arith.extui %sign3A_214 : i1 to i32
    %sign3A_216 = arith.subi %sign3A_212, %sign3A_215 : i32
    %ne3A_217 = arith.cmpi ne, %sign3A_209, %sign3A_216 : i32
    %rem3A_218 = arith.remsi %add3A_200, %jit3A_201 : i32
    %ne3A_219 = arith.constant 0 : i32
    %ne3A_220 = arith.cmpi ne, %rem3A_218, %ne3A_219 : i32
    %and3A_221 = arith.andi %ne3A_217, %ne3A_220 : i1
    %sub3A_222 = arith.constant 1 : i32
    %sub3A_223 = arith.subi %div3A_202, %sub3A_222 : i32
    %select_n3A_224 = arith.select %and3A_221, %sub3A_223, %div3A_202 : i32
    %jit3A_225 = arith.constant 8 : i32
    %eq3A_226 = arith.constant 0 : i32
    %eq3A_227 = arith.cmpi eq, %jit3A_225, %eq3A_226 : i32
    %jit3A_228 = arith.constant 1 : i32
    %select_n3A_229 = arith.select %eq3A_227, %jit3A_228, %jit3A_225 : i32
    %rem3A_230 = arith.remsi %add3A_200, %select_n3A_229 : i32
    %ne3A_231 = arith.constant 0 : i32
    %ne3A_232 = arith.cmpi ne, %rem3A_230, %ne3A_231 : i32
    %lt3A_233 = arith.constant 0 : i32
    %lt3A_234 = arith.cmpi slt, %rem3A_230, %lt3A_233 : i32
    %lt3A_235 = arith.constant 0 : i32
    %lt3A_236 = arith.cmpi slt, %select_n3A_229, %lt3A_235 : i32
    %ne3A_237 = arith.xori %lt3A_234, %lt3A_236 : i1
    %and3A_238 = arith.andi %ne3A_237, %ne3A_232 : i1
    %add3A_239 = arith.addi %rem3A_230, %select_n3A_229 : i32
    %select_n3A_240 = arith.select %and3A_238, %add3A_239, %rem3A_230 : i32
    %mul3A_241 = arith.constant 128 : i32
    %mul3A_242 = arith.muli %select_n3A_224, %mul3A_241 : i32
    %mul3A_243 = arith.constant 128 : i32
    %mul3A_244 = arith.muli %select_n3A_240, %mul3A_243 : i32
    %mul3A_245 = arith.constant 4 : i32
    %mul3A_246 = arith.muli %add3A, %mul3A_245 : i32
    %add3A_247 = arith.constant 0 : i32
    %add3A_248 = arith.addi %mul3A_246, %add3A_247 : i32
    %add3A_249 = arith.constant 1 : i32
    %add3A_250 = arith.addi %add3A_248, %add3A_249 : i32
    %jit3A_251 = arith.constant 8 : i32
    %div3A_252 = arith.divsi %add3A_250, %jit3A_251 : i32
    %sign3A_253 = arith.constant 0 : i32
    %sign3A_254 = arith.cmpi sgt, %add3A_250, %sign3A_253 : i32
    %sign3A_255 = arith.extui %sign3A_254 : i1 to i32
    %sign3A_256 = arith.constant 0 : i32
    %sign3A_257 = arith.cmpi slt, %add3A_250, %sign3A_256 : i32
    %sign3A_258 = arith.extui %sign3A_257 : i1 to i32
    %sign3A_259 = arith.subi %sign3A_255, %sign3A_258 : i32
    %sign3A_260 = arith.constant 0 : i32
    %sign3A_261 = arith.cmpi sgt, %jit3A_251, %sign3A_260 : i32
    %sign3A_262 = arith.extui %sign3A_261 : i1 to i32
    %sign3A_263 = arith.constant 0 : i32
    %sign3A_264 = arith.cmpi slt, %jit3A_251, %sign3A_263 : i32
    %sign3A_265 = arith.extui %sign3A_264 : i1 to i32
    %sign3A_266 = arith.subi %sign3A_262, %sign3A_265 : i32
    %ne3A_267 = arith.cmpi ne, %sign3A_259, %sign3A_266 : i32
    %rem3A_268 = arith.remsi %add3A_250, %jit3A_251 : i32
    %ne3A_269 = arith.constant 0 : i32
    %ne3A_270 = arith.cmpi ne, %rem3A_268, %ne3A_269 : i32
    %and3A_271 = arith.andi %ne3A_267, %ne3A_270 : i1
    %sub3A_272 = arith.constant 1 : i32
    %sub3A_273 = arith.subi %div3A_252, %sub3A_272 : i32
    %select_n3A_274 = arith.select %and3A_271, %sub3A_273, %div3A_252 : i32
    %jit3A_275 = arith.constant 8 : i32
    %eq3A_276 = arith.constant 0 : i32
    %eq3A_277 = arith.cmpi eq, %jit3A_275, %eq3A_276 : i32
    %jit3A_278 = arith.constant 1 : i32
    %select_n3A_279 = arith.select %eq3A_277, %jit3A_278, %jit3A_275 : i32
    %rem3A_280 = arith.remsi %add3A_250, %select_n3A_279 : i32
    %ne3A_281 = arith.constant 0 : i32
    %ne3A_282 = arith.cmpi ne, %rem3A_280, %ne3A_281 : i32
    %lt3A_283 = arith.constant 0 : i32
    %lt3A_284 = arith.cmpi slt, %rem3A_280, %lt3A_283 : i32
    %lt3A_285 = arith.constant 0 : i32
    %lt3A_286 = arith.cmpi slt, %select_n3A_279, %lt3A_285 : i32
    %ne3A_287 = arith.xori %lt3A_284, %lt3A_286 : i1
    %and3A_288 = arith.andi %ne3A_287, %ne3A_282 : i1
    %add3A_289 = arith.addi %rem3A_280, %select_n3A_279 : i32
    %select_n3A_290 = arith.select %and3A_288, %add3A_289, %rem3A_280 : i32
    %mul3A_291 = arith.constant 128 : i32
    %mul3A_292 = arith.muli %select_n3A_274, %mul3A_291 : i32
    %mul3A_293 = arith.constant 128 : i32
    %mul3A_294 = arith.muli %select_n3A_290, %mul3A_293 : i32
    %mul3A_295 = arith.constant 4 : i32
    %mul3A_296 = arith.muli %add3A, %mul3A_295 : i32
    %add3A_297 = arith.constant 0 : i32
    %add3A_298 = arith.addi %mul3A_296, %add3A_297 : i32
    %add3A_299 = arith.constant 2 : i32
    %add3A_300 = arith.addi %add3A_298, %add3A_299 : i32
    %jit3A_301 = arith.constant 8 : i32
    %div3A_302 = arith.divsi %add3A_300, %jit3A_301 : i32
    %sign3A_303 = arith.constant 0 : i32
    %sign3A_304 = arith.cmpi sgt, %add3A_300, %sign3A_303 : i32
    %sign3A_305 = arith.extui %sign3A_304 : i1 to i32
    %sign3A_306 = arith.constant 0 : i32
    %sign3A_307 = arith.cmpi slt, %add3A_300, %sign3A_306 : i32
    %sign3A_308 = arith.extui %sign3A_307 : i1 to i32
    %sign3A_309 = arith.subi %sign3A_305, %sign3A_308 : i32
    %sign3A_310 = arith.constant 0 : i32
    %sign3A_311 = arith.cmpi sgt, %jit3A_301, %sign3A_310 : i32
    %sign3A_312 = arith.extui %sign3A_311 : i1 to i32
    %sign3A_313 = arith.constant 0 : i32
    %sign3A_314 = arith.cmpi slt, %jit3A_301, %sign3A_313 : i32
    %sign3A_315 = arith.extui %sign3A_314 : i1 to i32
    %sign3A_316 = arith.subi %sign3A_312, %sign3A_315 : i32
    %ne3A_317 = arith.cmpi ne, %sign3A_309, %sign3A_316 : i32
    %rem3A_318 = arith.remsi %add3A_300, %jit3A_301 : i32
    %ne3A_319 = arith.constant 0 : i32
    %ne3A_320 = arith.cmpi ne, %rem3A_318, %ne3A_319 : i32
    %and3A_321 = arith.andi %ne3A_317, %ne3A_320 : i1
    %sub3A_322 = arith.constant 1 : i32
    %sub3A_323 = arith.subi %div3A_302, %sub3A_322 : i32
    %select_n3A_324 = arith.select %and3A_321, %sub3A_323, %div3A_302 : i32
    %jit3A_325 = arith.constant 8 : i32
    %eq3A_326 = arith.constant 0 : i32
    %eq3A_327 = arith.cmpi eq, %jit3A_325, %eq3A_326 : i32
    %jit3A_328 = arith.constant 1 : i32
    %select_n3A_329 = arith.select %eq3A_327, %jit3A_328, %jit3A_325 : i32
    %rem3A_330 = arith.remsi %add3A_300, %select_n3A_329 : i32
    %ne3A_331 = arith.constant 0 : i32
    %ne3A_332 = arith.cmpi ne, %rem3A_330, %ne3A_331 : i32
    %lt3A_333 = arith.constant 0 : i32
    %lt3A_334 = arith.cmpi slt, %rem3A_330, %lt3A_333 : i32
    %lt3A_335 = arith.constant 0 : i32
    %lt3A_336 = arith.cmpi slt, %select_n3A_329, %lt3A_335 : i32
    %ne3A_337 = arith.xori %lt3A_334, %lt3A_336 : i1
    %and3A_338 = arith.andi %ne3A_337, %ne3A_332 : i1
    %add3A_339 = arith.addi %rem3A_330, %select_n3A_329 : i32
    %select_n3A_340 = arith.select %and3A_338, %add3A_339, %rem3A_330 : i32
    %mul3A_341 = arith.constant 128 : i32
    %mul3A_342 = arith.muli %select_n3A_324, %mul3A_341 : i32
    %mul3A_343 = arith.constant 128 : i32
    %mul3A_344 = arith.muli %select_n3A_340, %mul3A_343 : i32
    %mul3A_345 = arith.constant 4 : i32
    %mul3A_346 = arith.muli %add3A, %mul3A_345 : i32
    %add3A_347 = arith.constant 0 : i32
    %add3A_348 = arith.addi %mul3A_346, %add3A_347 : i32
    %add3A_349 = arith.constant 3 : i32
    %add3A_350 = arith.addi %add3A_348, %add3A_349 : i32
    %jit3A_351 = arith.constant 8 : i32
    %div3A_352 = arith.divsi %add3A_350, %jit3A_351 : i32
    %sign3A_353 = arith.constant 0 : i32
    %sign3A_354 = arith.cmpi sgt, %add3A_350, %sign3A_353 : i32
    %sign3A_355 = arith.extui %sign3A_354 : i1 to i32
    %sign3A_356 = arith.constant 0 : i32
    %sign3A_357 = arith.cmpi slt, %add3A_350, %sign3A_356 : i32
    %sign3A_358 = arith.extui %sign3A_357 : i1 to i32
    %sign3A_359 = arith.subi %sign3A_355, %sign3A_358 : i32
    %sign3A_360 = arith.constant 0 : i32
    %sign3A_361 = arith.cmpi sgt, %jit3A_351, %sign3A_360 : i32
    %sign3A_362 = arith.extui %sign3A_361 : i1 to i32
    %sign3A_363 = arith.constant 0 : i32
    %sign3A_364 = arith.cmpi slt, %jit3A_351, %sign3A_363 : i32
    %sign3A_365 = arith.extui %sign3A_364 : i1 to i32
    %sign3A_366 = arith.subi %sign3A_362, %sign3A_365 : i32
    %ne3A_367 = arith.cmpi ne, %sign3A_359, %sign3A_366 : i32
    %rem3A_368 = arith.remsi %add3A_350, %jit3A_351 : i32
    %ne3A_369 = arith.constant 0 : i32
    %ne3A_370 = arith.cmpi ne, %rem3A_368, %ne3A_369 : i32
    %and3A_371 = arith.andi %ne3A_367, %ne3A_370 : i1
    %sub3A_372 = arith.constant 1 : i32
    %sub3A_373 = arith.subi %div3A_352, %sub3A_372 : i32
    %select_n3A_374 = arith.select %and3A_371, %sub3A_373, %div3A_352 : i32
    %jit3A_375 = arith.constant 8 : i32
    %eq3A_376 = arith.constant 0 : i32
    %eq3A_377 = arith.cmpi eq, %jit3A_375, %eq3A_376 : i32
    %jit3A_378 = arith.constant 1 : i32
    %select_n3A_379 = arith.select %eq3A_377, %jit3A_378, %jit3A_375 : i32
    %rem3A_380 = arith.remsi %add3A_350, %select_n3A_379 : i32
    %ne3A_381 = arith.constant 0 : i32
    %ne3A_382 = arith.cmpi ne, %rem3A_380, %ne3A_381 : i32
    %lt3A_383 = arith.constant 0 : i32
    %lt3A_384 = arith.cmpi slt, %rem3A_380, %lt3A_383 : i32
    %lt3A_385 = arith.constant 0 : i32
    %lt3A_386 = arith.cmpi slt, %select_n3A_379, %lt3A_385 : i32
    %ne3A_387 = arith.xori %lt3A_384, %lt3A_386 : i1
    %and3A_388 = arith.andi %ne3A_387, %ne3A_382 : i1
    %add3A_389 = arith.addi %rem3A_380, %select_n3A_379 : i32
    %select_n3A_390 = arith.select %and3A_388, %add3A_389, %rem3A_380 : i32
    %mul3A_391 = arith.constant 128 : i32
    %mul3A_392 = arith.muli %select_n3A_374, %mul3A_391 : i32
    %mul3A_393 = arith.constant 128 : i32
    %mul3A_394 = arith.muli %select_n3A_390, %mul3A_393 : i32
    %mul3A_395 = arith.constant 4 : i32
    %mul3A_396 = arith.muli %add3A, %mul3A_395 : i32
    %add3A_397 = arith.constant 0 : i32
    %add3A_398 = arith.addi %mul3A_396, %add3A_397 : i32
    %mul3A_399 = arith.constant 31 : i32
    %mul3A_400 = arith.muli %add3A, %mul3A_399 : i32
    %add3A_401 = arith.constant 0 : i32
    %add3A_402 = arith.addi %mul3A_400, %add3A_401 : i32
    %mul3A_403 = arith.constant 4 : i32
    %mul3A_404 = arith.muli %add3A_402, %mul3A_403 : i32
    %add3A_405 = arith.constant 128 : i32
    %add3A_406 = arith.addi %add3A_405, %mul3A_404 : i32
    %mul3A_407 = arith.constant 31 : i32
    %mul3A_408 = arith.muli %add3A, %mul3A_407 : i32
    %add3A_409 = arith.constant 1 : i32
    %add3A_410 = arith.addi %mul3A_408, %add3A_409 : i32
    %mul3A_411 = arith.constant 4 : i32
    %mul3A_412 = arith.muli %add3A_410, %mul3A_411 : i32
    %add3A_413 = arith.constant 128 : i32
    %add3A_414 = arith.addi %add3A_413, %mul3A_412 : i32
    %mul3A_415 = arith.constant 31 : i32
    %mul3A_416 = arith.muli %add3A, %mul3A_415 : i32
    %add3A_417 = arith.constant 2 : i32
    %add3A_418 = arith.addi %mul3A_416, %add3A_417 : i32
    %mul3A_419 = arith.constant 4 : i32
    %mul3A_420 = arith.muli %add3A_418, %mul3A_419 : i32
    %add3A_421 = arith.constant 128 : i32
    %add3A_422 = arith.addi %add3A_421, %mul3A_420 : i32
    %mul3A_423 = arith.constant 31 : i32
    %mul3A_424 = arith.muli %add3A, %mul3A_423 : i32
    %add3A_425 = arith.constant 3 : i32
    %add3A_426 = arith.addi %mul3A_424, %add3A_425 : i32
    %mul3A_427 = arith.constant 4 : i32
    %mul3A_428 = arith.muli %add3A_426, %mul3A_427 : i32
    %add3A_429 = arith.constant 128 : i32
    %add3A_430 = arith.addi %add3A_429, %mul3A_428 : i32
    %mul3A_431 = arith.constant 31 : i32
    %mul3A_432 = arith.muli %add3A, %mul3A_431 : i32
    %add3A_433 = arith.constant 4 : i32
    %add3A_434 = arith.addi %mul3A_432, %add3A_433 : i32
    %mul3A_435 = arith.constant 4 : i32
    %mul3A_436 = arith.muli %add3A_434, %mul3A_435 : i32
    %add3A_437 = arith.constant 128 : i32
    %add3A_438 = arith.addi %add3A_437, %mul3A_436 : i32
    %mul3A_439 = arith.constant 31 : i32
    %mul3A_440 = arith.muli %add3A, %mul3A_439 : i32
    %add3A_441 = arith.constant 5 : i32
    %add3A_442 = arith.addi %mul3A_440, %add3A_441 : i32
    %mul3A_443 = arith.constant 4 : i32
    %mul3A_444 = arith.muli %add3A_442, %mul3A_443 : i32
    %add3A_445 = arith.constant 128 : i32
    %add3A_446 = arith.addi %add3A_445, %mul3A_444 : i32
    %mul3A_447 = arith.constant 31 : i32
    %mul3A_448 = arith.muli %add3A, %mul3A_447 : i32
    %add3A_449 = arith.constant 6 : i32
    %add3A_450 = arith.addi %mul3A_448, %add3A_449 : i32
    %mul3A_451 = arith.constant 4 : i32
    %mul3A_452 = arith.muli %add3A_450, %mul3A_451 : i32
    %add3A_453 = arith.constant 128 : i32
    %add3A_454 = arith.addi %add3A_453, %mul3A_452 : i32
    %mul3A_455 = arith.constant 31 : i32
    %mul3A_456 = arith.muli %add3A, %mul3A_455 : i32
    %add3A_457 = arith.constant 7 : i32
    %add3A_458 = arith.addi %mul3A_456, %add3A_457 : i32
    %mul3A_459 = arith.constant 4 : i32
    %mul3A_460 = arith.muli %add3A_458, %mul3A_459 : i32
    %add3A_461 = arith.constant 128 : i32
    %add3A_462 = arith.addi %add3A_461, %mul3A_460 : i32
    %mul3A_463 = arith.constant 31 : i32
    %mul3A_464 = arith.muli %add3A, %mul3A_463 : i32
    %add3A_465 = arith.constant 8 : i32
    %add3A_466 = arith.addi %mul3A_464, %add3A_465 : i32
    %mul3A_467 = arith.constant 4 : i32
    %mul3A_468 = arith.muli %add3A_466, %mul3A_467 : i32
    %add3A_469 = arith.constant 128 : i32
    %add3A_470 = arith.addi %add3A_469, %mul3A_468 : i32
    %mul3A_471 = arith.constant 31 : i32
    %mul3A_472 = arith.muli %add3A, %mul3A_471 : i32
    %add3A_473 = arith.constant 9 : i32
    %add3A_474 = arith.addi %mul3A_472, %add3A_473 : i32
    %mul3A_475 = arith.constant 4 : i32
    %mul3A_476 = arith.muli %add3A_474, %mul3A_475 : i32
    %add3A_477 = arith.constant 128 : i32
    %add3A_478 = arith.addi %add3A_477, %mul3A_476 : i32
    %mul3A_479 = arith.constant 31 : i32
    %mul3A_480 = arith.muli %add3A, %mul3A_479 : i32
    %add3A_481 = arith.constant 10 : i32
    %add3A_482 = arith.addi %mul3A_480, %add3A_481 : i32
    %mul3A_483 = arith.constant 4 : i32
    %mul3A_484 = arith.muli %add3A_482, %mul3A_483 : i32
    %add3A_485 = arith.constant 128 : i32
    %add3A_486 = arith.addi %add3A_485, %mul3A_484 : i32
    %mul3A_487 = arith.constant 31 : i32
    %mul3A_488 = arith.muli %add3A, %mul3A_487 : i32
    %add3A_489 = arith.constant 11 : i32
    %add3A_490 = arith.addi %mul3A_488, %add3A_489 : i32
    %mul3A_491 = arith.constant 4 : i32
    %mul3A_492 = arith.muli %add3A_490, %mul3A_491 : i32
    %add3A_493 = arith.constant 128 : i32
    %add3A_494 = arith.addi %add3A_493, %mul3A_492 : i32
    %mul3A_495 = arith.constant 31 : i32
    %mul3A_496 = arith.muli %add3A, %mul3A_495 : i32
    %add3A_497 = arith.constant 12 : i32
    %add3A_498 = arith.addi %mul3A_496, %add3A_497 : i32
    %mul3A_499 = arith.constant 4 : i32
    %mul3A_500 = arith.muli %add3A_498, %mul3A_499 : i32
    %add3A_501 = arith.constant 128 : i32
    %add3A_502 = arith.addi %add3A_501, %mul3A_500 : i32
    %mul3A_503 = arith.constant 31 : i32
    %mul3A_504 = arith.muli %add3A, %mul3A_503 : i32
    %add3A_505 = arith.constant 13 : i32
    %add3A_506 = arith.addi %mul3A_504, %add3A_505 : i32
    %mul3A_507 = arith.constant 4 : i32
    %mul3A_508 = arith.muli %add3A_506, %mul3A_507 : i32
    %add3A_509 = arith.constant 128 : i32
    %add3A_510 = arith.addi %add3A_509, %mul3A_508 : i32
    %mul3A_511 = arith.constant 31 : i32
    %mul3A_512 = arith.muli %add3A, %mul3A_511 : i32
    %add3A_513 = arith.constant 14 : i32
    %add3A_514 = arith.addi %mul3A_512, %add3A_513 : i32
    %mul3A_515 = arith.constant 4 : i32
    %mul3A_516 = arith.muli %add3A_514, %mul3A_515 : i32
    %add3A_517 = arith.constant 128 : i32
    %add3A_518 = arith.addi %add3A_517, %mul3A_516 : i32
    %mul3A_519 = arith.constant 31 : i32
    %mul3A_520 = arith.muli %add3A, %mul3A_519 : i32
    %add3A_521 = arith.constant 15 : i32
    %add3A_522 = arith.addi %mul3A_520, %add3A_521 : i32
    %mul3A_523 = arith.constant 4 : i32
    %mul3A_524 = arith.muli %add3A_522, %mul3A_523 : i32
    %add3A_525 = arith.constant 128 : i32
    %add3A_526 = arith.addi %add3A_525, %mul3A_524 : i32
    %mul3A_527 = arith.constant 31 : i32
    %mul3A_528 = arith.muli %add3A, %mul3A_527 : i32
    %add3A_529 = arith.constant 16 : i32
    %add3A_530 = arith.addi %mul3A_528, %add3A_529 : i32
    %mul3A_531 = arith.constant 4 : i32
    %mul3A_532 = arith.muli %add3A_530, %mul3A_531 : i32
    %add3A_533 = arith.constant 128 : i32
    %add3A_534 = arith.addi %add3A_533, %mul3A_532 : i32
    %mul3A_535 = arith.constant 31 : i32
    %mul3A_536 = arith.muli %add3A, %mul3A_535 : i32
    %add3A_537 = arith.constant 17 : i32
    %add3A_538 = arith.addi %mul3A_536, %add3A_537 : i32
    %mul3A_539 = arith.constant 4 : i32
    %mul3A_540 = arith.muli %add3A_538, %mul3A_539 : i32
    %add3A_541 = arith.constant 128 : i32
    %add3A_542 = arith.addi %add3A_541, %mul3A_540 : i32
    %mul3A_543 = arith.constant 31 : i32
    %mul3A_544 = arith.muli %add3A, %mul3A_543 : i32
    %add3A_545 = arith.constant 18 : i32
    %add3A_546 = arith.addi %mul3A_544, %add3A_545 : i32
    %mul3A_547 = arith.constant 4 : i32
    %mul3A_548 = arith.muli %add3A_546, %mul3A_547 : i32
    %add3A_549 = arith.constant 128 : i32
    %add3A_550 = arith.addi %add3A_549, %mul3A_548 : i32
    %mul3A_551 = arith.constant 31 : i32
    %mul3A_552 = arith.muli %add3A, %mul3A_551 : i32
    %add3A_553 = arith.constant 19 : i32
    %add3A_554 = arith.addi %mul3A_552, %add3A_553 : i32
    %mul3A_555 = arith.constant 4 : i32
    %mul3A_556 = arith.muli %add3A_554, %mul3A_555 : i32
    %add3A_557 = arith.constant 128 : i32
    %add3A_558 = arith.addi %add3A_557, %mul3A_556 : i32
    %mul3A_559 = arith.constant 31 : i32
    %mul3A_560 = arith.muli %add3A, %mul3A_559 : i32
    %add3A_561 = arith.constant 20 : i32
    %add3A_562 = arith.addi %mul3A_560, %add3A_561 : i32
    %mul3A_563 = arith.constant 4 : i32
    %mul3A_564 = arith.muli %add3A_562, %mul3A_563 : i32
    %add3A_565 = arith.constant 128 : i32
    %add3A_566 = arith.addi %add3A_565, %mul3A_564 : i32
    %mul3A_567 = arith.constant 31 : i32
    %mul3A_568 = arith.muli %add3A, %mul3A_567 : i32
    %add3A_569 = arith.constant 21 : i32
    %add3A_570 = arith.addi %mul3A_568, %add3A_569 : i32
    %mul3A_571 = arith.constant 4 : i32
    %mul3A_572 = arith.muli %add3A_570, %mul3A_571 : i32
    %add3A_573 = arith.constant 128 : i32
    %add3A_574 = arith.addi %add3A_573, %mul3A_572 : i32
    %mul3A_575 = arith.constant 31 : i32
    %mul3A_576 = arith.muli %add3A, %mul3A_575 : i32
    %add3A_577 = arith.constant 22 : i32
    %add3A_578 = arith.addi %mul3A_576, %add3A_577 : i32
    %mul3A_579 = arith.constant 4 : i32
    %mul3A_580 = arith.muli %add3A_578, %mul3A_579 : i32
    %add3A_581 = arith.constant 128 : i32
    %add3A_582 = arith.addi %add3A_581, %mul3A_580 : i32
    %mul3A_583 = arith.constant 31 : i32
    %mul3A_584 = arith.muli %add3A, %mul3A_583 : i32
    %add3A_585 = arith.constant 23 : i32
    %add3A_586 = arith.addi %mul3A_584, %add3A_585 : i32
    %mul3A_587 = arith.constant 4 : i32
    %mul3A_588 = arith.muli %add3A_586, %mul3A_587 : i32
    %add3A_589 = arith.constant 128 : i32
    %add3A_590 = arith.addi %add3A_589, %mul3A_588 : i32
    %mul3A_591 = arith.constant 31 : i32
    %mul3A_592 = arith.muli %add3A, %mul3A_591 : i32
    %add3A_593 = arith.constant 24 : i32
    %add3A_594 = arith.addi %mul3A_592, %add3A_593 : i32
    %mul3A_595 = arith.constant 4 : i32
    %mul3A_596 = arith.muli %add3A_594, %mul3A_595 : i32
    %add3A_597 = arith.constant 128 : i32
    %add3A_598 = arith.addi %add3A_597, %mul3A_596 : i32
    %mul3A_599 = arith.constant 31 : i32
    %mul3A_600 = arith.muli %add3A, %mul3A_599 : i32
    %add3A_601 = arith.constant 25 : i32
    %add3A_602 = arith.addi %mul3A_600, %add3A_601 : i32
    %mul3A_603 = arith.constant 4 : i32
    %mul3A_604 = arith.muli %add3A_602, %mul3A_603 : i32
    %add3A_605 = arith.constant 128 : i32
    %add3A_606 = arith.addi %add3A_605, %mul3A_604 : i32
    %mul3A_607 = arith.constant 31 : i32
    %mul3A_608 = arith.muli %add3A, %mul3A_607 : i32
    %add3A_609 = arith.constant 26 : i32
    %add3A_610 = arith.addi %mul3A_608, %add3A_609 : i32
    %mul3A_611 = arith.constant 4 : i32
    %mul3A_612 = arith.muli %add3A_610, %mul3A_611 : i32
    %add3A_613 = arith.constant 128 : i32
    %add3A_614 = arith.addi %add3A_613, %mul3A_612 : i32
    %mul3A_615 = arith.constant 31 : i32
    %mul3A_616 = arith.muli %add3A, %mul3A_615 : i32
    %add3A_617 = arith.constant 27 : i32
    %add3A_618 = arith.addi %mul3A_616, %add3A_617 : i32
    %mul3A_619 = arith.constant 4 : i32
    %mul3A_620 = arith.muli %add3A_618, %mul3A_619 : i32
    %add3A_621 = arith.constant 128 : i32
    %add3A_622 = arith.addi %add3A_621, %mul3A_620 : i32
    %mul3A_623 = arith.constant 31 : i32
    %mul3A_624 = arith.muli %add3A, %mul3A_623 : i32
    %add3A_625 = arith.constant 28 : i32
    %add3A_626 = arith.addi %mul3A_624, %add3A_625 : i32
    %mul3A_627 = arith.constant 4 : i32
    %mul3A_628 = arith.muli %add3A_626, %mul3A_627 : i32
    %add3A_629 = arith.constant 128 : i32
    %add3A_630 = arith.addi %add3A_629, %mul3A_628 : i32
    %mul3A_631 = arith.constant 31 : i32
    %mul3A_632 = arith.muli %add3A, %mul3A_631 : i32
    %add3A_633 = arith.constant 29 : i32
    %add3A_634 = arith.addi %mul3A_632, %add3A_633 : i32
    %mul3A_635 = arith.constant 4 : i32
    %mul3A_636 = arith.muli %add3A_634, %mul3A_635 : i32
    %add3A_637 = arith.constant 128 : i32
    %add3A_638 = arith.addi %add3A_637, %mul3A_636 : i32
    %mul3A_639 = arith.constant 31 : i32
    %mul3A_640 = arith.muli %add3A, %mul3A_639 : i32
    %add3A_641 = arith.constant 30 : i32
    %add3A_642 = arith.addi %mul3A_640, %add3A_641 : i32
    %mul3A_643 = arith.constant 4 : i32
    %mul3A_644 = arith.muli %add3A_642, %mul3A_643 : i32
    %add3A_645 = arith.constant 128 : i32
    %add3A_646 = arith.addi %add3A_645, %mul3A_644 : i32
    %dma_start3A = arith.constant 0 : i32
    %dma_start3A_647 = arith.constant 0 : i32
    %dma_start3A_648 = arith.constant 0 : i32
    %dma_start3A_649 = tpu.memref_slice %arg8[%dma_start3A, %dma_start3A_647, %dma_start3A_648] : memref<4x128x128xf16, #tpu.memory_space<vmem>> -> memref<1x128x128xf16, #tpu.memory_space<vmem>>
    %dma_start3A_650 = tpu.memref_squeeze %dma_start3A_649 : memref<1x128x128xf16, #tpu.memory_space<vmem>> -> memref<128x128xf16, #tpu.memory_space<vmem>>
    %dma_start3A_651 = tpu.memref_slice %arg2[%mul3A_38, %mul3A_40] : memref<2048x1024xf16, #tpu.memory_space<hbm>> -> memref<128x128xf16, #tpu.memory_space<hbm>>
    %dma_start3A_652 = arith.constant 0 : i32
    %dma_start3A_653 = arith.constant 0 : i32
    %dma_start3A_654 = tpu.memref_slice %arg8[%dma_start3A, %dma_start3A_652, %dma_start3A_653] : memref<4x128x128xf16, #tpu.memory_space<vmem>> -> memref<1x128x128xf16, #tpu.memory_space<vmem>>
    %dma_start3A_655 = tpu.memref_squeeze %dma_start3A_654 : memref<1x128x128xf16, #tpu.memory_space<vmem>> -> memref<128x128xf16, #tpu.memory_space<vmem>>
    %dma_start3A_656 = tpu.memref_slice %arg2[%mul3A_38, %mul3A_40] : memref<2048x1024xf16, #tpu.memory_space<hbm>> -> memref<128x128xf16, #tpu.memory_space<hbm>>
    tpu.enqueue_dma source(%dma_start3A_656 : memref<128x128xf16, #tpu.memory_space<hbm>>) target(%dma_start3A_655 : memref<128x128xf16, #tpu.memory_space<vmem>>) target_semaphore(%arg11 : memref<!tpu.dma_semaphore, #tpu.memory_space<semaphore_mem>>)
    %dma_start3A_657 = arith.constant 1 : i32
    %dma_start3A_658 = arith.constant 0 : i32
    %dma_start3A_659 = arith.constant 0 : i32
    %dma_start3A_660 = tpu.memref_slice %arg8[%dma_start3A_657, %dma_start3A_658, %dma_start3A_659] : memref<4x128x128xf16, #tpu.memory_space<vmem>> -> memref<1x128x128xf16, #tpu.memory_space<vmem>>
    %dma_start3A_661 = tpu.memref_squeeze %dma_start3A_660 : memref<1x128x128xf16, #tpu.memory_space<vmem>> -> memref<128x128xf16, #tpu.memory_space<vmem>>
    %dma_start3A_662 = tpu.memref_slice %arg2[%mul3A_88, %mul3A_90] : memref<2048x1024xf16, #tpu.memory_space<hbm>> -> memref<128x128xf16, #tpu.memory_space<hbm>>
    %dma_start3A_663 = arith.constant 0 : i32
    %dma_start3A_664 = arith.constant 0 : i32
    %dma_start3A_665 = tpu.memref_slice %arg8[%dma_start3A_657, %dma_start3A_663, %dma_start3A_664] : memref<4x128x128xf16, #tpu.memory_space<vmem>> -> memref<1x128x128xf16, #tpu.memory_space<vmem>>
    %dma_start3A_666 = tpu.memref_squeeze %dma_start3A_665 : memref<1x128x128xf16, #tpu.memory_space<vmem>> -> memref<128x128xf16, #tpu.memory_space<vmem>>
    %dma_start3A_667 = tpu.memref_slice %arg2[%mul3A_88, %mul3A_90] : memref<2048x1024xf16, #tpu.memory_space<hbm>> -> memref<128x128xf16, #tpu.memory_space<hbm>>
    tpu.enqueue_dma source(%dma_start3A_667 : memref<128x128xf16, #tpu.memory_space<hbm>>) target(%dma_start3A_666 : memref<128x128xf16, #tpu.memory_space<vmem>>) target_semaphore(%arg11 : memref<!tpu.dma_semaphore, #tpu.memory_space<semaphore_mem>>)
    %dma_start3A_668 = arith.constant 2 : i32
    %dma_start3A_669 = arith.constant 0 : i32
    %dma_start3A_670 = arith.constant 0 : i32
    %dma_start3A_671 = tpu.memref_slice %arg8[%dma_start3A_668, %dma_start3A_669, %dma_start3A_670] : memref<4x128x128xf16, #tpu.memory_space<vmem>> -> memref<1x128x128xf16, #tpu.memory_space<vmem>>
    %dma_start3A_672 = tpu.memref_squeeze %dma_start3A_671 : memref<1x128x128xf16, #tpu.memory_space<vmem>> -> memref<128x128xf16, #tpu.memory_space<vmem>>
    %dma_start3A_673 = tpu.memref_slice %arg2[%mul3A_138, %mul3A_140] : memref<2048x1024xf16, #tpu.memory_space<hbm>> -> memref<128x128xf16, #tpu.memory_space<hbm>>
    %dma_start3A_674 = arith.constant 0 : i32
    %dma_start3A_675 = arith.constant 0 : i32
    %dma_start3A_676 = tpu.memref_slice %arg8[%dma_start3A_668, %dma_start3A_674, %dma_start3A_675] : memref<4x128x128xf16, #tpu.memory_space<vmem>> -> memref<1x128x128xf16, #tpu.memory_space<vmem>>
    %dma_start3A_677 = tpu.memref_squeeze %dma_start3A_676 : memref<1x128x128xf16, #tpu.memory_space<vmem>> -> memref<128x128xf16, #tpu.memory_space<vmem>>
    %dma_start3A_678 = tpu.memref_slice %arg2[%mul3A_138, %mul3A_140] : memref<2048x1024xf16, #tpu.memory_space<hbm>> -> memref<128x128xf16, #tpu.memory_space<hbm>>
    tpu.enqueue_dma source(%dma_start3A_678 : memref<128x128xf16, #tpu.memory_space<hbm>>) target(%dma_start3A_677 : memref<128x128xf16, #tpu.memory_space<vmem>>) target_semaphore(%arg11 : memref<!tpu.dma_semaphore, #tpu.memory_space<semaphore_mem>>)
    %dma_start3A_679 = arith.constant 3 : i32
    %dma_start3A_680 = arith.constant 0 : i32
    %dma_start3A_681 = arith.constant 0 : i32
    %dma_start3A_682 = tpu.memref_slice %arg8[%dma_start3A_679, %dma_start3A_680, %dma_start3A_681] : memref<4x128x128xf16, #tpu.memory_space<vmem>> -> memref<1x128x128xf16, #tpu.memory_space<vmem>>
    %dma_start3A_683 = tpu.memref_squeeze %dma_start3A_682 : memref<1x128x128xf16, #tpu.memory_space<vmem>> -> memref<128x128xf16, #tpu.memory_space<vmem>>
    %dma_start3A_684 = tpu.memref_slice %arg2[%mul3A_188, %mul3A_190] : memref<2048x1024xf16, #tpu.memory_space<hbm>> -> memref<128x128xf16, #tpu.memory_space<hbm>>
    %dma_start3A_685 = arith.constant 0 : i32
    %dma_start3A_686 = arith.constant 0 : i32
    %dma_start3A_687 = tpu.memref_slice %arg8[%dma_start3A_679, %dma_start3A_685, %dma_start3A_686] : memref<4x128x128xf16, #tpu.memory_space<vmem>> -> memref<1x128x128xf16, #tpu.memory_space<vmem>>
    %dma_start3A_688 = tpu.memref_squeeze %dma_start3A_687 : memref<1x128x128xf16, #tpu.memory_space<vmem>> -> memref<128x128xf16, #tpu.memory_space<vmem>>
    %dma_start3A_689 = tpu.memref_slice %arg2[%mul3A_188, %mul3A_190] : memref<2048x1024xf16, #tpu.memory_space<hbm>> -> memref<128x128xf16, #tpu.memory_space<hbm>>
    tpu.enqueue_dma source(%dma_start3A_689 : memref<128x128xf16, #tpu.memory_space<hbm>>) target(%dma_start3A_688 : memref<128x128xf16, #tpu.memory_space<vmem>>) target_semaphore(%arg11 : memref<!tpu.dma_semaphore, #tpu.memory_space<semaphore_mem>>)
    %dma_start3A_690 = arith.constant 0 : i32
    %dma_start3A_691 = arith.constant 0 : i32
    %dma_start3A_692 = arith.constant 0 : i32
    %dma_start3A_693 = tpu.memref_slice %arg9[%dma_start3A_690, %dma_start3A_691, %dma_start3A_692] : memref<4x128x128xf16, #tpu.memory_space<vmem>> -> memref<1x128x128xf16, #tpu.memory_space<vmem>>
    %dma_start3A_694 = tpu.memref_squeeze %dma_start3A_693 : memref<1x128x128xf16, #tpu.memory_space<vmem>> -> memref<128x128xf16, #tpu.memory_space<vmem>>
    %dma_start3A_695 = tpu.memref_slice %arg3[%mul3A_242, %mul3A_244] : memref<2048x1024xf16, #tpu.memory_space<hbm>> -> memref<128x128xf16, #tpu.memory_space<hbm>>
    %dma_start3A_696 = arith.constant 0 : i32
    %dma_start3A_697 = arith.constant 0 : i32
    %dma_start3A_698 = tpu.memref_slice %arg9[%dma_start3A_690, %dma_start3A_696, %dma_start3A_697] : memref<4x128x128xf16, #tpu.memory_space<vmem>> -> memref<1x128x128xf16, #tpu.memory_space<vmem>>
    %dma_start3A_699 = tpu.memref_squeeze %dma_start3A_698 : memref<1x128x128xf16, #tpu.memory_space<vmem>> -> memref<128x128xf16, #tpu.memory_space<vmem>>
    %dma_start3A_700 = tpu.memref_slice %arg3[%mul3A_242, %mul3A_244] : memref<2048x1024xf16, #tpu.memory_space<hbm>> -> memref<128x128xf16, #tpu.memory_space<hbm>>
    tpu.enqueue_dma source(%dma_start3A_700 : memref<128x128xf16, #tpu.memory_space<hbm>>) target(%dma_start3A_699 : memref<128x128xf16, #tpu.memory_space<vmem>>) target_semaphore(%arg12 : memref<!tpu.dma_semaphore, #tpu.memory_space<semaphore_mem>>)
    %dma_start3A_701 = arith.constant 1 : i32
    %dma_start3A_702 = arith.constant 0 : i32
    %dma_start3A_703 = arith.constant 0 : i32
    %dma_start3A_704 = tpu.memref_slice %arg9[%dma_start3A_701, %dma_start3A_702, %dma_start3A_703] : memref<4x128x128xf16, #tpu.memory_space<vmem>> -> memref<1x128x128xf16, #tpu.memory_space<vmem>>
    %dma_start3A_705 = tpu.memref_squeeze %dma_start3A_704 : memref<1x128x128xf16, #tpu.memory_space<vmem>> -> memref<128x128xf16, #tpu.memory_space<vmem>>
    %dma_start3A_706 = tpu.memref_slice %arg3[%mul3A_292, %mul3A_294] : memref<2048x1024xf16, #tpu.memory_space<hbm>> -> memref<128x128xf16, #tpu.memory_space<hbm>>
    %dma_start3A_707 = arith.constant 0 : i32
    %dma_start3A_708 = arith.constant 0 : i32
    %dma_start3A_709 = tpu.memref_slice %arg9[%dma_start3A_701, %dma_start3A_707, %dma_start3A_708] : memref<4x128x128xf16, #tpu.memory_space<vmem>> -> memref<1x128x128xf16, #tpu.memory_space<vmem>>
    %dma_start3A_710 = tpu.memref_squeeze %dma_start3A_709 : memref<1x128x128xf16, #tpu.memory_space<vmem>> -> memref<128x128xf16, #tpu.memory_space<vmem>>
    %dma_start3A_711 = tpu.memref_slice %arg3[%mul3A_292, %mul3A_294] : memref<2048x1024xf16, #tpu.memory_space<hbm>> -> memref<128x128xf16, #tpu.memory_space<hbm>>
    tpu.enqueue_dma source(%dma_start3A_711 : memref<128x128xf16, #tpu.memory_space<hbm>>) target(%dma_start3A_710 : memref<128x128xf16, #tpu.memory_space<vmem>>) target_semaphore(%arg12 : memref<!tpu.dma_semaphore, #tpu.memory_space<semaphore_mem>>)
    %dma_start3A_712 = arith.constant 2 : i32
    %dma_start3A_713 = arith.constant 0 : i32
    %dma_start3A_714 = arith.constant 0 : i32
    %dma_start3A_715 = tpu.memref_slice %arg9[%dma_start3A_712, %dma_start3A_713, %dma_start3A_714] : memref<4x128x128xf16, #tpu.memory_space<vmem>> -> memref<1x128x128xf16, #tpu.memory_space<vmem>>
    %dma_start3A_716 = tpu.memref_squeeze %dma_start3A_715 : memref<1x128x128xf16, #tpu.memory_space<vmem>> -> memref<128x128xf16, #tpu.memory_space<vmem>>
    %dma_start3A_717 = tpu.memref_slice %arg3[%mul3A_342, %mul3A_344] : memref<2048x1024xf16, #tpu.memory_space<hbm>> -> memref<128x128xf16, #tpu.memory_space<hbm>>
    %dma_start3A_718 = arith.constant 0 : i32
    %dma_start3A_719 = arith.constant 0 : i32
    %dma_start3A_720 = tpu.memref_slice %arg9[%dma_start3A_712, %dma_start3A_718, %dma_start3A_719] : memref<4x128x128xf16, #tpu.memory_space<vmem>> -> memref<1x128x128xf16, #tpu.memory_space<vmem>>
    %dma_start3A_721 = tpu.memref_squeeze %dma_start3A_720 : memref<1x128x128xf16, #tpu.memory_space<vmem>> -> memref<128x128xf16, #tpu.memory_space<vmem>>
    %dma_start3A_722 = tpu.memref_slice %arg3[%mul3A_342, %mul3A_344] : memref<2048x1024xf16, #tpu.memory_space<hbm>> -> memref<128x128xf16, #tpu.memory_space<hbm>>
    tpu.enqueue_dma source(%dma_start3A_722 : memref<128x128xf16, #tpu.memory_space<hbm>>) target(%dma_start3A_721 : memref<128x128xf16, #tpu.memory_space<vmem>>) target_semaphore(%arg12 : memref<!tpu.dma_semaphore, #tpu.memory_space<semaphore_mem>>)
    %dma_start3A_723 = arith.constant 3 : i32
    %dma_start3A_724 = arith.constant 0 : i32
    %dma_start3A_725 = arith.constant 0 : i32
    %dma_start3A_726 = tpu.memref_slice %arg9[%dma_start3A_723, %dma_start3A_724, %dma_start3A_725] : memref<4x128x128xf16, #tpu.memory_space<vmem>> -> memref<1x128x128xf16, #tpu.memory_space<vmem>>
    %dma_start3A_727 = tpu.memref_squeeze %dma_start3A_726 : memref<1x128x128xf16, #tpu.memory_space<vmem>> -> memref<128x128xf16, #tpu.memory_space<vmem>>
    %dma_start3A_728 = tpu.memref_slice %arg3[%mul3A_392, %mul3A_394] : memref<2048x1024xf16, #tpu.memory_space<hbm>> -> memref<128x128xf16, #tpu.memory_space<hbm>>
    %dma_start3A_729 = arith.constant 0 : i32
    %dma_start3A_730 = arith.constant 0 : i32
    %dma_start3A_731 = tpu.memref_slice %arg9[%dma_start3A_723, %dma_start3A_729, %dma_start3A_730] : memref<4x128x128xf16, #tpu.memory_space<vmem>> -> memref<1x128x128xf16, #tpu.memory_space<vmem>>
    %dma_start3A_732 = tpu.memref_squeeze %dma_start3A_731 : memref<1x128x128xf16, #tpu.memory_space<vmem>> -> memref<128x128xf16, #tpu.memory_space<vmem>>
    %dma_start3A_733 = tpu.memref_slice %arg3[%mul3A_392, %mul3A_394] : memref<2048x1024xf16, #tpu.memory_space<hbm>> -> memref<128x128xf16, #tpu.memory_space<hbm>>
    tpu.enqueue_dma source(%dma_start3A_733 : memref<128x128xf16, #tpu.memory_space<hbm>>) target(%dma_start3A_732 : memref<128x128xf16, #tpu.memory_space<vmem>>) target_semaphore(%arg12 : memref<!tpu.dma_semaphore, #tpu.memory_space<semaphore_mem>>)
    %dma_start3A_734 = arith.constant 0 : i32
    %dma_start3A_735 = arith.constant 0 : i32
    %dma_start3A_736 = tpu.memref_slice %arg4[%add3A_406, %dma_start3A_734, %dma_start3A_735] : memref<4096x128x128xf16, #tpu.memory_space<hbm>> -> memref<4x128x128xf16, #tpu.memory_space<hbm>>
    %dma_start3A_737 = arith.constant 0 : i32
    %dma_start3A_738 = arith.constant 0 : i32
    %dma_start3A_739 = tpu.memref_slice %arg4[%add3A_406, %dma_start3A_737, %dma_start3A_738] : memref<4096x128x128xf16, #tpu.memory_space<hbm>> -> memref<4x128x128xf16, #tpu.memory_space<hbm>>
    tpu.enqueue_dma source(%dma_start3A_739 : memref<4x128x128xf16, #tpu.memory_space<hbm>>) target(%arg10 : memref<4x128x128xf16, #tpu.memory_space<vmem>>) target_semaphore(%arg13 : memref<!tpu.dma_semaphore, #tpu.memory_space<semaphore_mem>>)
    %dma_wait3A = arith.constant 0 : i32
    %dma_wait3A_740 = arith.constant 0 : i32
    %dma_wait3A_741 = arith.constant 0 : i32
    %dma_wait3A_742 = tpu.memref_slice %arg8[%dma_wait3A, %dma_wait3A_740, %dma_wait3A_741] : memref<4x128x128xf16, #tpu.memory_space<vmem>> -> memref<1x128x128xf16, #tpu.memory_space<vmem>>
    %dma_wait3A_743 = tpu.memref_squeeze %dma_wait3A_742 : memref<1x128x128xf16, #tpu.memory_space<vmem>> -> memref<128x128xf16, #tpu.memory_space<vmem>>
    %dma_wait3A_744 = tpu.memref_slice %arg2[%mul3A_38, %mul3A_40] : memref<2048x1024xf16, #tpu.memory_space<hbm>> -> memref<128x128xf16, #tpu.memory_space<hbm>>
    %dma_wait3A_745 = arith.constant 0 : i32
    %dma_wait3A_746 = arith.constant 0 : i32
    %dma_wait3A_747 = tpu.memref_slice %arg8[%dma_wait3A, %dma_wait3A_745, %dma_wait3A_746] : memref<4x128x128xf16, #tpu.memory_space<vmem>> -> memref<1x128x128xf16, #tpu.memory_space<vmem>>
    %dma_wait3A_748 = tpu.memref_squeeze %dma_wait3A_747 : memref<1x128x128xf16, #tpu.memory_space<vmem>> -> memref<128x128xf16, #tpu.memory_space<vmem>>
    %dma_wait3A_749 = tpu.memref_slice %arg2[%mul3A_38, %mul3A_40] : memref<2048x1024xf16, #tpu.memory_space<hbm>> -> memref<128x128xf16, #tpu.memory_space<hbm>>
    tpu.wait_dma2 semaphore(%arg11 : memref<!tpu.dma_semaphore, #tpu.memory_space<semaphore_mem>>) src(%dma_wait3A_749 : memref<128x128xf16, #tpu.memory_space<hbm>>) dst(%dma_wait3A_748 : memref<128x128xf16, #tpu.memory_space<vmem>>)
    %dma_wait3A_750 = arith.constant 1 : i32
    %dma_wait3A_751 = arith.constant 0 : i32
    %dma_wait3A_752 = arith.constant 0 : i32
    %dma_wait3A_753 = tpu.memref_slice %arg8[%dma_wait3A_750, %dma_wait3A_751, %dma_wait3A_752] : memref<4x128x128xf16, #tpu.memory_space<vmem>> -> memref<1x128x128xf16, #tpu.memory_space<vmem>>
    %dma_wait3A_754 = tpu.memref_squeeze %dma_wait3A_753 : memref<1x128x128xf16, #tpu.memory_space<vmem>> -> memref<128x128xf16, #tpu.memory_space<vmem>>
    %dma_wait3A_755 = tpu.memref_slice %arg2[%mul3A_88, %mul3A_90] : memref<2048x1024xf16, #tpu.memory_space<hbm>> -> memref<128x128xf16, #tpu.memory_space<hbm>>
    %dma_wait3A_756 = arith.constant 0 : i32
    %dma_wait3A_757 = arith.constant 0 : i32
    %dma_wait3A_758 = tpu.memref_slice %arg8[%dma_wait3A_750, %dma_wait3A_756, %dma_wait3A_757] : memref<4x128x128xf16, #tpu.memory_space<vmem>> -> memref<1x128x128xf16, #tpu.memory_space<vmem>>
    %dma_wait3A_759 = tpu.memref_squeeze %dma_wait3A_758 : memref<1x128x128xf16, #tpu.memory_space<vmem>> -> memref<128x128xf16, #tpu.memory_space<vmem>>
    %dma_wait3A_760 = tpu.memref_slice %arg2[%mul3A_88, %mul3A_90] : memref<2048x1024xf16, #tpu.memory_space<hbm>> -> memref<128x128xf16, #tpu.memory_space<hbm>>
    tpu.wait_dma2 semaphore(%arg11 : memref<!tpu.dma_semaphore, #tpu.memory_space<semaphore_mem>>) src(%dma_wait3A_760 : memref<128x128xf16, #tpu.memory_space<hbm>>) dst(%dma_wait3A_759 : memref<128x128xf16, #tpu.memory_space<vmem>>)
    %dma_wait3A_761 = arith.constant 2 : i32
    %dma_wait3A_762 = arith.constant 0 : i32
    %dma_wait3A_763 = arith.constant 0 : i32
    %dma_wait3A_764 = tpu.memref_slice %arg8[%dma_wait3A_761, %dma_wait3A_762, %dma_wait3A_763] : memref<4x128x128xf16, #tpu.memory_space<vmem>> -> memref<1x128x128xf16, #tpu.memory_space<vmem>>
    %dma_wait3A_765 = tpu.memref_squeeze %dma_wait3A_764 : memref<1x128x128xf16, #tpu.memory_space<vmem>> -> memref<128x128xf16, #tpu.memory_space<vmem>>
    %dma_wait3A_766 = tpu.memref_slice %arg2[%mul3A_138, %mul3A_140] : memref<2048x1024xf16, #tpu.memory_space<hbm>> -> memref<128x128xf16, #tpu.memory_space<hbm>>
    %dma_wait3A_767 = arith.constant 0 : i32
    %dma_wait3A_768 = arith.constant 0 : i32
    %dma_wait3A_769 = tpu.memref_slice %arg8[%dma_wait3A_761, %dma_wait3A_767, %dma_wait3A_768] : memref<4x128x128xf16, #tpu.memory_space<vmem>> -> memref<1x128x128xf16, #tpu.memory_space<vmem>>
    %dma_wait3A_770 = tpu.memref_squeeze %dma_wait3A_769 : memref<1x128x128xf16, #tpu.memory_space<vmem>> -> memref<128x128xf16, #tpu.memory_space<vmem>>
    %dma_wait3A_771 = tpu.memref_slice %arg2[%mul3A_138, %mul3A_140] : memref<2048x1024xf16, #tpu.memory_space<hbm>> -> memref<128x128xf16, #tpu.memory_space<hbm>>
    tpu.wait_dma2 semaphore(%arg11 : memref<!tpu.dma_semaphore, #tpu.memory_space<semaphore_mem>>) src(%dma_wait3A_771 : memref<128x128xf16, #tpu.memory_space<hbm>>) dst(%dma_wait3A_770 : memref<128x128xf16, #tpu.memory_space<vmem>>)
    %dma_wait3A_772 = arith.constant 3 : i32
    %dma_wait3A_773 = arith.constant 0 : i32
    %dma_wait3A_774 = arith.constant 0 : i32
    %dma_wait3A_775 = tpu.memref_slice %arg8[%dma_wait3A_772, %dma_wait3A_773, %dma_wait3A_774] : memref<4x128x128xf16, #tpu.memory_space<vmem>> -> memref<1x128x128xf16, #tpu.memory_space<vmem>>
    %dma_wait3A_776 = tpu.memref_squeeze %dma_wait3A_775 : memref<1x128x128xf16, #tpu.memory_space<vmem>> -> memref<128x128xf16, #tpu.memory_space<vmem>>
    %dma_wait3A_777 = tpu.memref_slice %arg2[%mul3A_188, %mul3A_190] : memref<2048x1024xf16, #tpu.memory_space<hbm>> -> memref<128x128xf16, #tpu.memory_space<hbm>>
    %dma_wait3A_778 = arith.constant 0 : i32
    %dma_wait3A_779 = arith.constant 0 : i32
    %dma_wait3A_780 = tpu.memref_slice %arg8[%dma_wait3A_772, %dma_wait3A_778, %dma_wait3A_779] : memref<4x128x128xf16, #tpu.memory_space<vmem>> -> memref<1x128x128xf16, #tpu.memory_space<vmem>>
    %dma_wait3A_781 = tpu.memref_squeeze %dma_wait3A_780 : memref<1x128x128xf16, #tpu.memory_space<vmem>> -> memref<128x128xf16, #tpu.memory_space<vmem>>
    %dma_wait3A_782 = tpu.memref_slice %arg2[%mul3A_188, %mul3A_190] : memref<2048x1024xf16, #tpu.memory_space<hbm>> -> memref<128x128xf16, #tpu.memory_space<hbm>>
    tpu.wait_dma2 semaphore(%arg11 : memref<!tpu.dma_semaphore, #tpu.memory_space<semaphore_mem>>) src(%dma_wait3A_782 : memref<128x128xf16, #tpu.memory_space<hbm>>) dst(%dma_wait3A_781 : memref<128x128xf16, #tpu.memory_space<vmem>>)
    %dma_start3A_783 = arith.constant 0 : i32
    %dma_start3A_784 = arith.constant 0 : i32
    %dma_start3A_785 = tpu.memref_slice %arg6[%add3A_194, %dma_start3A_783, %dma_start3A_784] : memref<4096x128x128xf16, #tpu.memory_space<hbm>> -> memref<4x128x128xf16, #tpu.memory_space<hbm>>
    %dma_start3A_786 = arith.constant 0 : i32
    %dma_start3A_787 = arith.constant 0 : i32
    %dma_start3A_788 = tpu.memref_slice %arg6[%add3A_194, %dma_start3A_786, %dma_start3A_787] : memref<4096x128x128xf16, #tpu.memory_space<hbm>> -> memref<4x128x128xf16, #tpu.memory_space<hbm>>
    tpu.enqueue_dma source(%arg8 : memref<4x128x128xf16, #tpu.memory_space<vmem>>) target(%dma_start3A_788 : memref<4x128x128xf16, #tpu.memory_space<hbm>>) target_semaphore(%arg14 : memref<!tpu.dma_semaphore, #tpu.memory_space<semaphore_mem>>)
    %dma_wait3A_789 = arith.constant 0 : i32
    %dma_wait3A_790 = arith.constant 0 : i32
    %dma_wait3A_791 = tpu.memref_slice %arg6[%add3A_194, %dma_wait3A_789, %dma_wait3A_790] : memref<4096x128x128xf16, #tpu.memory_space<hbm>> -> memref<4x128x128xf16, #tpu.memory_space<hbm>>
    %dma_wait3A_792 = arith.constant 0 : i32
    %dma_wait3A_793 = arith.constant 0 : i32
    %dma_wait3A_794 = tpu.memref_slice %arg6[%add3A_194, %dma_wait3A_792, %dma_wait3A_793] : memref<4096x128x128xf16, #tpu.memory_space<hbm>> -> memref<4x128x128xf16, #tpu.memory_space<hbm>>
    tpu.wait_dma2 semaphore(%arg14 : memref<!tpu.dma_semaphore, #tpu.memory_space<semaphore_mem>>) src(%arg8 : memref<4x128x128xf16, #tpu.memory_space<vmem>>) dst(%dma_wait3A_794 : memref<4x128x128xf16, #tpu.memory_space<hbm>>)
    %dma_start3A_795 = arith.constant 0 : i32
    %dma_start3A_796 = arith.constant 0 : i32
    %dma_start3A_797 = tpu.memref_slice %arg5[%add3A_406, %dma_start3A_795, %dma_start3A_796] : memref<4096x128x128xf16, #tpu.memory_space<hbm>> -> memref<4x128x128xf16, #tpu.memory_space<hbm>>
    %dma_start3A_798 = arith.constant 0 : i32
    %dma_start3A_799 = arith.constant 0 : i32
    %dma_start3A_800 = tpu.memref_slice %arg5[%add3A_406, %dma_start3A_798, %dma_start3A_799] : memref<4096x128x128xf16, #tpu.memory_space<hbm>> -> memref<4x128x128xf16, #tpu.memory_space<hbm>>
    tpu.enqueue_dma source(%dma_start3A_800 : memref<4x128x128xf16, #tpu.memory_space<hbm>>) target(%arg8 : memref<4x128x128xf16, #tpu.memory_space<vmem>>) target_semaphore(%arg11 : memref<!tpu.dma_semaphore, #tpu.memory_space<semaphore_mem>>)
    %dma_wait3A_801 = arith.constant 0 : i32
    %dma_wait3A_802 = arith.constant 0 : i32
    %dma_wait3A_803 = arith.constant 0 : i32
    %dma_wait3A_804 = tpu.memref_slice %arg9[%dma_wait3A_801, %dma_wait3A_802, %dma_wait3A_803] : memref<4x128x128xf16, #tpu.memory_space<vmem>> -> memref<1x128x128xf16, #tpu.memory_space<vmem>>
    %dma_wait3A_805 = tpu.memref_squeeze %dma_wait3A_804 : memref<1x128x128xf16, #tpu.memory_space<vmem>> -> memref<128x128xf16, #tpu.memory_space<vmem>>
    %dma_wait3A_806 = tpu.memref_slice %arg3[%mul3A_242, %mul3A_244] : memref<2048x1024xf16, #tpu.memory_space<hbm>> -> memref<128x128xf16, #tpu.memory_space<hbm>>
    %dma_wait3A_807 = arith.constant 0 : i32
    %dma_wait3A_808 = arith.constant 0 : i32
    %dma_wait3A_809 = tpu.memref_slice %arg9[%dma_wait3A_801, %dma_wait3A_807, %dma_wait3A_808] : memref<4x128x128xf16, #tpu.memory_space<vmem>> -> memref<1x128x128xf16, #tpu.memory_space<vmem>>
    %dma_wait3A_810 = tpu.memref_squeeze %dma_wait3A_809 : memref<1x128x128xf16, #tpu.memory_space<vmem>> -> memref<128x128xf16, #tpu.memory_space<vmem>>
    %dma_wait3A_811 = tpu.memref_slice %arg3[%mul3A_242, %mul3A_244] : memref<2048x1024xf16, #tpu.memory_space<hbm>> -> memref<128x128xf16, #tpu.memory_space<hbm>>
    tpu.wait_dma2 semaphore(%arg12 : memref<!tpu.dma_semaphore, #tpu.memory_space<semaphore_mem>>) src(%dma_wait3A_811 : memref<128x128xf16, #tpu.memory_space<hbm>>) dst(%dma_wait3A_810 : memref<128x128xf16, #tpu.memory_space<vmem>>)
    %dma_wait3A_812 = arith.constant 1 : i32
    %dma_wait3A_813 = arith.constant 0 : i32
    %dma_wait3A_814 = arith.constant 0 : i32
    %dma_wait3A_815 = tpu.memref_slice %arg9[%dma_wait3A_812, %dma_wait3A_813, %dma_wait3A_814] : memref<4x128x128xf16, #tpu.memory_space<vmem>> -> memref<1x128x128xf16, #tpu.memory_space<vmem>>
    %dma_wait3A_816 = tpu.memref_squeeze %dma_wait3A_815 : memref<1x128x128xf16, #tpu.memory_space<vmem>> -> memref<128x128xf16, #tpu.memory_space<vmem>>
    %dma_wait3A_817 = tpu.memref_slice %arg3[%mul3A_292, %mul3A_294] : memref<2048x1024xf16, #tpu.memory_space<hbm>> -> memref<128x128xf16, #tpu.memory_space<hbm>>
    %dma_wait3A_818 = arith.constant 0 : i32
    %dma_wait3A_819 = arith.constant 0 : i32
    %dma_wait3A_820 = tpu.memref_slice %arg9[%dma_wait3A_812, %dma_wait3A_818, %dma_wait3A_819] : memref<4x128x128xf16, #tpu.memory_space<vmem>> -> memref<1x128x128xf16, #tpu.memory_space<vmem>>
    %dma_wait3A_821 = tpu.memref_squeeze %dma_wait3A_820 : memref<1x128x128xf16, #tpu.memory_space<vmem>> -> memref<128x128xf16, #tpu.memory_space<vmem>>
    %dma_wait3A_822 = tpu.memref_slice %arg3[%mul3A_292, %mul3A_294] : memref<2048x1024xf16, #tpu.memory_space<hbm>> -> memref<128x128xf16, #tpu.memory_space<hbm>>
    tpu.wait_dma2 semaphore(%arg12 : memref<!tpu.dma_semaphore, #tpu.memory_space<semaphore_mem>>) src(%dma_wait3A_822 : memref<128x128xf16, #tpu.memory_space<hbm>>) dst(%dma_wait3A_821 : memref<128x128xf16, #tpu.memory_space<vmem>>)
    %dma_wait3A_823 = arith.constant 2 : i32
    %dma_wait3A_824 = arith.constant 0 : i32
    %dma_wait3A_825 = arith.constant 0 : i32
    %dma_wait3A_826 = tpu.memref_slice %arg9[%dma_wait3A_823, %dma_wait3A_824, %dma_wait3A_825] : memref<4x128x128xf16, #tpu.memory_space<vmem>> -> memref<1x128x128xf16, #tpu.memory_space<vmem>>
    %dma_wait3A_827 = tpu.memref_squeeze %dma_wait3A_826 : memref<1x128x128xf16, #tpu.memory_space<vmem>> -> memref<128x128xf16, #tpu.memory_space<vmem>>
    %dma_wait3A_828 = tpu.memref_slice %arg3[%mul3A_342, %mul3A_344] : memref<2048x1024xf16, #tpu.memory_space<hbm>> -> memref<128x128xf16, #tpu.memory_space<hbm>>
    %dma_wait3A_829 = arith.constant 0 : i32
    %dma_wait3A_830 = arith.constant 0 : i32
    %dma_wait3A_831 = tpu.memref_slice %arg9[%dma_wait3A_823, %dma_wait3A_829, %dma_wait3A_830] : memref<4x128x128xf16, #tpu.memory_space<vmem>> -> memref<1x128x128xf16, #tpu.memory_space<vmem>>
    %dma_wait3A_832 = tpu.memref_squeeze %dma_wait3A_831 : memref<1x128x128xf16, #tpu.memory_space<vmem>> -> memref<128x128xf16, #tpu.memory_space<vmem>>
    %dma_wait3A_833 = tpu.memref_slice %arg3[%mul3A_342, %mul3A_344] : memref<2048x1024xf16, #tpu.memory_space<hbm>> -> memref<128x128xf16, #tpu.memory_space<hbm>>
    tpu.wait_dma2 semaphore(%arg12 : memref<!tpu.dma_semaphore, #tpu.memory_space<semaphore_mem>>) src(%dma_wait3A_833 : memref<128x128xf16, #tpu.memory_space<hbm>>) dst(%dma_wait3A_832 : memref<128x128xf16, #tpu.memory_space<vmem>>)
    %dma_wait3A_834 = arith.constant 3 : i32
    %dma_wait3A_835 = arith.constant 0 : i32
    %dma_wait3A_836 = arith.constant 0 : i32
    %dma_wait3A_837 = tpu.memref_slice %arg9[%dma_wait3A_834, %dma_wait3A_835, %dma_wait3A_836] : memref<4x128x128xf16, #tpu.memory_space<vmem>> -> memref<1x128x128xf16, #tpu.memory_space<vmem>>
    %dma_wait3A_838 = tpu.memref_squeeze %dma_wait3A_837 : memref<1x128x128xf16, #tpu.memory_space<vmem>> -> memref<128x128xf16, #tpu.memory_space<vmem>>
    %dma_wait3A_839 = tpu.memref_slice %arg3[%mul3A_392, %mul3A_394] : memref<2048x1024xf16, #tpu.memory_space<hbm>> -> memref<128x128xf16, #tpu.memory_space<hbm>>
    %dma_wait3A_840 = arith.constant 0 : i32
    %dma_wait3A_841 = arith.constant 0 : i32
    %dma_wait3A_842 = tpu.memref_slice %arg9[%dma_wait3A_834, %dma_wait3A_840, %dma_wait3A_841] : memref<4x128x128xf16, #tpu.memory_space<vmem>> -> memref<1x128x128xf16, #tpu.memory_space<vmem>>
    %dma_wait3A_843 = tpu.memref_squeeze %dma_wait3A_842 : memref<1x128x128xf16, #tpu.memory_space<vmem>> -> memref<128x128xf16, #tpu.memory_space<vmem>>
    %dma_wait3A_844 = tpu.memref_slice %arg3[%mul3A_392, %mul3A_394] : memref<2048x1024xf16, #tpu.memory_space<hbm>> -> memref<128x128xf16, #tpu.memory_space<hbm>>
    tpu.wait_dma2 semaphore(%arg12 : memref<!tpu.dma_semaphore, #tpu.memory_space<semaphore_mem>>) src(%dma_wait3A_844 : memref<128x128xf16, #tpu.memory_space<hbm>>) dst(%dma_wait3A_843 : memref<128x128xf16, #tpu.memory_space<vmem>>)
    %dma_start3A_845 = arith.constant 0 : i32
    %dma_start3A_846 = arith.constant 0 : i32
    %dma_start3A_847 = tpu.memref_slice %arg7[%add3A_398, %dma_start3A_845, %dma_start3A_846] : memref<4096x128x128xf16, #tpu.memory_space<hbm>> -> memref<4x128x128xf16, #tpu.memory_space<hbm>>
    %dma_start3A_848 = arith.constant 0 : i32
    %dma_start3A_849 = arith.constant 0 : i32
    %dma_start3A_850 = tpu.memref_slice %arg7[%add3A_398, %dma_start3A_848, %dma_start3A_849] : memref<4096x128x128xf16, #tpu.memory_space<hbm>> -> memref<4x128x128xf16, #tpu.memory_space<hbm>>
    tpu.enqueue_dma source(%arg9 : memref<4x128x128xf16, #tpu.memory_space<vmem>>) target(%dma_start3A_850 : memref<4x128x128xf16, #tpu.memory_space<hbm>>) target_semaphore(%arg15 : memref<!tpu.dma_semaphore, #tpu.memory_space<semaphore_mem>>)
    %dma_wait3A_851 = arith.constant 0 : i32
    %dma_wait3A_852 = arith.constant 0 : i32
    %dma_wait3A_853 = tpu.memref_slice %arg7[%add3A_398, %dma_wait3A_851, %dma_wait3A_852] : memref<4096x128x128xf16, #tpu.memory_space<hbm>> -> memref<4x128x128xf16, #tpu.memory_space<hbm>>
    %dma_wait3A_854 = arith.constant 0 : i32
    %dma_wait3A_855 = arith.constant 0 : i32
    %dma_wait3A_856 = tpu.memref_slice %arg7[%add3A_398, %dma_wait3A_854, %dma_wait3A_855] : memref<4096x128x128xf16, #tpu.memory_space<hbm>> -> memref<4x128x128xf16, #tpu.memory_space<hbm>>
    tpu.wait_dma2 semaphore(%arg15 : memref<!tpu.dma_semaphore, #tpu.memory_space<semaphore_mem>>) src(%arg9 : memref<4x128x128xf16, #tpu.memory_space<vmem>>) dst(%dma_wait3A_856 : memref<4x128x128xf16, #tpu.memory_space<hbm>>)
    %dma_start3A_857 = arith.constant 0 : i32
    %dma_start3A_858 = arith.constant 0 : i32
    %dma_start3A_859 = tpu.memref_slice %arg4[%add3A_414, %dma_start3A_857, %dma_start3A_858] : memref<4096x128x128xf16, #tpu.memory_space<hbm>> -> memref<4x128x128xf16, #tpu.memory_space<hbm>>
    %dma_start3A_860 = arith.constant 0 : i32
    %dma_start3A_861 = arith.constant 0 : i32
    %dma_start3A_862 = tpu.memref_slice %arg4[%add3A_414, %dma_start3A_860, %dma_start3A_861] : memref<4096x128x128xf16, #tpu.memory_space<hbm>> -> memref<4x128x128xf16, #tpu.memory_space<hbm>>
    tpu.enqueue_dma source(%dma_start3A_862 : memref<4x128x128xf16, #tpu.memory_space<hbm>>) target(%arg9 : memref<4x128x128xf16, #tpu.memory_space<vmem>>) target_semaphore(%arg12 : memref<!tpu.dma_semaphore, #tpu.memory_space<semaphore_mem>>)
    %dma_wait3A_863 = arith.constant 0 : i32
    %dma_wait3A_864 = arith.constant 0 : i32
    %dma_wait3A_865 = tpu.memref_slice %arg4[%add3A_406, %dma_wait3A_863, %dma_wait3A_864] : memref<4096x128x128xf16, #tpu.memory_space<hbm>> -> memref<4x128x128xf16, #tpu.memory_space<hbm>>
    %dma_wait3A_866 = arith.constant 0 : i32
    %dma_wait3A_867 = arith.constant 0 : i32
    %dma_wait3A_868 = tpu.memref_slice %arg4[%add3A_406, %dma_wait3A_866, %dma_wait3A_867] : memref<4096x128x128xf16, #tpu.memory_space<hbm>> -> memref<4x128x128xf16, #tpu.memory_space<hbm>>
    tpu.wait_dma2 semaphore(%arg13 : memref<!tpu.dma_semaphore, #tpu.memory_space<semaphore_mem>>) src(%dma_wait3A_868 : memref<4x128x128xf16, #tpu.memory_space<hbm>>) dst(%arg10 : memref<4x128x128xf16, #tpu.memory_space<vmem>>)
    %dma_start3A_869 = arith.constant 0 : i32
    %dma_start3A_870 = arith.constant 0 : i32
    %dma_start3A_871 = tpu.memref_slice %arg6[%add3A_406, %dma_start3A_869, %dma_start3A_870] : memref<4096x128x128xf16, #tpu.memory_space<hbm>> -> memref<4x128x128xf16, #tpu.memory_space<hbm>>
    %dma_start3A_872 = arith.constant 0 : i32
    %dma_start3A_873 = arith.constant 0 : i32
    %dma_start3A_874 = tpu.memref_slice %arg6[%add3A_406, %dma_start3A_872, %dma_start3A_873] : memref<4096x128x128xf16, #tpu.memory_space<hbm>> -> memref<4x128x128xf16, #tpu.memory_space<hbm>>
    tpu.enqueue_dma source(%arg10 : memref<4x128x128xf16, #tpu.memory_space<vmem>>) target(%dma_start3A_874 : memref<4x128x128xf16, #tpu.memory_space<hbm>>) target_semaphore(%arg16 : memref<!tpu.dma_semaphore, #tpu.memory_space<semaphore_mem>>)
    %dma_wait3A_875 = arith.constant 0 : i32
    %dma_wait3A_876 = arith.constant 0 : i32
    %dma_wait3A_877 = tpu.memref_slice %arg6[%add3A_406, %dma_wait3A_875, %dma_wait3A_876] : memref<4096x128x128xf16, #tpu.memory_space<hbm>> -> memref<4x128x128xf16, #tpu.memory_space<hbm>>
    %dma_wait3A_878 = arith.constant 0 : i32
    %dma_wait3A_879 = arith.constant 0 : i32
    %dma_wait3A_880 = tpu.memref_slice %arg6[%add3A_406, %dma_wait3A_878, %dma_wait3A_879] : memref<4096x128x128xf16, #tpu.memory_space<hbm>> -> memref<4x128x128xf16, #tpu.memory_space<hbm>>
    tpu.wait_dma2 semaphore(%arg16 : memref<!tpu.dma_semaphore, #tpu.memory_space<semaphore_mem>>) src(%arg10 : memref<4x128x128xf16, #tpu.memory_space<vmem>>) dst(%dma_wait3A_880 : memref<4x128x128xf16, #tpu.memory_space<hbm>>)
    %dma_start3A_881 = arith.constant 0 : i32
    %dma_start3A_882 = arith.constant 0 : i32
    %dma_start3A_883 = tpu.memref_slice %arg5[%add3A_414, %dma_start3A_881, %dma_start3A_882] : memref<4096x128x128xf16, #tpu.memory_space<hbm>> -> memref<4x128x128xf16, #tpu.memory_space<hbm>>
    %dma_start3A_884 = arith.constant 0 : i32
    %dma_start3A_885 = arith.constant 0 : i32
    %dma_start3A_886 = tpu.memref_slice %arg5[%add3A_414, %dma_start3A_884, %dma_start3A_885] : memref<4096x128x128xf16, #tpu.memory_space<hbm>> -> memref<4x128x128xf16, #tpu.memory_space<hbm>>
    tpu.enqueue_dma source(%dma_start3A_886 : memref<4x128x128xf16, #tpu.memory_space<hbm>>) target(%arg10 : memref<4x128x128xf16, #tpu.memory_space<vmem>>) target_semaphore(%arg13 : memref<!tpu.dma_semaphore, #tpu.memory_space<semaphore_mem>>)
    %dma_wait3A_887 = arith.constant 0 : i32
    %dma_wait3A_888 = arith.constant 0 : i32
    %dma_wait3A_889 = tpu.memref_slice %arg5[%add3A_406, %dma_wait3A_887, %dma_wait3A_888] : memref<4096x128x128xf16, #tpu.memory_space<hbm>> -> memref<4x128x128xf16, #tpu.memory_space<hbm>>
    %dma_wait3A_890 = arith.constant 0 : i32
    %dma_wait3A_891 = arith.constant 0 : i32
    %dma_wait3A_892 = tpu.memref_slice %arg5[%add3A_406, %dma_wait3A_890, %dma_wait3A_891] : memref<4096x128x128xf16, #tpu.memory_space<hbm>> -> memref<4x128x128xf16, #tpu.memory_space<hbm>>
    tpu.wait_dma2 semaphore(%arg11 : memref<!tpu.dma_semaphore, #tpu.memory_space<semaphore_mem>>) src(%dma_wait3A_892 : memref<4x128x128xf16, #tpu.memory_space<hbm>>) dst(%arg8 : memref<4x128x128xf16, #tpu.memory_space<vmem>>)
    %dma_start3A_893 = arith.constant 0 : i32
    %dma_start3A_894 = arith.constant 0 : i32
    %dma_start3A_895 = tpu.memref_slice %arg7[%add3A_406, %dma_start3A_893, %dma_start3A_894] : memref<4096x128x128xf16, #tpu.memory_space<hbm>> -> memref<4x128x128xf16, #tpu.memory_space<hbm>>
    %dma_start3A_896 = arith.constant 0 : i32
    %dma_start3A_897 = arith.constant 0 : i32
    %dma_start3A_898 = tpu.memref_slice %arg7[%add3A_406, %dma_start3A_896, %dma_start3A_897] : memref<4096x128x128xf16, #tpu.memory_space<hbm>> -> memref<4x128x128xf16, #tpu.memory_space<hbm>>
    tpu.enqueue_dma source(%arg8 : memref<4x128x128xf16, #tpu.memory_space<vmem>>) target(%dma_start3A_898 : memref<4x128x128xf16, #tpu.memory_space<hbm>>) target_semaphore(%arg14 : memref<!tpu.dma_semaphore, #tpu.memory_space<semaphore_mem>>)
    %dma_wait3A_899 = arith.constant 0 : i32
    %dma_wait3A_900 = arith.constant 0 : i32
    %dma_wait3A_901 = tpu.memref_slice %arg7[%add3A_406, %dma_wait3A_899, %dma_wait3A_900] : memref<4096x128x128xf16, #tpu.memory_space<hbm>> -> memref<4x128x128xf16, #tpu.memory_space<hbm>>
    %dma_wait3A_902 = arith.constant 0 : i32
    %dma_wait3A_903 = arith.constant 0 : i32
    %dma_wait3A_904 = tpu.memref_slice %arg7[%add3A_406, %dma_wait3A_902, %dma_wait3A_903] : memref<4096x128x128xf16, #tpu.memory_space<hbm>> -> memref<4x128x128xf16, #tpu.memory_space<hbm>>
    tpu.wait_dma2 semaphore(%arg14 : memref<!tpu.dma_semaphore, #tpu.memory_space<semaphore_mem>>) src(%arg8 : memref<4x128x128xf16, #tpu.memory_space<vmem>>) dst(%dma_wait3A_904 : memref<4x128x128xf16, #tpu.memory_space<hbm>>)
    %dma_start3A_905 = arith.constant 0 : i32
    %dma_start3A_906 = arith.constant 0 : i32
    %dma_start3A_907 = tpu.memref_slice %arg4[%add3A_422, %dma_start3A_905, %dma_start3A_906] : memref<4096x128x128xf16, #tpu.memory_space<hbm>> -> memref<4x128x128xf16, #tpu.memory_space<hbm>>
    %dma_start3A_908 = arith.constant 0 : i32
    %dma_start3A_909 = arith.constant 0 : i32
    %dma_start3A_910 = tpu.memref_slice %arg4[%add3A_422, %dma_start3A_908, %dma_start3A_909] : memref<4096x128x128xf16, #tpu.memory_space<hbm>> -> memref<4x128x128xf16, #tpu.memory_space<hbm>>
    tpu.enqueue_dma source(%dma_start3A_910 : memref<4x128x128xf16, #tpu.memory_space<hbm>>) target(%arg8 : memref<4x128x128xf16, #tpu.memory_space<vmem>>) target_semaphore(%arg11 : memref<!tpu.dma_semaphore, #tpu.memory_space<semaphore_mem>>)
    %dma_wait3A_911 = arith.constant 0 : i32
    %dma_wait3A_912 = arith.constant 0 : i32
    %dma_wait3A_913 = tpu.memref_slice %arg4[%add3A_414, %dma_wait3A_911, %dma_wait3A_912] : memref<4096x128x128xf16, #tpu.memory_space<hbm>> -> memref<4x128x128xf16, #tpu.memory_space<hbm>>
    %dma_wait3A_914 = arith.constant 0 : i32
    %dma_wait3A_915 = arith.constant 0 : i32
    %dma_wait3A_916 = tpu.memref_slice %arg4[%add3A_414, %dma_wait3A_914, %dma_wait3A_915] : memref<4096x128x128xf16, #tpu.memory_space<hbm>> -> memref<4x128x128xf16, #tpu.memory_space<hbm>>
    tpu.wait_dma2 semaphore(%arg12 : memref<!tpu.dma_semaphore, #tpu.memory_space<semaphore_mem>>) src(%dma_wait3A_916 : memref<4x128x128xf16, #tpu.memory_space<hbm>>) dst(%arg9 : memref<4x128x128xf16, #tpu.memory_space<vmem>>)
    %dma_start3A_917 = arith.constant 0 : i32
    %dma_start3A_918 = arith.constant 0 : i32
    %dma_start3A_919 = tpu.memref_slice %arg6[%add3A_414, %dma_start3A_917, %dma_start3A_918] : memref<4096x128x128xf16, #tpu.memory_space<hbm>> -> memref<4x128x128xf16, #tpu.memory_space<hbm>>
    %dma_start3A_920 = arith.constant 0 : i32
    %dma_start3A_921 = arith.constant 0 : i32
    %dma_start3A_922 = tpu.memref_slice %arg6[%add3A_414, %dma_start3A_920, %dma_start3A_921] : memref<4096x128x128xf16, #tpu.memory_space<hbm>> -> memref<4x128x128xf16, #tpu.memory_space<hbm>>
    tpu.enqueue_dma source(%arg9 : memref<4x128x128xf16, #tpu.memory_space<vmem>>) target(%dma_start3A_922 : memref<4x128x128xf16, #tpu.memory_space<hbm>>) target_semaphore(%arg15 : memref<!tpu.dma_semaphore, #tpu.memory_space<semaphore_mem>>)
    %dma_wait3A_923 = arith.constant 0 : i32
    %dma_wait3A_924 = arith.constant 0 : i32
    %dma_wait3A_925 = tpu.memref_slice %arg6[%add3A_414, %dma_wait3A_923, %dma_wait3A_924] : memref<4096x128x128xf16, #tpu.memory_space<hbm>> -> memref<4x128x128xf16, #tpu.memory_space<hbm>>
    %dma_wait3A_926 = arith.constant 0 : i32
    %dma_wait3A_927 = arith.constant 0 : i32
    %dma_wait3A_928 = tpu.memref_slice %arg6[%add3A_414, %dma_wait3A_926, %dma_wait3A_927] : memref<4096x128x128xf16, #tpu.memory_space<hbm>> -> memref<4x128x128xf16, #tpu.memory_space<hbm>>
    tpu.wait_dma2 semaphore(%arg15 : memref<!tpu.dma_semaphore, #tpu.memory_space<semaphore_mem>>) src(%arg9 : memref<4x128x128xf16, #tpu.memory_space<vmem>>) dst(%dma_wait3A_928 : memref<4x128x128xf16, #tpu.memory_space<hbm>>)
    %dma_start3A_929 = arith.constant 0 : i32
    %dma_start3A_930 = arith.constant 0 : i32
    %dma_start3A_931 = tpu.memref_slice %arg5[%add3A_422, %dma_start3A_929, %dma_start3A_930] : memref<4096x128x128xf16, #tpu.memory_space<hbm>> -> memref<4x128x128xf16, #tpu.memory_space<hbm>>
    %dma_start3A_932 = arith.constant 0 : i32
    %dma_start3A_933 = arith.constant 0 : i32
    %dma_start3A_934 = tpu.memref_slice %arg5[%add3A_422, %dma_start3A_932, %dma_start3A_933] : memref<4096x128x128xf16, #tpu.memory_space<hbm>> -> memref<4x128x128xf16, #tpu.memory_space<hbm>>
    tpu.enqueue_dma source(%dma_start3A_934 : memref<4x128x128xf16, #tpu.memory_space<hbm>>) target(%arg9 : memref<4x128x128xf16, #tpu.memory_space<vmem>>) target_semaphore(%arg12 : memref<!tpu.dma_semaphore, #tpu.memory_space<semaphore_mem>>)
    %dma_wait3A_935 = arith.constant 0 : i32
    %dma_wait3A_936 = arith.constant 0 : i32
    %dma_wait3A_937 = tpu.memref_slice %arg5[%add3A_414, %dma_wait3A_935, %dma_wait3A_936] : memref<4096x128x128xf16, #tpu.memory_space<hbm>> -> memref<4x128x128xf16, #tpu.memory_space<hbm>>
    %dma_wait3A_938 = arith.constant 0 : i32
    %dma_wait3A_939 = arith.constant 0 : i32
    %dma_wait3A_940 = tpu.memref_slice %arg5[%add3A_414, %dma_wait3A_938, %dma_wait3A_939] : memref<4096x128x128xf16, #tpu.memory_space<hbm>> -> memref<4x128x128xf16, #tpu.memory_space<hbm>>
    tpu.wait_dma2 semaphore(%arg13 : memref<!tpu.dma_semaphore, #tpu.memory_space<semaphore_mem>>) src(%dma_wait3A_940 : memref<4x128x128xf16, #tpu.memory_space<hbm>>) dst(%arg10 : memref<4x128x128xf16, #tpu.memory_space<vmem>>)
    %dma_start3A_941 = arith.constant 0 : i32
    %dma_start3A_942 = arith.constant 0 : i32
    %dma_start3A_943 = tpu.memref_slice %arg7[%add3A_414, %dma_start3A_941, %dma_start3A_942] : memref<4096x128x128xf16, #tpu.memory_space<hbm>> -> memref<4x128x128xf16, #tpu.memory_space<hbm>>
    %dma_start3A_944 = arith.constant 0 : i32
    %dma_start3A_945 = arith.constant 0 : i32
    %dma_start3A_946 = tpu.memref_slice %arg7[%add3A_414, %dma_start3A_944, %dma_start3A_945] : memref<4096x128x128xf16, #tpu.memory_space<hbm>> -> memref<4x128x128xf16, #tpu.memory_space<hbm>>
    tpu.enqueue_dma source(%arg10 : memref<4x128x128xf16, #tpu.memory_space<vmem>>) target(%dma_start3A_946 : memref<4x128x128xf16, #tpu.memory_space<hbm>>) target_semaphore(%arg16 : memref<!tpu.dma_semaphore, #tpu.memory_space<semaphore_mem>>)
    %dma_wait3A_947 = arith.constant 0 : i32
    %dma_wait3A_948 = arith.constant 0 : i32
    %dma_wait3A_949 = tpu.memref_slice %arg7[%add3A_414, %dma_wait3A_947, %dma_wait3A_948] : memref<4096x128x128xf16, #tpu.memory_space<hbm>> -> memref<4x128x128xf16, #tpu.memory_space<hbm>>
    %dma_wait3A_950 = arith.constant 0 : i32
    %dma_wait3A_951 = arith.constant 0 : i32
    %dma_wait3A_952 = tpu.memref_slice %arg7[%add3A_414, %dma_wait3A_950, %dma_wait3A_951] : memref<4096x128x128xf16, #tpu.memory_space<hbm>> -> memref<4x128x128xf16, #tpu.memory_space<hbm>>
    tpu.wait_dma2 semaphore(%arg16 : memref<!tpu.dma_semaphore, #tpu.memory_space<semaphore_mem>>) src(%arg10 : memref<4x128x128xf16, #tpu.memory_space<vmem>>) dst(%dma_wait3A_952 : memref<4x128x128xf16, #tpu.memory_space<hbm>>)
    %dma_start3A_953 = arith.constant 0 : i32
    %dma_start3A_954 = arith.constant 0 : i32
    %dma_start3A_955 = tpu.memref_slice %arg4[%add3A_430, %dma_start3A_953, %dma_start3A_954] : memref<4096x128x128xf16, #tpu.memory_space<hbm>> -> memref<4x128x128xf16, #tpu.memory_space<hbm>>
    %dma_start3A_956 = arith.constant 0 : i32
    %dma_start3A_957 = arith.constant 0 : i32
    %dma_start3A_958 = tpu.memref_slice %arg4[%add3A_430, %dma_start3A_956, %dma_start3A_957] : memref<4096x128x128xf16, #tpu.memory_space<hbm>> -> memref<4x128x128xf16, #tpu.memory_space<hbm>>
    tpu.enqueue_dma source(%dma_start3A_958 : memref<4x128x128xf16, #tpu.memory_space<hbm>>) target(%arg10 : memref<4x128x128xf16, #tpu.memory_space<vmem>>) target_semaphore(%arg13 : memref<!tpu.dma_semaphore, #tpu.memory_space<semaphore_mem>>)
    %dma_wait3A_959 = arith.constant 0 : i32
    %dma_wait3A_960 = arith.constant 0 : i32
    %dma_wait3A_961 = tpu.memref_slice %arg4[%add3A_422, %dma_wait3A_959, %dma_wait3A_960] : memref<4096x128x128xf16, #tpu.memory_space<hbm>> -> memref<4x128x128xf16, #tpu.memory_space<hbm>>
    %dma_wait3A_962 = arith.constant 0 : i32
    %dma_wait3A_963 = arith.constant 0 : i32
    %dma_wait3A_964 = tpu.memref_slice %arg4[%add3A_422, %dma_wait3A_962, %dma_wait3A_963] : memref<4096x128x128xf16, #tpu.memory_space<hbm>> -> memref<4x128x128xf16, #tpu.memory_space<hbm>>
    tpu.wait_dma2 semaphore(%arg11 : memref<!tpu.dma_semaphore, #tpu.memory_space<semaphore_mem>>) src(%dma_wait3A_964 : memref<4x128x128xf16, #tpu.memory_space<hbm>>) dst(%arg8 : memref<4x128x128xf16, #tpu.memory_space<vmem>>)
    %dma_start3A_965 = arith.constant 0 : i32
    %dma_start3A_966 = arith.constant 0 : i32
    %dma_start3A_967 = tpu.memref_slice %arg6[%add3A_422, %dma_start3A_965, %dma_start3A_966] : memref<4096x128x128xf16, #tpu.memory_space<hbm>> -> memref<4x128x128xf16, #tpu.memory_space<hbm>>
    %dma_start3A_968 = arith.constant 0 : i32
    %dma_start3A_969 = arith.constant 0 : i32
    %dma_start3A_970 = tpu.memref_slice %arg6[%add3A_422, %dma_start3A_968, %dma_start3A_969] : memref<4096x128x128xf16, #tpu.memory_space<hbm>> -> memref<4x128x128xf16, #tpu.memory_space<hbm>>
    tpu.enqueue_dma source(%arg8 : memref<4x128x128xf16, #tpu.memory_space<vmem>>) target(%dma_start3A_970 : memref<4x128x128xf16, #tpu.memory_space<hbm>>) target_semaphore(%arg14 : memref<!tpu.dma_semaphore, #tpu.memory_space<semaphore_mem>>)
    %dma_wait3A_971 = arith.constant 0 : i32
    %dma_wait3A_972 = arith.constant 0 : i32
    %dma_wait3A_973 = tpu.memref_slice %arg6[%add3A_422, %dma_wait3A_971, %dma_wait3A_972] : memref<4096x128x128xf16, #tpu.memory_space<hbm>> -> memref<4x128x128xf16, #tpu.memory_space<hbm>>
    %dma_wait3A_974 = arith.constant 0 : i32
    %dma_wait3A_975 = arith.constant 0 : i32
    %dma_wait3A_976 = tpu.memref_slice %arg6[%add3A_422, %dma_wait3A_974, %dma_wait3A_975] : memref<4096x128x128xf16, #tpu.memory_space<hbm>> -> memref<4x128x128xf16, #tpu.memory_space<hbm>>
    tpu.wait_dma2 semaphore(%arg14 : memref<!tpu.dma_semaphore, #tpu.memory_space<semaphore_mem>>) src(%arg8 : memref<4x128x128xf16, #tpu.memory_space<vmem>>) dst(%dma_wait3A_976 : memref<4x128x128xf16, #tpu.memory_space<hbm>>)
    %dma_start3A_977 = arith.constant 0 : i32
    %dma_start3A_978 = arith.constant 0 : i32
    %dma_start3A_979 = tpu.memref_slice %arg5[%add3A_430, %dma_start3A_977, %dma_start3A_978] : memref<4096x128x128xf16, #tpu.memory_space<hbm>> -> memref<4x128x128xf16, #tpu.memory_space<hbm>>
    %dma_start3A_980 = arith.constant 0 : i32
    %dma_start3A_981 = arith.constant 0 : i32
    %dma_start3A_982 = tpu.memref_slice %arg5[%add3A_430, %dma_start3A_980, %dma_start3A_981] : memref<4096x128x128xf16, #tpu.memory_space<hbm>> -> memref<4x128x128xf16, #tpu.memory_space<hbm>>
    tpu.enqueue_dma source(%dma_start3A_982 : memref<4x128x128xf16, #tpu.memory_space<hbm>>) target(%arg8 : memref<4x128x128xf16, #tpu.memory_space<vmem>>) target_semaphore(%arg11 : memref<!tpu.dma_semaphore, #tpu.memory_space<semaphore_mem>>)
    %dma_wait3A_983 = arith.constant 0 : i32
    %dma_wait3A_984 = arith.constant 0 : i32
    %dma_wait3A_985 = tpu.memref_slice %arg5[%add3A_422, %dma_wait3A_983, %dma_wait3A_984] : memref<4096x128x128xf16, #tpu.memory_space<hbm>> -> memref<4x128x128xf16, #tpu.memory_space<hbm>>
    %dma_wait3A_986 = arith.constant 0 : i32
    %dma_wait3A_987 = arith.constant 0 : i32
    %dma_wait3A_988 = tpu.memref_slice %arg5[%add3A_422, %dma_wait3A_986, %dma_wait3A_987] : memref<4096x128x128xf16, #tpu.memory_space<hbm>> -> memref<4x128x128xf16, #tpu.memory_space<hbm>>
    tpu.wait_dma2 semaphore(%arg12 : memref<!tpu.dma_semaphore, #tpu.memory_space<semaphore_mem>>) src(%dma_wait3A_988 : memref<4x128x128xf16, #tpu.memory_space<hbm>>) dst(%arg9 : memref<4x128x128xf16, #tpu.memory_space<vmem>>)
    %dma_start3A_989 = arith.constant 0 : i32
    %dma_start3A_990 = arith.constant 0 : i32
    %dma_start3A_991 = tpu.memref_slice %arg7[%add3A_422, %dma_start3A_989, %dma_start3A_990] : memref<4096x128x128xf16, #tpu.memory_space<hbm>> -> memref<4x128x128xf16, #tpu.memory_space<hbm>>
    %dma_start3A_992 = arith.constant 0 : i32
    %dma_start3A_993 = arith.constant 0 : i32
    %dma_start3A_994 = tpu.memref_slice %arg7[%add3A_422, %dma_start3A_992, %dma_start3A_993] : memref<4096x128x128xf16, #tpu.memory_space<hbm>> -> memref<4x128x128xf16, #tpu.memory_space<hbm>>
    tpu.enqueue_dma source(%arg9 : memref<4x128x128xf16, #tpu.memory_space<vmem>>) target(%dma_start3A_994 : memref<4x128x128xf16, #tpu.memory_space<hbm>>) target_semaphore(%arg15 : memref<!tpu.dma_semaphore, #tpu.memory_space<semaphore_mem>>)
    %dma_wait3A_995 = arith.constant 0 : i32
    %dma_wait3A_996 = arith.constant 0 : i32
    %dma_wait3A_997 = tpu.memref_slice %arg7[%add3A_422, %dma_wait3A_995, %dma_wait3A_996] : memref<4096x128x128xf16, #tpu.memory_space<hbm>> -> memref<4x128x128xf16, #tpu.memory_space<hbm>>
    %dma_wait3A_998 = arith.constant 0 : i32
    %dma_wait3A_999 = arith.constant 0 : i32
    %dma_wait3A_1000 = tpu.memref_slice %arg7[%add3A_422, %dma_wait3A_998, %dma_wait3A_999] : memref<4096x128x128xf16, #tpu.memory_space<hbm>> -> memref<4x128x128xf16, #tpu.memory_space<hbm>>
    tpu.wait_dma2 semaphore(%arg15 : memref<!tpu.dma_semaphore, #tpu.memory_space<semaphore_mem>>) src(%arg9 : memref<4x128x128xf16, #tpu.memory_space<vmem>>) dst(%dma_wait3A_1000 : memref<4x128x128xf16, #tpu.memory_space<hbm>>)
    %dma_start3A_1001 = arith.constant 0 : i32
    %dma_start3A_1002 = arith.constant 0 : i32
    %dma_start3A_1003 = tpu.memref_slice %arg4[%add3A_438, %dma_start3A_1001, %dma_start3A_1002] : memref<4096x128x128xf16, #tpu.memory_space<hbm>> -> memref<4x128x128xf16, #tpu.memory_space<hbm>>
    %dma_start3A_1004 = arith.constant 0 : i32
    %dma_start3A_1005 = arith.constant 0 : i32
    %dma_start3A_1006 = tpu.memref_slice %arg4[%add3A_438, %dma_start3A_1004, %dma_start3A_1005] : memref<4096x128x128xf16, #tpu.memory_space<hbm>> -> memref<4x128x128xf16, #tpu.memory_space<hbm>>
    tpu.enqueue_dma source(%dma_start3A_1006 : memref<4x128x128xf16, #tpu.memory_space<hbm>>) target(%arg9 : memref<4x128x128xf16, #tpu.memory_space<vmem>>) target_semaphore(%arg12 : memref<!tpu.dma_semaphore, #tpu.memory_space<semaphore_mem>>)
    %dma_wait3A_1007 = arith.constant 0 : i32
    %dma_wait3A_1008 = arith.constant 0 : i32
    %dma_wait3A_1009 = tpu.memref_slice %arg4[%add3A_430, %dma_wait3A_1007, %dma_wait3A_1008] : memref<4096x128x128xf16, #tpu.memory_space<hbm>> -> memref<4x128x128xf16, #tpu.memory_space<hbm>>
    %dma_wait3A_1010 = arith.constant 0 : i32
    %dma_wait3A_1011 = arith.constant 0 : i32
    %dma_wait3A_1012 = tpu.memref_slice %arg4[%add3A_430, %dma_wait3A_1010, %dma_wait3A_1011] : memref<4096x128x128xf16, #tpu.memory_space<hbm>> -> memref<4x128x128xf16, #tpu.memory_space<hbm>>
    tpu.wait_dma2 semaphore(%arg13 : memref<!tpu.dma_semaphore, #tpu.memory_space<semaphore_mem>>) src(%dma_wait3A_1012 : memref<4x128x128xf16, #tpu.memory_space<hbm>>) dst(%arg10 : memref<4x128x128xf16, #tpu.memory_space<vmem>>)
    %dma_start3A_1013 = arith.constant 0 : i32
    %dma_start3A_1014 = arith.constant 0 : i32
    %dma_start3A_1015 = tpu.memref_slice %arg6[%add3A_430, %dma_start3A_1013, %dma_start3A_1014] : memref<4096x128x128xf16, #tpu.memory_space<hbm>> -> memref<4x128x128xf16, #tpu.memory_space<hbm>>
    %dma_start3A_1016 = arith.constant 0 : i32
    %dma_start3A_1017 = arith.constant 0 : i32
    %dma_start3A_1018 = tpu.memref_slice %arg6[%add3A_430, %dma_start3A_1016, %dma_start3A_1017] : memref<4096x128x128xf16, #tpu.memory_space<hbm>> -> memref<4x128x128xf16, #tpu.memory_space<hbm>>
    tpu.enqueue_dma source(%arg10 : memref<4x128x128xf16, #tpu.memory_space<vmem>>) target(%dma_start3A_1018 : memref<4x128x128xf16, #tpu.memory_space<hbm>>) target_semaphore(%arg16 : memref<!tpu.dma_semaphore, #tpu.memory_space<semaphore_mem>>)
    %dma_wait3A_1019 = arith.constant 0 : i32
    %dma_wait3A_1020 = arith.constant 0 : i32
    %dma_wait3A_1021 = tpu.memref_slice %arg6[%add3A_430, %dma_wait3A_1019, %dma_wait3A_1020] : memref<4096x128x128xf16, #tpu.memory_space<hbm>> -> memref<4x128x128xf16, #tpu.memory_space<hbm>>
    %dma_wait3A_1022 = arith.constant 0 : i32
    %dma_wait3A_1023 = arith.constant 0 : i32
    %dma_wait3A_1024 = tpu.memref_slice %arg6[%add3A_430, %dma_wait3A_1022, %dma_wait3A_1023] : memref<4096x128x128xf16, #tpu.memory_space<hbm>> -> memref<4x128x128xf16, #tpu.memory_space<hbm>>
    tpu.wait_dma2 semaphore(%arg16 : memref<!tpu.dma_semaphore, #tpu.memory_space<semaphore_mem>>) src(%arg10 : memref<4x128x128xf16, #tpu.memory_space<vmem>>) dst(%dma_wait3A_1024 : memref<4x128x128xf16, #tpu.memory_space<hbm>>)
    %dma_start3A_1025 = arith.constant 0 : i32
    %dma_start3A_1026 = arith.constant 0 : i32
    %dma_start3A_1027 = tpu.memref_slice %arg5[%add3A_438, %dma_start3A_1025, %dma_start3A_1026] : memref<4096x128x128xf16, #tpu.memory_space<hbm>> -> memref<4x128x128xf16, #tpu.memory_space<hbm>>
    %dma_start3A_1028 = arith.constant 0 : i32
    %dma_start3A_1029 = arith.constant 0 : i32
    %dma_start3A_1030 = tpu.memref_slice %arg5[%add3A_438, %dma_start3A_1028, %dma_start3A_1029] : memref<4096x128x128xf16, #tpu.memory_space<hbm>> -> memref<4x128x128xf16, #tpu.memory_space<hbm>>
    tpu.enqueue_dma source(%dma_start3A_1030 : memref<4x128x128xf16, #tpu.memory_space<hbm>>) target(%arg10 : memref<4x128x128xf16, #tpu.memory_space<vmem>>) target_semaphore(%arg13 : memref<!tpu.dma_semaphore, #tpu.memory_space<semaphore_mem>>)
    %dma_wait3A_1031 = arith.constant 0 : i32
    %dma_wait3A_1032 = arith.constant 0 : i32
    %dma_wait3A_1033 = tpu.memref_slice %arg5[%add3A_430, %dma_wait3A_1031, %dma_wait3A_1032] : memref<4096x128x128xf16, #tpu.memory_space<hbm>> -> memref<4x128x128xf16, #tpu.memory_space<hbm>>
    %dma_wait3A_1034 = arith.constant 0 : i32
    %dma_wait3A_1035 = arith.constant 0 : i32
    %dma_wait3A_1036 = tpu.memref_slice %arg5[%add3A_430, %dma_wait3A_1034, %dma_wait3A_1035] : memref<4096x128x128xf16, #tpu.memory_space<hbm>> -> memref<4x128x128xf16, #tpu.memory_space<hbm>>
    tpu.wait_dma2 semaphore(%arg11 : memref<!tpu.dma_semaphore, #tpu.memory_space<semaphore_mem>>) src(%dma_wait3A_1036 : memref<4x128x128xf16, #tpu.memory_space<hbm>>) dst(%arg8 : memref<4x128x128xf16, #tpu.memory_space<vmem>>)
    %dma_start3A_1037 = arith.constant 0 : i32
    %dma_start3A_1038 = arith.constant 0 : i32
    %dma_start3A_1039 = tpu.memref_slice %arg7[%add3A_430, %dma_start3A_1037, %dma_start3A_1038] : memref<4096x128x128xf16, #tpu.memory_space<hbm>> -> memref<4x128x128xf16, #tpu.memory_space<hbm>>
    %dma_start3A_1040 = arith.constant 0 : i32
    %dma_start3A_1041 = arith.constant 0 : i32
    %dma_start3A_1042 = tpu.memref_slice %arg7[%add3A_430, %dma_start3A_1040, %dma_start3A_1041] : memref<4096x128x128xf16, #tpu.memory_space<hbm>> -> memref<4x128x128xf16, #tpu.memory_space<hbm>>
    tpu.enqueue_dma source(%arg8 : memref<4x128x128xf16, #tpu.memory_space<vmem>>) target(%dma_start3A_1042 : memref<4x128x128xf16, #tpu.memory_space<hbm>>) target_semaphore(%arg14 : memref<!tpu.dma_semaphore, #tpu.memory_space<semaphore_mem>>)
    %dma_wait3A_1043 = arith.constant 0 : i32
    %dma_wait3A_1044 = arith.constant 0 : i32
    %dma_wait3A_1045 = tpu.memref_slice %arg7[%add3A_430, %dma_wait3A_1043, %dma_wait3A_1044] : memref<4096x128x128xf16, #tpu.memory_space<hbm>> -> memref<4x128x128xf16, #tpu.memory_space<hbm>>
    %dma_wait3A_1046 = arith.constant 0 : i32
    %dma_wait3A_1047 = arith.constant 0 : i32
    %dma_wait3A_1048 = tpu.memref_slice %arg7[%add3A_430, %dma_wait3A_1046, %dma_wait3A_1047] : memref<4096x128x128xf16, #tpu.memory_space<hbm>> -> memref<4x128x128xf16, #tpu.memory_space<hbm>>
    tpu.wait_dma2 semaphore(%arg14 : memref<!tpu.dma_semaphore, #tpu.memory_space<semaphore_mem>>) src(%arg8 : memref<4x128x128xf16, #tpu.memory_space<vmem>>) dst(%dma_wait3A_1048 : memref<4x128x128xf16, #tpu.memory_space<hbm>>)
    %dma_start3A_1049 = arith.constant 0 : i32
    %dma_start3A_1050 = arith.constant 0 : i32
    %dma_start3A_1051 = tpu.memref_slice %arg4[%add3A_446, %dma_start3A_1049, %dma_start3A_1050] : memref<4096x128x128xf16, #tpu.memory_space<hbm>> -> memref<4x128x128xf16, #tpu.memory_space<hbm>>
    %dma_start3A_1052 = arith.constant 0 : i32
    %dma_start3A_1053 = arith.constant 0 : i32
    %dma_start3A_1054 = tpu.memref_slice %arg4[%add3A_446, %dma_start3A_1052, %dma_start3A_1053] : memref<4096x128x128xf16, #tpu.memory_space<hbm>> -> memref<4x128x128xf16, #tpu.memory_space<hbm>>
    tpu.enqueue_dma source(%dma_start3A_1054 : memref<4x128x128xf16, #tpu.memory_space<hbm>>) target(%arg8 : memref<4x128x128xf16, #tpu.memory_space<vmem>>) target_semaphore(%arg11 : memref<!tpu.dma_semaphore, #tpu.memory_space<semaphore_mem>>)
    %dma_wait3A_1055 = arith.constant 0 : i32
    %dma_wait3A_1056 = arith.constant 0 : i32
    %dma_wait3A_1057 = tpu.memref_slice %arg4[%add3A_438, %dma_wait3A_1055, %dma_wait3A_1056] : memref<4096x128x128xf16, #tpu.memory_space<hbm>> -> memref<4x128x128xf16, #tpu.memory_space<hbm>>
    %dma_wait3A_1058 = arith.constant 0 : i32
    %dma_wait3A_1059 = arith.constant 0 : i32
    %dma_wait3A_1060 = tpu.memref_slice %arg4[%add3A_438, %dma_wait3A_1058, %dma_wait3A_1059] : memref<4096x128x128xf16, #tpu.memory_space<hbm>> -> memref<4x128x128xf16, #tpu.memory_space<hbm>>
    tpu.wait_dma2 semaphore(%arg12 : memref<!tpu.dma_semaphore, #tpu.memory_space<semaphore_mem>>) src(%dma_wait3A_1060 : memref<4x128x128xf16, #tpu.memory_space<hbm>>) dst(%arg9 : memref<4x128x128xf16, #tpu.memory_space<vmem>>)
    %dma_start3A_1061 = arith.constant 0 : i32
    %dma_start3A_1062 = arith.constant 0 : i32
    %dma_start3A_1063 = tpu.memref_slice %arg6[%add3A_438, %dma_start3A_1061, %dma_start3A_1062] : memref<4096x128x128xf16, #tpu.memory_space<hbm>> -> memref<4x128x128xf16, #tpu.memory_space<hbm>>
    %dma_start3A_1064 = arith.constant 0 : i32
    %dma_start3A_1065 = arith.constant 0 : i32
    %dma_start3A_1066 = tpu.memref_slice %arg6[%add3A_438, %dma_start3A_1064, %dma_start3A_1065] : memref<4096x128x128xf16, #tpu.memory_space<hbm>> -> memref<4x128x128xf16, #tpu.memory_space<hbm>>
    tpu.enqueue_dma source(%arg9 : memref<4x128x128xf16, #tpu.memory_space<vmem>>) target(%dma_start3A_1066 : memref<4x128x128xf16, #tpu.memory_space<hbm>>) target_semaphore(%arg15 : memref<!tpu.dma_semaphore, #tpu.memory_space<semaphore_mem>>)
    %dma_wait3A_1067 = arith.constant 0 : i32
    %dma_wait3A_1068 = arith.constant 0 : i32
    %dma_wait3A_1069 = tpu.memref_slice %arg6[%add3A_438, %dma_wait3A_1067, %dma_wait3A_1068] : memref<4096x128x128xf16, #tpu.memory_space<hbm>> -> memref<4x128x128xf16, #tpu.memory_space<hbm>>
    %dma_wait3A_1070 = arith.constant 0 : i32
    %dma_wait3A_1071 = arith.constant 0 : i32
    %dma_wait3A_1072 = tpu.memref_slice %arg6[%add3A_438, %dma_wait3A_1070, %dma_wait3A_1071] : memref<4096x128x128xf16, #tpu.memory_space<hbm>> -> memref<4x128x128xf16, #tpu.memory_space<hbm>>
    tpu.wait_dma2 semaphore(%arg15 : memref<!tpu.dma_semaphore, #tpu.memory_space<semaphore_mem>>) src(%arg9 : memref<4x128x128xf16, #tpu.memory_space<vmem>>) dst(%dma_wait3A_1072 : memref<4x128x128xf16, #tpu.memory_space<hbm>>)
    %dma_start3A_1073 = arith.constant 0 : i32
    %dma_start3A_1074 = arith.constant 0 : i32
    %dma_start3A_1075 = tpu.memref_slice %arg5[%add3A_446, %dma_start3A_1073, %dma_start3A_1074] : memref<4096x128x128xf16, #tpu.memory_space<hbm>> -> memref<4x128x128xf16, #tpu.memory_space<hbm>>
    %dma_start3A_1076 = arith.constant 0 : i32
    %dma_start3A_1077 = arith.constant 0 : i32
    %dma_start3A_1078 = tpu.memref_slice %arg5[%add3A_446, %dma_start3A_1076, %dma_start3A_1077] : memref<4096x128x128xf16, #tpu.memory_space<hbm>> -> memref<4x128x128xf16, #tpu.memory_space<hbm>>
    tpu.enqueue_dma source(%dma_start3A_1078 : memref<4x128x128xf16, #tpu.memory_space<hbm>>) target(%arg9 : memref<4x128x128xf16, #tpu.memory_space<vmem>>) target_semaphore(%arg12 : memref<!tpu.dma_semaphore, #tpu.memory_space<semaphore_mem>>)
    %dma_wait3A_1079 = arith.constant 0 : i32
    %dma_wait3A_1080 = arith.constant 0 : i32
    %dma_wait3A_1081 = tpu.memref_slice %arg5[%add3A_438, %dma_wait3A_1079, %dma_wait3A_1080] : memref<4096x128x128xf16, #tpu.memory_space<hbm>> -> memref<4x128x128xf16, #tpu.memory_space<hbm>>
    %dma_wait3A_1082 = arith.constant 0 : i32
    %dma_wait3A_1083 = arith.constant 0 : i32
    %dma_wait3A_1084 = tpu.memref_slice %arg5[%add3A_438, %dma_wait3A_1082, %dma_wait3A_1083] : memref<4096x128x128xf16, #tpu.memory_space<hbm>> -> memref<4x128x128xf16, #tpu.memory_space<hbm>>
    tpu.wait_dma2 semaphore(%arg13 : memref<!tpu.dma_semaphore, #tpu.memory_space<semaphore_mem>>) src(%dma_wait3A_1084 : memref<4x128x128xf16, #tpu.memory_space<hbm>>) dst(%arg10 : memref<4x128x128xf16, #tpu.memory_space<vmem>>)
    %dma_start3A_1085 = arith.constant 0 : i32
    %dma_start3A_1086 = arith.constant 0 : i32
    %dma_start3A_1087 = tpu.memref_slice %arg7[%add3A_438, %dma_start3A_1085, %dma_start3A_1086] : memref<4096x128x128xf16, #tpu.memory_space<hbm>> -> memref<4x128x128xf16, #tpu.memory_space<hbm>>
    %dma_start3A_1088 = arith.constant 0 : i32
    %dma_start3A_1089 = arith.constant 0 : i32
    %dma_start3A_1090 = tpu.memref_slice %arg7[%add3A_438, %dma_start3A_1088, %dma_start3A_1089] : memref<4096x128x128xf16, #tpu.memory_space<hbm>> -> memref<4x128x128xf16, #tpu.memory_space<hbm>>
    tpu.enqueue_dma source(%arg10 : memref<4x128x128xf16, #tpu.memory_space<vmem>>) target(%dma_start3A_1090 : memref<4x128x128xf16, #tpu.memory_space<hbm>>) target_semaphore(%arg16 : memref<!tpu.dma_semaphore, #tpu.memory_space<semaphore_mem>>)
    %dma_wait3A_1091 = arith.constant 0 : i32
    %dma_wait3A_1092 = arith.constant 0 : i32
    %dma_wait3A_1093 = tpu.memref_slice %arg7[%add3A_438, %dma_wait3A_1091, %dma_wait3A_1092] : memref<4096x128x128xf16, #tpu.memory_space<hbm>> -> memref<4x128x128xf16, #tpu.memory_space<hbm>>
    %dma_wait3A_1094 = arith.constant 0 : i32
    %dma_wait3A_1095 = arith.constant 0 : i32
    %dma_wait3A_1096 = tpu.memref_slice %arg7[%add3A_438, %dma_wait3A_1094, %dma_wait3A_1095] : memref<4096x128x128xf16, #tpu.memory_space<hbm>> -> memref<4x128x128xf16, #tpu.memory_space<hbm>>
    tpu.wait_dma2 semaphore(%arg16 : memref<!tpu.dma_semaphore, #tpu.memory_space<semaphore_mem>>) src(%arg10 : memref<4x128x128xf16, #tpu.memory_space<vmem>>) dst(%dma_wait3A_1096 : memref<4x128x128xf16, #tpu.memory_space<hbm>>)
    %dma_start3A_1097 = arith.constant 0 : i32
    %dma_start3A_1098 = arith.constant 0 : i32
    %dma_start3A_1099 = tpu.memref_slice %arg4[%add3A_454, %dma_start3A_1097, %dma_start3A_1098] : memref<4096x128x128xf16, #tpu.memory_space<hbm>> -> memref<4x128x128xf16, #tpu.memory_space<hbm>>
    %dma_start3A_1100 = arith.constant 0 : i32
    %dma_start3A_1101 = arith.constant 0 : i32
    %dma_start3A_1102 = tpu.memref_slice %arg4[%add3A_454, %dma_start3A_1100, %dma_start3A_1101] : memref<4096x128x128xf16, #tpu.memory_space<hbm>> -> memref<4x128x128xf16, #tpu.memory_space<hbm>>
    tpu.enqueue_dma source(%dma_start3A_1102 : memref<4x128x128xf16, #tpu.memory_space<hbm>>) target(%arg10 : memref<4x128x128xf16, #tpu.memory_space<vmem>>) target_semaphore(%arg13 : memref<!tpu.dma_semaphore, #tpu.memory_space<semaphore_mem>>)
    %dma_wait3A_1103 = arith.constant 0 : i32
    %dma_wait3A_1104 = arith.constant 0 : i32
    %dma_wait3A_1105 = tpu.memref_slice %arg4[%add3A_446, %dma_wait3A_1103, %dma_wait3A_1104] : memref<4096x128x128xf16, #tpu.memory_space<hbm>> -> memref<4x128x128xf16, #tpu.memory_space<hbm>>
    %dma_wait3A_1106 = arith.constant 0 : i32
    %dma_wait3A_1107 = arith.constant 0 : i32
    %dma_wait3A_1108 = tpu.memref_slice %arg4[%add3A_446, %dma_wait3A_1106, %dma_wait3A_1107] : memref<4096x128x128xf16, #tpu.memory_space<hbm>> -> memref<4x128x128xf16, #tpu.memory_space<hbm>>
    tpu.wait_dma2 semaphore(%arg11 : memref<!tpu.dma_semaphore, #tpu.memory_space<semaphore_mem>>) src(%dma_wait3A_1108 : memref<4x128x128xf16, #tpu.memory_space<hbm>>) dst(%arg8 : memref<4x128x128xf16, #tpu.memory_space<vmem>>)
    %dma_start3A_1109 = arith.constant 0 : i32
    %dma_start3A_1110 = arith.constant 0 : i32
    %dma_start3A_1111 = tpu.memref_slice %arg6[%add3A_446, %dma_start3A_1109, %dma_start3A_1110] : memref<4096x128x128xf16, #tpu.memory_space<hbm>> -> memref<4x128x128xf16, #tpu.memory_space<hbm>>
    %dma_start3A_1112 = arith.constant 0 : i32
    %dma_start3A_1113 = arith.constant 0 : i32
    %dma_start3A_1114 = tpu.memref_slice %arg6[%add3A_446, %dma_start3A_1112, %dma_start3A_1113] : memref<4096x128x128xf16, #tpu.memory_space<hbm>> -> memref<4x128x128xf16, #tpu.memory_space<hbm>>
    tpu.enqueue_dma source(%arg8 : memref<4x128x128xf16, #tpu.memory_space<vmem>>) target(%dma_start3A_1114 : memref<4x128x128xf16, #tpu.memory_space<hbm>>) target_semaphore(%arg14 : memref<!tpu.dma_semaphore, #tpu.memory_space<semaphore_mem>>)
    %dma_wait3A_1115 = arith.constant 0 : i32
    %dma_wait3A_1116 = arith.constant 0 : i32
    %dma_wait3A_1117 = tpu.memref_slice %arg6[%add3A_446, %dma_wait3A_1115, %dma_wait3A_1116] : memref<4096x128x128xf16, #tpu.memory_space<hbm>> -> memref<4x128x128xf16, #tpu.memory_space<hbm>>
    %dma_wait3A_1118 = arith.constant 0 : i32
    %dma_wait3A_1119 = arith.constant 0 : i32
    %dma_wait3A_1120 = tpu.memref_slice %arg6[%add3A_446, %dma_wait3A_1118, %dma_wait3A_1119] : memref<4096x128x128xf16, #tpu.memory_space<hbm>> -> memref<4x128x128xf16, #tpu.memory_space<hbm>>
    tpu.wait_dma2 semaphore(%arg14 : memref<!tpu.dma_semaphore, #tpu.memory_space<semaphore_mem>>) src(%arg8 : memref<4x128x128xf16, #tpu.memory_space<vmem>>) dst(%dma_wait3A_1120 : memref<4x128x128xf16, #tpu.memory_space<hbm>>)
    %dma_start3A_1121 = arith.constant 0 : i32
    %dma_start3A_1122 = arith.constant 0 : i32
    %dma_start3A_1123 = tpu.memref_slice %arg5[%add3A_454, %dma_start3A_1121, %dma_start3A_1122] : memref<4096x128x128xf16, #tpu.memory_space<hbm>> -> memref<4x128x128xf16, #tpu.memory_space<hbm>>
    %dma_start3A_1124 = arith.constant 0 : i32
    %dma_start3A_1125 = arith.constant 0 : i32
    %dma_start3A_1126 = tpu.memref_slice %arg5[%add3A_454, %dma_start3A_1124, %dma_start3A_1125] : memref<4096x128x128xf16, #tpu.memory_space<hbm>> -> memref<4x128x128xf16, #tpu.memory_space<hbm>>
    tpu.enqueue_dma source(%dma_start3A_1126 : memref<4x128x128xf16, #tpu.memory_space<hbm>>) target(%arg8 : memref<4x128x128xf16, #tpu.memory_space<vmem>>) target_semaphore(%arg11 : memref<!tpu.dma_semaphore, #tpu.memory_space<semaphore_mem>>)
    %dma_wait3A_1127 = arith.constant 0 : i32
    %dma_wait3A_1128 = arith.constant 0 : i32
    %dma_wait3A_1129 = tpu.memref_slice %arg5[%add3A_446, %dma_wait3A_1127, %dma_wait3A_1128] : memref<4096x128x128xf16, #tpu.memory_space<hbm>> -> memref<4x128x128xf16, #tpu.memory_space<hbm>>
    %dma_wait3A_1130 = arith.constant 0 : i32
    %dma_wait3A_1131 = arith.constant 0 : i32
    %dma_wait3A_1132 = tpu.memref_slice %arg5[%add3A_446, %dma_wait3A_1130, %dma_wait3A_1131] : memref<4096x128x128xf16, #tpu.memory_space<hbm>> -> memref<4x128x128xf16, #tpu.memory_space<hbm>>
    tpu.wait_dma2 semaphore(%arg12 : memref<!tpu.dma_semaphore, #tpu.memory_space<semaphore_mem>>) src(%dma_wait3A_1132 : memref<4x128x128xf16, #tpu.memory_space<hbm>>) dst(%arg9 : memref<4x128x128xf16, #tpu.memory_space<vmem>>)
    %dma_start3A_1133 = arith.constant 0 : i32
    %dma_start3A_1134 = arith.constant 0 : i32
    %dma_start3A_1135 = tpu.memref_slice %arg7[%add3A_446, %dma_start3A_1133, %dma_start3A_1134] : memref<4096x128x128xf16, #tpu.memory_space<hbm>> -> memref<4x128x128xf16, #tpu.memory_space<hbm>>
    %dma_start3A_1136 = arith.constant 0 : i32
    %dma_start3A_1137 = arith.constant 0 : i32
    %dma_start3A_1138 = tpu.memref_slice %arg7[%add3A_446, %dma_start3A_1136, %dma_start3A_1137] : memref<4096x128x128xf16, #tpu.memory_space<hbm>> -> memref<4x128x128xf16, #tpu.memory_space<hbm>>
    tpu.enqueue_dma source(%arg9 : memref<4x128x128xf16, #tpu.memory_space<vmem>>) target(%dma_start3A_1138 : memref<4x128x128xf16, #tpu.memory_space<hbm>>) target_semaphore(%arg15 : memref<!tpu.dma_semaphore, #tpu.memory_space<semaphore_mem>>)
    %dma_wait3A_1139 = arith.constant 0 : i32
    %dma_wait3A_1140 = arith.constant 0 : i32
    %dma_wait3A_1141 = tpu.memref_slice %arg7[%add3A_446, %dma_wait3A_1139, %dma_wait3A_1140] : memref<4096x128x128xf16, #tpu.memory_space<hbm>> -> memref<4x128x128xf16, #tpu.memory_space<hbm>>
    %dma_wait3A_1142 = arith.constant 0 : i32
    %dma_wait3A_1143 = arith.constant 0 : i32
    %dma_wait3A_1144 = tpu.memref_slice %arg7[%add3A_446, %dma_wait3A_1142, %dma_wait3A_1143] : memref<4096x128x128xf16, #tpu.memory_space<hbm>> -> memref<4x128x128xf16, #tpu.memory_space<hbm>>
    tpu.wait_dma2 semaphore(%arg15 : memref<!tpu.dma_semaphore, #tpu.memory_space<semaphore_mem>>) src(%arg9 : memref<4x128x128xf16, #tpu.memory_space<vmem>>) dst(%dma_wait3A_1144 : memref<4x128x128xf16, #tpu.memory_space<hbm>>)
    %dma_start3A_1145 = arith.constant 0 : i32
    %dma_start3A_1146 = arith.constant 0 : i32
    %dma_start3A_1147 = tpu.memref_slice %arg4[%add3A_462, %dma_start3A_1145, %dma_start3A_1146] : memref<4096x128x128xf16, #tpu.memory_space<hbm>> -> memref<4x128x128xf16, #tpu.memory_space<hbm>>
    %dma_start3A_1148 = arith.constant 0 : i32
    %dma_start3A_1149 = arith.constant 0 : i32
    %dma_start3A_1150 = tpu.memref_slice %arg4[%add3A_462, %dma_start3A_1148, %dma_start3A_1149] : memref<4096x128x128xf16, #tpu.memory_space<hbm>> -> memref<4x128x128xf16, #tpu.memory_space<hbm>>
    tpu.enqueue_dma source(%dma_start3A_1150 : memref<4x128x128xf16, #tpu.memory_space<hbm>>) target(%arg9 : memref<4x128x128xf16, #tpu.memory_space<vmem>>) target_semaphore(%arg12 : memref<!tpu.dma_semaphore, #tpu.memory_space<semaphore_mem>>)
    %dma_wait3A_1151 = arith.constant 0 : i32
    %dma_wait3A_1152 = arith.constant 0 : i32
    %dma_wait3A_1153 = tpu.memref_slice %arg4[%add3A_454, %dma_wait3A_1151, %dma_wait3A_1152] : memref<4096x128x128xf16, #tpu.memory_space<hbm>> -> memref<4x128x128xf16, #tpu.memory_space<hbm>>
    %dma_wait3A_1154 = arith.constant 0 : i32
    %dma_wait3A_1155 = arith.constant 0 : i32
    %dma_wait3A_1156 = tpu.memref_slice %arg4[%add3A_454, %dma_wait3A_1154, %dma_wait3A_1155] : memref<4096x128x128xf16, #tpu.memory_space<hbm>> -> memref<4x128x128xf16, #tpu.memory_space<hbm>>
    tpu.wait_dma2 semaphore(%arg13 : memref<!tpu.dma_semaphore, #tpu.memory_space<semaphore_mem>>) src(%dma_wait3A_1156 : memref<4x128x128xf16, #tpu.memory_space<hbm>>) dst(%arg10 : memref<4x128x128xf16, #tpu.memory_space<vmem>>)
    %dma_start3A_1157 = arith.constant 0 : i32
    %dma_start3A_1158 = arith.constant 0 : i32
    %dma_start3A_1159 = tpu.memref_slice %arg6[%add3A_454, %dma_start3A_1157, %dma_start3A_1158] : memref<4096x128x128xf16, #tpu.memory_space<hbm>> -> memref<4x128x128xf16, #tpu.memory_space<hbm>>
    %dma_start3A_1160 = arith.constant 0 : i32
    %dma_start3A_1161 = arith.constant 0 : i32
    %dma_start3A_1162 = tpu.memref_slice %arg6[%add3A_454, %dma_start3A_1160, %dma_start3A_1161] : memref<4096x128x128xf16, #tpu.memory_space<hbm>> -> memref<4x128x128xf16, #tpu.memory_space<hbm>>
    tpu.enqueue_dma source(%arg10 : memref<4x128x128xf16, #tpu.memory_space<vmem>>) target(%dma_start3A_1162 : memref<4x128x128xf16, #tpu.memory_space<hbm>>) target_semaphore(%arg16 : memref<!tpu.dma_semaphore, #tpu.memory_space<semaphore_mem>>)
    %dma_wait3A_1163 = arith.constant 0 : i32
    %dma_wait3A_1164 = arith.constant 0 : i32
    %dma_wait3A_1165 = tpu.memref_slice %arg6[%add3A_454, %dma_wait3A_1163, %dma_wait3A_1164] : memref<4096x128x128xf16, #tpu.memory_space<hbm>> -> memref<4x128x128xf16, #tpu.memory_space<hbm>>
    %dma_wait3A_1166 = arith.constant 0 : i32
    %dma_wait3A_1167 = arith.constant 0 : i32
    %dma_wait3A_1168 = tpu.memref_slice %arg6[%add3A_454, %dma_wait3A_1166, %dma_wait3A_1167] : memref<4096x128x128xf16, #tpu.memory_space<hbm>> -> memref<4x128x128xf16, #tpu.memory_space<hbm>>
    tpu.wait_dma2 semaphore(%arg16 : memref<!tpu.dma_semaphore, #tpu.memory_space<semaphore_mem>>) src(%arg10 : memref<4x128x128xf16, #tpu.memory_space<vmem>>) dst(%dma_wait3A_1168 : memref<4x128x128xf16, #tpu.memory_space<hbm>>)
    %dma_start3A_1169 = arith.constant 0 : i32
    %dma_start3A_1170 = arith.constant 0 : i32
    %dma_start3A_1171 = tpu.memref_slice %arg5[%add3A_462, %dma_start3A_1169, %dma_start3A_1170] : memref<4096x128x128xf16, #tpu.memory_space<hbm>> -> memref<4x128x128xf16, #tpu.memory_space<hbm>>
    %dma_start3A_1172 = arith.constant 0 : i32
    %dma_start3A_1173 = arith.constant 0 : i32
    %dma_start3A_1174 = tpu.memref_slice %arg5[%add3A_462, %dma_start3A_1172, %dma_start3A_1173] : memref<4096x128x128xf16, #tpu.memory_space<hbm>> -> memref<4x128x128xf16, #tpu.memory_space<hbm>>
    tpu.enqueue_dma source(%dma_start3A_1174 : memref<4x128x128xf16, #tpu.memory_space<hbm>>) target(%arg10 : memref<4x128x128xf16, #tpu.memory_space<vmem>>) target_semaphore(%arg13 : memref<!tpu.dma_semaphore, #tpu.memory_space<semaphore_mem>>)
    %dma_wait3A_1175 = arith.constant 0 : i32
    %dma_wait3A_1176 = arith.constant 0 : i32
    %dma_wait3A_1177 = tpu.memref_slice %arg5[%add3A_454, %dma_wait3A_1175, %dma_wait3A_1176] : memref<4096x128x128xf16, #tpu.memory_space<hbm>> -> memref<4x128x128xf16, #tpu.memory_space<hbm>>
    %dma_wait3A_1178 = arith.constant 0 : i32
    %dma_wait3A_1179 = arith.constant 0 : i32
    %dma_wait3A_1180 = tpu.memref_slice %arg5[%add3A_454, %dma_wait3A_1178, %dma_wait3A_1179] : memref<4096x128x128xf16, #tpu.memory_space<hbm>> -> memref<4x128x128xf16, #tpu.memory_space<hbm>>
    tpu.wait_dma2 semaphore(%arg11 : memref<!tpu.dma_semaphore, #tpu.memory_space<semaphore_mem>>) src(%dma_wait3A_1180 : memref<4x128x128xf16, #tpu.memory_space<hbm>>) dst(%arg8 : memref<4x128x128xf16, #tpu.memory_space<vmem>>)
    %dma_start3A_1181 = arith.constant 0 : i32
    %dma_start3A_1182 = arith.constant 0 : i32
    %dma_start3A_1183 = tpu.memref_slice %arg7[%add3A_454, %dma_start3A_1181, %dma_start3A_1182] : memref<4096x128x128xf16, #tpu.memory_space<hbm>> -> memref<4x128x128xf16, #tpu.memory_space<hbm>>
    %dma_start3A_1184 = arith.constant 0 : i32
    %dma_start3A_1185 = arith.constant 0 : i32
    %dma_start3A_1186 = tpu.memref_slice %arg7[%add3A_454, %dma_start3A_1184, %dma_start3A_1185] : memref<4096x128x128xf16, #tpu.memory_space<hbm>> -> memref<4x128x128xf16, #tpu.memory_space<hbm>>
    tpu.enqueue_dma source(%arg8 : memref<4x128x128xf16, #tpu.memory_space<vmem>>) target(%dma_start3A_1186 : memref<4x128x128xf16, #tpu.memory_space<hbm>>) target_semaphore(%arg14 : memref<!tpu.dma_semaphore, #tpu.memory_space<semaphore_mem>>)
    %dma_wait3A_1187 = arith.constant 0 : i32
    %dma_wait3A_1188 = arith.constant 0 : i32
    %dma_wait3A_1189 = tpu.memref_slice %arg7[%add3A_454, %dma_wait3A_1187, %dma_wait3A_1188] : memref<4096x128x128xf16, #tpu.memory_space<hbm>> -> memref<4x128x128xf16, #tpu.memory_space<hbm>>
    %dma_wait3A_1190 = arith.constant 0 : i32
    %dma_wait3A_1191 = arith.constant 0 : i32
    %dma_wait3A_1192 = tpu.memref_slice %arg7[%add3A_454, %dma_wait3A_1190, %dma_wait3A_1191] : memref<4096x128x128xf16, #tpu.memory_space<hbm>> -> memref<4x128x128xf16, #tpu.memory_space<hbm>>
    tpu.wait_dma2 semaphore(%arg14 : memref<!tpu.dma_semaphore, #tpu.memory_space<semaphore_mem>>) src(%arg8 : memref<4x128x128xf16, #tpu.memory_space<vmem>>) dst(%dma_wait3A_1192 : memref<4x128x128xf16, #tpu.memory_space<hbm>>)
    %dma_start3A_1193 = arith.constant 0 : i32
    %dma_start3A_1194 = arith.constant 0 : i32
    %dma_start3A_1195 = tpu.memref_slice %arg4[%add3A_470, %dma_start3A_1193, %dma_start3A_1194] : memref<4096x128x128xf16, #tpu.memory_space<hbm>> -> memref<4x128x128xf16, #tpu.memory_space<hbm>>
    %dma_start3A_1196 = arith.constant 0 : i32
    %dma_start3A_1197 = arith.constant 0 : i32
    %dma_start3A_1198 = tpu.memref_slice %arg4[%add3A_470, %dma_start3A_1196, %dma_start3A_1197] : memref<4096x128x128xf16, #tpu.memory_space<hbm>> -> memref<4x128x128xf16, #tpu.memory_space<hbm>>
    tpu.enqueue_dma source(%dma_start3A_1198 : memref<4x128x128xf16, #tpu.memory_space<hbm>>) target(%arg8 : memref<4x128x128xf16, #tpu.memory_space<vmem>>) target_semaphore(%arg11 : memref<!tpu.dma_semaphore, #tpu.memory_space<semaphore_mem>>)
    %dma_wait3A_1199 = arith.constant 0 : i32
    %dma_wait3A_1200 = arith.constant 0 : i32
    %dma_wait3A_1201 = tpu.memref_slice %arg4[%add3A_462, %dma_wait3A_1199, %dma_wait3A_1200] : memref<4096x128x128xf16, #tpu.memory_space<hbm>> -> memref<4x128x128xf16, #tpu.memory_space<hbm>>
    %dma_wait3A_1202 = arith.constant 0 : i32
    %dma_wait3A_1203 = arith.constant 0 : i32
    %dma_wait3A_1204 = tpu.memref_slice %arg4[%add3A_462, %dma_wait3A_1202, %dma_wait3A_1203] : memref<4096x128x128xf16, #tpu.memory_space<hbm>> -> memref<4x128x128xf16, #tpu.memory_space<hbm>>
    tpu.wait_dma2 semaphore(%arg12 : memref<!tpu.dma_semaphore, #tpu.memory_space<semaphore_mem>>) src(%dma_wait3A_1204 : memref<4x128x128xf16, #tpu.memory_space<hbm>>) dst(%arg9 : memref<4x128x128xf16, #tpu.memory_space<vmem>>)
    %dma_start3A_1205 = arith.constant 0 : i32
    %dma_start3A_1206 = arith.constant 0 : i32
    %dma_start3A_1207 = tpu.memref_slice %arg6[%add3A_462, %dma_start3A_1205, %dma_start3A_1206] : memref<4096x128x128xf16, #tpu.memory_space<hbm>> -> memref<4x128x128xf16, #tpu.memory_space<hbm>>
    %dma_start3A_1208 = arith.constant 0 : i32
    %dma_start3A_1209 = arith.constant 0 : i32
    %dma_start3A_1210 = tpu.memref_slice %arg6[%add3A_462, %dma_start3A_1208, %dma_start3A_1209] : memref<4096x128x128xf16, #tpu.memory_space<hbm>> -> memref<4x128x128xf16, #tpu.memory_space<hbm>>
    tpu.enqueue_dma source(%arg9 : memref<4x128x128xf16, #tpu.memory_space<vmem>>) target(%dma_start3A_1210 : memref<4x128x128xf16, #tpu.memory_space<hbm>>) target_semaphore(%arg15 : memref<!tpu.dma_semaphore, #tpu.memory_space<semaphore_mem>>)
    %dma_wait3A_1211 = arith.constant 0 : i32
    %dma_wait3A_1212 = arith.constant 0 : i32
    %dma_wait3A_1213 = tpu.memref_slice %arg6[%add3A_462, %dma_wait3A_1211, %dma_wait3A_1212] : memref<4096x128x128xf16, #tpu.memory_space<hbm>> -> memref<4x128x128xf16, #tpu.memory_space<hbm>>
    %dma_wait3A_1214 = arith.constant 0 : i32
    %dma_wait3A_1215 = arith.constant 0 : i32
    %dma_wait3A_1216 = tpu.memref_slice %arg6[%add3A_462, %dma_wait3A_1214, %dma_wait3A_1215] : memref<4096x128x128xf16, #tpu.memory_space<hbm>> -> memref<4x128x128xf16, #tpu.memory_space<hbm>>
    tpu.wait_dma2 semaphore(%arg15 : memref<!tpu.dma_semaphore, #tpu.memory_space<semaphore_mem>>) src(%arg9 : memref<4x128x128xf16, #tpu.memory_space<vmem>>) dst(%dma_wait3A_1216 : memref<4x128x128xf16, #tpu.memory_space<hbm>>)
    %dma_start3A_1217 = arith.constant 0 : i32
    %dma_start3A_1218 = arith.constant 0 : i32
    %dma_start3A_1219 = tpu.memref_slice %arg5[%add3A_470, %dma_start3A_1217, %dma_start3A_1218] : memref<4096x128x128xf16, #tpu.memory_space<hbm>> -> memref<4x128x128xf16, #tpu.memory_space<hbm>>
    %dma_start3A_1220 = arith.constant 0 : i32
    %dma_start3A_1221 = arith.constant 0 : i32
    %dma_start3A_1222 = tpu.memref_slice %arg5[%add3A_470, %dma_start3A_1220, %dma_start3A_1221] : memref<4096x128x128xf16, #tpu.memory_space<hbm>> -> memref<4x128x128xf16, #tpu.memory_space<hbm>>
    tpu.enqueue_dma source(%dma_start3A_1222 : memref<4x128x128xf16, #tpu.memory_space<hbm>>) target(%arg9 : memref<4x128x128xf16, #tpu.memory_space<vmem>>) target_semaphore(%arg12 : memref<!tpu.dma_semaphore, #tpu.memory_space<semaphore_mem>>)
    %dma_wait3A_1223 = arith.constant 0 : i32
    %dma_wait3A_1224 = arith.constant 0 : i32
    %dma_wait3A_1225 = tpu.memref_slice %arg5[%add3A_462, %dma_wait3A_1223, %dma_wait3A_1224] : memref<4096x128x128xf16, #tpu.memory_space<hbm>> -> memref<4x128x128xf16, #tpu.memory_space<hbm>>
    %dma_wait3A_1226 = arith.constant 0 : i32
    %dma_wait3A_1227 = arith.constant 0 : i32
    %dma_wait3A_1228 = tpu.memref_slice %arg5[%add3A_462, %dma_wait3A_1226, %dma_wait3A_1227] : memref<4096x128x128xf16, #tpu.memory_space<hbm>> -> memref<4x128x128xf16, #tpu.memory_space<hbm>>
    tpu.wait_dma2 semaphore(%arg13 : memref<!tpu.dma_semaphore, #tpu.memory_space<semaphore_mem>>) src(%dma_wait3A_1228 : memref<4x128x128xf16, #tpu.memory_space<hbm>>) dst(%arg10 : memref<4x128x128xf16, #tpu.memory_space<vmem>>)
    %dma_start3A_1229 = arith.constant 0 : i32
    %dma_start3A_1230 = arith.constant 0 : i32
    %dma_start3A_1231 = tpu.memref_slice %arg7[%add3A_462, %dma_start3A_1229, %dma_start3A_1230] : memref<4096x128x128xf16, #tpu.memory_space<hbm>> -> memref<4x128x128xf16, #tpu.memory_space<hbm>>
    %dma_start3A_1232 = arith.constant 0 : i32
    %dma_start3A_1233 = arith.constant 0 : i32
    %dma_start3A_1234 = tpu.memref_slice %arg7[%add3A_462, %dma_start3A_1232, %dma_start3A_1233] : memref<4096x128x128xf16, #tpu.memory_space<hbm>> -> memref<4x128x128xf16, #tpu.memory_space<hbm>>
    tpu.enqueue_dma source(%arg10 : memref<4x128x128xf16, #tpu.memory_space<vmem>>) target(%dma_start3A_1234 : memref<4x128x128xf16, #tpu.memory_space<hbm>>) target_semaphore(%arg16 : memref<!tpu.dma_semaphore, #tpu.memory_space<semaphore_mem>>)
    %dma_wait3A_1235 = arith.constant 0 : i32
    %dma_wait3A_1236 = arith.constant 0 : i32
    %dma_wait3A_1237 = tpu.memref_slice %arg7[%add3A_462, %dma_wait3A_1235, %dma_wait3A_1236] : memref<4096x128x128xf16, #tpu.memory_space<hbm>> -> memref<4x128x128xf16, #tpu.memory_space<hbm>>
    %dma_wait3A_1238 = arith.constant 0 : i32
    %dma_wait3A_1239 = arith.constant 0 : i32
    %dma_wait3A_1240 = tpu.memref_slice %arg7[%add3A_462, %dma_wait3A_1238, %dma_wait3A_1239] : memref<4096x128x128xf16, #tpu.memory_space<hbm>> -> memref<4x128x128xf16, #tpu.memory_space<hbm>>
    tpu.wait_dma2 semaphore(%arg16 : memref<!tpu.dma_semaphore, #tpu.memory_space<semaphore_mem>>) src(%arg10 : memref<4x128x128xf16, #tpu.memory_space<vmem>>) dst(%dma_wait3A_1240 : memref<4x128x128xf16, #tpu.memory_space<hbm>>)
    %dma_start3A_1241 = arith.constant 0 : i32
    %dma_start3A_1242 = arith.constant 0 : i32
    %dma_start3A_1243 = tpu.memref_slice %arg4[%add3A_478, %dma_start3A_1241, %dma_start3A_1242] : memref<4096x128x128xf16, #tpu.memory_space<hbm>> -> memref<4x128x128xf16, #tpu.memory_space<hbm>>
    %dma_start3A_1244 = arith.constant 0 : i32
    %dma_start3A_1245 = arith.constant 0 : i32
    %dma_start3A_1246 = tpu.memref_slice %arg4[%add3A_478, %dma_start3A_1244, %dma_start3A_1245] : memref<4096x128x128xf16, #tpu.memory_space<hbm>> -> memref<4x128x128xf16, #tpu.memory_space<hbm>>
    tpu.enqueue_dma source(%dma_start3A_1246 : memref<4x128x128xf16, #tpu.memory_space<hbm>>) target(%arg10 : memref<4x128x128xf16, #tpu.memory_space<vmem>>) target_semaphore(%arg13 : memref<!tpu.dma_semaphore, #tpu.memory_space<semaphore_mem>>)
    %dma_wait3A_1247 = arith.constant 0 : i32
    %dma_wait3A_1248 = arith.constant 0 : i32
    %dma_wait3A_1249 = tpu.memref_slice %arg4[%add3A_470, %dma_wait3A_1247, %dma_wait3A_1248] : memref<4096x128x128xf16, #tpu.memory_space<hbm>> -> memref<4x128x128xf16, #tpu.memory_space<hbm>>
    %dma_wait3A_1250 = arith.constant 0 : i32
    %dma_wait3A_1251 = arith.constant 0 : i32
    %dma_wait3A_1252 = tpu.memref_slice %arg4[%add3A_470, %dma_wait3A_1250, %dma_wait3A_1251] : memref<4096x128x128xf16, #tpu.memory_space<hbm>> -> memref<4x128x128xf16, #tpu.memory_space<hbm>>
    tpu.wait_dma2 semaphore(%arg11 : memref<!tpu.dma_semaphore, #tpu.memory_space<semaphore_mem>>) src(%dma_wait3A_1252 : memref<4x128x128xf16, #tpu.memory_space<hbm>>) dst(%arg8 : memref<4x128x128xf16, #tpu.memory_space<vmem>>)
    %dma_start3A_1253 = arith.constant 0 : i32
    %dma_start3A_1254 = arith.constant 0 : i32
    %dma_start3A_1255 = tpu.memref_slice %arg6[%add3A_470, %dma_start3A_1253, %dma_start3A_1254] : memref<4096x128x128xf16, #tpu.memory_space<hbm>> -> memref<4x128x128xf16, #tpu.memory_space<hbm>>
    %dma_start3A_1256 = arith.constant 0 : i32
    %dma_start3A_1257 = arith.constant 0 : i32
    %dma_start3A_1258 = tpu.memref_slice %arg6[%add3A_470, %dma_start3A_1256, %dma_start3A_1257] : memref<4096x128x128xf16, #tpu.memory_space<hbm>> -> memref<4x128x128xf16, #tpu.memory_space<hbm>>
    tpu.enqueue_dma source(%arg8 : memref<4x128x128xf16, #tpu.memory_space<vmem>>) target(%dma_start3A_1258 : memref<4x128x128xf16, #tpu.memory_space<hbm>>) target_semaphore(%arg14 : memref<!tpu.dma_semaphore, #tpu.memory_space<semaphore_mem>>)
    %dma_wait3A_1259 = arith.constant 0 : i32
    %dma_wait3A_1260 = arith.constant 0 : i32
    %dma_wait3A_1261 = tpu.memref_slice %arg6[%add3A_470, %dma_wait3A_1259, %dma_wait3A_1260] : memref<4096x128x128xf16, #tpu.memory_space<hbm>> -> memref<4x128x128xf16, #tpu.memory_space<hbm>>
    %dma_wait3A_1262 = arith.constant 0 : i32
    %dma_wait3A_1263 = arith.constant 0 : i32
    %dma_wait3A_1264 = tpu.memref_slice %arg6[%add3A_470, %dma_wait3A_1262, %dma_wait3A_1263] : memref<4096x128x128xf16, #tpu.memory_space<hbm>> -> memref<4x128x128xf16, #tpu.memory_space<hbm>>
    tpu.wait_dma2 semaphore(%arg14 : memref<!tpu.dma_semaphore, #tpu.memory_space<semaphore_mem>>) src(%arg8 : memref<4x128x128xf16, #tpu.memory_space<vmem>>) dst(%dma_wait3A_1264 : memref<4x128x128xf16, #tpu.memory_space<hbm>>)
    %dma_start3A_1265 = arith.constant 0 : i32
    %dma_start3A_1266 = arith.constant 0 : i32
    %dma_start3A_1267 = tpu.memref_slice %arg5[%add3A_478, %dma_start3A_1265, %dma_start3A_1266] : memref<4096x128x128xf16, #tpu.memory_space<hbm>> -> memref<4x128x128xf16, #tpu.memory_space<hbm>>
    %dma_start3A_1268 = arith.constant 0 : i32
    %dma_start3A_1269 = arith.constant 0 : i32
    %dma_start3A_1270 = tpu.memref_slice %arg5[%add3A_478, %dma_start3A_1268, %dma_start3A_1269] : memref<4096x128x128xf16, #tpu.memory_space<hbm>> -> memref<4x128x128xf16, #tpu.memory_space<hbm>>
    tpu.enqueue_dma source(%dma_start3A_1270 : memref<4x128x128xf16, #tpu.memory_space<hbm>>) target(%arg8 : memref<4x128x128xf16, #tpu.memory_space<vmem>>) target_semaphore(%arg11 : memref<!tpu.dma_semaphore, #tpu.memory_space<semaphore_mem>>)
    %dma_wait3A_1271 = arith.constant 0 : i32
    %dma_wait3A_1272 = arith.constant 0 : i32
    %dma_wait3A_1273 = tpu.memref_slice %arg5[%add3A_470, %dma_wait3A_1271, %dma_wait3A_1272] : memref<4096x128x128xf16, #tpu.memory_space<hbm>> -> memref<4x128x128xf16, #tpu.memory_space<hbm>>
    %dma_wait3A_1274 = arith.constant 0 : i32
    %dma_wait3A_1275 = arith.constant 0 : i32
    %dma_wait3A_1276 = tpu.memref_slice %arg5[%add3A_470, %dma_wait3A_1274, %dma_wait3A_1275] : memref<4096x128x128xf16, #tpu.memory_space<hbm>> -> memref<4x128x128xf16, #tpu.memory_space<hbm>>
    tpu.wait_dma2 semaphore(%arg12 : memref<!tpu.dma_semaphore, #tpu.memory_space<semaphore_mem>>) src(%dma_wait3A_1276 : memref<4x128x128xf16, #tpu.memory_space<hbm>>) dst(%arg9 : memref<4x128x128xf16, #tpu.memory_space<vmem>>)
    %dma_start3A_1277 = arith.constant 0 : i32
    %dma_start3A_1278 = arith.constant 0 : i32
    %dma_start3A_1279 = tpu.memref_slice %arg7[%add3A_470, %dma_start3A_1277, %dma_start3A_1278] : memref<4096x128x128xf16, #tpu.memory_space<hbm>> -> memref<4x128x128xf16, #tpu.memory_space<hbm>>
    %dma_start3A_1280 = arith.constant 0 : i32
    %dma_start3A_1281 = arith.constant 0 : i32
    %dma_start3A_1282 = tpu.memref_slice %arg7[%add3A_470, %dma_start3A_1280, %dma_start3A_1281] : memref<4096x128x128xf16, #tpu.memory_space<hbm>> -> memref<4x128x128xf16, #tpu.memory_space<hbm>>
    tpu.enqueue_dma source(%arg9 : memref<4x128x128xf16, #tpu.memory_space<vmem>>) target(%dma_start3A_1282 : memref<4x128x128xf16, #tpu.memory_space<hbm>>) target_semaphore(%arg15 : memref<!tpu.dma_semaphore, #tpu.memory_space<semaphore_mem>>)
    %dma_wait3A_1283 = arith.constant 0 : i32
    %dma_wait3A_1284 = arith.constant 0 : i32
    %dma_wait3A_1285 = tpu.memref_slice %arg7[%add3A_470, %dma_wait3A_1283, %dma_wait3A_1284] : memref<4096x128x128xf16, #tpu.memory_space<hbm>> -> memref<4x128x128xf16, #tpu.memory_space<hbm>>
    %dma_wait3A_1286 = arith.constant 0 : i32
    %dma_wait3A_1287 = arith.constant 0 : i32
    %dma_wait3A_1288 = tpu.memref_slice %arg7[%add3A_470, %dma_wait3A_1286, %dma_wait3A_1287] : memref<4096x128x128xf16, #tpu.memory_space<hbm>> -> memref<4x128x128xf16, #tpu.memory_space<hbm>>
    tpu.wait_dma2 semaphore(%arg15 : memref<!tpu.dma_semaphore, #tpu.memory_space<semaphore_mem>>) src(%arg9 : memref<4x128x128xf16, #tpu.memory_space<vmem>>) dst(%dma_wait3A_1288 : memref<4x128x128xf16, #tpu.memory_space<hbm>>)
    %dma_start3A_1289 = arith.constant 0 : i32
    %dma_start3A_1290 = arith.constant 0 : i32
    %dma_start3A_1291 = tpu.memref_slice %arg4[%add3A_486, %dma_start3A_1289, %dma_start3A_1290] : memref<4096x128x128xf16, #tpu.memory_space<hbm>> -> memref<4x128x128xf16, #tpu.memory_space<hbm>>
    %dma_start3A_1292 = arith.constant 0 : i32
    %dma_start3A_1293 = arith.constant 0 : i32
    %dma_start3A_1294 = tpu.memref_slice %arg4[%add3A_486, %dma_start3A_1292, %dma_start3A_1293] : memref<4096x128x128xf16, #tpu.memory_space<hbm>> -> memref<4x128x128xf16, #tpu.memory_space<hbm>>
    tpu.enqueue_dma source(%dma_start3A_1294 : memref<4x128x128xf16, #tpu.memory_space<hbm>>) target(%arg9 : memref<4x128x128xf16, #tpu.memory_space<vmem>>) target_semaphore(%arg12 : memref<!tpu.dma_semaphore, #tpu.memory_space<semaphore_mem>>)
    %dma_wait3A_1295 = arith.constant 0 : i32
    %dma_wait3A_1296 = arith.constant 0 : i32
    %dma_wait3A_1297 = tpu.memref_slice %arg4[%add3A_478, %dma_wait3A_1295, %dma_wait3A_1296] : memref<4096x128x128xf16, #tpu.memory_space<hbm>> -> memref<4x128x128xf16, #tpu.memory_space<hbm>>
    %dma_wait3A_1298 = arith.constant 0 : i32
    %dma_wait3A_1299 = arith.constant 0 : i32
    %dma_wait3A_1300 = tpu.memref_slice %arg4[%add3A_478, %dma_wait3A_1298, %dma_wait3A_1299] : memref<4096x128x128xf16, #tpu.memory_space<hbm>> -> memref<4x128x128xf16, #tpu.memory_space<hbm>>
    tpu.wait_dma2 semaphore(%arg13 : memref<!tpu.dma_semaphore, #tpu.memory_space<semaphore_mem>>) src(%dma_wait3A_1300 : memref<4x128x128xf16, #tpu.memory_space<hbm>>) dst(%arg10 : memref<4x128x128xf16, #tpu.memory_space<vmem>>)
    %dma_start3A_1301 = arith.constant 0 : i32
    %dma_start3A_1302 = arith.constant 0 : i32
    %dma_start3A_1303 = tpu.memref_slice %arg6[%add3A_478, %dma_start3A_1301, %dma_start3A_1302] : memref<4096x128x128xf16, #tpu.memory_space<hbm>> -> memref<4x128x128xf16, #tpu.memory_space<hbm>>
    %dma_start3A_1304 = arith.constant 0 : i32
    %dma_start3A_1305 = arith.constant 0 : i32
    %dma_start3A_1306 = tpu.memref_slice %arg6[%add3A_478, %dma_start3A_1304, %dma_start3A_1305] : memref<4096x128x128xf16, #tpu.memory_space<hbm>> -> memref<4x128x128xf16, #tpu.memory_space<hbm>>
    tpu.enqueue_dma source(%arg10 : memref<4x128x128xf16, #tpu.memory_space<vmem>>) target(%dma_start3A_1306 : memref<4x128x128xf16, #tpu.memory_space<hbm>>) target_semaphore(%arg16 : memref<!tpu.dma_semaphore, #tpu.memory_space<semaphore_mem>>)
    %dma_wait3A_1307 = arith.constant 0 : i32
    %dma_wait3A_1308 = arith.constant 0 : i32
    %dma_wait3A_1309 = tpu.memref_slice %arg6[%add3A_478, %dma_wait3A_1307, %dma_wait3A_1308] : memref<4096x128x128xf16, #tpu.memory_space<hbm>> -> memref<4x128x128xf16, #tpu.memory_space<hbm>>
    %dma_wait3A_1310 = arith.constant 0 : i32
    %dma_wait3A_1311 = arith.constant 0 : i32
    %dma_wait3A_1312 = tpu.memref_slice %arg6[%add3A_478, %dma_wait3A_1310, %dma_wait3A_1311] : memref<4096x128x128xf16, #tpu.memory_space<hbm>> -> memref<4x128x128xf16, #tpu.memory_space<hbm>>
    tpu.wait_dma2 semaphore(%arg16 : memref<!tpu.dma_semaphore, #tpu.memory_space<semaphore_mem>>) src(%arg10 : memref<4x128x128xf16, #tpu.memory_space<vmem>>) dst(%dma_wait3A_1312 : memref<4x128x128xf16, #tpu.memory_space<hbm>>)
    %dma_start3A_1313 = arith.constant 0 : i32
    %dma_start3A_1314 = arith.constant 0 : i32
    %dma_start3A_1315 = tpu.memref_slice %arg5[%add3A_486, %dma_start3A_1313, %dma_start3A_1314] : memref<4096x128x128xf16, #tpu.memory_space<hbm>> -> memref<4x128x128xf16, #tpu.memory_space<hbm>>
    %dma_start3A_1316 = arith.constant 0 : i32
    %dma_start3A_1317 = arith.constant 0 : i32
    %dma_start3A_1318 = tpu.memref_slice %arg5[%add3A_486, %dma_start3A_1316, %dma_start3A_1317] : memref<4096x128x128xf16, #tpu.memory_space<hbm>> -> memref<4x128x128xf16, #tpu.memory_space<hbm>>
    tpu.enqueue_dma source(%dma_start3A_1318 : memref<4x128x128xf16, #tpu.memory_space<hbm>>) target(%arg10 : memref<4x128x128xf16, #tpu.memory_space<vmem>>) target_semaphore(%arg13 : memref<!tpu.dma_semaphore, #tpu.memory_space<semaphore_mem>>)
    %dma_wait3A_1319 = arith.constant 0 : i32
    %dma_wait3A_1320 = arith.constant 0 : i32
    %dma_wait3A_1321 = tpu.memref_slice %arg5[%add3A_478, %dma_wait3A_1319, %dma_wait3A_1320] : memref<4096x128x128xf16, #tpu.memory_space<hbm>> -> memref<4x128x128xf16, #tpu.memory_space<hbm>>
    %dma_wait3A_1322 = arith.constant 0 : i32
    %dma_wait3A_1323 = arith.constant 0 : i32
    %dma_wait3A_1324 = tpu.memref_slice %arg5[%add3A_478, %dma_wait3A_1322, %dma_wait3A_1323] : memref<4096x128x128xf16, #tpu.memory_space<hbm>> -> memref<4x128x128xf16, #tpu.memory_space<hbm>>
    tpu.wait_dma2 semaphore(%arg11 : memref<!tpu.dma_semaphore, #tpu.memory_space<semaphore_mem>>) src(%dma_wait3A_1324 : memref<4x128x128xf16, #tpu.memory_space<hbm>>) dst(%arg8 : memref<4x128x128xf16, #tpu.memory_space<vmem>>)
    %dma_start3A_1325 = arith.constant 0 : i32
    %dma_start3A_1326 = arith.constant 0 : i32
    %dma_start3A_1327 = tpu.memref_slice %arg7[%add3A_478, %dma_start3A_1325, %dma_start3A_1326] : memref<4096x128x128xf16, #tpu.memory_space<hbm>> -> memref<4x128x128xf16, #tpu.memory_space<hbm>>
    %dma_start3A_1328 = arith.constant 0 : i32
    %dma_start3A_1329 = arith.constant 0 : i32
    %dma_start3A_1330 = tpu.memref_slice %arg7[%add3A_478, %dma_start3A_1328, %dma_start3A_1329] : memref<4096x128x128xf16, #tpu.memory_space<hbm>> -> memref<4x128x128xf16, #tpu.memory_space<hbm>>
    tpu.enqueue_dma source(%arg8 : memref<4x128x128xf16, #tpu.memory_space<vmem>>) target(%dma_start3A_1330 : memref<4x128x128xf16, #tpu.memory_space<hbm>>) target_semaphore(%arg14 : memref<!tpu.dma_semaphore, #tpu.memory_space<semaphore_mem>>)
    %dma_wait3A_1331 = arith.constant 0 : i32
    %dma_wait3A_1332 = arith.constant 0 : i32
    %dma_wait3A_1333 = tpu.memref_slice %arg7[%add3A_478, %dma_wait3A_1331, %dma_wait3A_1332] : memref<4096x128x128xf16, #tpu.memory_space<hbm>> -> memref<4x128x128xf16, #tpu.memory_space<hbm>>
    %dma_wait3A_1334 = arith.constant 0 : i32
    %dma_wait3A_1335 = arith.constant 0 : i32
    %dma_wait3A_1336 = tpu.memref_slice %arg7[%add3A_478, %dma_wait3A_1334, %dma_wait3A_1335] : memref<4096x128x128xf16, #tpu.memory_space<hbm>> -> memref<4x128x128xf16, #tpu.memory_space<hbm>>
    tpu.wait_dma2 semaphore(%arg14 : memref<!tpu.dma_semaphore, #tpu.memory_space<semaphore_mem>>) src(%arg8 : memref<4x128x128xf16, #tpu.memory_space<vmem>>) dst(%dma_wait3A_1336 : memref<4x128x128xf16, #tpu.memory_space<hbm>>)
    %dma_start3A_1337 = arith.constant 0 : i32
    %dma_start3A_1338 = arith.constant 0 : i32
    %dma_start3A_1339 = tpu.memref_slice %arg4[%add3A_494, %dma_start3A_1337, %dma_start3A_1338] : memref<4096x128x128xf16, #tpu.memory_space<hbm>> -> memref<4x128x128xf16, #tpu.memory_space<hbm>>
    %dma_start3A_1340 = arith.constant 0 : i32
    %dma_start3A_1341 = arith.constant 0 : i32
    %dma_start3A_1342 = tpu.memref_slice %arg4[%add3A_494, %dma_start3A_1340, %dma_start3A_1341] : memref<4096x128x128xf16, #tpu.memory_space<hbm>> -> memref<4x128x128xf16, #tpu.memory_space<hbm>>
    tpu.enqueue_dma source(%dma_start3A_1342 : memref<4x128x128xf16, #tpu.memory_space<hbm>>) target(%arg8 : memref<4x128x128xf16, #tpu.memory_space<vmem>>) target_semaphore(%arg11 : memref<!tpu.dma_semaphore, #tpu.memory_space<semaphore_mem>>)
    %dma_wait3A_1343 = arith.constant 0 : i32
    %dma_wait3A_1344 = arith.constant 0 : i32
    %dma_wait3A_1345 = tpu.memref_slice %arg4[%add3A_486, %dma_wait3A_1343, %dma_wait3A_1344] : memref<4096x128x128xf16, #tpu.memory_space<hbm>> -> memref<4x128x128xf16, #tpu.memory_space<hbm>>
    %dma_wait3A_1346 = arith.constant 0 : i32
    %dma_wait3A_1347 = arith.constant 0 : i32
    %dma_wait3A_1348 = tpu.memref_slice %arg4[%add3A_486, %dma_wait3A_1346, %dma_wait3A_1347] : memref<4096x128x128xf16, #tpu.memory_space<hbm>> -> memref<4x128x128xf16, #tpu.memory_space<hbm>>
    tpu.wait_dma2 semaphore(%arg12 : memref<!tpu.dma_semaphore, #tpu.memory_space<semaphore_mem>>) src(%dma_wait3A_1348 : memref<4x128x128xf16, #tpu.memory_space<hbm>>) dst(%arg9 : memref<4x128x128xf16, #tpu.memory_space<vmem>>)
    %dma_start3A_1349 = arith.constant 0 : i32
    %dma_start3A_1350 = arith.constant 0 : i32
    %dma_start3A_1351 = tpu.memref_slice %arg6[%add3A_486, %dma_start3A_1349, %dma_start3A_1350] : memref<4096x128x128xf16, #tpu.memory_space<hbm>> -> memref<4x128x128xf16, #tpu.memory_space<hbm>>
    %dma_start3A_1352 = arith.constant 0 : i32
    %dma_start3A_1353 = arith.constant 0 : i32
    %dma_start3A_1354 = tpu.memref_slice %arg6[%add3A_486, %dma_start3A_1352, %dma_start3A_1353] : memref<4096x128x128xf16, #tpu.memory_space<hbm>> -> memref<4x128x128xf16, #tpu.memory_space<hbm>>
    tpu.enqueue_dma source(%arg9 : memref<4x128x128xf16, #tpu.memory_space<vmem>>) target(%dma_start3A_1354 : memref<4x128x128xf16, #tpu.memory_space<hbm>>) target_semaphore(%arg15 : memref<!tpu.dma_semaphore, #tpu.memory_space<semaphore_mem>>)
    %dma_wait3A_1355 = arith.constant 0 : i32
    %dma_wait3A_1356 = arith.constant 0 : i32
    %dma_wait3A_1357 = tpu.memref_slice %arg6[%add3A_486, %dma_wait3A_1355, %dma_wait3A_1356] : memref<4096x128x128xf16, #tpu.memory_space<hbm>> -> memref<4x128x128xf16, #tpu.memory_space<hbm>>
    %dma_wait3A_1358 = arith.constant 0 : i32
    %dma_wait3A_1359 = arith.constant 0 : i32
    %dma_wait3A_1360 = tpu.memref_slice %arg6[%add3A_486, %dma_wait3A_1358, %dma_wait3A_1359] : memref<4096x128x128xf16, #tpu.memory_space<hbm>> -> memref<4x128x128xf16, #tpu.memory_space<hbm>>
    tpu.wait_dma2 semaphore(%arg15 : memref<!tpu.dma_semaphore, #tpu.memory_space<semaphore_mem>>) src(%arg9 : memref<4x128x128xf16, #tpu.memory_space<vmem>>) dst(%dma_wait3A_1360 : memref<4x128x128xf16, #tpu.memory_space<hbm>>)
    %dma_start3A_1361 = arith.constant 0 : i32
    %dma_start3A_1362 = arith.constant 0 : i32
    %dma_start3A_1363 = tpu.memref_slice %arg5[%add3A_494, %dma_start3A_1361, %dma_start3A_1362] : memref<4096x128x128xf16, #tpu.memory_space<hbm>> -> memref<4x128x128xf16, #tpu.memory_space<hbm>>
    %dma_start3A_1364 = arith.constant 0 : i32
    %dma_start3A_1365 = arith.constant 0 : i32
    %dma_start3A_1366 = tpu.memref_slice %arg5[%add3A_494, %dma_start3A_1364, %dma_start3A_1365] : memref<4096x128x128xf16, #tpu.memory_space<hbm>> -> memref<4x128x128xf16, #tpu.memory_space<hbm>>
    tpu.enqueue_dma source(%dma_start3A_1366 : memref<4x128x128xf16, #tpu.memory_space<hbm>>) target(%arg9 : memref<4x128x128xf16, #tpu.memory_space<vmem>>) target_semaphore(%arg12 : memref<!tpu.dma_semaphore, #tpu.memory_space<semaphore_mem>>)
    %dma_wait3A_1367 = arith.constant 0 : i32
    %dma_wait3A_1368 = arith.constant 0 : i32
    %dma_wait3A_1369 = tpu.memref_slice %arg5[%add3A_486, %dma_wait3A_1367, %dma_wait3A_1368] : memref<4096x128x128xf16, #tpu.memory_space<hbm>> -> memref<4x128x128xf16, #tpu.memory_space<hbm>>
    %dma_wait3A_1370 = arith.constant 0 : i32
    %dma_wait3A_1371 = arith.constant 0 : i32
    %dma_wait3A_1372 = tpu.memref_slice %arg5[%add3A_486, %dma_wait3A_1370, %dma_wait3A_1371] : memref<4096x128x128xf16, #tpu.memory_space<hbm>> -> memref<4x128x128xf16, #tpu.memory_space<hbm>>
    tpu.wait_dma2 semaphore(%arg13 : memref<!tpu.dma_semaphore, #tpu.memory_space<semaphore_mem>>) src(%dma_wait3A_1372 : memref<4x128x128xf16, #tpu.memory_space<hbm>>) dst(%arg10 : memref<4x128x128xf16, #tpu.memory_space<vmem>>)
    %dma_start3A_1373 = arith.constant 0 : i32
    %dma_start3A_1374 = arith.constant 0 : i32
    %dma_start3A_1375 = tpu.memref_slice %arg7[%add3A_486, %dma_start3A_1373, %dma_start3A_1374] : memref<4096x128x128xf16, #tpu.memory_space<hbm>> -> memref<4x128x128xf16, #tpu.memory_space<hbm>>
    %dma_start3A_1376 = arith.constant 0 : i32
    %dma_start3A_1377 = arith.constant 0 : i32
    %dma_start3A_1378 = tpu.memref_slice %arg7[%add3A_486, %dma_start3A_1376, %dma_start3A_1377] : memref<4096x128x128xf16, #tpu.memory_space<hbm>> -> memref<4x128x128xf16, #tpu.memory_space<hbm>>
    tpu.enqueue_dma source(%arg10 : memref<4x128x128xf16, #tpu.memory_space<vmem>>) target(%dma_start3A_1378 : memref<4x128x128xf16, #tpu.memory_space<hbm>>) target_semaphore(%arg16 : memref<!tpu.dma_semaphore, #tpu.memory_space<semaphore_mem>>)
    %dma_wait3A_1379 = arith.constant 0 : i32
    %dma_wait3A_1380 = arith.constant 0 : i32
    %dma_wait3A_1381 = tpu.memref_slice %arg7[%add3A_486, %dma_wait3A_1379, %dma_wait3A_1380] : memref<4096x128x128xf16, #tpu.memory_space<hbm>> -> memref<4x128x128xf16, #tpu.memory_space<hbm>>
    %dma_wait3A_1382 = arith.constant 0 : i32
    %dma_wait3A_1383 = arith.constant 0 : i32
    %dma_wait3A_1384 = tpu.memref_slice %arg7[%add3A_486, %dma_wait3A_1382, %dma_wait3A_1383] : memref<4096x128x128xf16, #tpu.memory_space<hbm>> -> memref<4x128x128xf16, #tpu.memory_space<hbm>>
    tpu.wait_dma2 semaphore(%arg16 : memref<!tpu.dma_semaphore, #tpu.memory_space<semaphore_mem>>) src(%arg10 : memref<4x128x128xf16, #tpu.memory_space<vmem>>) dst(%dma_wait3A_1384 : memref<4x128x128xf16, #tpu.memory_space<hbm>>)
    %dma_start3A_1385 = arith.constant 0 : i32
    %dma_start3A_1386 = arith.constant 0 : i32
    %dma_start3A_1387 = tpu.memref_slice %arg4[%add3A_502, %dma_start3A_1385, %dma_start3A_1386] : memref<4096x128x128xf16, #tpu.memory_space<hbm>> -> memref<4x128x128xf16, #tpu.memory_space<hbm>>
    %dma_start3A_1388 = arith.constant 0 : i32
    %dma_start3A_1389 = arith.constant 0 : i32
    %dma_start3A_1390 = tpu.memref_slice %arg4[%add3A_502, %dma_start3A_1388, %dma_start3A_1389] : memref<4096x128x128xf16, #tpu.memory_space<hbm>> -> memref<4x128x128xf16, #tpu.memory_space<hbm>>
    tpu.enqueue_dma source(%dma_start3A_1390 : memref<4x128x128xf16, #tpu.memory_space<hbm>>) target(%arg10 : memref<4x128x128xf16, #tpu.memory_space<vmem>>) target_semaphore(%arg13 : memref<!tpu.dma_semaphore, #tpu.memory_space<semaphore_mem>>)
    %dma_wait3A_1391 = arith.constant 0 : i32
    %dma_wait3A_1392 = arith.constant 0 : i32
    %dma_wait3A_1393 = tpu.memref_slice %arg4[%add3A_494, %dma_wait3A_1391, %dma_wait3A_1392] : memref<4096x128x128xf16, #tpu.memory_space<hbm>> -> memref<4x128x128xf16, #tpu.memory_space<hbm>>
    %dma_wait3A_1394 = arith.constant 0 : i32
    %dma_wait3A_1395 = arith.constant 0 : i32
    %dma_wait3A_1396 = tpu.memref_slice %arg4[%add3A_494, %dma_wait3A_1394, %dma_wait3A_1395] : memref<4096x128x128xf16, #tpu.memory_space<hbm>> -> memref<4x128x128xf16, #tpu.memory_space<hbm>>
    tpu.wait_dma2 semaphore(%arg11 : memref<!tpu.dma_semaphore, #tpu.memory_space<semaphore_mem>>) src(%dma_wait3A_1396 : memref<4x128x128xf16, #tpu.memory_space<hbm>>) dst(%arg8 : memref<4x128x128xf16, #tpu.memory_space<vmem>>)
    %dma_start3A_1397 = arith.constant 0 : i32
    %dma_start3A_1398 = arith.constant 0 : i32
    %dma_start3A_1399 = tpu.memref_slice %arg6[%add3A_494, %dma_start3A_1397, %dma_start3A_1398] : memref<4096x128x128xf16, #tpu.memory_space<hbm>> -> memref<4x128x128xf16, #tpu.memory_space<hbm>>
    %dma_start3A_1400 = arith.constant 0 : i32
    %dma_start3A_1401 = arith.constant 0 : i32
    %dma_start3A_1402 = tpu.memref_slice %arg6[%add3A_494, %dma_start3A_1400, %dma_start3A_1401] : memref<4096x128x128xf16, #tpu.memory_space<hbm>> -> memref<4x128x128xf16, #tpu.memory_space<hbm>>
    tpu.enqueue_dma source(%arg8 : memref<4x128x128xf16, #tpu.memory_space<vmem>>) target(%dma_start3A_1402 : memref<4x128x128xf16, #tpu.memory_space<hbm>>) target_semaphore(%arg14 : memref<!tpu.dma_semaphore, #tpu.memory_space<semaphore_mem>>)
    %dma_wait3A_1403 = arith.constant 0 : i32
    %dma_wait3A_1404 = arith.constant 0 : i32
    %dma_wait3A_1405 = tpu.memref_slice %arg6[%add3A_494, %dma_wait3A_1403, %dma_wait3A_1404] : memref<4096x128x128xf16, #tpu.memory_space<hbm>> -> memref<4x128x128xf16, #tpu.memory_space<hbm>>
    %dma_wait3A_1406 = arith.constant 0 : i32
    %dma_wait3A_1407 = arith.constant 0 : i32
    %dma_wait3A_1408 = tpu.memref_slice %arg6[%add3A_494, %dma_wait3A_1406, %dma_wait3A_1407] : memref<4096x128x128xf16, #tpu.memory_space<hbm>> -> memref<4x128x128xf16, #tpu.memory_space<hbm>>
    tpu.wait_dma2 semaphore(%arg14 : memref<!tpu.dma_semaphore, #tpu.memory_space<semaphore_mem>>) src(%arg8 : memref<4x128x128xf16, #tpu.memory_space<vmem>>) dst(%dma_wait3A_1408 : memref<4x128x128xf16, #tpu.memory_space<hbm>>)
    %dma_start3A_1409 = arith.constant 0 : i32
    %dma_start3A_1410 = arith.constant 0 : i32
    %dma_start3A_1411 = tpu.memref_slice %arg5[%add3A_502, %dma_start3A_1409, %dma_start3A_1410] : memref<4096x128x128xf16, #tpu.memory_space<hbm>> -> memref<4x128x128xf16, #tpu.memory_space<hbm>>
    %dma_start3A_1412 = arith.constant 0 : i32
    %dma_start3A_1413 = arith.constant 0 : i32
    %dma_start3A_1414 = tpu.memref_slice %arg5[%add3A_502, %dma_start3A_1412, %dma_start3A_1413] : memref<4096x128x128xf16, #tpu.memory_space<hbm>> -> memref<4x128x128xf16, #tpu.memory_space<hbm>>
    tpu.enqueue_dma source(%dma_start3A_1414 : memref<4x128x128xf16, #tpu.memory_space<hbm>>) target(%arg8 : memref<4x128x128xf16, #tpu.memory_space<vmem>>) target_semaphore(%arg11 : memref<!tpu.dma_semaphore, #tpu.memory_space<semaphore_mem>>)
    %dma_wait3A_1415 = arith.constant 0 : i32
    %dma_wait3A_1416 = arith.constant 0 : i32
    %dma_wait3A_1417 = tpu.memref_slice %arg5[%add3A_494, %dma_wait3A_1415, %dma_wait3A_1416] : memref<4096x128x128xf16, #tpu.memory_space<hbm>> -> memref<4x128x128xf16, #tpu.memory_space<hbm>>
    %dma_wait3A_1418 = arith.constant 0 : i32
    %dma_wait3A_1419 = arith.constant 0 : i32
    %dma_wait3A_1420 = tpu.memref_slice %arg5[%add3A_494, %dma_wait3A_1418, %dma_wait3A_1419] : memref<4096x128x128xf16, #tpu.memory_space<hbm>> -> memref<4x128x128xf16, #tpu.memory_space<hbm>>
    tpu.wait_dma2 semaphore(%arg12 : memref<!tpu.dma_semaphore, #tpu.memory_space<semaphore_mem>>) src(%dma_wait3A_1420 : memref<4x128x128xf16, #tpu.memory_space<hbm>>) dst(%arg9 : memref<4x128x128xf16, #tpu.memory_space<vmem>>)
    %dma_start3A_1421 = arith.constant 0 : i32
    %dma_start3A_1422 = arith.constant 0 : i32
    %dma_start3A_1423 = tpu.memref_slice %arg7[%add3A_494, %dma_start3A_1421, %dma_start3A_1422] : memref<4096x128x128xf16, #tpu.memory_space<hbm>> -> memref<4x128x128xf16, #tpu.memory_space<hbm>>
    %dma_start3A_1424 = arith.constant 0 : i32
    %dma_start3A_1425 = arith.constant 0 : i32
    %dma_start3A_1426 = tpu.memref_slice %arg7[%add3A_494, %dma_start3A_1424, %dma_start3A_1425] : memref<4096x128x128xf16, #tpu.memory_space<hbm>> -> memref<4x128x128xf16, #tpu.memory_space<hbm>>
    tpu.enqueue_dma source(%arg9 : memref<4x128x128xf16, #tpu.memory_space<vmem>>) target(%dma_start3A_1426 : memref<4x128x128xf16, #tpu.memory_space<hbm>>) target_semaphore(%arg15 : memref<!tpu.dma_semaphore, #tpu.memory_space<semaphore_mem>>)
    %dma_wait3A_1427 = arith.constant 0 : i32
    %dma_wait3A_1428 = arith.constant 0 : i32
    %dma_wait3A_1429 = tpu.memref_slice %arg7[%add3A_494, %dma_wait3A_1427, %dma_wait3A_1428] : memref<4096x128x128xf16, #tpu.memory_space<hbm>> -> memref<4x128x128xf16, #tpu.memory_space<hbm>>
    %dma_wait3A_1430 = arith.constant 0 : i32
    %dma_wait3A_1431 = arith.constant 0 : i32
    %dma_wait3A_1432 = tpu.memref_slice %arg7[%add3A_494, %dma_wait3A_1430, %dma_wait3A_1431] : memref<4096x128x128xf16, #tpu.memory_space<hbm>> -> memref<4x128x128xf16, #tpu.memory_space<hbm>>
    tpu.wait_dma2 semaphore(%arg15 : memref<!tpu.dma_semaphore, #tpu.memory_space<semaphore_mem>>) src(%arg9 : memref<4x128x128xf16, #tpu.memory_space<vmem>>) dst(%dma_wait3A_1432 : memref<4x128x128xf16, #tpu.memory_space<hbm>>)
    %dma_start3A_1433 = arith.constant 0 : i32
    %dma_start3A_1434 = arith.constant 0 : i32
    %dma_start3A_1435 = tpu.memref_slice %arg4[%add3A_510, %dma_start3A_1433, %dma_start3A_1434] : memref<4096x128x128xf16, #tpu.memory_space<hbm>> -> memref<4x128x128xf16, #tpu.memory_space<hbm>>
    %dma_start3A_1436 = arith.constant 0 : i32
    %dma_start3A_1437 = arith.constant 0 : i32
    %dma_start3A_1438 = tpu.memref_slice %arg4[%add3A_510, %dma_start3A_1436, %dma_start3A_1437] : memref<4096x128x128xf16, #tpu.memory_space<hbm>> -> memref<4x128x128xf16, #tpu.memory_space<hbm>>
    tpu.enqueue_dma source(%dma_start3A_1438 : memref<4x128x128xf16, #tpu.memory_space<hbm>>) target(%arg9 : memref<4x128x128xf16, #tpu.memory_space<vmem>>) target_semaphore(%arg12 : memref<!tpu.dma_semaphore, #tpu.memory_space<semaphore_mem>>)
    %dma_wait3A_1439 = arith.constant 0 : i32
    %dma_wait3A_1440 = arith.constant 0 : i32
    %dma_wait3A_1441 = tpu.memref_slice %arg4[%add3A_502, %dma_wait3A_1439, %dma_wait3A_1440] : memref<4096x128x128xf16, #tpu.memory_space<hbm>> -> memref<4x128x128xf16, #tpu.memory_space<hbm>>
    %dma_wait3A_1442 = arith.constant 0 : i32
    %dma_wait3A_1443 = arith.constant 0 : i32
    %dma_wait3A_1444 = tpu.memref_slice %arg4[%add3A_502, %dma_wait3A_1442, %dma_wait3A_1443] : memref<4096x128x128xf16, #tpu.memory_space<hbm>> -> memref<4x128x128xf16, #tpu.memory_space<hbm>>
    tpu.wait_dma2 semaphore(%arg13 : memref<!tpu.dma_semaphore, #tpu.memory_space<semaphore_mem>>) src(%dma_wait3A_1444 : memref<4x128x128xf16, #tpu.memory_space<hbm>>) dst(%arg10 : memref<4x128x128xf16, #tpu.memory_space<vmem>>)
    %dma_start3A_1445 = arith.constant 0 : i32
    %dma_start3A_1446 = arith.constant 0 : i32
    %dma_start3A_1447 = tpu.memref_slice %arg6[%add3A_502, %dma_start3A_1445, %dma_start3A_1446] : memref<4096x128x128xf16, #tpu.memory_space<hbm>> -> memref<4x128x128xf16, #tpu.memory_space<hbm>>
    %dma_start3A_1448 = arith.constant 0 : i32
    %dma_start3A_1449 = arith.constant 0 : i32
    %dma_start3A_1450 = tpu.memref_slice %arg6[%add3A_502, %dma_start3A_1448, %dma_start3A_1449] : memref<4096x128x128xf16, #tpu.memory_space<hbm>> -> memref<4x128x128xf16, #tpu.memory_space<hbm>>
    tpu.enqueue_dma source(%arg10 : memref<4x128x128xf16, #tpu.memory_space<vmem>>) target(%dma_start3A_1450 : memref<4x128x128xf16, #tpu.memory_space<hbm>>) target_semaphore(%arg16 : memref<!tpu.dma_semaphore, #tpu.memory_space<semaphore_mem>>)
    %dma_wait3A_1451 = arith.constant 0 : i32
    %dma_wait3A_1452 = arith.constant 0 : i32
    %dma_wait3A_1453 = tpu.memref_slice %arg6[%add3A_502, %dma_wait3A_1451, %dma_wait3A_1452] : memref<4096x128x128xf16, #tpu.memory_space<hbm>> -> memref<4x128x128xf16, #tpu.memory_space<hbm>>
    %dma_wait3A_1454 = arith.constant 0 : i32
    %dma_wait3A_1455 = arith.constant 0 : i32
    %dma_wait3A_1456 = tpu.memref_slice %arg6[%add3A_502, %dma_wait3A_1454, %dma_wait3A_1455] : memref<4096x128x128xf16, #tpu.memory_space<hbm>> -> memref<4x128x128xf16, #tpu.memory_space<hbm>>
    tpu.wait_dma2 semaphore(%arg16 : memref<!tpu.dma_semaphore, #tpu.memory_space<semaphore_mem>>) src(%arg10 : memref<4x128x128xf16, #tpu.memory_space<vmem>>) dst(%dma_wait3A_1456 : memref<4x128x128xf16, #tpu.memory_space<hbm>>)
    %dma_start3A_1457 = arith.constant 0 : i32
    %dma_start3A_1458 = arith.constant 0 : i32
    %dma_start3A_1459 = tpu.memref_slice %arg5[%add3A_510, %dma_start3A_1457, %dma_start3A_1458] : memref<4096x128x128xf16, #tpu.memory_space<hbm>> -> memref<4x128x128xf16, #tpu.memory_space<hbm>>
    %dma_start3A_1460 = arith.constant 0 : i32
    %dma_start3A_1461 = arith.constant 0 : i32
    %dma_start3A_1462 = tpu.memref_slice %arg5[%add3A_510, %dma_start3A_1460, %dma_start3A_1461] : memref<4096x128x128xf16, #tpu.memory_space<hbm>> -> memref<4x128x128xf16, #tpu.memory_space<hbm>>
    tpu.enqueue_dma source(%dma_start3A_1462 : memref<4x128x128xf16, #tpu.memory_space<hbm>>) target(%arg10 : memref<4x128x128xf16, #tpu.memory_space<vmem>>) target_semaphore(%arg13 : memref<!tpu.dma_semaphore, #tpu.memory_space<semaphore_mem>>)
    %dma_wait3A_1463 = arith.constant 0 : i32
    %dma_wait3A_1464 = arith.constant 0 : i32
    %dma_wait3A_1465 = tpu.memref_slice %arg5[%add3A_502, %dma_wait3A_1463, %dma_wait3A_1464] : memref<4096x128x128xf16, #tpu.memory_space<hbm>> -> memref<4x128x128xf16, #tpu.memory_space<hbm>>
    %dma_wait3A_1466 = arith.constant 0 : i32
    %dma_wait3A_1467 = arith.constant 0 : i32
    %dma_wait3A_1468 = tpu.memref_slice %arg5[%add3A_502, %dma_wait3A_1466, %dma_wait3A_1467] : memref<4096x128x128xf16, #tpu.memory_space<hbm>> -> memref<4x128x128xf16, #tpu.memory_space<hbm>>
    tpu.wait_dma2 semaphore(%arg11 : memref<!tpu.dma_semaphore, #tpu.memory_space<semaphore_mem>>) src(%dma_wait3A_1468 : memref<4x128x128xf16, #tpu.memory_space<hbm>>) dst(%arg8 : memref<4x128x128xf16, #tpu.memory_space<vmem>>)
    %dma_start3A_1469 = arith.constant 0 : i32
    %dma_start3A_1470 = arith.constant 0 : i32
    %dma_start3A_1471 = tpu.memref_slice %arg7[%add3A_502, %dma_start3A_1469, %dma_start3A_1470] : memref<4096x128x128xf16, #tpu.memory_space<hbm>> -> memref<4x128x128xf16, #tpu.memory_space<hbm>>
    %dma_start3A_1472 = arith.constant 0 : i32
    %dma_start3A_1473 = arith.constant 0 : i32
    %dma_start3A_1474 = tpu.memref_slice %arg7[%add3A_502, %dma_start3A_1472, %dma_start3A_1473] : memref<4096x128x128xf16, #tpu.memory_space<hbm>> -> memref<4x128x128xf16, #tpu.memory_space<hbm>>
    tpu.enqueue_dma source(%arg8 : memref<4x128x128xf16, #tpu.memory_space<vmem>>) target(%dma_start3A_1474 : memref<4x128x128xf16, #tpu.memory_space<hbm>>) target_semaphore(%arg14 : memref<!tpu.dma_semaphore, #tpu.memory_space<semaphore_mem>>)
    %dma_wait3A_1475 = arith.constant 0 : i32
    %dma_wait3A_1476 = arith.constant 0 : i32
    %dma_wait3A_1477 = tpu.memref_slice %arg7[%add3A_502, %dma_wait3A_1475, %dma_wait3A_1476] : memref<4096x128x128xf16, #tpu.memory_space<hbm>> -> memref<4x128x128xf16, #tpu.memory_space<hbm>>
    %dma_wait3A_1478 = arith.constant 0 : i32
    %dma_wait3A_1479 = arith.constant 0 : i32
    %dma_wait3A_1480 = tpu.memref_slice %arg7[%add3A_502, %dma_wait3A_1478, %dma_wait3A_1479] : memref<4096x128x128xf16, #tpu.memory_space<hbm>> -> memref<4x128x128xf16, #tpu.memory_space<hbm>>
    tpu.wait_dma2 semaphore(%arg14 : memref<!tpu.dma_semaphore, #tpu.memory_space<semaphore_mem>>) src(%arg8 : memref<4x128x128xf16, #tpu.memory_space<vmem>>) dst(%dma_wait3A_1480 : memref<4x128x128xf16, #tpu.memory_space<hbm>>)
    %dma_start3A_1481 = arith.constant 0 : i32
    %dma_start3A_1482 = arith.constant 0 : i32
    %dma_start3A_1483 = tpu.memref_slice %arg4[%add3A_518, %dma_start3A_1481, %dma_start3A_1482] : memref<4096x128x128xf16, #tpu.memory_space<hbm>> -> memref<4x128x128xf16, #tpu.memory_space<hbm>>
    %dma_start3A_1484 = arith.constant 0 : i32
    %dma_start3A_1485 = arith.constant 0 : i32
    %dma_start3A_1486 = tpu.memref_slice %arg4[%add3A_518, %dma_start3A_1484, %dma_start3A_1485] : memref<4096x128x128xf16, #tpu.memory_space<hbm>> -> memref<4x128x128xf16, #tpu.memory_space<hbm>>
    tpu.enqueue_dma source(%dma_start3A_1486 : memref<4x128x128xf16, #tpu.memory_space<hbm>>) target(%arg8 : memref<4x128x128xf16, #tpu.memory_space<vmem>>) target_semaphore(%arg11 : memref<!tpu.dma_semaphore, #tpu.memory_space<semaphore_mem>>)
    %dma_wait3A_1487 = arith.constant 0 : i32
    %dma_wait3A_1488 = arith.constant 0 : i32
    %dma_wait3A_1489 = tpu.memref_slice %arg4[%add3A_510, %dma_wait3A_1487, %dma_wait3A_1488] : memref<4096x128x128xf16, #tpu.memory_space<hbm>> -> memref<4x128x128xf16, #tpu.memory_space<hbm>>
    %dma_wait3A_1490 = arith.constant 0 : i32
    %dma_wait3A_1491 = arith.constant 0 : i32
    %dma_wait3A_1492 = tpu.memref_slice %arg4[%add3A_510, %dma_wait3A_1490, %dma_wait3A_1491] : memref<4096x128x128xf16, #tpu.memory_space<hbm>> -> memref<4x128x128xf16, #tpu.memory_space<hbm>>
    tpu.wait_dma2 semaphore(%arg12 : memref<!tpu.dma_semaphore, #tpu.memory_space<semaphore_mem>>) src(%dma_wait3A_1492 : memref<4x128x128xf16, #tpu.memory_space<hbm>>) dst(%arg9 : memref<4x128x128xf16, #tpu.memory_space<vmem>>)
    %dma_start3A_1493 = arith.constant 0 : i32
    %dma_start3A_1494 = arith.constant 0 : i32
    %dma_start3A_1495 = tpu.memref_slice %arg6[%add3A_510, %dma_start3A_1493, %dma_start3A_1494] : memref<4096x128x128xf16, #tpu.memory_space<hbm>> -> memref<4x128x128xf16, #tpu.memory_space<hbm>>
    %dma_start3A_1496 = arith.constant 0 : i32
    %dma_start3A_1497 = arith.constant 0 : i32
    %dma_start3A_1498 = tpu.memref_slice %arg6[%add3A_510, %dma_start3A_1496, %dma_start3A_1497] : memref<4096x128x128xf16, #tpu.memory_space<hbm>> -> memref<4x128x128xf16, #tpu.memory_space<hbm>>
    tpu.enqueue_dma source(%arg9 : memref<4x128x128xf16, #tpu.memory_space<vmem>>) target(%dma_start3A_1498 : memref<4x128x128xf16, #tpu.memory_space<hbm>>) target_semaphore(%arg15 : memref<!tpu.dma_semaphore, #tpu.memory_space<semaphore_mem>>)
    %dma_wait3A_1499 = arith.constant 0 : i32
    %dma_wait3A_1500 = arith.constant 0 : i32
    %dma_wait3A_1501 = tpu.memref_slice %arg6[%add3A_510, %dma_wait3A_1499, %dma_wait3A_1500] : memref<4096x128x128xf16, #tpu.memory_space<hbm>> -> memref<4x128x128xf16, #tpu.memory_space<hbm>>
    %dma_wait3A_1502 = arith.constant 0 : i32
    %dma_wait3A_1503 = arith.constant 0 : i32
    %dma_wait3A_1504 = tpu.memref_slice %arg6[%add3A_510, %dma_wait3A_1502, %dma_wait3A_1503] : memref<4096x128x128xf16, #tpu.memory_space<hbm>> -> memref<4x128x128xf16, #tpu.memory_space<hbm>>
    tpu.wait_dma2 semaphore(%arg15 : memref<!tpu.dma_semaphore, #tpu.memory_space<semaphore_mem>>) src(%arg9 : memref<4x128x128xf16, #tpu.memory_space<vmem>>) dst(%dma_wait3A_1504 : memref<4x128x128xf16, #tpu.memory_space<hbm>>)
    %dma_start3A_1505 = arith.constant 0 : i32
    %dma_start3A_1506 = arith.constant 0 : i32
    %dma_start3A_1507 = tpu.memref_slice %arg5[%add3A_518, %dma_start3A_1505, %dma_start3A_1506] : memref<4096x128x128xf16, #tpu.memory_space<hbm>> -> memref<4x128x128xf16, #tpu.memory_space<hbm>>
    %dma_start3A_1508 = arith.constant 0 : i32
    %dma_start3A_1509 = arith.constant 0 : i32
    %dma_start3A_1510 = tpu.memref_slice %arg5[%add3A_518, %dma_start3A_1508, %dma_start3A_1509] : memref<4096x128x128xf16, #tpu.memory_space<hbm>> -> memref<4x128x128xf16, #tpu.memory_space<hbm>>
    tpu.enqueue_dma source(%dma_start3A_1510 : memref<4x128x128xf16, #tpu.memory_space<hbm>>) target(%arg9 : memref<4x128x128xf16, #tpu.memory_space<vmem>>) target_semaphore(%arg12 : memref<!tpu.dma_semaphore, #tpu.memory_space<semaphore_mem>>)
    %dma_wait3A_1511 = arith.constant 0 : i32
    %dma_wait3A_1512 = arith.constant 0 : i32
    %dma_wait3A_1513 = tpu.memref_slice %arg5[%add3A_510, %dma_wait3A_1511, %dma_wait3A_1512] : memref<4096x128x128xf16, #tpu.memory_space<hbm>> -> memref<4x128x128xf16, #tpu.memory_space<hbm>>
    %dma_wait3A_1514 = arith.constant 0 : i32
    %dma_wait3A_1515 = arith.constant 0 : i32
    %dma_wait3A_1516 = tpu.memref_slice %arg5[%add3A_510, %dma_wait3A_1514, %dma_wait3A_1515] : memref<4096x128x128xf16, #tpu.memory_space<hbm>> -> memref<4x128x128xf16, #tpu.memory_space<hbm>>
    tpu.wait_dma2 semaphore(%arg13 : memref<!tpu.dma_semaphore, #tpu.memory_space<semaphore_mem>>) src(%dma_wait3A_1516 : memref<4x128x128xf16, #tpu.memory_space<hbm>>) dst(%arg10 : memref<4x128x128xf16, #tpu.memory_space<vmem>>)
    %dma_start3A_1517 = arith.constant 0 : i32
    %dma_start3A_1518 = arith.constant 0 : i32
    %dma_start3A_1519 = tpu.memref_slice %arg7[%add3A_510, %dma_start3A_1517, %dma_start3A_1518] : memref<4096x128x128xf16, #tpu.memory_space<hbm>> -> memref<4x128x128xf16, #tpu.memory_space<hbm>>
    %dma_start3A_1520 = arith.constant 0 : i32
    %dma_start3A_1521 = arith.constant 0 : i32
    %dma_start3A_1522 = tpu.memref_slice %arg7[%add3A_510, %dma_start3A_1520, %dma_start3A_1521] : memref<4096x128x128xf16, #tpu.memory_space<hbm>> -> memref<4x128x128xf16, #tpu.memory_space<hbm>>
    tpu.enqueue_dma source(%arg10 : memref<4x128x128xf16, #tpu.memory_space<vmem>>) target(%dma_start3A_1522 : memref<4x128x128xf16, #tpu.memory_space<hbm>>) target_semaphore(%arg16 : memref<!tpu.dma_semaphore, #tpu.memory_space<semaphore_mem>>)
    %dma_wait3A_1523 = arith.constant 0 : i32
    %dma_wait3A_1524 = arith.constant 0 : i32
    %dma_wait3A_1525 = tpu.memref_slice %arg7[%add3A_510, %dma_wait3A_1523, %dma_wait3A_1524] : memref<4096x128x128xf16, #tpu.memory_space<hbm>> -> memref<4x128x128xf16, #tpu.memory_space<hbm>>
    %dma_wait3A_1526 = arith.constant 0 : i32
    %dma_wait3A_1527 = arith.constant 0 : i32
    %dma_wait3A_1528 = tpu.memref_slice %arg7[%add3A_510, %dma_wait3A_1526, %dma_wait3A_1527] : memref<4096x128x128xf16, #tpu.memory_space<hbm>> -> memref<4x128x128xf16, #tpu.memory_space<hbm>>
    tpu.wait_dma2 semaphore(%arg16 : memref<!tpu.dma_semaphore, #tpu.memory_space<semaphore_mem>>) src(%arg10 : memref<4x128x128xf16, #tpu.memory_space<vmem>>) dst(%dma_wait3A_1528 : memref<4x128x128xf16, #tpu.memory_space<hbm>>)
    %dma_start3A_1529 = arith.constant 0 : i32
    %dma_start3A_1530 = arith.constant 0 : i32
    %dma_start3A_1531 = tpu.memref_slice %arg4[%add3A_526, %dma_start3A_1529, %dma_start3A_1530] : memref<4096x128x128xf16, #tpu.memory_space<hbm>> -> memref<4x128x128xf16, #tpu.memory_space<hbm>>
    %dma_start3A_1532 = arith.constant 0 : i32
    %dma_start3A_1533 = arith.constant 0 : i32
    %dma_start3A_1534 = tpu.memref_slice %arg4[%add3A_526, %dma_start3A_1532, %dma_start3A_1533] : memref<4096x128x128xf16, #tpu.memory_space<hbm>> -> memref<4x128x128xf16, #tpu.memory_space<hbm>>
    tpu.enqueue_dma source(%dma_start3A_1534 : memref<4x128x128xf16, #tpu.memory_space<hbm>>) target(%arg10 : memref<4x128x128xf16, #tpu.memory_space<vmem>>) target_semaphore(%arg13 : memref<!tpu.dma_semaphore, #tpu.memory_space<semaphore_mem>>)
    %dma_wait3A_1535 = arith.constant 0 : i32
    %dma_wait3A_1536 = arith.constant 0 : i32
    %dma_wait3A_1537 = tpu.memref_slice %arg4[%add3A_518, %dma_wait3A_1535, %dma_wait3A_1536] : memref<4096x128x128xf16, #tpu.memory_space<hbm>> -> memref<4x128x128xf16, #tpu.memory_space<hbm>>
    %dma_wait3A_1538 = arith.constant 0 : i32
    %dma_wait3A_1539 = arith.constant 0 : i32
    %dma_wait3A_1540 = tpu.memref_slice %arg4[%add3A_518, %dma_wait3A_1538, %dma_wait3A_1539] : memref<4096x128x128xf16, #tpu.memory_space<hbm>> -> memref<4x128x128xf16, #tpu.memory_space<hbm>>
    tpu.wait_dma2 semaphore(%arg11 : memref<!tpu.dma_semaphore, #tpu.memory_space<semaphore_mem>>) src(%dma_wait3A_1540 : memref<4x128x128xf16, #tpu.memory_space<hbm>>) dst(%arg8 : memref<4x128x128xf16, #tpu.memory_space<vmem>>)
    %dma_start3A_1541 = arith.constant 0 : i32
    %dma_start3A_1542 = arith.constant 0 : i32
    %dma_start3A_1543 = tpu.memref_slice %arg6[%add3A_518, %dma_start3A_1541, %dma_start3A_1542] : memref<4096x128x128xf16, #tpu.memory_space<hbm>> -> memref<4x128x128xf16, #tpu.memory_space<hbm>>
    %dma_start3A_1544 = arith.constant 0 : i32
    %dma_start3A_1545 = arith.constant 0 : i32
    %dma_start3A_1546 = tpu.memref_slice %arg6[%add3A_518, %dma_start3A_1544, %dma_start3A_1545] : memref<4096x128x128xf16, #tpu.memory_space<hbm>> -> memref<4x128x128xf16, #tpu.memory_space<hbm>>
    tpu.enqueue_dma source(%arg8 : memref<4x128x128xf16, #tpu.memory_space<vmem>>) target(%dma_start3A_1546 : memref<4x128x128xf16, #tpu.memory_space<hbm>>) target_semaphore(%arg14 : memref<!tpu.dma_semaphore, #tpu.memory_space<semaphore_mem>>)
    %dma_wait3A_1547 = arith.constant 0 : i32
    %dma_wait3A_1548 = arith.constant 0 : i32
    %dma_wait3A_1549 = tpu.memref_slice %arg6[%add3A_518, %dma_wait3A_1547, %dma_wait3A_1548] : memref<4096x128x128xf16, #tpu.memory_space<hbm>> -> memref<4x128x128xf16, #tpu.memory_space<hbm>>
    %dma_wait3A_1550 = arith.constant 0 : i32
    %dma_wait3A_1551 = arith.constant 0 : i32
    %dma_wait3A_1552 = tpu.memref_slice %arg6[%add3A_518, %dma_wait3A_1550, %dma_wait3A_1551] : memref<4096x128x128xf16, #tpu.memory_space<hbm>> -> memref<4x128x128xf16, #tpu.memory_space<hbm>>
    tpu.wait_dma2 semaphore(%arg14 : memref<!tpu.dma_semaphore, #tpu.memory_space<semaphore_mem>>) src(%arg8 : memref<4x128x128xf16, #tpu.memory_space<vmem>>) dst(%dma_wait3A_1552 : memref<4x128x128xf16, #tpu.memory_space<hbm>>)
    %dma_start3A_1553 = arith.constant 0 : i32
    %dma_start3A_1554 = arith.constant 0 : i32
    %dma_start3A_1555 = tpu.memref_slice %arg5[%add3A_526, %dma_start3A_1553, %dma_start3A_1554] : memref<4096x128x128xf16, #tpu.memory_space<hbm>> -> memref<4x128x128xf16, #tpu.memory_space<hbm>>
    %dma_start3A_1556 = arith.constant 0 : i32
    %dma_start3A_1557 = arith.constant 0 : i32
    %dma_start3A_1558 = tpu.memref_slice %arg5[%add3A_526, %dma_start3A_1556, %dma_start3A_1557] : memref<4096x128x128xf16, #tpu.memory_space<hbm>> -> memref<4x128x128xf16, #tpu.memory_space<hbm>>
    tpu.enqueue_dma source(%dma_start3A_1558 : memref<4x128x128xf16, #tpu.memory_space<hbm>>) target(%arg8 : memref<4x128x128xf16, #tpu.memory_space<vmem>>) target_semaphore(%arg11 : memref<!tpu.dma_semaphore, #tpu.memory_space<semaphore_mem>>)
    %dma_wait3A_1559 = arith.constant 0 : i32
    %dma_wait3A_1560 = arith.constant 0 : i32
    %dma_wait3A_1561 = tpu.memref_slice %arg5[%add3A_518, %dma_wait3A_1559, %dma_wait3A_1560] : memref<4096x128x128xf16, #tpu.memory_space<hbm>> -> memref<4x128x128xf16, #tpu.memory_space<hbm>>
    %dma_wait3A_1562 = arith.constant 0 : i32
    %dma_wait3A_1563 = arith.constant 0 : i32
    %dma_wait3A_1564 = tpu.memref_slice %arg5[%add3A_518, %dma_wait3A_1562, %dma_wait3A_1563] : memref<4096x128x128xf16, #tpu.memory_space<hbm>> -> memref<4x128x128xf16, #tpu.memory_space<hbm>>
    tpu.wait_dma2 semaphore(%arg12 : memref<!tpu.dma_semaphore, #tpu.memory_space<semaphore_mem>>) src(%dma_wait3A_1564 : memref<4x128x128xf16, #tpu.memory_space<hbm>>) dst(%arg9 : memref<4x128x128xf16, #tpu.memory_space<vmem>>)
    %dma_start3A_1565 = arith.constant 0 : i32
    %dma_start3A_1566 = arith.constant 0 : i32
    %dma_start3A_1567 = tpu.memref_slice %arg7[%add3A_518, %dma_start3A_1565, %dma_start3A_1566] : memref<4096x128x128xf16, #tpu.memory_space<hbm>> -> memref<4x128x128xf16, #tpu.memory_space<hbm>>
    %dma_start3A_1568 = arith.constant 0 : i32
    %dma_start3A_1569 = arith.constant 0 : i32
    %dma_start3A_1570 = tpu.memref_slice %arg7[%add3A_518, %dma_start3A_1568, %dma_start3A_1569] : memref<4096x128x128xf16, #tpu.memory_space<hbm>> -> memref<4x128x128xf16, #tpu.memory_space<hbm>>
    tpu.enqueue_dma source(%arg9 : memref<4x128x128xf16, #tpu.memory_space<vmem>>) target(%dma_start3A_1570 : memref<4x128x128xf16, #tpu.memory_space<hbm>>) target_semaphore(%arg15 : memref<!tpu.dma_semaphore, #tpu.memory_space<semaphore_mem>>)
    %dma_wait3A_1571 = arith.constant 0 : i32
    %dma_wait3A_1572 = arith.constant 0 : i32
    %dma_wait3A_1573 = tpu.memref_slice %arg7[%add3A_518, %dma_wait3A_1571, %dma_wait3A_1572] : memref<4096x128x128xf16, #tpu.memory_space<hbm>> -> memref<4x128x128xf16, #tpu.memory_space<hbm>>
    %dma_wait3A_1574 = arith.constant 0 : i32
    %dma_wait3A_1575 = arith.constant 0 : i32
    %dma_wait3A_1576 = tpu.memref_slice %arg7[%add3A_518, %dma_wait3A_1574, %dma_wait3A_1575] : memref<4096x128x128xf16, #tpu.memory_space<hbm>> -> memref<4x128x128xf16, #tpu.memory_space<hbm>>
    tpu.wait_dma2 semaphore(%arg15 : memref<!tpu.dma_semaphore, #tpu.memory_space<semaphore_mem>>) src(%arg9 : memref<4x128x128xf16, #tpu.memory_space<vmem>>) dst(%dma_wait3A_1576 : memref<4x128x128xf16, #tpu.memory_space<hbm>>)
    %dma_start3A_1577 = arith.constant 0 : i32
    %dma_start3A_1578 = arith.constant 0 : i32
    %dma_start3A_1579 = tpu.memref_slice %arg4[%add3A_534, %dma_start3A_1577, %dma_start3A_1578] : memref<4096x128x128xf16, #tpu.memory_space<hbm>> -> memref<4x128x128xf16, #tpu.memory_space<hbm>>
    %dma_start3A_1580 = arith.constant 0 : i32
    %dma_start3A_1581 = arith.constant 0 : i32
    %dma_start3A_1582 = tpu.memref_slice %arg4[%add3A_534, %dma_start3A_1580, %dma_start3A_1581] : memref<4096x128x128xf16, #tpu.memory_space<hbm>> -> memref<4x128x128xf16, #tpu.memory_space<hbm>>
    tpu.enqueue_dma source(%dma_start3A_1582 : memref<4x128x128xf16, #tpu.memory_space<hbm>>) target(%arg9 : memref<4x128x128xf16, #tpu.memory_space<vmem>>) target_semaphore(%arg12 : memref<!tpu.dma_semaphore, #tpu.memory_space<semaphore_mem>>)
    %dma_wait3A_1583 = arith.constant 0 : i32
    %dma_wait3A_1584 = arith.constant 0 : i32
    %dma_wait3A_1585 = tpu.memref_slice %arg4[%add3A_526, %dma_wait3A_1583, %dma_wait3A_1584] : memref<4096x128x128xf16, #tpu.memory_space<hbm>> -> memref<4x128x128xf16, #tpu.memory_space<hbm>>
    %dma_wait3A_1586 = arith.constant 0 : i32
    %dma_wait3A_1587 = arith.constant 0 : i32
    %dma_wait3A_1588 = tpu.memref_slice %arg4[%add3A_526, %dma_wait3A_1586, %dma_wait3A_1587] : memref<4096x128x128xf16, #tpu.memory_space<hbm>> -> memref<4x128x128xf16, #tpu.memory_space<hbm>>
    tpu.wait_dma2 semaphore(%arg13 : memref<!tpu.dma_semaphore, #tpu.memory_space<semaphore_mem>>) src(%dma_wait3A_1588 : memref<4x128x128xf16, #tpu.memory_space<hbm>>) dst(%arg10 : memref<4x128x128xf16, #tpu.memory_space<vmem>>)
    %dma_start3A_1589 = arith.constant 0 : i32
    %dma_start3A_1590 = arith.constant 0 : i32
    %dma_start3A_1591 = tpu.memref_slice %arg6[%add3A_526, %dma_start3A_1589, %dma_start3A_1590] : memref<4096x128x128xf16, #tpu.memory_space<hbm>> -> memref<4x128x128xf16, #tpu.memory_space<hbm>>
    %dma_start3A_1592 = arith.constant 0 : i32
    %dma_start3A_1593 = arith.constant 0 : i32
    %dma_start3A_1594 = tpu.memref_slice %arg6[%add3A_526, %dma_start3A_1592, %dma_start3A_1593] : memref<4096x128x128xf16, #tpu.memory_space<hbm>> -> memref<4x128x128xf16, #tpu.memory_space<hbm>>
    tpu.enqueue_dma source(%arg10 : memref<4x128x128xf16, #tpu.memory_space<vmem>>) target(%dma_start3A_1594 : memref<4x128x128xf16, #tpu.memory_space<hbm>>) target_semaphore(%arg16 : memref<!tpu.dma_semaphore, #tpu.memory_space<semaphore_mem>>)
    %dma_wait3A_1595 = arith.constant 0 : i32
    %dma_wait3A_1596 = arith.constant 0 : i32
    %dma_wait3A_1597 = tpu.memref_slice %arg6[%add3A_526, %dma_wait3A_1595, %dma_wait3A_1596] : memref<4096x128x128xf16, #tpu.memory_space<hbm>> -> memref<4x128x128xf16, #tpu.memory_space<hbm>>
    %dma_wait3A_1598 = arith.constant 0 : i32
    %dma_wait3A_1599 = arith.constant 0 : i32
    %dma_wait3A_1600 = tpu.memref_slice %arg6[%add3A_526, %dma_wait3A_1598, %dma_wait3A_1599] : memref<4096x128x128xf16, #tpu.memory_space<hbm>> -> memref<4x128x128xf16, #tpu.memory_space<hbm>>
    tpu.wait_dma2 semaphore(%arg16 : memref<!tpu.dma_semaphore, #tpu.memory_space<semaphore_mem>>) src(%arg10 : memref<4x128x128xf16, #tpu.memory_space<vmem>>) dst(%dma_wait3A_1600 : memref<4x128x128xf16, #tpu.memory_space<hbm>>)
    %dma_start3A_1601 = arith.constant 0 : i32
    %dma_start3A_1602 = arith.constant 0 : i32
    %dma_start3A_1603 = tpu.memref_slice %arg5[%add3A_534, %dma_start3A_1601, %dma_start3A_1602] : memref<4096x128x128xf16, #tpu.memory_space<hbm>> -> memref<4x128x128xf16, #tpu.memory_space<hbm>>
    %dma_start3A_1604 = arith.constant 0 : i32
    %dma_start3A_1605 = arith.constant 0 : i32
    %dma_start3A_1606 = tpu.memref_slice %arg5[%add3A_534, %dma_start3A_1604, %dma_start3A_1605] : memref<4096x128x128xf16, #tpu.memory_space<hbm>> -> memref<4x128x128xf16, #tpu.memory_space<hbm>>
    tpu.enqueue_dma source(%dma_start3A_1606 : memref<4x128x128xf16, #tpu.memory_space<hbm>>) target(%arg10 : memref<4x128x128xf16, #tpu.memory_space<vmem>>) target_semaphore(%arg13 : memref<!tpu.dma_semaphore, #tpu.memory_space<semaphore_mem>>)
    %dma_wait3A_1607 = arith.constant 0 : i32
    %dma_wait3A_1608 = arith.constant 0 : i32
    %dma_wait3A_1609 = tpu.memref_slice %arg5[%add3A_526, %dma_wait3A_1607, %dma_wait3A_1608] : memref<4096x128x128xf16, #tpu.memory_space<hbm>> -> memref<4x128x128xf16, #tpu.memory_space<hbm>>
    %dma_wait3A_1610 = arith.constant 0 : i32
    %dma_wait3A_1611 = arith.constant 0 : i32
    %dma_wait3A_1612 = tpu.memref_slice %arg5[%add3A_526, %dma_wait3A_1610, %dma_wait3A_1611] : memref<4096x128x128xf16, #tpu.memory_space<hbm>> -> memref<4x128x128xf16, #tpu.memory_space<hbm>>
    tpu.wait_dma2 semaphore(%arg11 : memref<!tpu.dma_semaphore, #tpu.memory_space<semaphore_mem>>) src(%dma_wait3A_1612 : memref<4x128x128xf16, #tpu.memory_space<hbm>>) dst(%arg8 : memref<4x128x128xf16, #tpu.memory_space<vmem>>)
    %dma_start3A_1613 = arith.constant 0 : i32
    %dma_start3A_1614 = arith.constant 0 : i32
    %dma_start3A_1615 = tpu.memref_slice %arg7[%add3A_526, %dma_start3A_1613, %dma_start3A_1614] : memref<4096x128x128xf16, #tpu.memory_space<hbm>> -> memref<4x128x128xf16, #tpu.memory_space<hbm>>
    %dma_start3A_1616 = arith.constant 0 : i32
    %dma_start3A_1617 = arith.constant 0 : i32
    %dma_start3A_1618 = tpu.memref_slice %arg7[%add3A_526, %dma_start3A_1616, %dma_start3A_1617] : memref<4096x128x128xf16, #tpu.memory_space<hbm>> -> memref<4x128x128xf16, #tpu.memory_space<hbm>>
    tpu.enqueue_dma source(%arg8 : memref<4x128x128xf16, #tpu.memory_space<vmem>>) target(%dma_start3A_1618 : memref<4x128x128xf16, #tpu.memory_space<hbm>>) target_semaphore(%arg14 : memref<!tpu.dma_semaphore, #tpu.memory_space<semaphore_mem>>)
    %dma_wait3A_1619 = arith.constant 0 : i32
    %dma_wait3A_1620 = arith.constant 0 : i32
    %dma_wait3A_1621 = tpu.memref_slice %arg7[%add3A_526, %dma_wait3A_1619, %dma_wait3A_1620] : memref<4096x128x128xf16, #tpu.memory_space<hbm>> -> memref<4x128x128xf16, #tpu.memory_space<hbm>>
    %dma_wait3A_1622 = arith.constant 0 : i32
    %dma_wait3A_1623 = arith.constant 0 : i32
    %dma_wait3A_1624 = tpu.memref_slice %arg7[%add3A_526, %dma_wait3A_1622, %dma_wait3A_1623] : memref<4096x128x128xf16, #tpu.memory_space<hbm>> -> memref<4x128x128xf16, #tpu.memory_space<hbm>>
    tpu.wait_dma2 semaphore(%arg14 : memref<!tpu.dma_semaphore, #tpu.memory_space<semaphore_mem>>) src(%arg8 : memref<4x128x128xf16, #tpu.memory_space<vmem>>) dst(%dma_wait3A_1624 : memref<4x128x128xf16, #tpu.memory_space<hbm>>)
    %dma_start3A_1625 = arith.constant 0 : i32
    %dma_start3A_1626 = arith.constant 0 : i32
    %dma_start3A_1627 = tpu.memref_slice %arg4[%add3A_542, %dma_start3A_1625, %dma_start3A_1626] : memref<4096x128x128xf16, #tpu.memory_space<hbm>> -> memref<4x128x128xf16, #tpu.memory_space<hbm>>
    %dma_start3A_1628 = arith.constant 0 : i32
    %dma_start3A_1629 = arith.constant 0 : i32
    %dma_start3A_1630 = tpu.memref_slice %arg4[%add3A_542, %dma_start3A_1628, %dma_start3A_1629] : memref<4096x128x128xf16, #tpu.memory_space<hbm>> -> memref<4x128x128xf16, #tpu.memory_space<hbm>>
    tpu.enqueue_dma source(%dma_start3A_1630 : memref<4x128x128xf16, #tpu.memory_space<hbm>>) target(%arg8 : memref<4x128x128xf16, #tpu.memory_space<vmem>>) target_semaphore(%arg11 : memref<!tpu.dma_semaphore, #tpu.memory_space<semaphore_mem>>)
    %dma_wait3A_1631 = arith.constant 0 : i32
    %dma_wait3A_1632 = arith.constant 0 : i32
    %dma_wait3A_1633 = tpu.memref_slice %arg4[%add3A_534, %dma_wait3A_1631, %dma_wait3A_1632] : memref<4096x128x128xf16, #tpu.memory_space<hbm>> -> memref<4x128x128xf16, #tpu.memory_space<hbm>>
    %dma_wait3A_1634 = arith.constant 0 : i32
    %dma_wait3A_1635 = arith.constant 0 : i32
    %dma_wait3A_1636 = tpu.memref_slice %arg4[%add3A_534, %dma_wait3A_1634, %dma_wait3A_1635] : memref<4096x128x128xf16, #tpu.memory_space<hbm>> -> memref<4x128x128xf16, #tpu.memory_space<hbm>>
    tpu.wait_dma2 semaphore(%arg12 : memref<!tpu.dma_semaphore, #tpu.memory_space<semaphore_mem>>) src(%dma_wait3A_1636 : memref<4x128x128xf16, #tpu.memory_space<hbm>>) dst(%arg9 : memref<4x128x128xf16, #tpu.memory_space<vmem>>)
    %dma_start3A_1637 = arith.constant 0 : i32
    %dma_start3A_1638 = arith.constant 0 : i32
    %dma_start3A_1639 = tpu.memref_slice %arg6[%add3A_534, %dma_start3A_1637, %dma_start3A_1638] : memref<4096x128x128xf16, #tpu.memory_space<hbm>> -> memref<4x128x128xf16, #tpu.memory_space<hbm>>
    %dma_start3A_1640 = arith.constant 0 : i32
    %dma_start3A_1641 = arith.constant 0 : i32
    %dma_start3A_1642 = tpu.memref_slice %arg6[%add3A_534, %dma_start3A_1640, %dma_start3A_1641] : memref<4096x128x128xf16, #tpu.memory_space<hbm>> -> memref<4x128x128xf16, #tpu.memory_space<hbm>>
    tpu.enqueue_dma source(%arg9 : memref<4x128x128xf16, #tpu.memory_space<vmem>>) target(%dma_start3A_1642 : memref<4x128x128xf16, #tpu.memory_space<hbm>>) target_semaphore(%arg15 : memref<!tpu.dma_semaphore, #tpu.memory_space<semaphore_mem>>)
    %dma_wait3A_1643 = arith.constant 0 : i32
    %dma_wait3A_1644 = arith.constant 0 : i32
    %dma_wait3A_1645 = tpu.memref_slice %arg6[%add3A_534, %dma_wait3A_1643, %dma_wait3A_1644] : memref<4096x128x128xf16, #tpu.memory_space<hbm>> -> memref<4x128x128xf16, #tpu.memory_space<hbm>>
    %dma_wait3A_1646 = arith.constant 0 : i32
    %dma_wait3A_1647 = arith.constant 0 : i32
    %dma_wait3A_1648 = tpu.memref_slice %arg6[%add3A_534, %dma_wait3A_1646, %dma_wait3A_1647] : memref<4096x128x128xf16, #tpu.memory_space<hbm>> -> memref<4x128x128xf16, #tpu.memory_space<hbm>>
    tpu.wait_dma2 semaphore(%arg15 : memref<!tpu.dma_semaphore, #tpu.memory_space<semaphore_mem>>) src(%arg9 : memref<4x128x128xf16, #tpu.memory_space<vmem>>) dst(%dma_wait3A_1648 : memref<4x128x128xf16, #tpu.memory_space<hbm>>)
    %dma_start3A_1649 = arith.constant 0 : i32
    %dma_start3A_1650 = arith.constant 0 : i32
    %dma_start3A_1651 = tpu.memref_slice %arg5[%add3A_542, %dma_start3A_1649, %dma_start3A_1650] : memref<4096x128x128xf16, #tpu.memory_space<hbm>> -> memref<4x128x128xf16, #tpu.memory_space<hbm>>
    %dma_start3A_1652 = arith.constant 0 : i32
    %dma_start3A_1653 = arith.constant 0 : i32
    %dma_start3A_1654 = tpu.memref_slice %arg5[%add3A_542, %dma_start3A_1652, %dma_start3A_1653] : memref<4096x128x128xf16, #tpu.memory_space<hbm>> -> memref<4x128x128xf16, #tpu.memory_space<hbm>>
    tpu.enqueue_dma source(%dma_start3A_1654 : memref<4x128x128xf16, #tpu.memory_space<hbm>>) target(%arg9 : memref<4x128x128xf16, #tpu.memory_space<vmem>>) target_semaphore(%arg12 : memref<!tpu.dma_semaphore, #tpu.memory_space<semaphore_mem>>)
    %dma_wait3A_1655 = arith.constant 0 : i32
    %dma_wait3A_1656 = arith.constant 0 : i32
    %dma_wait3A_1657 = tpu.memref_slice %arg5[%add3A_534, %dma_wait3A_1655, %dma_wait3A_1656] : memref<4096x128x128xf16, #tpu.memory_space<hbm>> -> memref<4x128x128xf16, #tpu.memory_space<hbm>>
    %dma_wait3A_1658 = arith.constant 0 : i32
    %dma_wait3A_1659 = arith.constant 0 : i32
    %dma_wait3A_1660 = tpu.memref_slice %arg5[%add3A_534, %dma_wait3A_1658, %dma_wait3A_1659] : memref<4096x128x128xf16, #tpu.memory_space<hbm>> -> memref<4x128x128xf16, #tpu.memory_space<hbm>>
    tpu.wait_dma2 semaphore(%arg13 : memref<!tpu.dma_semaphore, #tpu.memory_space<semaphore_mem>>) src(%dma_wait3A_1660 : memref<4x128x128xf16, #tpu.memory_space<hbm>>) dst(%arg10 : memref<4x128x128xf16, #tpu.memory_space<vmem>>)
    %dma_start3A_1661 = arith.constant 0 : i32
    %dma_start3A_1662 = arith.constant 0 : i32
    %dma_start3A_1663 = tpu.memref_slice %arg7[%add3A_534, %dma_start3A_1661, %dma_start3A_1662] : memref<4096x128x128xf16, #tpu.memory_space<hbm>> -> memref<4x128x128xf16, #tpu.memory_space<hbm>>
    %dma_start3A_1664 = arith.constant 0 : i32
    %dma_start3A_1665 = arith.constant 0 : i32
    %dma_start3A_1666 = tpu.memref_slice %arg7[%add3A_534, %dma_start3A_1664, %dma_start3A_1665] : memref<4096x128x128xf16, #tpu.memory_space<hbm>> -> memref<4x128x128xf16, #tpu.memory_space<hbm>>
    tpu.enqueue_dma source(%arg10 : memref<4x128x128xf16, #tpu.memory_space<vmem>>) target(%dma_start3A_1666 : memref<4x128x128xf16, #tpu.memory_space<hbm>>) target_semaphore(%arg16 : memref<!tpu.dma_semaphore, #tpu.memory_space<semaphore_mem>>)
    %dma_wait3A_1667 = arith.constant 0 : i32
    %dma_wait3A_1668 = arith.constant 0 : i32
    %dma_wait3A_1669 = tpu.memref_slice %arg7[%add3A_534, %dma_wait3A_1667, %dma_wait3A_1668] : memref<4096x128x128xf16, #tpu.memory_space<hbm>> -> memref<4x128x128xf16, #tpu.memory_space<hbm>>
    %dma_wait3A_1670 = arith.constant 0 : i32
    %dma_wait3A_1671 = arith.constant 0 : i32
    %dma_wait3A_1672 = tpu.memref_slice %arg7[%add3A_534, %dma_wait3A_1670, %dma_wait3A_1671] : memref<4096x128x128xf16, #tpu.memory_space<hbm>> -> memref<4x128x128xf16, #tpu.memory_space<hbm>>
    tpu.wait_dma2 semaphore(%arg16 : memref<!tpu.dma_semaphore, #tpu.memory_space<semaphore_mem>>) src(%arg10 : memref<4x128x128xf16, #tpu.memory_space<vmem>>) dst(%dma_wait3A_1672 : memref<4x128x128xf16, #tpu.memory_space<hbm>>)
    %dma_start3A_1673 = arith.constant 0 : i32
    %dma_start3A_1674 = arith.constant 0 : i32
    %dma_start3A_1675 = tpu.memref_slice %arg4[%add3A_550, %dma_start3A_1673, %dma_start3A_1674] : memref<4096x128x128xf16, #tpu.memory_space<hbm>> -> memref<4x128x128xf16, #tpu.memory_space<hbm>>
    %dma_start3A_1676 = arith.constant 0 : i32
    %dma_start3A_1677 = arith.constant 0 : i32
    %dma_start3A_1678 = tpu.memref_slice %arg4[%add3A_550, %dma_start3A_1676, %dma_start3A_1677] : memref<4096x128x128xf16, #tpu.memory_space<hbm>> -> memref<4x128x128xf16, #tpu.memory_space<hbm>>
    tpu.enqueue_dma source(%dma_start3A_1678 : memref<4x128x128xf16, #tpu.memory_space<hbm>>) target(%arg10 : memref<4x128x128xf16, #tpu.memory_space<vmem>>) target_semaphore(%arg13 : memref<!tpu.dma_semaphore, #tpu.memory_space<semaphore_mem>>)
    %dma_wait3A_1679 = arith.constant 0 : i32
    %dma_wait3A_1680 = arith.constant 0 : i32
    %dma_wait3A_1681 = tpu.memref_slice %arg4[%add3A_542, %dma_wait3A_1679, %dma_wait3A_1680] : memref<4096x128x128xf16, #tpu.memory_space<hbm>> -> memref<4x128x128xf16, #tpu.memory_space<hbm>>
    %dma_wait3A_1682 = arith.constant 0 : i32
    %dma_wait3A_1683 = arith.constant 0 : i32
    %dma_wait3A_1684 = tpu.memref_slice %arg4[%add3A_542, %dma_wait3A_1682, %dma_wait3A_1683] : memref<4096x128x128xf16, #tpu.memory_space<hbm>> -> memref<4x128x128xf16, #tpu.memory_space<hbm>>
    tpu.wait_dma2 semaphore(%arg11 : memref<!tpu.dma_semaphore, #tpu.memory_space<semaphore_mem>>) src(%dma_wait3A_1684 : memref<4x128x128xf16, #tpu.memory_space<hbm>>) dst(%arg8 : memref<4x128x128xf16, #tpu.memory_space<vmem>>)
    %dma_start3A_1685 = arith.constant 0 : i32
    %dma_start3A_1686 = arith.constant 0 : i32
    %dma_start3A_1687 = tpu.memref_slice %arg6[%add3A_542, %dma_start3A_1685, %dma_start3A_1686] : memref<4096x128x128xf16, #tpu.memory_space<hbm>> -> memref<4x128x128xf16, #tpu.memory_space<hbm>>
    %dma_start3A_1688 = arith.constant 0 : i32
    %dma_start3A_1689 = arith.constant 0 : i32
    %dma_start3A_1690 = tpu.memref_slice %arg6[%add3A_542, %dma_start3A_1688, %dma_start3A_1689] : memref<4096x128x128xf16, #tpu.memory_space<hbm>> -> memref<4x128x128xf16, #tpu.memory_space<hbm>>
    tpu.enqueue_dma source(%arg8 : memref<4x128x128xf16, #tpu.memory_space<vmem>>) target(%dma_start3A_1690 : memref<4x128x128xf16, #tpu.memory_space<hbm>>) target_semaphore(%arg14 : memref<!tpu.dma_semaphore, #tpu.memory_space<semaphore_mem>>)
    %dma_wait3A_1691 = arith.constant 0 : i32
    %dma_wait3A_1692 = arith.constant 0 : i32
    %dma_wait3A_1693 = tpu.memref_slice %arg6[%add3A_542, %dma_wait3A_1691, %dma_wait3A_1692] : memref<4096x128x128xf16, #tpu.memory_space<hbm>> -> memref<4x128x128xf16, #tpu.memory_space<hbm>>
    %dma_wait3A_1694 = arith.constant 0 : i32
    %dma_wait3A_1695 = arith.constant 0 : i32
    %dma_wait3A_1696 = tpu.memref_slice %arg6[%add3A_542, %dma_wait3A_1694, %dma_wait3A_1695] : memref<4096x128x128xf16, #tpu.memory_space<hbm>> -> memref<4x128x128xf16, #tpu.memory_space<hbm>>
    tpu.wait_dma2 semaphore(%arg14 : memref<!tpu.dma_semaphore, #tpu.memory_space<semaphore_mem>>) src(%arg8 : memref<4x128x128xf16, #tpu.memory_space<vmem>>) dst(%dma_wait3A_1696 : memref<4x128x128xf16, #tpu.memory_space<hbm>>)
    %dma_start3A_1697 = arith.constant 0 : i32
    %dma_start3A_1698 = arith.constant 0 : i32
    %dma_start3A_1699 = tpu.memref_slice %arg5[%add3A_550, %dma_start3A_1697, %dma_start3A_1698] : memref<4096x128x128xf16, #tpu.memory_space<hbm>> -> memref<4x128x128xf16, #tpu.memory_space<hbm>>
    %dma_start3A_1700 = arith.constant 0 : i32
    %dma_start3A_1701 = arith.constant 0 : i32
    %dma_start3A_1702 = tpu.memref_slice %arg5[%add3A_550, %dma_start3A_1700, %dma_start3A_1701] : memref<4096x128x128xf16, #tpu.memory_space<hbm>> -> memref<4x128x128xf16, #tpu.memory_space<hbm>>
    tpu.enqueue_dma source(%dma_start3A_1702 : memref<4x128x128xf16, #tpu.memory_space<hbm>>) target(%arg8 : memref<4x128x128xf16, #tpu.memory_space<vmem>>) target_semaphore(%arg11 : memref<!tpu.dma_semaphore, #tpu.memory_space<semaphore_mem>>)
    %dma_wait3A_1703 = arith.constant 0 : i32
    %dma_wait3A_1704 = arith.constant 0 : i32
    %dma_wait3A_1705 = tpu.memref_slice %arg5[%add3A_542, %dma_wait3A_1703, %dma_wait3A_1704] : memref<4096x128x128xf16, #tpu.memory_space<hbm>> -> memref<4x128x128xf16, #tpu.memory_space<hbm>>
    %dma_wait3A_1706 = arith.constant 0 : i32
    %dma_wait3A_1707 = arith.constant 0 : i32
    %dma_wait3A_1708 = tpu.memref_slice %arg5[%add3A_542, %dma_wait3A_1706, %dma_wait3A_1707] : memref<4096x128x128xf16, #tpu.memory_space<hbm>> -> memref<4x128x128xf16, #tpu.memory_space<hbm>>
    tpu.wait_dma2 semaphore(%arg12 : memref<!tpu.dma_semaphore, #tpu.memory_space<semaphore_mem>>) src(%dma_wait3A_1708 : memref<4x128x128xf16, #tpu.memory_space<hbm>>) dst(%arg9 : memref<4x128x128xf16, #tpu.memory_space<vmem>>)
    %dma_start3A_1709 = arith.constant 0 : i32
    %dma_start3A_1710 = arith.constant 0 : i32
    %dma_start3A_1711 = tpu.memref_slice %arg7[%add3A_542, %dma_start3A_1709, %dma_start3A_1710] : memref<4096x128x128xf16, #tpu.memory_space<hbm>> -> memref<4x128x128xf16, #tpu.memory_space<hbm>>
    %dma_start3A_1712 = arith.constant 0 : i32
    %dma_start3A_1713 = arith.constant 0 : i32
    %dma_start3A_1714 = tpu.memref_slice %arg7[%add3A_542, %dma_start3A_1712, %dma_start3A_1713] : memref<4096x128x128xf16, #tpu.memory_space<hbm>> -> memref<4x128x128xf16, #tpu.memory_space<hbm>>
    tpu.enqueue_dma source(%arg9 : memref<4x128x128xf16, #tpu.memory_space<vmem>>) target(%dma_start3A_1714 : memref<4x128x128xf16, #tpu.memory_space<hbm>>) target_semaphore(%arg15 : memref<!tpu.dma_semaphore, #tpu.memory_space<semaphore_mem>>)
    %dma_wait3A_1715 = arith.constant 0 : i32
    %dma_wait3A_1716 = arith.constant 0 : i32
    %dma_wait3A_1717 = tpu.memref_slice %arg7[%add3A_542, %dma_wait3A_1715, %dma_wait3A_1716] : memref<4096x128x128xf16, #tpu.memory_space<hbm>> -> memref<4x128x128xf16, #tpu.memory_space<hbm>>
    %dma_wait3A_1718 = arith.constant 0 : i32
    %dma_wait3A_1719 = arith.constant 0 : i32
    %dma_wait3A_1720 = tpu.memref_slice %arg7[%add3A_542, %dma_wait3A_1718, %dma_wait3A_1719] : memref<4096x128x128xf16, #tpu.memory_space<hbm>> -> memref<4x128x128xf16, #tpu.memory_space<hbm>>
    tpu.wait_dma2 semaphore(%arg15 : memref<!tpu.dma_semaphore, #tpu.memory_space<semaphore_mem>>) src(%arg9 : memref<4x128x128xf16, #tpu.memory_space<vmem>>) dst(%dma_wait3A_1720 : memref<4x128x128xf16, #tpu.memory_space<hbm>>)
    %dma_start3A_1721 = arith.constant 0 : i32
    %dma_start3A_1722 = arith.constant 0 : i32
    %dma_start3A_1723 = tpu.memref_slice %arg4[%add3A_558, %dma_start3A_1721, %dma_start3A_1722] : memref<4096x128x128xf16, #tpu.memory_space<hbm>> -> memref<4x128x128xf16, #tpu.memory_space<hbm>>
    %dma_start3A_1724 = arith.constant 0 : i32
    %dma_start3A_1725 = arith.constant 0 : i32
    %dma_start3A_1726 = tpu.memref_slice %arg4[%add3A_558, %dma_start3A_1724, %dma_start3A_1725] : memref<4096x128x128xf16, #tpu.memory_space<hbm>> -> memref<4x128x128xf16, #tpu.memory_space<hbm>>
    tpu.enqueue_dma source(%dma_start3A_1726 : memref<4x128x128xf16, #tpu.memory_space<hbm>>) target(%arg9 : memref<4x128x128xf16, #tpu.memory_space<vmem>>) target_semaphore(%arg12 : memref<!tpu.dma_semaphore, #tpu.memory_space<semaphore_mem>>)
    %dma_wait3A_1727 = arith.constant 0 : i32
    %dma_wait3A_1728 = arith.constant 0 : i32
    %dma_wait3A_1729 = tpu.memref_slice %arg4[%add3A_550, %dma_wait3A_1727, %dma_wait3A_1728] : memref<4096x128x128xf16, #tpu.memory_space<hbm>> -> memref<4x128x128xf16, #tpu.memory_space<hbm>>
    %dma_wait3A_1730 = arith.constant 0 : i32
    %dma_wait3A_1731 = arith.constant 0 : i32
    %dma_wait3A_1732 = tpu.memref_slice %arg4[%add3A_550, %dma_wait3A_1730, %dma_wait3A_1731] : memref<4096x128x128xf16, #tpu.memory_space<hbm>> -> memref<4x128x128xf16, #tpu.memory_space<hbm>>
    tpu.wait_dma2 semaphore(%arg13 : memref<!tpu.dma_semaphore, #tpu.memory_space<semaphore_mem>>) src(%dma_wait3A_1732 : memref<4x128x128xf16, #tpu.memory_space<hbm>>) dst(%arg10 : memref<4x128x128xf16, #tpu.memory_space<vmem>>)
    %dma_start3A_1733 = arith.constant 0 : i32
    %dma_start3A_1734 = arith.constant 0 : i32
    %dma_start3A_1735 = tpu.memref_slice %arg6[%add3A_550, %dma_start3A_1733, %dma_start3A_1734] : memref<4096x128x128xf16, #tpu.memory_space<hbm>> -> memref<4x128x128xf16, #tpu.memory_space<hbm>>
    %dma_start3A_1736 = arith.constant 0 : i32
    %dma_start3A_1737 = arith.constant 0 : i32
    %dma_start3A_1738 = tpu.memref_slice %arg6[%add3A_550, %dma_start3A_1736, %dma_start3A_1737] : memref<4096x128x128xf16, #tpu.memory_space<hbm>> -> memref<4x128x128xf16, #tpu.memory_space<hbm>>
    tpu.enqueue_dma source(%arg10 : memref<4x128x128xf16, #tpu.memory_space<vmem>>) target(%dma_start3A_1738 : memref<4x128x128xf16, #tpu.memory_space<hbm>>) target_semaphore(%arg16 : memref<!tpu.dma_semaphore, #tpu.memory_space<semaphore_mem>>)
    %dma_wait3A_1739 = arith.constant 0 : i32
    %dma_wait3A_1740 = arith.constant 0 : i32
    %dma_wait3A_1741 = tpu.memref_slice %arg6[%add3A_550, %dma_wait3A_1739, %dma_wait3A_1740] : memref<4096x128x128xf16, #tpu.memory_space<hbm>> -> memref<4x128x128xf16, #tpu.memory_space<hbm>>
    %dma_wait3A_1742 = arith.constant 0 : i32
    %dma_wait3A_1743 = arith.constant 0 : i32
    %dma_wait3A_1744 = tpu.memref_slice %arg6[%add3A_550, %dma_wait3A_1742, %dma_wait3A_1743] : memref<4096x128x128xf16, #tpu.memory_space<hbm>> -> memref<4x128x128xf16, #tpu.memory_space<hbm>>
    tpu.wait_dma2 semaphore(%arg16 : memref<!tpu.dma_semaphore, #tpu.memory_space<semaphore_mem>>) src(%arg10 : memref<4x128x128xf16, #tpu.memory_space<vmem>>) dst(%dma_wait3A_1744 : memref<4x128x128xf16, #tpu.memory_space<hbm>>)
    %dma_start3A_1745 = arith.constant 0 : i32
    %dma_start3A_1746 = arith.constant 0 : i32
    %dma_start3A_1747 = tpu.memref_slice %arg5[%add3A_558, %dma_start3A_1745, %dma_start3A_1746] : memref<4096x128x128xf16, #tpu.memory_space<hbm>> -> memref<4x128x128xf16, #tpu.memory_space<hbm>>
    %dma_start3A_1748 = arith.constant 0 : i32
    %dma_start3A_1749 = arith.constant 0 : i32
    %dma_start3A_1750 = tpu.memref_slice %arg5[%add3A_558, %dma_start3A_1748, %dma_start3A_1749] : memref<4096x128x128xf16, #tpu.memory_space<hbm>> -> memref<4x128x128xf16, #tpu.memory_space<hbm>>
    tpu.enqueue_dma source(%dma_start3A_1750 : memref<4x128x128xf16, #tpu.memory_space<hbm>>) target(%arg10 : memref<4x128x128xf16, #tpu.memory_space<vmem>>) target_semaphore(%arg13 : memref<!tpu.dma_semaphore, #tpu.memory_space<semaphore_mem>>)
    %dma_wait3A_1751 = arith.constant 0 : i32
    %dma_wait3A_1752 = arith.constant 0 : i32
    %dma_wait3A_1753 = tpu.memref_slice %arg5[%add3A_550, %dma_wait3A_1751, %dma_wait3A_1752] : memref<4096x128x128xf16, #tpu.memory_space<hbm>> -> memref<4x128x128xf16, #tpu.memory_space<hbm>>
    %dma_wait3A_1754 = arith.constant 0 : i32
    %dma_wait3A_1755 = arith.constant 0 : i32
    %dma_wait3A_1756 = tpu.memref_slice %arg5[%add3A_550, %dma_wait3A_1754, %dma_wait3A_1755] : memref<4096x128x128xf16, #tpu.memory_space<hbm>> -> memref<4x128x128xf16, #tpu.memory_space<hbm>>
    tpu.wait_dma2 semaphore(%arg11 : memref<!tpu.dma_semaphore, #tpu.memory_space<semaphore_mem>>) src(%dma_wait3A_1756 : memref<4x128x128xf16, #tpu.memory_space<hbm>>) dst(%arg8 : memref<4x128x128xf16, #tpu.memory_space<vmem>>)
    %dma_start3A_1757 = arith.constant 0 : i32
    %dma_start3A_1758 = arith.constant 0 : i32
    %dma_start3A_1759 = tpu.memref_slice %arg7[%add3A_550, %dma_start3A_1757, %dma_start3A_1758] : memref<4096x128x128xf16, #tpu.memory_space<hbm>> -> memref<4x128x128xf16, #tpu.memory_space<hbm>>
    %dma_start3A_1760 = arith.constant 0 : i32
    %dma_start3A_1761 = arith.constant 0 : i32
    %dma_start3A_1762 = tpu.memref_slice %arg7[%add3A_550, %dma_start3A_1760, %dma_start3A_1761] : memref<4096x128x128xf16, #tpu.memory_space<hbm>> -> memref<4x128x128xf16, #tpu.memory_space<hbm>>
    tpu.enqueue_dma source(%arg8 : memref<4x128x128xf16, #tpu.memory_space<vmem>>) target(%dma_start3A_1762 : memref<4x128x128xf16, #tpu.memory_space<hbm>>) target_semaphore(%arg14 : memref<!tpu.dma_semaphore, #tpu.memory_space<semaphore_mem>>)
    %dma_wait3A_1763 = arith.constant 0 : i32
    %dma_wait3A_1764 = arith.constant 0 : i32
    %dma_wait3A_1765 = tpu.memref_slice %arg7[%add3A_550, %dma_wait3A_1763, %dma_wait3A_1764] : memref<4096x128x128xf16, #tpu.memory_space<hbm>> -> memref<4x128x128xf16, #tpu.memory_space<hbm>>
    %dma_wait3A_1766 = arith.constant 0 : i32
    %dma_wait3A_1767 = arith.constant 0 : i32
    %dma_wait3A_1768 = tpu.memref_slice %arg7[%add3A_550, %dma_wait3A_1766, %dma_wait3A_1767] : memref<4096x128x128xf16, #tpu.memory_space<hbm>> -> memref<4x128x128xf16, #tpu.memory_space<hbm>>
    tpu.wait_dma2 semaphore(%arg14 : memref<!tpu.dma_semaphore, #tpu.memory_space<semaphore_mem>>) src(%arg8 : memref<4x128x128xf16, #tpu.memory_space<vmem>>) dst(%dma_wait3A_1768 : memref<4x128x128xf16, #tpu.memory_space<hbm>>)
    %dma_start3A_1769 = arith.constant 0 : i32
    %dma_start3A_1770 = arith.constant 0 : i32
    %dma_start3A_1771 = tpu.memref_slice %arg4[%add3A_566, %dma_start3A_1769, %dma_start3A_1770] : memref<4096x128x128xf16, #tpu.memory_space<hbm>> -> memref<4x128x128xf16, #tpu.memory_space<hbm>>
    %dma_start3A_1772 = arith.constant 0 : i32
    %dma_start3A_1773 = arith.constant 0 : i32
    %dma_start3A_1774 = tpu.memref_slice %arg4[%add3A_566, %dma_start3A_1772, %dma_start3A_1773] : memref<4096x128x128xf16, #tpu.memory_space<hbm>> -> memref<4x128x128xf16, #tpu.memory_space<hbm>>
    tpu.enqueue_dma source(%dma_start3A_1774 : memref<4x128x128xf16, #tpu.memory_space<hbm>>) target(%arg8 : memref<4x128x128xf16, #tpu.memory_space<vmem>>) target_semaphore(%arg11 : memref<!tpu.dma_semaphore, #tpu.memory_space<semaphore_mem>>)
    %dma_wait3A_1775 = arith.constant 0 : i32
    %dma_wait3A_1776 = arith.constant 0 : i32
    %dma_wait3A_1777 = tpu.memref_slice %arg4[%add3A_558, %dma_wait3A_1775, %dma_wait3A_1776] : memref<4096x128x128xf16, #tpu.memory_space<hbm>> -> memref<4x128x128xf16, #tpu.memory_space<hbm>>
    %dma_wait3A_1778 = arith.constant 0 : i32
    %dma_wait3A_1779 = arith.constant 0 : i32
    %dma_wait3A_1780 = tpu.memref_slice %arg4[%add3A_558, %dma_wait3A_1778, %dma_wait3A_1779] : memref<4096x128x128xf16, #tpu.memory_space<hbm>> -> memref<4x128x128xf16, #tpu.memory_space<hbm>>
    tpu.wait_dma2 semaphore(%arg12 : memref<!tpu.dma_semaphore, #tpu.memory_space<semaphore_mem>>) src(%dma_wait3A_1780 : memref<4x128x128xf16, #tpu.memory_space<hbm>>) dst(%arg9 : memref<4x128x128xf16, #tpu.memory_space<vmem>>)
    %dma_start3A_1781 = arith.constant 0 : i32
    %dma_start3A_1782 = arith.constant 0 : i32
    %dma_start3A_1783 = tpu.memref_slice %arg6[%add3A_558, %dma_start3A_1781, %dma_start3A_1782] : memref<4096x128x128xf16, #tpu.memory_space<hbm>> -> memref<4x128x128xf16, #tpu.memory_space<hbm>>
    %dma_start3A_1784 = arith.constant 0 : i32
    %dma_start3A_1785 = arith.constant 0 : i32
    %dma_start3A_1786 = tpu.memref_slice %arg6[%add3A_558, %dma_start3A_1784, %dma_start3A_1785] : memref<4096x128x128xf16, #tpu.memory_space<hbm>> -> memref<4x128x128xf16, #tpu.memory_space<hbm>>
    tpu.enqueue_dma source(%arg9 : memref<4x128x128xf16, #tpu.memory_space<vmem>>) target(%dma_start3A_1786 : memref<4x128x128xf16, #tpu.memory_space<hbm>>) target_semaphore(%arg15 : memref<!tpu.dma_semaphore, #tpu.memory_space<semaphore_mem>>)
    %dma_wait3A_1787 = arith.constant 0 : i32
    %dma_wait3A_1788 = arith.constant 0 : i32
    %dma_wait3A_1789 = tpu.memref_slice %arg6[%add3A_558, %dma_wait3A_1787, %dma_wait3A_1788] : memref<4096x128x128xf16, #tpu.memory_space<hbm>> -> memref<4x128x128xf16, #tpu.memory_space<hbm>>
    %dma_wait3A_1790 = arith.constant 0 : i32
    %dma_wait3A_1791 = arith.constant 0 : i32
    %dma_wait3A_1792 = tpu.memref_slice %arg6[%add3A_558, %dma_wait3A_1790, %dma_wait3A_1791] : memref<4096x128x128xf16, #tpu.memory_space<hbm>> -> memref<4x128x128xf16, #tpu.memory_space<hbm>>
    tpu.wait_dma2 semaphore(%arg15 : memref<!tpu.dma_semaphore, #tpu.memory_space<semaphore_mem>>) src(%arg9 : memref<4x128x128xf16, #tpu.memory_space<vmem>>) dst(%dma_wait3A_1792 : memref<4x128x128xf16, #tpu.memory_space<hbm>>)
    %dma_start3A_1793 = arith.constant 0 : i32
    %dma_start3A_1794 = arith.constant 0 : i32
    %dma_start3A_1795 = tpu.memref_slice %arg5[%add3A_566, %dma_start3A_1793, %dma_start3A_1794] : memref<4096x128x128xf16, #tpu.memory_space<hbm>> -> memref<4x128x128xf16, #tpu.memory_space<hbm>>
    %dma_start3A_1796 = arith.constant 0 : i32
    %dma_start3A_1797 = arith.constant 0 : i32
    %dma_start3A_1798 = tpu.memref_slice %arg5[%add3A_566, %dma_start3A_1796, %dma_start3A_1797] : memref<4096x128x128xf16, #tpu.memory_space<hbm>> -> memref<4x128x128xf16, #tpu.memory_space<hbm>>
    tpu.enqueue_dma source(%dma_start3A_1798 : memref<4x128x128xf16, #tpu.memory_space<hbm>>) target(%arg9 : memref<4x128x128xf16, #tpu.memory_space<vmem>>) target_semaphore(%arg12 : memref<!tpu.dma_semaphore, #tpu.memory_space<semaphore_mem>>)
    %dma_wait3A_1799 = arith.constant 0 : i32
    %dma_wait3A_1800 = arith.constant 0 : i32
    %dma_wait3A_1801 = tpu.memref_slice %arg5[%add3A_558, %dma_wait3A_1799, %dma_wait3A_1800] : memref<4096x128x128xf16, #tpu.memory_space<hbm>> -> memref<4x128x128xf16, #tpu.memory_space<hbm>>
    %dma_wait3A_1802 = arith.constant 0 : i32
    %dma_wait3A_1803 = arith.constant 0 : i32
    %dma_wait3A_1804 = tpu.memref_slice %arg5[%add3A_558, %dma_wait3A_1802, %dma_wait3A_1803] : memref<4096x128x128xf16, #tpu.memory_space<hbm>> -> memref<4x128x128xf16, #tpu.memory_space<hbm>>
    tpu.wait_dma2 semaphore(%arg13 : memref<!tpu.dma_semaphore, #tpu.memory_space<semaphore_mem>>) src(%dma_wait3A_1804 : memref<4x128x128xf16, #tpu.memory_space<hbm>>) dst(%arg10 : memref<4x128x128xf16, #tpu.memory_space<vmem>>)
    %dma_start3A_1805 = arith.constant 0 : i32
    %dma_start3A_1806 = arith.constant 0 : i32
    %dma_start3A_1807 = tpu.memref_slice %arg7[%add3A_558, %dma_start3A_1805, %dma_start3A_1806] : memref<4096x128x128xf16, #tpu.memory_space<hbm>> -> memref<4x128x128xf16, #tpu.memory_space<hbm>>
    %dma_start3A_1808 = arith.constant 0 : i32
    %dma_start3A_1809 = arith.constant 0 : i32
    %dma_start3A_1810 = tpu.memref_slice %arg7[%add3A_558, %dma_start3A_1808, %dma_start3A_1809] : memref<4096x128x128xf16, #tpu.memory_space<hbm>> -> memref<4x128x128xf16, #tpu.memory_space<hbm>>
    tpu.enqueue_dma source(%arg10 : memref<4x128x128xf16, #tpu.memory_space<vmem>>) target(%dma_start3A_1810 : memref<4x128x128xf16, #tpu.memory_space<hbm>>) target_semaphore(%arg16 : memref<!tpu.dma_semaphore, #tpu.memory_space<semaphore_mem>>)
    %dma_wait3A_1811 = arith.constant 0 : i32
    %dma_wait3A_1812 = arith.constant 0 : i32
    %dma_wait3A_1813 = tpu.memref_slice %arg7[%add3A_558, %dma_wait3A_1811, %dma_wait3A_1812] : memref<4096x128x128xf16, #tpu.memory_space<hbm>> -> memref<4x128x128xf16, #tpu.memory_space<hbm>>
    %dma_wait3A_1814 = arith.constant 0 : i32
    %dma_wait3A_1815 = arith.constant 0 : i32
    %dma_wait3A_1816 = tpu.memref_slice %arg7[%add3A_558, %dma_wait3A_1814, %dma_wait3A_1815] : memref<4096x128x128xf16, #tpu.memory_space<hbm>> -> memref<4x128x128xf16, #tpu.memory_space<hbm>>
    tpu.wait_dma2 semaphore(%arg16 : memref<!tpu.dma_semaphore, #tpu.memory_space<semaphore_mem>>) src(%arg10 : memref<4x128x128xf16, #tpu.memory_space<vmem>>) dst(%dma_wait3A_1816 : memref<4x128x128xf16, #tpu.memory_space<hbm>>)
    %dma_start3A_1817 = arith.constant 0 : i32
    %dma_start3A_1818 = arith.constant 0 : i32
    %dma_start3A_1819 = tpu.memref_slice %arg4[%add3A_574, %dma_start3A_1817, %dma_start3A_1818] : memref<4096x128x128xf16, #tpu.memory_space<hbm>> -> memref<4x128x128xf16, #tpu.memory_space<hbm>>
    %dma_start3A_1820 = arith.constant 0 : i32
    %dma_start3A_1821 = arith.constant 0 : i32
    %dma_start3A_1822 = tpu.memref_slice %arg4[%add3A_574, %dma_start3A_1820, %dma_start3A_1821] : memref<4096x128x128xf16, #tpu.memory_space<hbm>> -> memref<4x128x128xf16, #tpu.memory_space<hbm>>
    tpu.enqueue_dma source(%dma_start3A_1822 : memref<4x128x128xf16, #tpu.memory_space<hbm>>) target(%arg10 : memref<4x128x128xf16, #tpu.memory_space<vmem>>) target_semaphore(%arg13 : memref<!tpu.dma_semaphore, #tpu.memory_space<semaphore_mem>>)
    %dma_wait3A_1823 = arith.constant 0 : i32
    %dma_wait3A_1824 = arith.constant 0 : i32
    %dma_wait3A_1825 = tpu.memref_slice %arg4[%add3A_566, %dma_wait3A_1823, %dma_wait3A_1824] : memref<4096x128x128xf16, #tpu.memory_space<hbm>> -> memref<4x128x128xf16, #tpu.memory_space<hbm>>
    %dma_wait3A_1826 = arith.constant 0 : i32
    %dma_wait3A_1827 = arith.constant 0 : i32
    %dma_wait3A_1828 = tpu.memref_slice %arg4[%add3A_566, %dma_wait3A_1826, %dma_wait3A_1827] : memref<4096x128x128xf16, #tpu.memory_space<hbm>> -> memref<4x128x128xf16, #tpu.memory_space<hbm>>
    tpu.wait_dma2 semaphore(%arg11 : memref<!tpu.dma_semaphore, #tpu.memory_space<semaphore_mem>>) src(%dma_wait3A_1828 : memref<4x128x128xf16, #tpu.memory_space<hbm>>) dst(%arg8 : memref<4x128x128xf16, #tpu.memory_space<vmem>>)
    %dma_start3A_1829 = arith.constant 0 : i32
    %dma_start3A_1830 = arith.constant 0 : i32
    %dma_start3A_1831 = tpu.memref_slice %arg6[%add3A_566, %dma_start3A_1829, %dma_start3A_1830] : memref<4096x128x128xf16, #tpu.memory_space<hbm>> -> memref<4x128x128xf16, #tpu.memory_space<hbm>>
    %dma_start3A_1832 = arith.constant 0 : i32
    %dma_start3A_1833 = arith.constant 0 : i32
    %dma_start3A_1834 = tpu.memref_slice %arg6[%add3A_566, %dma_start3A_1832, %dma_start3A_1833] : memref<4096x128x128xf16, #tpu.memory_space<hbm>> -> memref<4x128x128xf16, #tpu.memory_space<hbm>>
    tpu.enqueue_dma source(%arg8 : memref<4x128x128xf16, #tpu.memory_space<vmem>>) target(%dma_start3A_1834 : memref<4x128x128xf16, #tpu.memory_space<hbm>>) target_semaphore(%arg14 : memref<!tpu.dma_semaphore, #tpu.memory_space<semaphore_mem>>)
    %dma_wait3A_1835 = arith.constant 0 : i32
    %dma_wait3A_1836 = arith.constant 0 : i32
    %dma_wait3A_1837 = tpu.memref_slice %arg6[%add3A_566, %dma_wait3A_1835, %dma_wait3A_1836] : memref<4096x128x128xf16, #tpu.memory_space<hbm>> -> memref<4x128x128xf16, #tpu.memory_space<hbm>>
    %dma_wait3A_1838 = arith.constant 0 : i32
    %dma_wait3A_1839 = arith.constant 0 : i32
    %dma_wait3A_1840 = tpu.memref_slice %arg6[%add3A_566, %dma_wait3A_1838, %dma_wait3A_1839] : memref<4096x128x128xf16, #tpu.memory_space<hbm>> -> memref<4x128x128xf16, #tpu.memory_space<hbm>>
    tpu.wait_dma2 semaphore(%arg14 : memref<!tpu.dma_semaphore, #tpu.memory_space<semaphore_mem>>) src(%arg8 : memref<4x128x128xf16, #tpu.memory_space<vmem>>) dst(%dma_wait3A_1840 : memref<4x128x128xf16, #tpu.memory_space<hbm>>)
    %dma_start3A_1841 = arith.constant 0 : i32
    %dma_start3A_1842 = arith.constant 0 : i32
    %dma_start3A_1843 = tpu.memref_slice %arg5[%add3A_574, %dma_start3A_1841, %dma_start3A_1842] : memref<4096x128x128xf16, #tpu.memory_space<hbm>> -> memref<4x128x128xf16, #tpu.memory_space<hbm>>
    %dma_start3A_1844 = arith.constant 0 : i32
    %dma_start3A_1845 = arith.constant 0 : i32
    %dma_start3A_1846 = tpu.memref_slice %arg5[%add3A_574, %dma_start3A_1844, %dma_start3A_1845] : memref<4096x128x128xf16, #tpu.memory_space<hbm>> -> memref<4x128x128xf16, #tpu.memory_space<hbm>>
    tpu.enqueue_dma source(%dma_start3A_1846 : memref<4x128x128xf16, #tpu.memory_space<hbm>>) target(%arg8 : memref<4x128x128xf16, #tpu.memory_space<vmem>>) target_semaphore(%arg11 : memref<!tpu.dma_semaphore, #tpu.memory_space<semaphore_mem>>)
    %dma_wait3A_1847 = arith.constant 0 : i32
    %dma_wait3A_1848 = arith.constant 0 : i32
    %dma_wait3A_1849 = tpu.memref_slice %arg5[%add3A_566, %dma_wait3A_1847, %dma_wait3A_1848] : memref<4096x128x128xf16, #tpu.memory_space<hbm>> -> memref<4x128x128xf16, #tpu.memory_space<hbm>>
    %dma_wait3A_1850 = arith.constant 0 : i32
    %dma_wait3A_1851 = arith.constant 0 : i32
    %dma_wait3A_1852 = tpu.memref_slice %arg5[%add3A_566, %dma_wait3A_1850, %dma_wait3A_1851] : memref<4096x128x128xf16, #tpu.memory_space<hbm>> -> memref<4x128x128xf16, #tpu.memory_space<hbm>>
    tpu.wait_dma2 semaphore(%arg12 : memref<!tpu.dma_semaphore, #tpu.memory_space<semaphore_mem>>) src(%dma_wait3A_1852 : memref<4x128x128xf16, #tpu.memory_space<hbm>>) dst(%arg9 : memref<4x128x128xf16, #tpu.memory_space<vmem>>)
    %dma_start3A_1853 = arith.constant 0 : i32
    %dma_start3A_1854 = arith.constant 0 : i32
    %dma_start3A_1855 = tpu.memref_slice %arg7[%add3A_566, %dma_start3A_1853, %dma_start3A_1854] : memref<4096x128x128xf16, #tpu.memory_space<hbm>> -> memref<4x128x128xf16, #tpu.memory_space<hbm>>
    %dma_start3A_1856 = arith.constant 0 : i32
    %dma_start3A_1857 = arith.constant 0 : i32
    %dma_start3A_1858 = tpu.memref_slice %arg7[%add3A_566, %dma_start3A_1856, %dma_start3A_1857] : memref<4096x128x128xf16, #tpu.memory_space<hbm>> -> memref<4x128x128xf16, #tpu.memory_space<hbm>>
    tpu.enqueue_dma source(%arg9 : memref<4x128x128xf16, #tpu.memory_space<vmem>>) target(%dma_start3A_1858 : memref<4x128x128xf16, #tpu.memory_space<hbm>>) target_semaphore(%arg15 : memref<!tpu.dma_semaphore, #tpu.memory_space<semaphore_mem>>)
    %dma_wait3A_1859 = arith.constant 0 : i32
    %dma_wait3A_1860 = arith.constant 0 : i32
    %dma_wait3A_1861 = tpu.memref_slice %arg7[%add3A_566, %dma_wait3A_1859, %dma_wait3A_1860] : memref<4096x128x128xf16, #tpu.memory_space<hbm>> -> memref<4x128x128xf16, #tpu.memory_space<hbm>>
    %dma_wait3A_1862 = arith.constant 0 : i32
    %dma_wait3A_1863 = arith.constant 0 : i32
    %dma_wait3A_1864 = tpu.memref_slice %arg7[%add3A_566, %dma_wait3A_1862, %dma_wait3A_1863] : memref<4096x128x128xf16, #tpu.memory_space<hbm>> -> memref<4x128x128xf16, #tpu.memory_space<hbm>>
    tpu.wait_dma2 semaphore(%arg15 : memref<!tpu.dma_semaphore, #tpu.memory_space<semaphore_mem>>) src(%arg9 : memref<4x128x128xf16, #tpu.memory_space<vmem>>) dst(%dma_wait3A_1864 : memref<4x128x128xf16, #tpu.memory_space<hbm>>)
    %dma_start3A_1865 = arith.constant 0 : i32
    %dma_start3A_1866 = arith.constant 0 : i32
    %dma_start3A_1867 = tpu.memref_slice %arg4[%add3A_582, %dma_start3A_1865, %dma_start3A_1866] : memref<4096x128x128xf16, #tpu.memory_space<hbm>> -> memref<4x128x128xf16, #tpu.memory_space<hbm>>
    %dma_start3A_1868 = arith.constant 0 : i32
    %dma_start3A_1869 = arith.constant 0 : i32
    %dma_start3A_1870 = tpu.memref_slice %arg4[%add3A_582, %dma_start3A_1868, %dma_start3A_1869] : memref<4096x128x128xf16, #tpu.memory_space<hbm>> -> memref<4x128x128xf16, #tpu.memory_space<hbm>>
    tpu.enqueue_dma source(%dma_start3A_1870 : memref<4x128x128xf16, #tpu.memory_space<hbm>>) target(%arg9 : memref<4x128x128xf16, #tpu.memory_space<vmem>>) target_semaphore(%arg12 : memref<!tpu.dma_semaphore, #tpu.memory_space<semaphore_mem>>)
    %dma_wait3A_1871 = arith.constant 0 : i32
    %dma_wait3A_1872 = arith.constant 0 : i32
    %dma_wait3A_1873 = tpu.memref_slice %arg4[%add3A_574, %dma_wait3A_1871, %dma_wait3A_1872] : memref<4096x128x128xf16, #tpu.memory_space<hbm>> -> memref<4x128x128xf16, #tpu.memory_space<hbm>>
    %dma_wait3A_1874 = arith.constant 0 : i32
    %dma_wait3A_1875 = arith.constant 0 : i32
    %dma_wait3A_1876 = tpu.memref_slice %arg4[%add3A_574, %dma_wait3A_1874, %dma_wait3A_1875] : memref<4096x128x128xf16, #tpu.memory_space<hbm>> -> memref<4x128x128xf16, #tpu.memory_space<hbm>>
    tpu.wait_dma2 semaphore(%arg13 : memref<!tpu.dma_semaphore, #tpu.memory_space<semaphore_mem>>) src(%dma_wait3A_1876 : memref<4x128x128xf16, #tpu.memory_space<hbm>>) dst(%arg10 : memref<4x128x128xf16, #tpu.memory_space<vmem>>)
    %dma_start3A_1877 = arith.constant 0 : i32
    %dma_start3A_1878 = arith.constant 0 : i32
    %dma_start3A_1879 = tpu.memref_slice %arg6[%add3A_574, %dma_start3A_1877, %dma_start3A_1878] : memref<4096x128x128xf16, #tpu.memory_space<hbm>> -> memref<4x128x128xf16, #tpu.memory_space<hbm>>
    %dma_start3A_1880 = arith.constant 0 : i32
    %dma_start3A_1881 = arith.constant 0 : i32
    %dma_start3A_1882 = tpu.memref_slice %arg6[%add3A_574, %dma_start3A_1880, %dma_start3A_1881] : memref<4096x128x128xf16, #tpu.memory_space<hbm>> -> memref<4x128x128xf16, #tpu.memory_space<hbm>>
    tpu.enqueue_dma source(%arg10 : memref<4x128x128xf16, #tpu.memory_space<vmem>>) target(%dma_start3A_1882 : memref<4x128x128xf16, #tpu.memory_space<hbm>>) target_semaphore(%arg16 : memref<!tpu.dma_semaphore, #tpu.memory_space<semaphore_mem>>)
    %dma_wait3A_1883 = arith.constant 0 : i32
    %dma_wait3A_1884 = arith.constant 0 : i32
    %dma_wait3A_1885 = tpu.memref_slice %arg6[%add3A_574, %dma_wait3A_1883, %dma_wait3A_1884] : memref<4096x128x128xf16, #tpu.memory_space<hbm>> -> memref<4x128x128xf16, #tpu.memory_space<hbm>>
    %dma_wait3A_1886 = arith.constant 0 : i32
    %dma_wait3A_1887 = arith.constant 0 : i32
    %dma_wait3A_1888 = tpu.memref_slice %arg6[%add3A_574, %dma_wait3A_1886, %dma_wait3A_1887] : memref<4096x128x128xf16, #tpu.memory_space<hbm>> -> memref<4x128x128xf16, #tpu.memory_space<hbm>>
    tpu.wait_dma2 semaphore(%arg16 : memref<!tpu.dma_semaphore, #tpu.memory_space<semaphore_mem>>) src(%arg10 : memref<4x128x128xf16, #tpu.memory_space<vmem>>) dst(%dma_wait3A_1888 : memref<4x128x128xf16, #tpu.memory_space<hbm>>)
    %dma_start3A_1889 = arith.constant 0 : i32
    %dma_start3A_1890 = arith.constant 0 : i32
    %dma_start3A_1891 = tpu.memref_slice %arg5[%add3A_582, %dma_start3A_1889, %dma_start3A_1890] : memref<4096x128x128xf16, #tpu.memory_space<hbm>> -> memref<4x128x128xf16, #tpu.memory_space<hbm>>
    %dma_start3A_1892 = arith.constant 0 : i32
    %dma_start3A_1893 = arith.constant 0 : i32
    %dma_start3A_1894 = tpu.memref_slice %arg5[%add3A_582, %dma_start3A_1892, %dma_start3A_1893] : memref<4096x128x128xf16, #tpu.memory_space<hbm>> -> memref<4x128x128xf16, #tpu.memory_space<hbm>>
    tpu.enqueue_dma source(%dma_start3A_1894 : memref<4x128x128xf16, #tpu.memory_space<hbm>>) target(%arg10 : memref<4x128x128xf16, #tpu.memory_space<vmem>>) target_semaphore(%arg13 : memref<!tpu.dma_semaphore, #tpu.memory_space<semaphore_mem>>)
    %dma_wait3A_1895 = arith.constant 0 : i32
    %dma_wait3A_1896 = arith.constant 0 : i32
    %dma_wait3A_1897 = tpu.memref_slice %arg5[%add3A_574, %dma_wait3A_1895, %dma_wait3A_1896] : memref<4096x128x128xf16, #tpu.memory_space<hbm>> -> memref<4x128x128xf16, #tpu.memory_space<hbm>>
    %dma_wait3A_1898 = arith.constant 0 : i32
    %dma_wait3A_1899 = arith.constant 0 : i32
    %dma_wait3A_1900 = tpu.memref_slice %arg5[%add3A_574, %dma_wait3A_1898, %dma_wait3A_1899] : memref<4096x128x128xf16, #tpu.memory_space<hbm>> -> memref<4x128x128xf16, #tpu.memory_space<hbm>>
    tpu.wait_dma2 semaphore(%arg11 : memref<!tpu.dma_semaphore, #tpu.memory_space<semaphore_mem>>) src(%dma_wait3A_1900 : memref<4x128x128xf16, #tpu.memory_space<hbm>>) dst(%arg8 : memref<4x128x128xf16, #tpu.memory_space<vmem>>)
    %dma_start3A_1901 = arith.constant 0 : i32
    %dma_start3A_1902 = arith.constant 0 : i32
    %dma_start3A_1903 = tpu.memref_slice %arg7[%add3A_574, %dma_start3A_1901, %dma_start3A_1902] : memref<4096x128x128xf16, #tpu.memory_space<hbm>> -> memref<4x128x128xf16, #tpu.memory_space<hbm>>
    %dma_start3A_1904 = arith.constant 0 : i32
    %dma_start3A_1905 = arith.constant 0 : i32
    %dma_start3A_1906 = tpu.memref_slice %arg7[%add3A_574, %dma_start3A_1904, %dma_start3A_1905] : memref<4096x128x128xf16, #tpu.memory_space<hbm>> -> memref<4x128x128xf16, #tpu.memory_space<hbm>>
    tpu.enqueue_dma source(%arg8 : memref<4x128x128xf16, #tpu.memory_space<vmem>>) target(%dma_start3A_1906 : memref<4x128x128xf16, #tpu.memory_space<hbm>>) target_semaphore(%arg14 : memref<!tpu.dma_semaphore, #tpu.memory_space<semaphore_mem>>)
    %dma_wait3A_1907 = arith.constant 0 : i32
    %dma_wait3A_1908 = arith.constant 0 : i32
    %dma_wait3A_1909 = tpu.memref_slice %arg7[%add3A_574, %dma_wait3A_1907, %dma_wait3A_1908] : memref<4096x128x128xf16, #tpu.memory_space<hbm>> -> memref<4x128x128xf16, #tpu.memory_space<hbm>>
    %dma_wait3A_1910 = arith.constant 0 : i32
    %dma_wait3A_1911 = arith.constant 0 : i32
    %dma_wait3A_1912 = tpu.memref_slice %arg7[%add3A_574, %dma_wait3A_1910, %dma_wait3A_1911] : memref<4096x128x128xf16, #tpu.memory_space<hbm>> -> memref<4x128x128xf16, #tpu.memory_space<hbm>>
    tpu.wait_dma2 semaphore(%arg14 : memref<!tpu.dma_semaphore, #tpu.memory_space<semaphore_mem>>) src(%arg8 : memref<4x128x128xf16, #tpu.memory_space<vmem>>) dst(%dma_wait3A_1912 : memref<4x128x128xf16, #tpu.memory_space<hbm>>)
    %dma_start3A_1913 = arith.constant 0 : i32
    %dma_start3A_1914 = arith.constant 0 : i32
    %dma_start3A_1915 = tpu.memref_slice %arg4[%add3A_590, %dma_start3A_1913, %dma_start3A_1914] : memref<4096x128x128xf16, #tpu.memory_space<hbm>> -> memref<4x128x128xf16, #tpu.memory_space<hbm>>
    %dma_start3A_1916 = arith.constant 0 : i32
    %dma_start3A_1917 = arith.constant 0 : i32
    %dma_start3A_1918 = tpu.memref_slice %arg4[%add3A_590, %dma_start3A_1916, %dma_start3A_1917] : memref<4096x128x128xf16, #tpu.memory_space<hbm>> -> memref<4x128x128xf16, #tpu.memory_space<hbm>>
    tpu.enqueue_dma source(%dma_start3A_1918 : memref<4x128x128xf16, #tpu.memory_space<hbm>>) target(%arg8 : memref<4x128x128xf16, #tpu.memory_space<vmem>>) target_semaphore(%arg11 : memref<!tpu.dma_semaphore, #tpu.memory_space<semaphore_mem>>)
    %dma_wait3A_1919 = arith.constant 0 : i32
    %dma_wait3A_1920 = arith.constant 0 : i32
    %dma_wait3A_1921 = tpu.memref_slice %arg4[%add3A_582, %dma_wait3A_1919, %dma_wait3A_1920] : memref<4096x128x128xf16, #tpu.memory_space<hbm>> -> memref<4x128x128xf16, #tpu.memory_space<hbm>>
    %dma_wait3A_1922 = arith.constant 0 : i32
    %dma_wait3A_1923 = arith.constant 0 : i32
    %dma_wait3A_1924 = tpu.memref_slice %arg4[%add3A_582, %dma_wait3A_1922, %dma_wait3A_1923] : memref<4096x128x128xf16, #tpu.memory_space<hbm>> -> memref<4x128x128xf16, #tpu.memory_space<hbm>>
    tpu.wait_dma2 semaphore(%arg12 : memref<!tpu.dma_semaphore, #tpu.memory_space<semaphore_mem>>) src(%dma_wait3A_1924 : memref<4x128x128xf16, #tpu.memory_space<hbm>>) dst(%arg9 : memref<4x128x128xf16, #tpu.memory_space<vmem>>)
    %dma_start3A_1925 = arith.constant 0 : i32
    %dma_start3A_1926 = arith.constant 0 : i32
    %dma_start3A_1927 = tpu.memref_slice %arg6[%add3A_582, %dma_start3A_1925, %dma_start3A_1926] : memref<4096x128x128xf16, #tpu.memory_space<hbm>> -> memref<4x128x128xf16, #tpu.memory_space<hbm>>
    %dma_start3A_1928 = arith.constant 0 : i32
    %dma_start3A_1929 = arith.constant 0 : i32
    %dma_start3A_1930 = tpu.memref_slice %arg6[%add3A_582, %dma_start3A_1928, %dma_start3A_1929] : memref<4096x128x128xf16, #tpu.memory_space<hbm>> -> memref<4x128x128xf16, #tpu.memory_space<hbm>>
    tpu.enqueue_dma source(%arg9 : memref<4x128x128xf16, #tpu.memory_space<vmem>>) target(%dma_start3A_1930 : memref<4x128x128xf16, #tpu.memory_space<hbm>>) target_semaphore(%arg15 : memref<!tpu.dma_semaphore, #tpu.memory_space<semaphore_mem>>)
    %dma_wait3A_1931 = arith.constant 0 : i32
    %dma_wait3A_1932 = arith.constant 0 : i32
    %dma_wait3A_1933 = tpu.memref_slice %arg6[%add3A_582, %dma_wait3A_1931, %dma_wait3A_1932] : memref<4096x128x128xf16, #tpu.memory_space<hbm>> -> memref<4x128x128xf16, #tpu.memory_space<hbm>>
    %dma_wait3A_1934 = arith.constant 0 : i32
    %dma_wait3A_1935 = arith.constant 0 : i32
    %dma_wait3A_1936 = tpu.memref_slice %arg6[%add3A_582, %dma_wait3A_1934, %dma_wait3A_1935] : memref<4096x128x128xf16, #tpu.memory_space<hbm>> -> memref<4x128x128xf16, #tpu.memory_space<hbm>>
    tpu.wait_dma2 semaphore(%arg15 : memref<!tpu.dma_semaphore, #tpu.memory_space<semaphore_mem>>) src(%arg9 : memref<4x128x128xf16, #tpu.memory_space<vmem>>) dst(%dma_wait3A_1936 : memref<4x128x128xf16, #tpu.memory_space<hbm>>)
    %dma_start3A_1937 = arith.constant 0 : i32
    %dma_start3A_1938 = arith.constant 0 : i32
    %dma_start3A_1939 = tpu.memref_slice %arg5[%add3A_590, %dma_start3A_1937, %dma_start3A_1938] : memref<4096x128x128xf16, #tpu.memory_space<hbm>> -> memref<4x128x128xf16, #tpu.memory_space<hbm>>
    %dma_start3A_1940 = arith.constant 0 : i32
    %dma_start3A_1941 = arith.constant 0 : i32
    %dma_start3A_1942 = tpu.memref_slice %arg5[%add3A_590, %dma_start3A_1940, %dma_start3A_1941] : memref<4096x128x128xf16, #tpu.memory_space<hbm>> -> memref<4x128x128xf16, #tpu.memory_space<hbm>>
    tpu.enqueue_dma source(%dma_start3A_1942 : memref<4x128x128xf16, #tpu.memory_space<hbm>>) target(%arg9 : memref<4x128x128xf16, #tpu.memory_space<vmem>>) target_semaphore(%arg12 : memref<!tpu.dma_semaphore, #tpu.memory_space<semaphore_mem>>)
    %dma_wait3A_1943 = arith.constant 0 : i32
    %dma_wait3A_1944 = arith.constant 0 : i32
    %dma_wait3A_1945 = tpu.memref_slice %arg5[%add3A_582, %dma_wait3A_1943, %dma_wait3A_1944] : memref<4096x128x128xf16, #tpu.memory_space<hbm>> -> memref<4x128x128xf16, #tpu.memory_space<hbm>>
    %dma_wait3A_1946 = arith.constant 0 : i32
    %dma_wait3A_1947 = arith.constant 0 : i32
    %dma_wait3A_1948 = tpu.memref_slice %arg5[%add3A_582, %dma_wait3A_1946, %dma_wait3A_1947] : memref<4096x128x128xf16, #tpu.memory_space<hbm>> -> memref<4x128x128xf16, #tpu.memory_space<hbm>>
    tpu.wait_dma2 semaphore(%arg13 : memref<!tpu.dma_semaphore, #tpu.memory_space<semaphore_mem>>) src(%dma_wait3A_1948 : memref<4x128x128xf16, #tpu.memory_space<hbm>>) dst(%arg10 : memref<4x128x128xf16, #tpu.memory_space<vmem>>)
    %dma_start3A_1949 = arith.constant 0 : i32
    %dma_start3A_1950 = arith.constant 0 : i32
    %dma_start3A_1951 = tpu.memref_slice %arg7[%add3A_582, %dma_start3A_1949, %dma_start3A_1950] : memref<4096x128x128xf16, #tpu.memory_space<hbm>> -> memref<4x128x128xf16, #tpu.memory_space<hbm>>
    %dma_start3A_1952 = arith.constant 0 : i32
    %dma_start3A_1953 = arith.constant 0 : i32
    %dma_start3A_1954 = tpu.memref_slice %arg7[%add3A_582, %dma_start3A_1952, %dma_start3A_1953] : memref<4096x128x128xf16, #tpu.memory_space<hbm>> -> memref<4x128x128xf16, #tpu.memory_space<hbm>>
    tpu.enqueue_dma source(%arg10 : memref<4x128x128xf16, #tpu.memory_space<vmem>>) target(%dma_start3A_1954 : memref<4x128x128xf16, #tpu.memory_space<hbm>>) target_semaphore(%arg16 : memref<!tpu.dma_semaphore, #tpu.memory_space<semaphore_mem>>)
    %dma_wait3A_1955 = arith.constant 0 : i32
    %dma_wait3A_1956 = arith.constant 0 : i32
    %dma_wait3A_1957 = tpu.memref_slice %arg7[%add3A_582, %dma_wait3A_1955, %dma_wait3A_1956] : memref<4096x128x128xf16, #tpu.memory_space<hbm>> -> memref<4x128x128xf16, #tpu.memory_space<hbm>>
    %dma_wait3A_1958 = arith.constant 0 : i32
    %dma_wait3A_1959 = arith.constant 0 : i32
    %dma_wait3A_1960 = tpu.memref_slice %arg7[%add3A_582, %dma_wait3A_1958, %dma_wait3A_1959] : memref<4096x128x128xf16, #tpu.memory_space<hbm>> -> memref<4x128x128xf16, #tpu.memory_space<hbm>>
    tpu.wait_dma2 semaphore(%arg16 : memref<!tpu.dma_semaphore, #tpu.memory_space<semaphore_mem>>) src(%arg10 : memref<4x128x128xf16, #tpu.memory_space<vmem>>) dst(%dma_wait3A_1960 : memref<4x128x128xf16, #tpu.memory_space<hbm>>)
    %dma_start3A_1961 = arith.constant 0 : i32
    %dma_start3A_1962 = arith.constant 0 : i32
    %dma_start3A_1963 = tpu.memref_slice %arg4[%add3A_598, %dma_start3A_1961, %dma_start3A_1962] : memref<4096x128x128xf16, #tpu.memory_space<hbm>> -> memref<4x128x128xf16, #tpu.memory_space<hbm>>
    %dma_start3A_1964 = arith.constant 0 : i32
    %dma_start3A_1965 = arith.constant 0 : i32
    %dma_start3A_1966 = tpu.memref_slice %arg4[%add3A_598, %dma_start3A_1964, %dma_start3A_1965] : memref<4096x128x128xf16, #tpu.memory_space<hbm>> -> memref<4x128x128xf16, #tpu.memory_space<hbm>>
    tpu.enqueue_dma source(%dma_start3A_1966 : memref<4x128x128xf16, #tpu.memory_space<hbm>>) target(%arg10 : memref<4x128x128xf16, #tpu.memory_space<vmem>>) target_semaphore(%arg13 : memref<!tpu.dma_semaphore, #tpu.memory_space<semaphore_mem>>)
    %dma_wait3A_1967 = arith.constant 0 : i32
    %dma_wait3A_1968 = arith.constant 0 : i32
    %dma_wait3A_1969 = tpu.memref_slice %arg4[%add3A_590, %dma_wait3A_1967, %dma_wait3A_1968] : memref<4096x128x128xf16, #tpu.memory_space<hbm>> -> memref<4x128x128xf16, #tpu.memory_space<hbm>>
    %dma_wait3A_1970 = arith.constant 0 : i32
    %dma_wait3A_1971 = arith.constant 0 : i32
    %dma_wait3A_1972 = tpu.memref_slice %arg4[%add3A_590, %dma_wait3A_1970, %dma_wait3A_1971] : memref<4096x128x128xf16, #tpu.memory_space<hbm>> -> memref<4x128x128xf16, #tpu.memory_space<hbm>>
    tpu.wait_dma2 semaphore(%arg11 : memref<!tpu.dma_semaphore, #tpu.memory_space<semaphore_mem>>) src(%dma_wait3A_1972 : memref<4x128x128xf16, #tpu.memory_space<hbm>>) dst(%arg8 : memref<4x128x128xf16, #tpu.memory_space<vmem>>)
    %dma_start3A_1973 = arith.constant 0 : i32
    %dma_start3A_1974 = arith.constant 0 : i32
    %dma_start3A_1975 = tpu.memref_slice %arg6[%add3A_590, %dma_start3A_1973, %dma_start3A_1974] : memref<4096x128x128xf16, #tpu.memory_space<hbm>> -> memref<4x128x128xf16, #tpu.memory_space<hbm>>
    %dma_start3A_1976 = arith.constant 0 : i32
    %dma_start3A_1977 = arith.constant 0 : i32
    %dma_start3A_1978 = tpu.memref_slice %arg6[%add3A_590, %dma_start3A_1976, %dma_start3A_1977] : memref<4096x128x128xf16, #tpu.memory_space<hbm>> -> memref<4x128x128xf16, #tpu.memory_space<hbm>>
    tpu.enqueue_dma source(%arg8 : memref<4x128x128xf16, #tpu.memory_space<vmem>>) target(%dma_start3A_1978 : memref<4x128x128xf16, #tpu.memory_space<hbm>>) target_semaphore(%arg14 : memref<!tpu.dma_semaphore, #tpu.memory_space<semaphore_mem>>)
    %dma_wait3A_1979 = arith.constant 0 : i32
    %dma_wait3A_1980 = arith.constant 0 : i32
    %dma_wait3A_1981 = tpu.memref_slice %arg6[%add3A_590, %dma_wait3A_1979, %dma_wait3A_1980] : memref<4096x128x128xf16, #tpu.memory_space<hbm>> -> memref<4x128x128xf16, #tpu.memory_space<hbm>>
    %dma_wait3A_1982 = arith.constant 0 : i32
    %dma_wait3A_1983 = arith.constant 0 : i32
    %dma_wait3A_1984 = tpu.memref_slice %arg6[%add3A_590, %dma_wait3A_1982, %dma_wait3A_1983] : memref<4096x128x128xf16, #tpu.memory_space<hbm>> -> memref<4x128x128xf16, #tpu.memory_space<hbm>>
    tpu.wait_dma2 semaphore(%arg14 : memref<!tpu.dma_semaphore, #tpu.memory_space<semaphore_mem>>) src(%arg8 : memref<4x128x128xf16, #tpu.memory_space<vmem>>) dst(%dma_wait3A_1984 : memref<4x128x128xf16, #tpu.memory_space<hbm>>)
    %dma_start3A_1985 = arith.constant 0 : i32
    %dma_start3A_1986 = arith.constant 0 : i32
    %dma_start3A_1987 = tpu.memref_slice %arg5[%add3A_598, %dma_start3A_1985, %dma_start3A_1986] : memref<4096x128x128xf16, #tpu.memory_space<hbm>> -> memref<4x128x128xf16, #tpu.memory_space<hbm>>
    %dma_start3A_1988 = arith.constant 0 : i32
    %dma_start3A_1989 = arith.constant 0 : i32
    %dma_start3A_1990 = tpu.memref_slice %arg5[%add3A_598, %dma_start3A_1988, %dma_start3A_1989] : memref<4096x128x128xf16, #tpu.memory_space<hbm>> -> memref<4x128x128xf16, #tpu.memory_space<hbm>>
    tpu.enqueue_dma source(%dma_start3A_1990 : memref<4x128x128xf16, #tpu.memory_space<hbm>>) target(%arg8 : memref<4x128x128xf16, #tpu.memory_space<vmem>>) target_semaphore(%arg11 : memref<!tpu.dma_semaphore, #tpu.memory_space<semaphore_mem>>)
    %dma_wait3A_1991 = arith.constant 0 : i32
    %dma_wait3A_1992 = arith.constant 0 : i32
    %dma_wait3A_1993 = tpu.memref_slice %arg5[%add3A_590, %dma_wait3A_1991, %dma_wait3A_1992] : memref<4096x128x128xf16, #tpu.memory_space<hbm>> -> memref<4x128x128xf16, #tpu.memory_space<hbm>>
    %dma_wait3A_1994 = arith.constant 0 : i32
    %dma_wait3A_1995 = arith.constant 0 : i32
    %dma_wait3A_1996 = tpu.memref_slice %arg5[%add3A_590, %dma_wait3A_1994, %dma_wait3A_1995] : memref<4096x128x128xf16, #tpu.memory_space<hbm>> -> memref<4x128x128xf16, #tpu.memory_space<hbm>>
    tpu.wait_dma2 semaphore(%arg12 : memref<!tpu.dma_semaphore, #tpu.memory_space<semaphore_mem>>) src(%dma_wait3A_1996 : memref<4x128x128xf16, #tpu.memory_space<hbm>>) dst(%arg9 : memref<4x128x128xf16, #tpu.memory_space<vmem>>)
    %dma_start3A_1997 = arith.constant 0 : i32
    %dma_start3A_1998 = arith.constant 0 : i32
    %dma_start3A_1999 = tpu.memref_slice %arg7[%add3A_590, %dma_start3A_1997, %dma_start3A_1998] : memref<4096x128x128xf16, #tpu.memory_space<hbm>> -> memref<4x128x128xf16, #tpu.memory_space<hbm>>
    %dma_start3A_2000 = arith.constant 0 : i32
    %dma_start3A_2001 = arith.constant 0 : i32
    %dma_start3A_2002 = tpu.memref_slice %arg7[%add3A_590, %dma_start3A_2000, %dma_start3A_2001] : memref<4096x128x128xf16, #tpu.memory_space<hbm>> -> memref<4x128x128xf16, #tpu.memory_space<hbm>>
    tpu.enqueue_dma source(%arg9 : memref<4x128x128xf16, #tpu.memory_space<vmem>>) target(%dma_start3A_2002 : memref<4x128x128xf16, #tpu.memory_space<hbm>>) target_semaphore(%arg15 : memref<!tpu.dma_semaphore, #tpu.memory_space<semaphore_mem>>)
    %dma_wait3A_2003 = arith.constant 0 : i32
    %dma_wait3A_2004 = arith.constant 0 : i32
    %dma_wait3A_2005 = tpu.memref_slice %arg7[%add3A_590, %dma_wait3A_2003, %dma_wait3A_2004] : memref<4096x128x128xf16, #tpu.memory_space<hbm>> -> memref<4x128x128xf16, #tpu.memory_space<hbm>>
    %dma_wait3A_2006 = arith.constant 0 : i32
    %dma_wait3A_2007 = arith.constant 0 : i32
    %dma_wait3A_2008 = tpu.memref_slice %arg7[%add3A_590, %dma_wait3A_2006, %dma_wait3A_2007] : memref<4096x128x128xf16, #tpu.memory_space<hbm>> -> memref<4x128x128xf16, #tpu.memory_space<hbm>>
    tpu.wait_dma2 semaphore(%arg15 : memref<!tpu.dma_semaphore, #tpu.memory_space<semaphore_mem>>) src(%arg9 : memref<4x128x128xf16, #tpu.memory_space<vmem>>) dst(%dma_wait3A_2008 : memref<4x128x128xf16, #tpu.memory_space<hbm>>)
    %dma_start3A_2009 = arith.constant 0 : i32
    %dma_start3A_2010 = arith.constant 0 : i32
    %dma_start3A_2011 = tpu.memref_slice %arg4[%add3A_606, %dma_start3A_2009, %dma_start3A_2010] : memref<4096x128x128xf16, #tpu.memory_space<hbm>> -> memref<4x128x128xf16, #tpu.memory_space<hbm>>
    %dma_start3A_2012 = arith.constant 0 : i32
    %dma_start3A_2013 = arith.constant 0 : i32
    %dma_start3A_2014 = tpu.memref_slice %arg4[%add3A_606, %dma_start3A_2012, %dma_start3A_2013] : memref<4096x128x128xf16, #tpu.memory_space<hbm>> -> memref<4x128x128xf16, #tpu.memory_space<hbm>>
    tpu.enqueue_dma source(%dma_start3A_2014 : memref<4x128x128xf16, #tpu.memory_space<hbm>>) target(%arg9 : memref<4x128x128xf16, #tpu.memory_space<vmem>>) target_semaphore(%arg12 : memref<!tpu.dma_semaphore, #tpu.memory_space<semaphore_mem>>)
    %dma_wait3A_2015 = arith.constant 0 : i32
    %dma_wait3A_2016 = arith.constant 0 : i32
    %dma_wait3A_2017 = tpu.memref_slice %arg4[%add3A_598, %dma_wait3A_2015, %dma_wait3A_2016] : memref<4096x128x128xf16, #tpu.memory_space<hbm>> -> memref<4x128x128xf16, #tpu.memory_space<hbm>>
    %dma_wait3A_2018 = arith.constant 0 : i32
    %dma_wait3A_2019 = arith.constant 0 : i32
    %dma_wait3A_2020 = tpu.memref_slice %arg4[%add3A_598, %dma_wait3A_2018, %dma_wait3A_2019] : memref<4096x128x128xf16, #tpu.memory_space<hbm>> -> memref<4x128x128xf16, #tpu.memory_space<hbm>>
    tpu.wait_dma2 semaphore(%arg13 : memref<!tpu.dma_semaphore, #tpu.memory_space<semaphore_mem>>) src(%dma_wait3A_2020 : memref<4x128x128xf16, #tpu.memory_space<hbm>>) dst(%arg10 : memref<4x128x128xf16, #tpu.memory_space<vmem>>)
    %dma_start3A_2021 = arith.constant 0 : i32
    %dma_start3A_2022 = arith.constant 0 : i32
    %dma_start3A_2023 = tpu.memref_slice %arg6[%add3A_598, %dma_start3A_2021, %dma_start3A_2022] : memref<4096x128x128xf16, #tpu.memory_space<hbm>> -> memref<4x128x128xf16, #tpu.memory_space<hbm>>
    %dma_start3A_2024 = arith.constant 0 : i32
    %dma_start3A_2025 = arith.constant 0 : i32
    %dma_start3A_2026 = tpu.memref_slice %arg6[%add3A_598, %dma_start3A_2024, %dma_start3A_2025] : memref<4096x128x128xf16, #tpu.memory_space<hbm>> -> memref<4x128x128xf16, #tpu.memory_space<hbm>>
    tpu.enqueue_dma source(%arg10 : memref<4x128x128xf16, #tpu.memory_space<vmem>>) target(%dma_start3A_2026 : memref<4x128x128xf16, #tpu.memory_space<hbm>>) target_semaphore(%arg16 : memref<!tpu.dma_semaphore, #tpu.memory_space<semaphore_mem>>)
    %dma_wait3A_2027 = arith.constant 0 : i32
    %dma_wait3A_2028 = arith.constant 0 : i32
    %dma_wait3A_2029 = tpu.memref_slice %arg6[%add3A_598, %dma_wait3A_2027, %dma_wait3A_2028] : memref<4096x128x128xf16, #tpu.memory_space<hbm>> -> memref<4x128x128xf16, #tpu.memory_space<hbm>>
    %dma_wait3A_2030 = arith.constant 0 : i32
    %dma_wait3A_2031 = arith.constant 0 : i32
    %dma_wait3A_2032 = tpu.memref_slice %arg6[%add3A_598, %dma_wait3A_2030, %dma_wait3A_2031] : memref<4096x128x128xf16, #tpu.memory_space<hbm>> -> memref<4x128x128xf16, #tpu.memory_space<hbm>>
    tpu.wait_dma2 semaphore(%arg16 : memref<!tpu.dma_semaphore, #tpu.memory_space<semaphore_mem>>) src(%arg10 : memref<4x128x128xf16, #tpu.memory_space<vmem>>) dst(%dma_wait3A_2032 : memref<4x128x128xf16, #tpu.memory_space<hbm>>)
    %dma_start3A_2033 = arith.constant 0 : i32
    %dma_start3A_2034 = arith.constant 0 : i32
    %dma_start3A_2035 = tpu.memref_slice %arg5[%add3A_606, %dma_start3A_2033, %dma_start3A_2034] : memref<4096x128x128xf16, #tpu.memory_space<hbm>> -> memref<4x128x128xf16, #tpu.memory_space<hbm>>
    %dma_start3A_2036 = arith.constant 0 : i32
    %dma_start3A_2037 = arith.constant 0 : i32
    %dma_start3A_2038 = tpu.memref_slice %arg5[%add3A_606, %dma_start3A_2036, %dma_start3A_2037] : memref<4096x128x128xf16, #tpu.memory_space<hbm>> -> memref<4x128x128xf16, #tpu.memory_space<hbm>>
    tpu.enqueue_dma source(%dma_start3A_2038 : memref<4x128x128xf16, #tpu.memory_space<hbm>>) target(%arg10 : memref<4x128x128xf16, #tpu.memory_space<vmem>>) target_semaphore(%arg13 : memref<!tpu.dma_semaphore, #tpu.memory_space<semaphore_mem>>)
    %dma_wait3A_2039 = arith.constant 0 : i32
    %dma_wait3A_2040 = arith.constant 0 : i32
    %dma_wait3A_2041 = tpu.memref_slice %arg5[%add3A_598, %dma_wait3A_2039, %dma_wait3A_2040] : memref<4096x128x128xf16, #tpu.memory_space<hbm>> -> memref<4x128x128xf16, #tpu.memory_space<hbm>>
    %dma_wait3A_2042 = arith.constant 0 : i32
    %dma_wait3A_2043 = arith.constant 0 : i32
    %dma_wait3A_2044 = tpu.memref_slice %arg5[%add3A_598, %dma_wait3A_2042, %dma_wait3A_2043] : memref<4096x128x128xf16, #tpu.memory_space<hbm>> -> memref<4x128x128xf16, #tpu.memory_space<hbm>>
    tpu.wait_dma2 semaphore(%arg11 : memref<!tpu.dma_semaphore, #tpu.memory_space<semaphore_mem>>) src(%dma_wait3A_2044 : memref<4x128x128xf16, #tpu.memory_space<hbm>>) dst(%arg8 : memref<4x128x128xf16, #tpu.memory_space<vmem>>)
    %dma_start3A_2045 = arith.constant 0 : i32
    %dma_start3A_2046 = arith.constant 0 : i32
    %dma_start3A_2047 = tpu.memref_slice %arg7[%add3A_598, %dma_start3A_2045, %dma_start3A_2046] : memref<4096x128x128xf16, #tpu.memory_space<hbm>> -> memref<4x128x128xf16, #tpu.memory_space<hbm>>
    %dma_start3A_2048 = arith.constant 0 : i32
    %dma_start3A_2049 = arith.constant 0 : i32
    %dma_start3A_2050 = tpu.memref_slice %arg7[%add3A_598, %dma_start3A_2048, %dma_start3A_2049] : memref<4096x128x128xf16, #tpu.memory_space<hbm>> -> memref<4x128x128xf16, #tpu.memory_space<hbm>>
    tpu.enqueue_dma source(%arg8 : memref<4x128x128xf16, #tpu.memory_space<vmem>>) target(%dma_start3A_2050 : memref<4x128x128xf16, #tpu.memory_space<hbm>>) target_semaphore(%arg14 : memref<!tpu.dma_semaphore, #tpu.memory_space<semaphore_mem>>)
    %dma_wait3A_2051 = arith.constant 0 : i32
    %dma_wait3A_2052 = arith.constant 0 : i32
    %dma_wait3A_2053 = tpu.memref_slice %arg7[%add3A_598, %dma_wait3A_2051, %dma_wait3A_2052] : memref<4096x128x128xf16, #tpu.memory_space<hbm>> -> memref<4x128x128xf16, #tpu.memory_space<hbm>>
    %dma_wait3A_2054 = arith.constant 0 : i32
    %dma_wait3A_2055 = arith.constant 0 : i32
    %dma_wait3A_2056 = tpu.memref_slice %arg7[%add3A_598, %dma_wait3A_2054, %dma_wait3A_2055] : memref<4096x128x128xf16, #tpu.memory_space<hbm>> -> memref<4x128x128xf16, #tpu.memory_space<hbm>>
    tpu.wait_dma2 semaphore(%arg14 : memref<!tpu.dma_semaphore, #tpu.memory_space<semaphore_mem>>) src(%arg8 : memref<4x128x128xf16, #tpu.memory_space<vmem>>) dst(%dma_wait3A_2056 : memref<4x128x128xf16, #tpu.memory_space<hbm>>)
    %dma_start3A_2057 = arith.constant 0 : i32
    %dma_start3A_2058 = arith.constant 0 : i32
    %dma_start3A_2059 = tpu.memref_slice %arg4[%add3A_614, %dma_start3A_2057, %dma_start3A_2058] : memref<4096x128x128xf16, #tpu.memory_space<hbm>> -> memref<4x128x128xf16, #tpu.memory_space<hbm>>
    %dma_start3A_2060 = arith.constant 0 : i32
    %dma_start3A_2061 = arith.constant 0 : i32
    %dma_start3A_2062 = tpu.memref_slice %arg4[%add3A_614, %dma_start3A_2060, %dma_start3A_2061] : memref<4096x128x128xf16, #tpu.memory_space<hbm>> -> memref<4x128x128xf16, #tpu.memory_space<hbm>>
    tpu.enqueue_dma source(%dma_start3A_2062 : memref<4x128x128xf16, #tpu.memory_space<hbm>>) target(%arg8 : memref<4x128x128xf16, #tpu.memory_space<vmem>>) target_semaphore(%arg11 : memref<!tpu.dma_semaphore, #tpu.memory_space<semaphore_mem>>)
    %dma_wait3A_2063 = arith.constant 0 : i32
    %dma_wait3A_2064 = arith.constant 0 : i32
    %dma_wait3A_2065 = tpu.memref_slice %arg4[%add3A_606, %dma_wait3A_2063, %dma_wait3A_2064] : memref<4096x128x128xf16, #tpu.memory_space<hbm>> -> memref<4x128x128xf16, #tpu.memory_space<hbm>>
    %dma_wait3A_2066 = arith.constant 0 : i32
    %dma_wait3A_2067 = arith.constant 0 : i32
    %dma_wait3A_2068 = tpu.memref_slice %arg4[%add3A_606, %dma_wait3A_2066, %dma_wait3A_2067] : memref<4096x128x128xf16, #tpu.memory_space<hbm>> -> memref<4x128x128xf16, #tpu.memory_space<hbm>>
    tpu.wait_dma2 semaphore(%arg12 : memref<!tpu.dma_semaphore, #tpu.memory_space<semaphore_mem>>) src(%dma_wait3A_2068 : memref<4x128x128xf16, #tpu.memory_space<hbm>>) dst(%arg9 : memref<4x128x128xf16, #tpu.memory_space<vmem>>)
    %dma_start3A_2069 = arith.constant 0 : i32
    %dma_start3A_2070 = arith.constant 0 : i32
    %dma_start3A_2071 = tpu.memref_slice %arg6[%add3A_606, %dma_start3A_2069, %dma_start3A_2070] : memref<4096x128x128xf16, #tpu.memory_space<hbm>> -> memref<4x128x128xf16, #tpu.memory_space<hbm>>
    %dma_start3A_2072 = arith.constant 0 : i32
    %dma_start3A_2073 = arith.constant 0 : i32
    %dma_start3A_2074 = tpu.memref_slice %arg6[%add3A_606, %dma_start3A_2072, %dma_start3A_2073] : memref<4096x128x128xf16, #tpu.memory_space<hbm>> -> memref<4x128x128xf16, #tpu.memory_space<hbm>>
    tpu.enqueue_dma source(%arg9 : memref<4x128x128xf16, #tpu.memory_space<vmem>>) target(%dma_start3A_2074 : memref<4x128x128xf16, #tpu.memory_space<hbm>>) target_semaphore(%arg15 : memref<!tpu.dma_semaphore, #tpu.memory_space<semaphore_mem>>)
    %dma_wait3A_2075 = arith.constant 0 : i32
    %dma_wait3A_2076 = arith.constant 0 : i32
    %dma_wait3A_2077 = tpu.memref_slice %arg6[%add3A_606, %dma_wait3A_2075, %dma_wait3A_2076] : memref<4096x128x128xf16, #tpu.memory_space<hbm>> -> memref<4x128x128xf16, #tpu.memory_space<hbm>>
    %dma_wait3A_2078 = arith.constant 0 : i32
    %dma_wait3A_2079 = arith.constant 0 : i32
    %dma_wait3A_2080 = tpu.memref_slice %arg6[%add3A_606, %dma_wait3A_2078, %dma_wait3A_2079] : memref<4096x128x128xf16, #tpu.memory_space<hbm>> -> memref<4x128x128xf16, #tpu.memory_space<hbm>>
    tpu.wait_dma2 semaphore(%arg15 : memref<!tpu.dma_semaphore, #tpu.memory_space<semaphore_mem>>) src(%arg9 : memref<4x128x128xf16, #tpu.memory_space<vmem>>) dst(%dma_wait3A_2080 : memref<4x128x128xf16, #tpu.memory_space<hbm>>)
    %dma_start3A_2081 = arith.constant 0 : i32
    %dma_start3A_2082 = arith.constant 0 : i32
    %dma_start3A_2083 = tpu.memref_slice %arg5[%add3A_614, %dma_start3A_2081, %dma_start3A_2082] : memref<4096x128x128xf16, #tpu.memory_space<hbm>> -> memref<4x128x128xf16, #tpu.memory_space<hbm>>
    %dma_start3A_2084 = arith.constant 0 : i32
    %dma_start3A_2085 = arith.constant 0 : i32
    %dma_start3A_2086 = tpu.memref_slice %arg5[%add3A_614, %dma_start3A_2084, %dma_start3A_2085] : memref<4096x128x128xf16, #tpu.memory_space<hbm>> -> memref<4x128x128xf16, #tpu.memory_space<hbm>>
    tpu.enqueue_dma source(%dma_start3A_2086 : memref<4x128x128xf16, #tpu.memory_space<hbm>>) target(%arg9 : memref<4x128x128xf16, #tpu.memory_space<vmem>>) target_semaphore(%arg12 : memref<!tpu.dma_semaphore, #tpu.memory_space<semaphore_mem>>)
    %dma_wait3A_2087 = arith.constant 0 : i32
    %dma_wait3A_2088 = arith.constant 0 : i32
    %dma_wait3A_2089 = tpu.memref_slice %arg5[%add3A_606, %dma_wait3A_2087, %dma_wait3A_2088] : memref<4096x128x128xf16, #tpu.memory_space<hbm>> -> memref<4x128x128xf16, #tpu.memory_space<hbm>>
    %dma_wait3A_2090 = arith.constant 0 : i32
    %dma_wait3A_2091 = arith.constant 0 : i32
    %dma_wait3A_2092 = tpu.memref_slice %arg5[%add3A_606, %dma_wait3A_2090, %dma_wait3A_2091] : memref<4096x128x128xf16, #tpu.memory_space<hbm>> -> memref<4x128x128xf16, #tpu.memory_space<hbm>>
    tpu.wait_dma2 semaphore(%arg13 : memref<!tpu.dma_semaphore, #tpu.memory_space<semaphore_mem>>) src(%dma_wait3A_2092 : memref<4x128x128xf16, #tpu.memory_space<hbm>>) dst(%arg10 : memref<4x128x128xf16, #tpu.memory_space<vmem>>)
    %dma_start3A_2093 = arith.constant 0 : i32
    %dma_start3A_2094 = arith.constant 0 : i32
    %dma_start3A_2095 = tpu.memref_slice %arg7[%add3A_606, %dma_start3A_2093, %dma_start3A_2094] : memref<4096x128x128xf16, #tpu.memory_space<hbm>> -> memref<4x128x128xf16, #tpu.memory_space<hbm>>
    %dma_start3A_2096 = arith.constant 0 : i32
    %dma_start3A_2097 = arith.constant 0 : i32
    %dma_start3A_2098 = tpu.memref_slice %arg7[%add3A_606, %dma_start3A_2096, %dma_start3A_2097] : memref<4096x128x128xf16, #tpu.memory_space<hbm>> -> memref<4x128x128xf16, #tpu.memory_space<hbm>>
    tpu.enqueue_dma source(%arg10 : memref<4x128x128xf16, #tpu.memory_space<vmem>>) target(%dma_start3A_2098 : memref<4x128x128xf16, #tpu.memory_space<hbm>>) target_semaphore(%arg16 : memref<!tpu.dma_semaphore, #tpu.memory_space<semaphore_mem>>)
    %dma_wait3A_2099 = arith.constant 0 : i32
    %dma_wait3A_2100 = arith.constant 0 : i32
    %dma_wait3A_2101 = tpu.memref_slice %arg7[%add3A_606, %dma_wait3A_2099, %dma_wait3A_2100] : memref<4096x128x128xf16, #tpu.memory_space<hbm>> -> memref<4x128x128xf16, #tpu.memory_space<hbm>>
    %dma_wait3A_2102 = arith.constant 0 : i32
    %dma_wait3A_2103 = arith.constant 0 : i32
    %dma_wait3A_2104 = tpu.memref_slice %arg7[%add3A_606, %dma_wait3A_2102, %dma_wait3A_2103] : memref<4096x128x128xf16, #tpu.memory_space<hbm>> -> memref<4x128x128xf16, #tpu.memory_space<hbm>>
    tpu.wait_dma2 semaphore(%arg16 : memref<!tpu.dma_semaphore, #tpu.memory_space<semaphore_mem>>) src(%arg10 : memref<4x128x128xf16, #tpu.memory_space<vmem>>) dst(%dma_wait3A_2104 : memref<4x128x128xf16, #tpu.memory_space<hbm>>)
    %dma_start3A_2105 = arith.constant 0 : i32
    %dma_start3A_2106 = arith.constant 0 : i32
    %dma_start3A_2107 = tpu.memref_slice %arg4[%add3A_622, %dma_start3A_2105, %dma_start3A_2106] : memref<4096x128x128xf16, #tpu.memory_space<hbm>> -> memref<4x128x128xf16, #tpu.memory_space<hbm>>
    %dma_start3A_2108 = arith.constant 0 : i32
    %dma_start3A_2109 = arith.constant 0 : i32
    %dma_start3A_2110 = tpu.memref_slice %arg4[%add3A_622, %dma_start3A_2108, %dma_start3A_2109] : memref<4096x128x128xf16, #tpu.memory_space<hbm>> -> memref<4x128x128xf16, #tpu.memory_space<hbm>>
    tpu.enqueue_dma source(%dma_start3A_2110 : memref<4x128x128xf16, #tpu.memory_space<hbm>>) target(%arg10 : memref<4x128x128xf16, #tpu.memory_space<vmem>>) target_semaphore(%arg13 : memref<!tpu.dma_semaphore, #tpu.memory_space<semaphore_mem>>)
    %dma_wait3A_2111 = arith.constant 0 : i32
    %dma_wait3A_2112 = arith.constant 0 : i32
    %dma_wait3A_2113 = tpu.memref_slice %arg4[%add3A_614, %dma_wait3A_2111, %dma_wait3A_2112] : memref<4096x128x128xf16, #tpu.memory_space<hbm>> -> memref<4x128x128xf16, #tpu.memory_space<hbm>>
    %dma_wait3A_2114 = arith.constant 0 : i32
    %dma_wait3A_2115 = arith.constant 0 : i32
    %dma_wait3A_2116 = tpu.memref_slice %arg4[%add3A_614, %dma_wait3A_2114, %dma_wait3A_2115] : memref<4096x128x128xf16, #tpu.memory_space<hbm>> -> memref<4x128x128xf16, #tpu.memory_space<hbm>>
    tpu.wait_dma2 semaphore(%arg11 : memref<!tpu.dma_semaphore, #tpu.memory_space<semaphore_mem>>) src(%dma_wait3A_2116 : memref<4x128x128xf16, #tpu.memory_space<hbm>>) dst(%arg8 : memref<4x128x128xf16, #tpu.memory_space<vmem>>)
    %dma_start3A_2117 = arith.constant 0 : i32
    %dma_start3A_2118 = arith.constant 0 : i32
    %dma_start3A_2119 = tpu.memref_slice %arg6[%add3A_614, %dma_start3A_2117, %dma_start3A_2118] : memref<4096x128x128xf16, #tpu.memory_space<hbm>> -> memref<4x128x128xf16, #tpu.memory_space<hbm>>
    %dma_start3A_2120 = arith.constant 0 : i32
    %dma_start3A_2121 = arith.constant 0 : i32
    %dma_start3A_2122 = tpu.memref_slice %arg6[%add3A_614, %dma_start3A_2120, %dma_start3A_2121] : memref<4096x128x128xf16, #tpu.memory_space<hbm>> -> memref<4x128x128xf16, #tpu.memory_space<hbm>>
    tpu.enqueue_dma source(%arg8 : memref<4x128x128xf16, #tpu.memory_space<vmem>>) target(%dma_start3A_2122 : memref<4x128x128xf16, #tpu.memory_space<hbm>>) target_semaphore(%arg14 : memref<!tpu.dma_semaphore, #tpu.memory_space<semaphore_mem>>)
    %dma_wait3A_2123 = arith.constant 0 : i32
    %dma_wait3A_2124 = arith.constant 0 : i32
    %dma_wait3A_2125 = tpu.memref_slice %arg6[%add3A_614, %dma_wait3A_2123, %dma_wait3A_2124] : memref<4096x128x128xf16, #tpu.memory_space<hbm>> -> memref<4x128x128xf16, #tpu.memory_space<hbm>>
    %dma_wait3A_2126 = arith.constant 0 : i32
    %dma_wait3A_2127 = arith.constant 0 : i32
    %dma_wait3A_2128 = tpu.memref_slice %arg6[%add3A_614, %dma_wait3A_2126, %dma_wait3A_2127] : memref<4096x128x128xf16, #tpu.memory_space<hbm>> -> memref<4x128x128xf16, #tpu.memory_space<hbm>>
    tpu.wait_dma2 semaphore(%arg14 : memref<!tpu.dma_semaphore, #tpu.memory_space<semaphore_mem>>) src(%arg8 : memref<4x128x128xf16, #tpu.memory_space<vmem>>) dst(%dma_wait3A_2128 : memref<4x128x128xf16, #tpu.memory_space<hbm>>)
    %dma_start3A_2129 = arith.constant 0 : i32
    %dma_start3A_2130 = arith.constant 0 : i32
    %dma_start3A_2131 = tpu.memref_slice %arg5[%add3A_622, %dma_start3A_2129, %dma_start3A_2130] : memref<4096x128x128xf16, #tpu.memory_space<hbm>> -> memref<4x128x128xf16, #tpu.memory_space<hbm>>
    %dma_start3A_2132 = arith.constant 0 : i32
    %dma_start3A_2133 = arith.constant 0 : i32
    %dma_start3A_2134 = tpu.memref_slice %arg5[%add3A_622, %dma_start3A_2132, %dma_start3A_2133] : memref<4096x128x128xf16, #tpu.memory_space<hbm>> -> memref<4x128x128xf16, #tpu.memory_space<hbm>>
    tpu.enqueue_dma source(%dma_start3A_2134 : memref<4x128x128xf16, #tpu.memory_space<hbm>>) target(%arg8 : memref<4x128x128xf16, #tpu.memory_space<vmem>>) target_semaphore(%arg11 : memref<!tpu.dma_semaphore, #tpu.memory_space<semaphore_mem>>)
    %dma_wait3A_2135 = arith.constant 0 : i32
    %dma_wait3A_2136 = arith.constant 0 : i32
    %dma_wait3A_2137 = tpu.memref_slice %arg5[%add3A_614, %dma_wait3A_2135, %dma_wait3A_2136] : memref<4096x128x128xf16, #tpu.memory_space<hbm>> -> memref<4x128x128xf16, #tpu.memory_space<hbm>>
    %dma_wait3A_2138 = arith.constant 0 : i32
    %dma_wait3A_2139 = arith.constant 0 : i32
    %dma_wait3A_2140 = tpu.memref_slice %arg5[%add3A_614, %dma_wait3A_2138, %dma_wait3A_2139] : memref<4096x128x128xf16, #tpu.memory_space<hbm>> -> memref<4x128x128xf16, #tpu.memory_space<hbm>>
    tpu.wait_dma2 semaphore(%arg12 : memref<!tpu.dma_semaphore, #tpu.memory_space<semaphore_mem>>) src(%dma_wait3A_2140 : memref<4x128x128xf16, #tpu.memory_space<hbm>>) dst(%arg9 : memref<4x128x128xf16, #tpu.memory_space<vmem>>)
    %dma_start3A_2141 = arith.constant 0 : i32
    %dma_start3A_2142 = arith.constant 0 : i32
    %dma_start3A_2143 = tpu.memref_slice %arg7[%add3A_614, %dma_start3A_2141, %dma_start3A_2142] : memref<4096x128x128xf16, #tpu.memory_space<hbm>> -> memref<4x128x128xf16, #tpu.memory_space<hbm>>
    %dma_start3A_2144 = arith.constant 0 : i32
    %dma_start3A_2145 = arith.constant 0 : i32
    %dma_start3A_2146 = tpu.memref_slice %arg7[%add3A_614, %dma_start3A_2144, %dma_start3A_2145] : memref<4096x128x128xf16, #tpu.memory_space<hbm>> -> memref<4x128x128xf16, #tpu.memory_space<hbm>>
    tpu.enqueue_dma source(%arg9 : memref<4x128x128xf16, #tpu.memory_space<vmem>>) target(%dma_start3A_2146 : memref<4x128x128xf16, #tpu.memory_space<hbm>>) target_semaphore(%arg15 : memref<!tpu.dma_semaphore, #tpu.memory_space<semaphore_mem>>)
    %dma_wait3A_2147 = arith.constant 0 : i32
    %dma_wait3A_2148 = arith.constant 0 : i32
    %dma_wait3A_2149 = tpu.memref_slice %arg7[%add3A_614, %dma_wait3A_2147, %dma_wait3A_2148] : memref<4096x128x128xf16, #tpu.memory_space<hbm>> -> memref<4x128x128xf16, #tpu.memory_space<hbm>>
    %dma_wait3A_2150 = arith.constant 0 : i32
    %dma_wait3A_2151 = arith.constant 0 : i32
    %dma_wait3A_2152 = tpu.memref_slice %arg7[%add3A_614, %dma_wait3A_2150, %dma_wait3A_2151] : memref<4096x128x128xf16, #tpu.memory_space<hbm>> -> memref<4x128x128xf16, #tpu.memory_space<hbm>>
    tpu.wait_dma2 semaphore(%arg15 : memref<!tpu.dma_semaphore, #tpu.memory_space<semaphore_mem>>) src(%arg9 : memref<4x128x128xf16, #tpu.memory_space<vmem>>) dst(%dma_wait3A_2152 : memref<4x128x128xf16, #tpu.memory_space<hbm>>)
    %dma_start3A_2153 = arith.constant 0 : i32
    %dma_start3A_2154 = arith.constant 0 : i32
    %dma_start3A_2155 = tpu.memref_slice %arg4[%add3A_630, %dma_start3A_2153, %dma_start3A_2154] : memref<4096x128x128xf16, #tpu.memory_space<hbm>> -> memref<4x128x128xf16, #tpu.memory_space<hbm>>
    %dma_start3A_2156 = arith.constant 0 : i32
    %dma_start3A_2157 = arith.constant 0 : i32
    %dma_start3A_2158 = tpu.memref_slice %arg4[%add3A_630, %dma_start3A_2156, %dma_start3A_2157] : memref<4096x128x128xf16, #tpu.memory_space<hbm>> -> memref<4x128x128xf16, #tpu.memory_space<hbm>>
    tpu.enqueue_dma source(%dma_start3A_2158 : memref<4x128x128xf16, #tpu.memory_space<hbm>>) target(%arg9 : memref<4x128x128xf16, #tpu.memory_space<vmem>>) target_semaphore(%arg12 : memref<!tpu.dma_semaphore, #tpu.memory_space<semaphore_mem>>)
    %dma_wait3A_2159 = arith.constant 0 : i32
    %dma_wait3A_2160 = arith.constant 0 : i32
    %dma_wait3A_2161 = tpu.memref_slice %arg4[%add3A_622, %dma_wait3A_2159, %dma_wait3A_2160] : memref<4096x128x128xf16, #tpu.memory_space<hbm>> -> memref<4x128x128xf16, #tpu.memory_space<hbm>>
    %dma_wait3A_2162 = arith.constant 0 : i32
    %dma_wait3A_2163 = arith.constant 0 : i32
    %dma_wait3A_2164 = tpu.memref_slice %arg4[%add3A_622, %dma_wait3A_2162, %dma_wait3A_2163] : memref<4096x128x128xf16, #tpu.memory_space<hbm>> -> memref<4x128x128xf16, #tpu.memory_space<hbm>>
    tpu.wait_dma2 semaphore(%arg13 : memref<!tpu.dma_semaphore, #tpu.memory_space<semaphore_mem>>) src(%dma_wait3A_2164 : memref<4x128x128xf16, #tpu.memory_space<hbm>>) dst(%arg10 : memref<4x128x128xf16, #tpu.memory_space<vmem>>)
    %dma_start3A_2165 = arith.constant 0 : i32
    %dma_start3A_2166 = arith.constant 0 : i32
    %dma_start3A_2167 = tpu.memref_slice %arg6[%add3A_622, %dma_start3A_2165, %dma_start3A_2166] : memref<4096x128x128xf16, #tpu.memory_space<hbm>> -> memref<4x128x128xf16, #tpu.memory_space<hbm>>
    %dma_start3A_2168 = arith.constant 0 : i32
    %dma_start3A_2169 = arith.constant 0 : i32
    %dma_start3A_2170 = tpu.memref_slice %arg6[%add3A_622, %dma_start3A_2168, %dma_start3A_2169] : memref<4096x128x128xf16, #tpu.memory_space<hbm>> -> memref<4x128x128xf16, #tpu.memory_space<hbm>>
    tpu.enqueue_dma source(%arg10 : memref<4x128x128xf16, #tpu.memory_space<vmem>>) target(%dma_start3A_2170 : memref<4x128x128xf16, #tpu.memory_space<hbm>>) target_semaphore(%arg16 : memref<!tpu.dma_semaphore, #tpu.memory_space<semaphore_mem>>)
    %dma_wait3A_2171 = arith.constant 0 : i32
    %dma_wait3A_2172 = arith.constant 0 : i32
    %dma_wait3A_2173 = tpu.memref_slice %arg6[%add3A_622, %dma_wait3A_2171, %dma_wait3A_2172] : memref<4096x128x128xf16, #tpu.memory_space<hbm>> -> memref<4x128x128xf16, #tpu.memory_space<hbm>>
    %dma_wait3A_2174 = arith.constant 0 : i32
    %dma_wait3A_2175 = arith.constant 0 : i32
    %dma_wait3A_2176 = tpu.memref_slice %arg6[%add3A_622, %dma_wait3A_2174, %dma_wait3A_2175] : memref<4096x128x128xf16, #tpu.memory_space<hbm>> -> memref<4x128x128xf16, #tpu.memory_space<hbm>>
    tpu.wait_dma2 semaphore(%arg16 : memref<!tpu.dma_semaphore, #tpu.memory_space<semaphore_mem>>) src(%arg10 : memref<4x128x128xf16, #tpu.memory_space<vmem>>) dst(%dma_wait3A_2176 : memref<4x128x128xf16, #tpu.memory_space<hbm>>)
    %dma_start3A_2177 = arith.constant 0 : i32
    %dma_start3A_2178 = arith.constant 0 : i32
    %dma_start3A_2179 = tpu.memref_slice %arg5[%add3A_630, %dma_start3A_2177, %dma_start3A_2178] : memref<4096x128x128xf16, #tpu.memory_space<hbm>> -> memref<4x128x128xf16, #tpu.memory_space<hbm>>
    %dma_start3A_2180 = arith.constant 0 : i32
    %dma_start3A_2181 = arith.constant 0 : i32
    %dma_start3A_2182 = tpu.memref_slice %arg5[%add3A_630, %dma_start3A_2180, %dma_start3A_2181] : memref<4096x128x128xf16, #tpu.memory_space<hbm>> -> memref<4x128x128xf16, #tpu.memory_space<hbm>>
    tpu.enqueue_dma source(%dma_start3A_2182 : memref<4x128x128xf16, #tpu.memory_space<hbm>>) target(%arg10 : memref<4x128x128xf16, #tpu.memory_space<vmem>>) target_semaphore(%arg13 : memref<!tpu.dma_semaphore, #tpu.memory_space<semaphore_mem>>)
    %dma_wait3A_2183 = arith.constant 0 : i32
    %dma_wait3A_2184 = arith.constant 0 : i32
    %dma_wait3A_2185 = tpu.memref_slice %arg5[%add3A_622, %dma_wait3A_2183, %dma_wait3A_2184] : memref<4096x128x128xf16, #tpu.memory_space<hbm>> -> memref<4x128x128xf16, #tpu.memory_space<hbm>>
    %dma_wait3A_2186 = arith.constant 0 : i32
    %dma_wait3A_2187 = arith.constant 0 : i32
    %dma_wait3A_2188 = tpu.memref_slice %arg5[%add3A_622, %dma_wait3A_2186, %dma_wait3A_2187] : memref<4096x128x128xf16, #tpu.memory_space<hbm>> -> memref<4x128x128xf16, #tpu.memory_space<hbm>>
    tpu.wait_dma2 semaphore(%arg11 : memref<!tpu.dma_semaphore, #tpu.memory_space<semaphore_mem>>) src(%dma_wait3A_2188 : memref<4x128x128xf16, #tpu.memory_space<hbm>>) dst(%arg8 : memref<4x128x128xf16, #tpu.memory_space<vmem>>)
    %dma_start3A_2189 = arith.constant 0 : i32
    %dma_start3A_2190 = arith.constant 0 : i32
    %dma_start3A_2191 = tpu.memref_slice %arg7[%add3A_622, %dma_start3A_2189, %dma_start3A_2190] : memref<4096x128x128xf16, #tpu.memory_space<hbm>> -> memref<4x128x128xf16, #tpu.memory_space<hbm>>
    %dma_start3A_2192 = arith.constant 0 : i32
    %dma_start3A_2193 = arith.constant 0 : i32
    %dma_start3A_2194 = tpu.memref_slice %arg7[%add3A_622, %dma_start3A_2192, %dma_start3A_2193] : memref<4096x128x128xf16, #tpu.memory_space<hbm>> -> memref<4x128x128xf16, #tpu.memory_space<hbm>>
    tpu.enqueue_dma source(%arg8 : memref<4x128x128xf16, #tpu.memory_space<vmem>>) target(%dma_start3A_2194 : memref<4x128x128xf16, #tpu.memory_space<hbm>>) target_semaphore(%arg14 : memref<!tpu.dma_semaphore, #tpu.memory_space<semaphore_mem>>)
    %dma_wait3A_2195 = arith.constant 0 : i32
    %dma_wait3A_2196 = arith.constant 0 : i32
    %dma_wait3A_2197 = tpu.memref_slice %arg7[%add3A_622, %dma_wait3A_2195, %dma_wait3A_2196] : memref<4096x128x128xf16, #tpu.memory_space<hbm>> -> memref<4x128x128xf16, #tpu.memory_space<hbm>>
    %dma_wait3A_2198 = arith.constant 0 : i32
    %dma_wait3A_2199 = arith.constant 0 : i32
    %dma_wait3A_2200 = tpu.memref_slice %arg7[%add3A_622, %dma_wait3A_2198, %dma_wait3A_2199] : memref<4096x128x128xf16, #tpu.memory_space<hbm>> -> memref<4x128x128xf16, #tpu.memory_space<hbm>>
    tpu.wait_dma2 semaphore(%arg14 : memref<!tpu.dma_semaphore, #tpu.memory_space<semaphore_mem>>) src(%arg8 : memref<4x128x128xf16, #tpu.memory_space<vmem>>) dst(%dma_wait3A_2200 : memref<4x128x128xf16, #tpu.memory_space<hbm>>)
    %dma_start3A_2201 = arith.constant 0 : i32
    %dma_start3A_2202 = arith.constant 0 : i32
    %dma_start3A_2203 = tpu.memref_slice %arg4[%add3A_638, %dma_start3A_2201, %dma_start3A_2202] : memref<4096x128x128xf16, #tpu.memory_space<hbm>> -> memref<4x128x128xf16, #tpu.memory_space<hbm>>
    %dma_start3A_2204 = arith.constant 0 : i32
    %dma_start3A_2205 = arith.constant 0 : i32
    %dma_start3A_2206 = tpu.memref_slice %arg4[%add3A_638, %dma_start3A_2204, %dma_start3A_2205] : memref<4096x128x128xf16, #tpu.memory_space<hbm>> -> memref<4x128x128xf16, #tpu.memory_space<hbm>>
    tpu.enqueue_dma source(%dma_start3A_2206 : memref<4x128x128xf16, #tpu.memory_space<hbm>>) target(%arg8 : memref<4x128x128xf16, #tpu.memory_space<vmem>>) target_semaphore(%arg11 : memref<!tpu.dma_semaphore, #tpu.memory_space<semaphore_mem>>)
    %dma_wait3A_2207 = arith.constant 0 : i32
    %dma_wait3A_2208 = arith.constant 0 : i32
    %dma_wait3A_2209 = tpu.memref_slice %arg4[%add3A_630, %dma_wait3A_2207, %dma_wait3A_2208] : memref<4096x128x128xf16, #tpu.memory_space<hbm>> -> memref<4x128x128xf16, #tpu.memory_space<hbm>>
    %dma_wait3A_2210 = arith.constant 0 : i32
    %dma_wait3A_2211 = arith.constant 0 : i32
    %dma_wait3A_2212 = tpu.memref_slice %arg4[%add3A_630, %dma_wait3A_2210, %dma_wait3A_2211] : memref<4096x128x128xf16, #tpu.memory_space<hbm>> -> memref<4x128x128xf16, #tpu.memory_space<hbm>>
    tpu.wait_dma2 semaphore(%arg12 : memref<!tpu.dma_semaphore, #tpu.memory_space<semaphore_mem>>) src(%dma_wait3A_2212 : memref<4x128x128xf16, #tpu.memory_space<hbm>>) dst(%arg9 : memref<4x128x128xf16, #tpu.memory_space<vmem>>)
    %dma_start3A_2213 = arith.constant 0 : i32
    %dma_start3A_2214 = arith.constant 0 : i32
    %dma_start3A_2215 = tpu.memref_slice %arg6[%add3A_630, %dma_start3A_2213, %dma_start3A_2214] : memref<4096x128x128xf16, #tpu.memory_space<hbm>> -> memref<4x128x128xf16, #tpu.memory_space<hbm>>
    %dma_start3A_2216 = arith.constant 0 : i32
    %dma_start3A_2217 = arith.constant 0 : i32
    %dma_start3A_2218 = tpu.memref_slice %arg6[%add3A_630, %dma_start3A_2216, %dma_start3A_2217] : memref<4096x128x128xf16, #tpu.memory_space<hbm>> -> memref<4x128x128xf16, #tpu.memory_space<hbm>>
    tpu.enqueue_dma source(%arg9 : memref<4x128x128xf16, #tpu.memory_space<vmem>>) target(%dma_start3A_2218 : memref<4x128x128xf16, #tpu.memory_space<hbm>>) target_semaphore(%arg15 : memref<!tpu.dma_semaphore, #tpu.memory_space<semaphore_mem>>)
    %dma_wait3A_2219 = arith.constant 0 : i32
    %dma_wait3A_2220 = arith.constant 0 : i32
    %dma_wait3A_2221 = tpu.memref_slice %arg6[%add3A_630, %dma_wait3A_2219, %dma_wait3A_2220] : memref<4096x128x128xf16, #tpu.memory_space<hbm>> -> memref<4x128x128xf16, #tpu.memory_space<hbm>>
    %dma_wait3A_2222 = arith.constant 0 : i32
    %dma_wait3A_2223 = arith.constant 0 : i32
    %dma_wait3A_2224 = tpu.memref_slice %arg6[%add3A_630, %dma_wait3A_2222, %dma_wait3A_2223] : memref<4096x128x128xf16, #tpu.memory_space<hbm>> -> memref<4x128x128xf16, #tpu.memory_space<hbm>>
    tpu.wait_dma2 semaphore(%arg15 : memref<!tpu.dma_semaphore, #tpu.memory_space<semaphore_mem>>) src(%arg9 : memref<4x128x128xf16, #tpu.memory_space<vmem>>) dst(%dma_wait3A_2224 : memref<4x128x128xf16, #tpu.memory_space<hbm>>)
    %dma_start3A_2225 = arith.constant 0 : i32
    %dma_start3A_2226 = arith.constant 0 : i32
    %dma_start3A_2227 = tpu.memref_slice %arg5[%add3A_638, %dma_start3A_2225, %dma_start3A_2226] : memref<4096x128x128xf16, #tpu.memory_space<hbm>> -> memref<4x128x128xf16, #tpu.memory_space<hbm>>
    %dma_start3A_2228 = arith.constant 0 : i32
    %dma_start3A_2229 = arith.constant 0 : i32
    %dma_start3A_2230 = tpu.memref_slice %arg5[%add3A_638, %dma_start3A_2228, %dma_start3A_2229] : memref<4096x128x128xf16, #tpu.memory_space<hbm>> -> memref<4x128x128xf16, #tpu.memory_space<hbm>>
    tpu.enqueue_dma source(%dma_start3A_2230 : memref<4x128x128xf16, #tpu.memory_space<hbm>>) target(%arg9 : memref<4x128x128xf16, #tpu.memory_space<vmem>>) target_semaphore(%arg12 : memref<!tpu.dma_semaphore, #tpu.memory_space<semaphore_mem>>)
    %dma_wait3A_2231 = arith.constant 0 : i32
    %dma_wait3A_2232 = arith.constant 0 : i32
    %dma_wait3A_2233 = tpu.memref_slice %arg5[%add3A_630, %dma_wait3A_2231, %dma_wait3A_2232] : memref<4096x128x128xf16, #tpu.memory_space<hbm>> -> memref<4x128x128xf16, #tpu.memory_space<hbm>>
    %dma_wait3A_2234 = arith.constant 0 : i32
    %dma_wait3A_2235 = arith.constant 0 : i32
    %dma_wait3A_2236 = tpu.memref_slice %arg5[%add3A_630, %dma_wait3A_2234, %dma_wait3A_2235] : memref<4096x128x128xf16, #tpu.memory_space<hbm>> -> memref<4x128x128xf16, #tpu.memory_space<hbm>>
    tpu.wait_dma2 semaphore(%arg13 : memref<!tpu.dma_semaphore, #tpu.memory_space<semaphore_mem>>) src(%dma_wait3A_2236 : memref<4x128x128xf16, #tpu.memory_space<hbm>>) dst(%arg10 : memref<4x128x128xf16, #tpu.memory_space<vmem>>)
    %dma_start3A_2237 = arith.constant 0 : i32
    %dma_start3A_2238 = arith.constant 0 : i32
    %dma_start3A_2239 = tpu.memref_slice %arg7[%add3A_630, %dma_start3A_2237, %dma_start3A_2238] : memref<4096x128x128xf16, #tpu.memory_space<hbm>> -> memref<4x128x128xf16, #tpu.memory_space<hbm>>
    %dma_start3A_2240 = arith.constant 0 : i32
    %dma_start3A_2241 = arith.constant 0 : i32
    %dma_start3A_2242 = tpu.memref_slice %arg7[%add3A_630, %dma_start3A_2240, %dma_start3A_2241] : memref<4096x128x128xf16, #tpu.memory_space<hbm>> -> memref<4x128x128xf16, #tpu.memory_space<hbm>>
    tpu.enqueue_dma source(%arg10 : memref<4x128x128xf16, #tpu.memory_space<vmem>>) target(%dma_start3A_2242 : memref<4x128x128xf16, #tpu.memory_space<hbm>>) target_semaphore(%arg16 : memref<!tpu.dma_semaphore, #tpu.memory_space<semaphore_mem>>)
    %dma_wait3A_2243 = arith.constant 0 : i32
    %dma_wait3A_2244 = arith.constant 0 : i32
    %dma_wait3A_2245 = tpu.memref_slice %arg7[%add3A_630, %dma_wait3A_2243, %dma_wait3A_2244] : memref<4096x128x128xf16, #tpu.memory_space<hbm>> -> memref<4x128x128xf16, #tpu.memory_space<hbm>>
    %dma_wait3A_2246 = arith.constant 0 : i32
    %dma_wait3A_2247 = arith.constant 0 : i32
    %dma_wait3A_2248 = tpu.memref_slice %arg7[%add3A_630, %dma_wait3A_2246, %dma_wait3A_2247] : memref<4096x128x128xf16, #tpu.memory_space<hbm>> -> memref<4x128x128xf16, #tpu.memory_space<hbm>>
    tpu.wait_dma2 semaphore(%arg16 : memref<!tpu.dma_semaphore, #tpu.memory_space<semaphore_mem>>) src(%arg10 : memref<4x128x128xf16, #tpu.memory_space<vmem>>) dst(%dma_wait3A_2248 : memref<4x128x128xf16, #tpu.memory_space<hbm>>)
    %dma_start3A_2249 = arith.constant 0 : i32
    %dma_start3A_2250 = arith.constant 0 : i32
    %dma_start3A_2251 = tpu.memref_slice %arg4[%add3A_646, %dma_start3A_2249, %dma_start3A_2250] : memref<4096x128x128xf16, #tpu.memory_space<hbm>> -> memref<4x128x128xf16, #tpu.memory_space<hbm>>
    %dma_start3A_2252 = arith.constant 0 : i32
    %dma_start3A_2253 = arith.constant 0 : i32
    %dma_start3A_2254 = tpu.memref_slice %arg4[%add3A_646, %dma_start3A_2252, %dma_start3A_2253] : memref<4096x128x128xf16, #tpu.memory_space<hbm>> -> memref<4x128x128xf16, #tpu.memory_space<hbm>>
    tpu.enqueue_dma source(%dma_start3A_2254 : memref<4x128x128xf16, #tpu.memory_space<hbm>>) target(%arg10 : memref<4x128x128xf16, #tpu.memory_space<vmem>>) target_semaphore(%arg13 : memref<!tpu.dma_semaphore, #tpu.memory_space<semaphore_mem>>)
    %dma_wait3A_2255 = arith.constant 0 : i32
    %dma_wait3A_2256 = arith.constant 0 : i32
    %dma_wait3A_2257 = tpu.memref_slice %arg4[%add3A_638, %dma_wait3A_2255, %dma_wait3A_2256] : memref<4096x128x128xf16, #tpu.memory_space<hbm>> -> memref<4x128x128xf16, #tpu.memory_space<hbm>>
    %dma_wait3A_2258 = arith.constant 0 : i32
    %dma_wait3A_2259 = arith.constant 0 : i32
    %dma_wait3A_2260 = tpu.memref_slice %arg4[%add3A_638, %dma_wait3A_2258, %dma_wait3A_2259] : memref<4096x128x128xf16, #tpu.memory_space<hbm>> -> memref<4x128x128xf16, #tpu.memory_space<hbm>>
    tpu.wait_dma2 semaphore(%arg11 : memref<!tpu.dma_semaphore, #tpu.memory_space<semaphore_mem>>) src(%dma_wait3A_2260 : memref<4x128x128xf16, #tpu.memory_space<hbm>>) dst(%arg8 : memref<4x128x128xf16, #tpu.memory_space<vmem>>)
    %dma_start3A_2261 = arith.constant 0 : i32
    %dma_start3A_2262 = arith.constant 0 : i32
    %dma_start3A_2263 = tpu.memref_slice %arg6[%add3A_638, %dma_start3A_2261, %dma_start3A_2262] : memref<4096x128x128xf16, #tpu.memory_space<hbm>> -> memref<4x128x128xf16, #tpu.memory_space<hbm>>
    %dma_start3A_2264 = arith.constant 0 : i32
    %dma_start3A_2265 = arith.constant 0 : i32
    %dma_start3A_2266 = tpu.memref_slice %arg6[%add3A_638, %dma_start3A_2264, %dma_start3A_2265] : memref<4096x128x128xf16, #tpu.memory_space<hbm>> -> memref<4x128x128xf16, #tpu.memory_space<hbm>>
    tpu.enqueue_dma source(%arg8 : memref<4x128x128xf16, #tpu.memory_space<vmem>>) target(%dma_start3A_2266 : memref<4x128x128xf16, #tpu.memory_space<hbm>>) target_semaphore(%arg14 : memref<!tpu.dma_semaphore, #tpu.memory_space<semaphore_mem>>)
    %dma_wait3A_2267 = arith.constant 0 : i32
    %dma_wait3A_2268 = arith.constant 0 : i32
    %dma_wait3A_2269 = tpu.memref_slice %arg6[%add3A_638, %dma_wait3A_2267, %dma_wait3A_2268] : memref<4096x128x128xf16, #tpu.memory_space<hbm>> -> memref<4x128x128xf16, #tpu.memory_space<hbm>>
    %dma_wait3A_2270 = arith.constant 0 : i32
    %dma_wait3A_2271 = arith.constant 0 : i32
    %dma_wait3A_2272 = tpu.memref_slice %arg6[%add3A_638, %dma_wait3A_2270, %dma_wait3A_2271] : memref<4096x128x128xf16, #tpu.memory_space<hbm>> -> memref<4x128x128xf16, #tpu.memory_space<hbm>>
    tpu.wait_dma2 semaphore(%arg14 : memref<!tpu.dma_semaphore, #tpu.memory_space<semaphore_mem>>) src(%arg8 : memref<4x128x128xf16, #tpu.memory_space<vmem>>) dst(%dma_wait3A_2272 : memref<4x128x128xf16, #tpu.memory_space<hbm>>)
    %dma_start3A_2273 = arith.constant 0 : i32
    %dma_start3A_2274 = arith.constant 0 : i32
    %dma_start3A_2275 = tpu.memref_slice %arg5[%add3A_646, %dma_start3A_2273, %dma_start3A_2274] : memref<4096x128x128xf16, #tpu.memory_space<hbm>> -> memref<4x128x128xf16, #tpu.memory_space<hbm>>
    %dma_start3A_2276 = arith.constant 0 : i32
    %dma_start3A_2277 = arith.constant 0 : i32
    %dma_start3A_2278 = tpu.memref_slice %arg5[%add3A_646, %dma_start3A_2276, %dma_start3A_2277] : memref<4096x128x128xf16, #tpu.memory_space<hbm>> -> memref<4x128x128xf16, #tpu.memory_space<hbm>>
    tpu.enqueue_dma source(%dma_start3A_2278 : memref<4x128x128xf16, #tpu.memory_space<hbm>>) target(%arg8 : memref<4x128x128xf16, #tpu.memory_space<vmem>>) target_semaphore(%arg11 : memref<!tpu.dma_semaphore, #tpu.memory_space<semaphore_mem>>)
    %dma_wait3A_2279 = arith.constant 0 : i32
    %dma_wait3A_2280 = arith.constant 0 : i32
    %dma_wait3A_2281 = tpu.memref_slice %arg5[%add3A_638, %dma_wait3A_2279, %dma_wait3A_2280] : memref<4096x128x128xf16, #tpu.memory_space<hbm>> -> memref<4x128x128xf16, #tpu.memory_space<hbm>>
    %dma_wait3A_2282 = arith.constant 0 : i32
    %dma_wait3A_2283 = arith.constant 0 : i32
    %dma_wait3A_2284 = tpu.memref_slice %arg5[%add3A_638, %dma_wait3A_2282, %dma_wait3A_2283] : memref<4096x128x128xf16, #tpu.memory_space<hbm>> -> memref<4x128x128xf16, #tpu.memory_space<hbm>>
    tpu.wait_dma2 semaphore(%arg12 : memref<!tpu.dma_semaphore, #tpu.memory_space<semaphore_mem>>) src(%dma_wait3A_2284 : memref<4x128x128xf16, #tpu.memory_space<hbm>>) dst(%arg9 : memref<4x128x128xf16, #tpu.memory_space<vmem>>)
    %dma_start3A_2285 = arith.constant 0 : i32
    %dma_start3A_2286 = arith.constant 0 : i32
    %dma_start3A_2287 = tpu.memref_slice %arg7[%add3A_638, %dma_start3A_2285, %dma_start3A_2286] : memref<4096x128x128xf16, #tpu.memory_space<hbm>> -> memref<4x128x128xf16, #tpu.memory_space<hbm>>
    %dma_start3A_2288 = arith.constant 0 : i32
    %dma_start3A_2289 = arith.constant 0 : i32
    %dma_start3A_2290 = tpu.memref_slice %arg7[%add3A_638, %dma_start3A_2288, %dma_start3A_2289] : memref<4096x128x128xf16, #tpu.memory_space<hbm>> -> memref<4x128x128xf16, #tpu.memory_space<hbm>>
    tpu.enqueue_dma source(%arg9 : memref<4x128x128xf16, #tpu.memory_space<vmem>>) target(%dma_start3A_2290 : memref<4x128x128xf16, #tpu.memory_space<hbm>>) target_semaphore(%arg15 : memref<!tpu.dma_semaphore, #tpu.memory_space<semaphore_mem>>)
    %dma_wait3A_2291 = arith.constant 0 : i32
    %dma_wait3A_2292 = arith.constant 0 : i32
    %dma_wait3A_2293 = tpu.memref_slice %arg4[%add3A_646, %dma_wait3A_2291, %dma_wait3A_2292] : memref<4096x128x128xf16, #tpu.memory_space<hbm>> -> memref<4x128x128xf16, #tpu.memory_space<hbm>>
    %dma_wait3A_2294 = arith.constant 0 : i32
    %dma_wait3A_2295 = arith.constant 0 : i32
    %dma_wait3A_2296 = tpu.memref_slice %arg4[%add3A_646, %dma_wait3A_2294, %dma_wait3A_2295] : memref<4096x128x128xf16, #tpu.memory_space<hbm>> -> memref<4x128x128xf16, #tpu.memory_space<hbm>>
    tpu.wait_dma2 semaphore(%arg13 : memref<!tpu.dma_semaphore, #tpu.memory_space<semaphore_mem>>) src(%dma_wait3A_2296 : memref<4x128x128xf16, #tpu.memory_space<hbm>>) dst(%arg10 : memref<4x128x128xf16, #tpu.memory_space<vmem>>)
    %dma_start3A_2297 = arith.constant 0 : i32
    %dma_start3A_2298 = arith.constant 0 : i32
    %dma_start3A_2299 = tpu.memref_slice %arg6[%add3A_646, %dma_start3A_2297, %dma_start3A_2298] : memref<4096x128x128xf16, #tpu.memory_space<hbm>> -> memref<4x128x128xf16, #tpu.memory_space<hbm>>
    %dma_start3A_2300 = arith.constant 0 : i32
    %dma_start3A_2301 = arith.constant 0 : i32
    %dma_start3A_2302 = tpu.memref_slice %arg6[%add3A_646, %dma_start3A_2300, %dma_start3A_2301] : memref<4096x128x128xf16, #tpu.memory_space<hbm>> -> memref<4x128x128xf16, #tpu.memory_space<hbm>>
    tpu.enqueue_dma source(%arg10 : memref<4x128x128xf16, #tpu.memory_space<vmem>>) target(%dma_start3A_2302 : memref<4x128x128xf16, #tpu.memory_space<hbm>>) target_semaphore(%arg16 : memref<!tpu.dma_semaphore, #tpu.memory_space<semaphore_mem>>)
    %dma_wait3A_2303 = arith.constant 0 : i32
    %dma_wait3A_2304 = arith.constant 0 : i32
    %dma_wait3A_2305 = tpu.memref_slice %arg5[%add3A_646, %dma_wait3A_2303, %dma_wait3A_2304] : memref<4096x128x128xf16, #tpu.memory_space<hbm>> -> memref<4x128x128xf16, #tpu.memory_space<hbm>>
    %dma_wait3A_2306 = arith.constant 0 : i32
    %dma_wait3A_2307 = arith.constant 0 : i32
    %dma_wait3A_2308 = tpu.memref_slice %arg5[%add3A_646, %dma_wait3A_2306, %dma_wait3A_2307] : memref<4096x128x128xf16, #tpu.memory_space<hbm>> -> memref<4x128x128xf16, #tpu.memory_space<hbm>>
    tpu.wait_dma2 semaphore(%arg11 : memref<!tpu.dma_semaphore, #tpu.memory_space<semaphore_mem>>) src(%dma_wait3A_2308 : memref<4x128x128xf16, #tpu.memory_space<hbm>>) dst(%arg8 : memref<4x128x128xf16, #tpu.memory_space<vmem>>)
    %dma_start3A_2309 = arith.constant 0 : i32
    %dma_start3A_2310 = arith.constant 0 : i32
    %dma_start3A_2311 = tpu.memref_slice %arg7[%add3A_646, %dma_start3A_2309, %dma_start3A_2310] : memref<4096x128x128xf16, #tpu.memory_space<hbm>> -> memref<4x128x128xf16, #tpu.memory_space<hbm>>
    %dma_start3A_2312 = arith.constant 0 : i32
    %dma_start3A_2313 = arith.constant 0 : i32
    %dma_start3A_2314 = tpu.memref_slice %arg7[%add3A_646, %dma_start3A_2312, %dma_start3A_2313] : memref<4096x128x128xf16, #tpu.memory_space<hbm>> -> memref<4x128x128xf16, #tpu.memory_space<hbm>>
    tpu.enqueue_dma source(%arg8 : memref<4x128x128xf16, #tpu.memory_space<vmem>>) target(%dma_start3A_2314 : memref<4x128x128xf16, #tpu.memory_space<hbm>>) target_semaphore(%arg14 : memref<!tpu.dma_semaphore, #tpu.memory_space<semaphore_mem>>)
    %dma_wait3A_2315 = arith.constant 0 : i32
    %dma_wait3A_2316 = arith.constant 0 : i32
    %dma_wait3A_2317 = tpu.memref_slice %arg7[%add3A_638, %dma_wait3A_2315, %dma_wait3A_2316] : memref<4096x128x128xf16, #tpu.memory_space<hbm>> -> memref<4x128x128xf16, #tpu.memory_space<hbm>>
    %dma_wait3A_2318 = arith.constant 0 : i32
    %dma_wait3A_2319 = arith.constant 0 : i32
    %dma_wait3A_2320 = tpu.memref_slice %arg7[%add3A_638, %dma_wait3A_2318, %dma_wait3A_2319] : memref<4096x128x128xf16, #tpu.memory_space<hbm>> -> memref<4x128x128xf16, #tpu.memory_space<hbm>>
    tpu.wait_dma2 semaphore(%arg15 : memref<!tpu.dma_semaphore, #tpu.memory_space<semaphore_mem>>) src(%arg9 : memref<4x128x128xf16, #tpu.memory_space<vmem>>) dst(%dma_wait3A_2320 : memref<4x128x128xf16, #tpu.memory_space<hbm>>)
    %dma_wait3A_2321 = arith.constant 0 : i32
    %dma_wait3A_2322 = arith.constant 0 : i32
    %dma_wait3A_2323 = tpu.memref_slice %arg6[%add3A_646, %dma_wait3A_2321, %dma_wait3A_2322] : memref<4096x128x128xf16, #tpu.memory_space<hbm>> -> memref<4x128x128xf16, #tpu.memory_space<hbm>>
    %dma_wait3A_2324 = arith.constant 0 : i32
    %dma_wait3A_2325 = arith.constant 0 : i32
    %dma_wait3A_2326 = tpu.memref_slice %arg6[%add3A_646, %dma_wait3A_2324, %dma_wait3A_2325] : memref<4096x128x128xf16, #tpu.memory_space<hbm>> -> memref<4x128x128xf16, #tpu.memory_space<hbm>>
    tpu.wait_dma2 semaphore(%arg16 : memref<!tpu.dma_semaphore, #tpu.memory_space<semaphore_mem>>) src(%arg10 : memref<4x128x128xf16, #tpu.memory_space<vmem>>) dst(%dma_wait3A_2326 : memref<4x128x128xf16, #tpu.memory_space<hbm>>)
    %dma_wait3A_2327 = arith.constant 0 : i32
    %dma_wait3A_2328 = arith.constant 0 : i32
    %dma_wait3A_2329 = tpu.memref_slice %arg7[%add3A_646, %dma_wait3A_2327, %dma_wait3A_2328] : memref<4096x128x128xf16, #tpu.memory_space<hbm>> -> memref<4x128x128xf16, #tpu.memory_space<hbm>>
    %dma_wait3A_2330 = arith.constant 0 : i32
    %dma_wait3A_2331 = arith.constant 0 : i32
    %dma_wait3A_2332 = tpu.memref_slice %arg7[%add3A_646, %dma_wait3A_2330, %dma_wait3A_2331] : memref<4096x128x128xf16, #tpu.memory_space<hbm>> -> memref<4x128x128xf16, #tpu.memory_space<hbm>>
    tpu.wait_dma2 semaphore(%arg14 : memref<!tpu.dma_semaphore, #tpu.memory_space<semaphore_mem>>) src(%arg8 : memref<4x128x128xf16, #tpu.memory_space<vmem>>) dst(%dma_wait3A_2332 : memref<4x128x128xf16, #tpu.memory_space<hbm>>)
    return
  }
}

</mosaic_0001>

<sc_bundles>
// kernel: kernel.3.cloned.1.call-start
scs
__scs_entry_jumppad:
0x0: {  	(pc) =	sbr.rel $0x88, $3  }
0x1: {  	(tag) =	ssettag $0x0;
	lr =	simm.s32 $0x1  }
0x2: {  	[smem:$0x3F9D] =	sst lr;
	_ =	strace $0xD0000000  }
0x3: {  	_ = 	snop  }
0x4: {  	_ = 	snop  }
0x5: {  	_ = 	snop  }
0x6: {  	_ = 	snop  }
0x7: {  	_ = 	snop  }
__scs_overlays_trampoline_lowered:
0x8: {  	[smem:$0x3FAC] =	sst s0  }
0x9: {  	[smem:$0x3FAD] =	sst s1  }
0xa: {  	[smem:$0x3FAE] =	sst s2  }
0xb: {  	[smem:$0x3FAF] =	sst s3  }
0xc: {  	[smem:$0x3FB0] =	sst s4  }
0xd: {  	[smem:$0x3FB1] =	sst s5  }
0xe: {  	[smem:$0x3FB2] =	sst s6  }
0xf: {  	[smem:$0x3FB3] =	sst s7  }
0x10: {  	[smem:$0x3FB4] =	sst s8  }
0x11: {  	[smem:$0x3FB5] =	sst s9;
	s0 =	simm.s32 @!p0 $0x0  }
0x12: {  	s1 =	sld [smem:$0x3F9B];
	s0 =	simm.s32 @p0 $0x1  }
0x13: {  	[smem:$0x3FB6] =	sst s0;
	s0 =	simm.s32 @!p1 $0x0  }
0x14: {  	s2 =	sld [smem:$0x3F9A];
	s0 =	simm.s32 @p1 $0x1  }
0x15: {  	[smem:$0x3FB7] =	sst s0;
	s0 =	simm.s32 @!p2 $0x0  }
0x16: {  	s3 =	sld [smem:$0x3FDB];
	s0 =	simm.s32 @p2 $0x1  }
0x17: {  	s4 =	simm.s32 $0x1BF5;
	[smem:$0x3FB9] =	sst s0  }
0x18: {  	s0 =	sld [smem:$0x3F9C];
	_ =	swait.ge [sflag:s4], $0x0  }
0x19: {  	s7 =	sld [smem:$0x3F9D]  }
0x1a: {  	s8 =	sadd.s32 $0xFFFFE003, lr  }
0x1b: {  	s9 =	sadd.s32 $0xFFFFFEF7, lr;
	s5 =	simm.s32 $0xFFFFFFFF;
	p2 =	slt.u32 s8, $0xFFFFF086  }
0x1c: {  	p1 =	slt.u32 s9, $0xF7A;
	s5 =	simm.s32 @!p2 $0x0  }
0x1d: {  	s5 =	simm.s32 @p1 $0x1;
	p0 =	seq.s32 s7, s2  }
0x1e: {  	s7 =	smul.u32 @!p0 $0xF7A, s2;
	p2 =	seq.s32 @!p0 s5, $0x0  }
0x1f: {  	s9 =	smul.u32 $0xF7A, s1;
	s8 =	simm.s32 @!p0 $0x1BF5;
	p2 =	por !p2, p0  }
0x20: {  	[sflag:s8] =	ssyncset.s32 @!p0 $0xFFFFF086;
	s6 =	sadd.s32 @!p0 s3, s7;
	s7 =	simm.s32 @!p0 $0x108  }
0x21: {  	s3 =	sadd.s32 s3, s9;
	s6 =	sadd.s32 @!p0 $0x88, s6;
	s7 =	simm.s32 @p2 $0x1082  }
0x22: {  	[simem:s7], [sflag:s8] =	dma.local @!p0 [hbm:s6], $0xF7A  }
0x23: {  	s9 =	sor.u32 $0xD0000000, s2;
	s6 =	simm.s32 $0x108;
	_ =	swait.ge @!p0 [sflag:s8], $0x0  }
0x24: {  	s3 =	sadd.s32 $0x88, s3;
	s6 =	simm.s32 @!p1 $0x1082;
	[sflag:s4] =	ssyncset.s32 $0xFFFFF086  }
0x25: {  	[simem:s6], [sflag:s4] =	dma.local [hbm:s3], $0xF7A  }
0x26: {  	[smem:$0x3F9D] =	sst s1;
	(tag) =	ssettag s2;
	_ =	strace s9  }
0x27: {  	s1 =	sld [smem:$0x3FAD]  }
0x28: {  	s2 =	sld [smem:$0x3FAE]  }
0x29: {  	s4 =	sld [smem:$0x3FB0]  }
0x2a: {  	p0 =	seq.s32 s5, $0x0;
	s5 =	sld [smem:$0x3FB1]  }
0x2b: {  	s6 =	sld [smem:$0x3FB2]  }
0x2c: {  	s7 =	sld [smem:$0x3FB3]  }
0x2d: {  	s3 =	simm.s32 $0x108;
	s8 =	sld [smem:$0x3FB4]  }
0x2e: {  	s3 =	simm.s32 @!p0 $0x1082;
	s9 =	sld [smem:$0x3FB5]  }
0x2f: {  	lr =	sadd.s32 s0, s3;
	s0 =	sld [smem:$0x3FAC]  }
0x30: {  	s3 =	sld [smem:$0x3FAF]  }
0x31: {  	[smem:$0x3FB8] =	sst s10  }
0x32: {  	s10 =	sld [smem:$0x3FB6];
	_ =	sdelay $0x3  }
0x33: {  	p0 =	seq.s32 s10, $0x1;
	s10 =	sld [smem:$0x3FB8];
	_ =	sdelay $0x3  }
0x34: {  	[smem:$0x3FB8] =	sst s10  }
0x35: {  	s10 =	sld [smem:$0x3FB7];
	_ =	sdelay $0x3  }
0x36: {  	p1 =	seq.s32 s10, $0x1;
	s10 =	sld [smem:$0x3FB8];
	_ =	sdelay $0x3  }
0x37: {  	[smem:$0x3FB8] =	sst s10  }
0x38: {  	s10 =	sld [smem:$0x3FB9]  }
0x39: {  	_ = 	snop;
	(pc) =	sbr.ind lr, $3  }
0x3a: {  	_ = 	snop  }
0x3b: {  	_ = 	snop  }
0x3c: {  	p2 =	seq.s32 s10, $0x1;
	s10 =	sld [smem:$0x3FB8]  }
0x3d: {  	_ =	shalt  }
0x3e: {  	_ =	shalt  }
0x3f: {  	_ =	shalt  }
0x40: {  	_ =	shalt  }
0x41: {  	_ =	shalt  }
0x42: {  	_ =	shalt  }
0x43: {  	_ =	shalt  }
0x44: {  	_ =	shalt  }
0x45: {  	_ =	shalt  }
0x46: {  	_ =	shalt  }
0x47: {  	_ =	shalt  }
0x48: {  	_ =	shalt  }
0x49: {  	_ =	shalt  }
0x4a: {  	_ =	shalt  }
0x4b: {  	_ =	shalt  }
0x4c: {  	_ =	shalt  }
0x4d: {  	_ =	shalt  }
0x4e: {  	_ =	shalt  }
0x4f: {  	_ =	shalt  }
0x50: {  	_ =	shalt  }
0x51: {  	_ =	shalt  }
0x52: {  	_ =	shalt  }
0x53: {  	_ =	shalt  }
0x54: {  	_ =	shalt  }
0x55: {  	_ =	shalt  }
0x56: {  	_ =	shalt  }
0x57: {  	_ =	shalt  }
0x58: {  	_ =	shalt  }
0x59: {  	_ =	shalt  }
0x5a: {  	_ =	shalt  }
0x5b: {  	_ =	shalt  }
0x5c: {  	_ =	shalt  }
0x5d: {  	_ =	shalt  }
0x5e: {  	_ =	shalt  }
0x5f: {  	_ =	shalt  }
0x60: {  	_ =	shalt  }
0x61: {  	_ =	shalt  }
0x62: {  	_ =	shalt  }
0x63: {  	_ =	shalt  }
0x64: {  	_ =	shalt  }
0x65: {  	_ =	shalt  }
0x66: {  	_ =	shalt  }
0x67: {  	_ =	shalt  }
0x68: {  	_ =	shalt  }
0x69: {  	_ =	shalt  }
0x6a: {  	_ =	shalt  }
0x6b: {  	_ =	shalt  }
0x6c: {  	_ =	shalt  }
0x6d: {  	_ =	shalt  }
0x6e: {  	_ =	shalt  }
0x6f: {  	_ =	shalt  }
0x70: {  	_ =	shalt  }
0x71: {  	_ =	shalt  }
0x72: {  	_ =	shalt  }
0x73: {  	_ =	shalt  }
0x74: {  	_ =	shalt  }
0x75: {  	_ =	shalt  }
0x76: {  	_ =	shalt  }
0x77: {  	_ =	shalt  }
0x78: {  	_ =	shalt  }
0x79: {  	_ =	shalt  }
0x7a: {  	_ =	shalt  }
0x7b: {  	_ =	shalt  }
0x7c: {  	_ =	shalt  }
0x7d: {  	_ =	shalt  }
0x7e: {  	_ =	shalt  }
0x7f: {  	_ =	shalt  }
0x80: {  	_ =	shalt  }
0x81: {  	_ =	shalt  }
0x82: {  	_ =	shalt  }
0x83: {  	_ =	shalt  }
0x84: {  	_ =	shalt  }
0x85: {  	_ =	shalt  }
0x86: {  	_ =	shalt  }
0x87: {  	_ =	shalt  }
.Lfunc_end0:
.L_simem_size_0:
called_computation_lowered:
.L_overlay_start_0:
0x88: {  	s2 =	sld [smem:$0x3FD9]  }
0x89: {  	s3 =	sld [smem:$0x3FFE];
	_ =	sdelay $0x1  }
0x8a: {  	s1 =	srdreg.scid  }
0x8b: {  	s0 =	sand.u32 $0x1, s1  }
0x8c: {  	s14 =	sshll.u32 s0, $0xA;
	s2 =	sadd.s32 s3, s2  }
0x8d: {  	s2 =	sadd.s32 s2, s14  }
0x8e: {  	[smem:$0x3FC4] =	sst s2  }
0x8f: {  	_ = 	snop  }
0x90: {  	s2 =	sld [smem:$0x3FD0];
	_ =	sdelay $0x1  }
0x91: {  	s15 =	sld [smem:$0x3FC8]  }
0x92: {  	s5 =	simm.s32 $0xA;
	s6 =	simm.s32 $0x10;
	s4 =	sld [smem:$0x3FC6]  }
0x93: {  	[smem:s6], [sflag:s5] =	dma.local [hbm:s2], $0x1  }
0x94: {  	_ =	swait.eq [sflag:s5], $0x1  }
0x95: {  	[sflag:s5] =	ssyncset.done $0x0  }
0x96: {  	s16 =	sld [smem:$0x10];
	[sflag:s5] =	ssyncadd.s32 $0xFFFFFFFF  }
0x97: {  	s17 =	sld [smem:$0x11];
	(tm) =	ssettm $0x1  }
0x98: {  	s18 =	sld [smem:$0x3FFB];
	_ =	sdelay $0x3  }
0x99: {  	_ =	strace s18  }
0x9a: {  	s6 =	sld [smem:$0x3FFC];
	_ =	sdelay $0x3  }
0x9b: {  	_ =	strace s6  }
0x9c: {  	s6 =	sld [smem:$0x3FFD];
	_ =	sdelay $0x3  }
0x9d: {  	_ =	strace s6  }
0x9e: {  	_ =	strace $0x8FFFFFFF  }
0x9f: {  	s19 =	sld [smem:$0x3FDB];
	_ =	sdelay $0x1  }
0xa0: {  	s7 =	simm.s32 $_scs_section_size  }
0xa1: {  	s8 =	simm.s32 $_size__tile_overlayer_lowered;
	s9 =	simm.s32 $_tile_overlayer_lowered  }
0xa2: {  	s22 =	simm.s32 $0x1BFF;
	s21 =	sshll.u32 s9, $0x1;
	s6 =	sadd.s32 s7, s19  }
0xa3: {  	s10 =	simm.s32 $0x0;
	s20 =	sshll.u32 s8, $0x1;
	s8 =	sadd.s32 s21, s6  }
0xa4: {  	[timem:s10], [sflag:s22] =	dma.local [hbm:s8], s20  }
0xa5: {  	_ =	swait.ge [sflag:s22], s20  }
0xa6: {  	s7 =	ssub.s32 $0x0, s20;
	[sflag:s22] =	ssyncset.done $0x0  }
0xa7: {  	[sflag:s22] =	ssyncadd.s32 s7;
	_ =	sdelay $0x1  }
0xa8: {  	s23 =	simm.s32 $0x1B8B  }
0xa9: {  	_ =	swait.ge [sflag:s23], $0x1  }
0xaa: {  	[sflag:s23] =	ssyncset.done $0x0  }
0xab: {  	s25 =	simm.s32 $0x1B8E;
	s24 =	sld [smem:$0x3FFE];
	[sflag:s23] =	ssyncadd.s32 $0xFFFFFFFF  }
0xac: {  	s26 =	simm.s32 $execute0_lowered;
	[smem:$0x3FD2] =	sst s25  }
0xad: {  	s8 =	sshll.u32 s26, $0x1;
	_ =	strace $0x80000046;
	[dreg:$0x1] =	wrdreg $0xFFFFFFFF  }
0xae: {  	s28 =	simm.s32 $_size_execute0_lowered;
	s6 =	sadd.s32 s6, s8;
	[dreg:$0x0] =	wrdreg $0x0  }
0xaf: {  	s8 =	sshll.u32 s28, $0x1;
	[dreg:$0x2] =	wrdreg s6  }
0xb0: {  	[dreg:$0x3] =	wrdreg s8  }
0xb1: {  	[dreg:$0x4] =	wrdreg $0xC0  }
0xb2: {  	_ =	task [dreg:s10], $0x5FFFF  }
0xb3: {  	[dreg:$0x1] =	wrdreg $0xFFFFFFFF  }
0xb4: {  	[dreg:$0x0] =	wrdreg $0x60  }
0xb5: {  	[dreg:$0x2] =	wrdreg s24  }
0xb6: {  	[dreg:$0x3] =	wrdreg s15  }
0xb7: {  	[dreg:$0x4] =	wrdreg s4  }
0xb8: {  	[dreg:$0x5] =	wrdreg s16  }
0xb9: {  	[dreg:$0x6] =	wrdreg s17  }
0xba: {  	[dreg:$0x7] =	wrdreg $0x9  }
0xbb: {  	_ =	task.clear_ibuf [dreg:s10], $0x8FFFF;
	_ =	strace $0x90000046  }
0xbc: {  	s29 =	simm.s32 $0x9;
	_ =	strace $0x80000048  }
0xbd: {  	_ =	swait.ge [sflag:s29], $0x1  }
0xbe: {  	[sflag:s29] =	ssyncadd.s32 $0xFFFFFFFF  }
0xbf: {  	_ =	strace $0x90000048  }
0xc0: {  	_ =	sfence  }
0xc1: {  	s30 =	sld [smem:$0x0];
	_ =	sdelay $0x2  }
0xc2: {  	s31 =	sshll.u32 s1, $0xD;
	s1 =	sshrl.u32 s1, $0x2  }
0xc3: {  	s3 =	sand.u32 $0x4000, s31;
	s1 =	sadd.s32 s1, s30  }
0xc4: {  	s0 =	sor.u32 s3, s0;
	s1 =	sshll.u32 s1, $0x11  }
0xc5: {  	s0 =	sor.u32 s1, s0  }
0xc6: {  	s0 =	sadd.s32 $0x8F2B, s0  }
0xc7: {  	[sflag:s0] =	ssyncadd.remote.s32 $0x1  }
0xc8: {  	_ =	sfence.sel $0xFFFF  }
0xc9: {  	[dreg:$0x0] =	wrdreg $0xFFFFFFFF;
	(pc) =	sbr.abs _section_cstart, $3  }
0xca: {  	[dreg:$0x1] =	wrdreg $0xFFFFFFFF  }
0xcb: {  	_ =	task.clear_ibuf [dreg:s10], $0x2FFFF;
	_ =	strace $0x9FFFFFFF  }
0xcc: {  	(tm) =	ssettm $0x7FFFFFFF  }
0xcd: {  	_ =	shalt  }
tec
execute0_lowered:
.L_overlay_start_1:
0x0: {  	(tag) =	ssettag $0x1  }
0x1: {  	s1 =	rddreg [dreg:$0x0]  }
0x2: {  	s5 =	rddreg [dreg:$0x1]  }
0x3: {  	s4 =	rddreg [dreg:$0x2]  }
0x4: {  	s0 =	rddreg [dreg:$0x3]  }
0x5: {  	s3 =	rddreg [dreg:$0x4]  }
0x6: {  	s25 =	rddreg [dreg:$0x5];
	s2 =	simm.s32 $0x0;
	s6 =	srdreg.scid  }
0x7: {  	s10 =	stileid.u32;
	[smem:$0x7FF] =	sst s2;
	s6 =	sand.u32 $0x1, s6  }
0x8: {  	s8 =	sshll.u32 s10, $0xD;
	s9 =	sadd.s32 $0x20A00, s1;
	s7 =	sshll.u32 s6, $0x8  }
0x9: {  	s1 =	sadd.s32 $0xA00, s1;
	_ =	strace $0x80000047;
	s7 =	sor.u32 s7, s8  }
0xa: {  	s23 =	sadd.s32 s9, s7;
	s11 =	sor.u32 $0x40, s7;
	s12 =	sor.u32 $0x80, s7  }
0xb: {  	s13 =	sor.u32 $0xC0, s7;
	s7 =	sadd.s32 s1, s7;
	[dreg:$0x6] =	wrdreg s23  }
0xc: {  	s24 =	sadd.s32 s9, s11;
	[dreg:$0xa] =	wrdreg s7  }
0xd: {  	s26 =	sadd.s32 s9, s12;
	[dreg:$0x7] =	wrdreg s24  }
0xe: {  	s22 =	sshll.u32 s10, $0x1;
	s9 =	sadd.s32 s9, s13;
	[dreg:$0x8] =	wrdreg s26  }
0xf: {  	s8 =	sor.u32 s6, s22;
	s14 =	sadd.s32 s1, s11;
	[dreg:$0x9] =	wrdreg s9  }
0x10: {  	s10 =	smul.u32 $0x1F0000, s8;
	s15 =	sadd.s32 s1, s12;
	[dreg:$0xb] =	wrdreg s14  }
0x11: {  	s8 =	sshll.u32 s8, $0xC;
	s1 =	sadd.s32 s1, s13;
	[dreg:$0xc] =	wrdreg s15  }
0x12: {  	s17 =	sadd.s32 s0, s8;
	[dreg:$0xd] =	wrdreg s1  }
0x13: {  	s19 =	sadd.s32 s3, s8;
	s7 =	sshrl.u32 s10, $0x4;
	[dreg:$0xf] =	wrdreg s17  }
0x14: {  	[dreg:$0x11] =	wrdreg s19;
	s9 =	sadd.s32 $0x20000, s7  }
0x15: {  	s1 =	rddreg [dreg:$0x6];
	s16 =	sadd.s32 s5, s9  }
0x16: {  	s20 =	sadd.s32 $0x21000, s7;
	s18 =	sadd.s32 s4, s9;
	[dreg:$0xe] =	wrdreg s16  }
0x17: {  	s21 =	sadd.s32 s5, s20;
	[dreg:$0x10] =	wrdreg s18  }
0x18: {  	s22 =	sadd.s32 s0, s9;
	[dreg:$0x12] =	wrdreg s21  }
0x19: {  	s23 =	sadd.s32 s4, s20;
	[dreg:$0x13] =	wrdreg s22  }
0x1a: {  	s26 =	sadd.s32 $0x22000, s7;
	s24 =	sadd.s32 s3, s9;
	[dreg:$0x14] =	wrdreg s23  }
0x1b: {  	s10 =	sadd.s32 s5, s26;
	[dreg:$0x15] =	wrdreg s24  }
0x1c: {  	s11 =	sadd.s32 s0, s20;
	[dreg:$0x16] =	wrdreg s10  }
0x1d: {  	s12 =	sadd.s32 s4, s26;
	[dreg:$0x17] =	wrdreg s11  }
0x1e: {  	s14 =	sadd.s32 $0x23000, s7;
	s13 =	sadd.s32 s3, s20;
	[dreg:$0x18] =	wrdreg s12  }
0x1f: {  	s15 =	sadd.s32 s5, s14;
	[dreg:$0x19] =	wrdreg s13  }
0x20: {  	s19 =	sadd.s32 $0x24000, s7;
	s17 =	sadd.s32 s4, s14;
	[dreg:$0x1a] =	wrdreg s15  }
0x21: {  	s20 =	sadd.s32 s5, s19;
	[dreg:$0x1c] =	wrdreg s17  }
0x22: {  	s16 =	sadd.s32 s0, s26;
	[dreg:$0x1e] =	wrdreg s20  }
0x23: {  	s18 =	sadd.s32 s3, s26;
	[dreg:$0x1b] =	wrdreg s16  }
0x24: {  	s21 =	sadd.s32 s0, s14;
	[dreg:$0x1d] =	wrdreg s18  }
0x25: {  	s22 =	sadd.s32 s4, s19;
	[dreg:$0x1f] =	wrdreg s21  }
0x26: {  	s23 =	sadd.s32 s3, s14;
	[smem:$0x79E] =	sst s22  }
0x27: {  	s10 =	sadd.s32 s0, s19;
	[smem:$0x79F] =	sst s23  }
0x28: {  	s24 =	sadd.s32 $0x25000, s7;
	s12 =	sadd.s32 s3, s19;
	[smem:$0x7A1] =	sst s10  }
0x29: {  	s26 =	sadd.s32 s5, s24;
	[smem:$0x7A3] =	sst s12  }
0x2a: {  	s13 =	sadd.s32 $0x26000, s7;
	s11 =	sadd.s32 s4, s24;
	[smem:$0x7A0] =	sst s26  }
0x2b: {  	s14 =	sadd.s32 s5, s13;
	[smem:$0x7A2] =	sst s11  }
0x2c: {  	s15 =	sadd.s32 s0, s24;
	[smem:$0x7A4] =	sst s14  }
0x2d: {  	s16 =	sadd.s32 s4, s13;
	[smem:$0x7A5] =	sst s15  }
0x2e: {  	s17 =	sadd.s32 s3, s24;
	[smem:$0x7A6] =	sst s16  }
0x2f: {  	s20 =	sadd.s32 s0, s13;
	[smem:$0x7A7] =	sst s17  }
0x30: {  	s18 =	sadd.s32 $0x27000, s7;
	s22 =	sadd.s32 s3, s13;
	[smem:$0x7A9] =	sst s20  }
0x31: {  	s19 =	sadd.s32 s5, s18;
	[smem:$0x7AB] =	sst s22  }
0x32: {  	s23 =	sadd.s32 $0x28000, s7;
	s21 =	sadd.s32 s4, s18;
	[smem:$0x7A8] =	sst s19  }
0x33: {  	s24 =	sadd.s32 s5, s23;
	[smem:$0x7AA] =	sst s21  }
0x34: {  	s26 =	sadd.s32 s0, s18;
	[smem:$0x7AC] =	sst s24  }
0x35: {  	s10 =	sadd.s32 s4, s23;
	[smem:$0x7AD] =	sst s26  }
0x36: {  	s12 =	sadd.s32 $0x29000, s7;
	s11 =	sadd.s32 s3, s18;
	[smem:$0x7AE] =	sst s10  }
0x37: {  	s13 =	sadd.s32 s5, s12;
	[smem:$0x7AF] =	sst s11  }
0x38: {  	s14 =	sadd.s32 s0, s23;
	[smem:$0x7B0] =	sst s13  }
0x39: {  	s15 =	sadd.s32 s4, s12;
	[smem:$0x7B1] =	sst s14  }
0x3a: {  	s16 =	sadd.s32 s3, s23;
	s17 =	sadd.s32 $0x2A000, s7;
	[smem:$0x7B2] =	sst s15  }
0x3b: {  	[smem:$0x7B3] =	sst s16;
	s18 =	sadd.s32 s5, s17  }
0x3c: {  	s19 =	sadd.s32 s0, s12;
	[smem:$0x7B4] =	sst s18  }
0x3d: {  	s20 =	sadd.s32 s4, s17;
	[smem:$0x7B5] =	sst s19  }
0x3e: {  	s22 =	sadd.s32 $0x2B000, s7;
	s21 =	sadd.s32 s3, s12;
	[smem:$0x7B6] =	sst s20  }
0x3f: {  	s23 =	sadd.s32 s5, s22;
	[smem:$0x7B7] =	sst s21  }
0x40: {  	s24 =	sadd.s32 s0, s17;
	[smem:$0x7B8] =	sst s23  }
0x41: {  	s26 =	sadd.s32 s4, s22;
	[smem:$0x7B9] =	sst s24  }
0x42: {  	s9 =	sadd.s32 s3, s17;
	[smem:$0x7BA] =	sst s26  }
0x43: {  	s12 =	sadd.s32 s0, s22;
	[smem:$0x7BB] =	sst s9  }
0x44: {  	s10 =	sadd.s32 $0x2C000, s7;
	s14 =	sadd.s32 s3, s22;
	[smem:$0x7BD] =	sst s12  }
0x45: {  	s11 =	sadd.s32 s5, s10;
	[smem:$0x7BF] =	sst s14  }
0x46: {  	s15 =	sadd.s32 $0x2D000, s7;
	s13 =	sadd.s32 s4, s10;
	[smem:$0x7BC] =	sst s11  }
0x47: {  	s16 =	sadd.s32 s5, s15;
	[smem:$0x7BE] =	sst s13  }
0x48: {  	s17 =	sadd.s32 s0, s10;
	[smem:$0x7C0] =	sst s16  }
0x49: {  	s18 =	sadd.s32 s4, s15;
	[smem:$0x7C1] =	sst s17  }
0x4a: {  	s19 =	sadd.s32 s3, s10;
	[smem:$0x7C2] =	sst s18  }
0x4b: {  	s22 =	sadd.s32 s0, s15;
	[smem:$0x7C3] =	sst s19  }
0x4c: {  	s20 =	sadd.s32 $0x2E000, s7;
	s24 =	sadd.s32 s3, s15;
	[smem:$0x7C5] =	sst s22  }
0x4d: {  	s21 =	sadd.s32 s5, s20;
	[smem:$0x7C7] =	sst s24  }
0x4e: {  	s26 =	sadd.s32 $0x2F000, s7;
	s23 =	sadd.s32 s4, s20;
	[smem:$0x7C4] =	sst s21  }
0x4f: {  	s10 =	sadd.s32 s5, s26;
	[smem:$0x7C6] =	sst s23  }
0x50: {  	s11 =	sadd.s32 s0, s20;
	[smem:$0x7C8] =	sst s10  }
0x51: {  	s12 =	sadd.s32 s4, s26;
	[smem:$0x7C9] =	sst s11  }
0x52: {  	s14 =	sadd.s32 $0x30000, s7;
	s13 =	sadd.s32 s3, s20;
	[smem:$0x7CA] =	sst s12  }
0x53: {  	s15 =	sadd.s32 s5, s14;
	[smem:$0x7CB] =	sst s13  }
0x54: {  	s16 =	sadd.s32 s0, s26;
	[smem:$0x7CC] =	sst s15  }
0x55: {  	s17 =	sadd.s32 s4, s14;
	[smem:$0x7CD] =	sst s16  }
0x56: {  	s18 =	sadd.s32 s3, s26;
	s19 =	sadd.s32 $0x31000, s7;
	[smem:$0x7CE] =	sst s17  }
0x57: {  	[smem:$0x7CF] =	sst s18;
	s20 =	sadd.s32 s5, s19  }
0x58: {  	s21 =	sadd.s32 s0, s14;
	[smem:$0x7D0] =	sst s20  }
0x59: {  	s22 =	sadd.s32 s4, s19;
	[smem:$0x7D1] =	sst s21  }
0x5a: {  	s24 =	sadd.s32 $0x32000, s7;
	s23 =	sadd.s32 s3, s14;
	[smem:$0x7D2] =	sst s22  }
0x5b: {  	s26 =	sadd.s32 s5, s24;
	[smem:$0x7D3] =	sst s23  }
0x5c: {  	s10 =	sadd.s32 s0, s19;
	[smem:$0x7D4] =	sst s26  }
0x5d: {  	s11 =	sadd.s32 s4, s24;
	[smem:$0x7D5] =	sst s10  }
0x5e: {  	s12 =	sadd.s32 s3, s19;
	[smem:$0x7D6] =	sst s11  }
0x5f: {  	s15 =	sadd.s32 s0, s24;
	[smem:$0x7D7] =	sst s12  }
0x60: {  	s13 =	sadd.s32 $0x33000, s7;
	s17 =	sadd.s32 s3, s24;
	[smem:$0x7D9] =	sst s15  }
0x61: {  	s14 =	sadd.s32 s5, s13;
	[smem:$0x7DB] =	sst s17  }
0x62: {  	s18 =	sadd.s32 $0x34000, s7;
	s16 =	sadd.s32 s4, s13;
	[smem:$0x7D8] =	sst s14  }
0x63: {  	s19 =	sadd.s32 s5, s18;
	[smem:$0x7DA] =	sst s16  }
0x64: {  	s20 =	sadd.s32 s0, s13;
	[smem:$0x7DC] =	sst s19  }
0x65: {  	s21 =	sadd.s32 s4, s18;
	[smem:$0x7DD] =	sst s20  }
0x66: {  	s22 =	sadd.s32 s3, s13;
	[smem:$0x7DE] =	sst s21  }
0x67: {  	s26 =	sadd.s32 s0, s18;
	[smem:$0x7DF] =	sst s22  }
0x68: {  	s23 =	sadd.s32 $0x35000, s7;
	s11 =	sadd.s32 s3, s18;
	[smem:$0x7E1] =	sst s26  }
0x69: {  	s24 =	sadd.s32 s5, s23;
	[smem:$0x7E3] =	sst s11  }
0x6a: {  	s12 =	sadd.s32 $0x36000, s7;
	s10 =	sadd.s32 s4, s23;
	[smem:$0x7E0] =	sst s24  }
0x6b: {  	s13 =	sadd.s32 s5, s12;
	[smem:$0x7E2] =	sst s10  }
0x6c: {  	s14 =	sadd.s32 s0, s23;
	[smem:$0x7E4] =	sst s13  }
0x6d: {  	s15 =	sadd.s32 s4, s12;
	[smem:$0x7E5] =	sst s14  }
0x6e: {  	s17 =	sadd.s32 $0x37000, s7;
	s16 =	sadd.s32 s3, s23;
	[smem:$0x7E6] =	sst s15  }
0x6f: {  	s18 =	sadd.s32 s5, s17;
	[smem:$0x7E7] =	sst s16  }
0x70: {  	s19 =	sadd.s32 s0, s12;
	[smem:$0x7E8] =	sst s18  }
0x71: {  	s20 =	sadd.s32 s4, s17;
	[smem:$0x7E9] =	sst s19  }
0x72: {  	s21 =	sadd.s32 s3, s12;
	[smem:$0x7EA] =	sst s20  }
0x73: {  	s22 =	sadd.s32 $0x38000, s7;
	s8 =	sadd.s32 s3, s17;
	[smem:$0x7EB] =	sst s21  }
0x74: {  	s23 =	sadd.s32 s5, s22;
	[smem:$0x7EF] =	sst s8  }
0x75: {  	s24 =	sadd.s32 s0, s17;
	[smem:$0x7EC] =	sst s23  }
0x76: {  	s26 =	sadd.s32 s4, s22;
	[smem:$0x7ED] =	sst s24  }
0x77: {  	s31 =	simm.s32 $0x4000;
	s12 =	sadd.s32 s0, s22;
	[smem:$0x7EE] =	sst s26  }
0x78: {  	s10 =	sadd.s32 $0x39000, s7;
	s14 =	sadd.s32 s3, s22;
	[smem:$0x7F1] =	sst s12  }
0x79: {  	s29 =	simm.s32 $0xA000;
	s11 =	sadd.s32 s5, s10;
	[smem:$0x7F3] =	sst s14  }
0x7a: {  	s15 =	sadd.s32 $0x3A000, s7;
	s13 =	sadd.s32 s4, s10;
	[smem:$0x7F0] =	sst s11  }
0x7b: {  	s28 =	simm.s32 $0xC000;
	s16 =	sadd.s32 s5, s15;
	[smem:$0x7F2] =	sst s13  }
0x7c: {  	p0 =	por $0x0, $0x0;
	s17 =	sadd.s32 s0, s10;
	[smem:$0x7F4] =	sst s16  }
0x7d: {  	s6 =	ssub.s32 $0x2, s6;
	s18 =	sadd.s32 s4, s15;
	[smem:$0x7F5] =	sst s17  }
0x7e: {  	s20 =	sadd.s32 $0x3B000, s7;
	s19 =	sadd.s32 s3, s10;
	[smem:$0x7F6] =	sst s18  }
0x7f: {  	s9 =	simm.s32 $0x6;
	s21 =	sadd.s32 s5, s20;
	[smem:$0x7F7] =	sst s19  }
0x80: {  	s22 =	sadd.s32 s0, s15;
	s23 =	sadd.s32 s4, s20;
	[smem:$0x7F8] =	sst s21  }
0x81: {  	s24 =	sadd.s32 s3, s15;
	s26 =	sadd.s32 $0x3C000, s7;
	[smem:$0x7F9] =	sst s22  }
0x82: {  	s14 =	sadd.s32 $0x3D000, s7;
	[smem:$0x7FA] =	sst s23;
	s11 =	sshrl.u32 s6, $0x1  }
0x83: {  	[smem:$0x7FB] =	sst s24;
	s12 =	sadd.s32 s5, s26;
	s13 =	sadd.s32 s0, s20  }
0x84: {  	s22 =	sadd.s32 s4, s26;
	s21 =	sadd.s32 s3, s20;
	s19 =	sadd.s32 s5, s14  }
0x85: {  	s17 =	sadd.s32 s0, s26;
	s16 =	sadd.s32 s4, s14;
	s15 =	sadd.s32 s3, s26  }
0x86: {  	s18 =	sadd.s32 $0x3E000, s7;
	s8 =	sadd.s32 s0, s14;
	s6 =	ssub.s32 s6, s11  }
0x87: {  	s23 =	simm.s32 $0x200;
	s24 =	simm.s32 $0x1000;
	s20 =	smax.u32 s6, $0x1  }
0x88: {  	s26 =	simm.s32 $0xE000;
	[smem:$0x7FC] =	sst s12;
	p1 =	sne.s32 s20, $0x1  }
.Ltmp0:
0x89: {  	[smem:$0x7FD] =	sst s13;
	s10 =	sadd.s32 s5, s18;
	(pc) =	sbr.rel @!p1 .LBB2_1-.Ltmp0, $4  }
0x8a: {  	s7 =	sadd.s32 s4, s18;
	s5 =	sadd.s32 s3, s14;
	s4 =	sadd.s32 s0, s18  }
0x8b: {  	s3 =	sadd.s32 s3, s18;
	s11 =	simm.s32 $0x8000;
	s12 =	simm.s32 $0x10000  }
0x8c: {  	s14 =	simm.s32 $0x1;
	s13 =	simm.s32 $0x5;
	s18 =	simm.s32 $0x3  }
0x8d: {  	s6 =	simm.s32 $0x4;
	s30 =	sadd.s32 $0xFFFFFFFF, s20;
	s20 =	simm.s32 $0x2  }
0x8e: {  	[tilespmem:s2], [sflag:$0x1] =	stream.strided.gather [hbm4b:s1+s23], $0x2000, s24, s23, $0x38;
	[tilespmem:$0x18000] =	vst v63  }
0x8f: {  	s0 =	rddreg [dreg:$0x7];
	s25 =	simm.s32 $0x2000  }
0x90: {  	[tilespmem:s25], [sflag:$0x1] =	stream.strided.gather [hbm4b:s0+s23], $0x2000, s24, s23, $0x38;
	[tilespmem:$0x18000] =	vst v63  }
0x91: {  	s1 =	rddreg [dreg:$0x8]  }
0x92: {  	[tilespmem:s31], [sflag:$0x1] =	stream.strided.gather [hbm4b:s1+s23], $0x2000, s24, s23, $0x38;
	[tilespmem:$0x18000] =	vst v63  }
0x93: {  	s0 =	rddreg [dreg:$0x9];
	s25 =	simm.s32 $0x6000  }
0x94: {  	[tilespmem:s25], [sflag:$0x1] =	stream.strided.gather [hbm4b:s0+s23], $0x2000, s24, s23, $0x38;
	[tilespmem:$0x18000] =	vst v63  }
0x95: {  	s1 =	rddreg [dreg:$0xa]  }
0x96: {  	[tilespmem:s11], [sflag:$0x2] =	stream.strided.gather [hbm4b:s1+s23], $0x2000, s24, s23, $0x38;
	[tilespmem:$0x18000] =	vst v63  }
0x97: {  	s0 =	rddreg [dreg:$0xb]  }
0x98: {  	[tilespmem:s29], [sflag:$0x2] =	stream.strided.gather [hbm4b:s0+s23], $0x2000, s24, s23, $0x38;
	[tilespmem:$0x18000] =	vst v63  }
0x99: {  	s25 =	rddreg [dreg:$0xc]  }
0x9a: {  	[tilespmem:s28], [sflag:$0x2] =	stream.strided.gather [hbm4b:s25+s23], $0x2000, s24, s23, $0x38;
	[tilespmem:$0x18000] =	vst v63  }
0x9b: {  	s0 =	rddreg [dreg:$0xd]  }
0x9c: {  	[tilespmem:s26], [sflag:$0x2] =	stream.strided.gather [hbm4b:s0+s23], $0x2000, s24, s23, $0x38;
	[tilespmem:$0x18000] =	vst v63  }
0x9d: {  	s25 =	rddreg [dreg:$0xe]  }
0x9e: {  	[tilespmem:s12], [sflag:$0x3] =	stream.linear.gather [hbm4b:s25+s2], $0x8000, $0x38;
	[tilespmem:$0x18000] =	vst v63  }
0x9f: {  	_ =	swait.ge [sflag:s14], $0x2000  }
0xa0: {  	[sflag:s14] =	ssyncset.done $0x0  }
0xa1: {  	[sflag:s14] =	ssyncadd.s32 $0xFFFFE000  }
0xa2: {  	_ =	swait.ge [sflag:s14], $0x2000  }
0xa3: {  	[sflag:s14] =	ssyncset.done $0x0  }
0xa4: {  	[sflag:s14] =	ssyncadd.s32 $0xFFFFE000  }
0xa5: {  	_ =	swait.ge [sflag:s14], $0x2000  }
0xa6: {  	[sflag:s14] =	ssyncset.done $0x0  }
0xa7: {  	[sflag:s14] =	ssyncadd.s32 $0xFFFFE000  }
0xa8: {  	_ =	swait.ge [sflag:s14], $0x2000  }
0xa9: {  	[sflag:s14] =	ssyncset.done $0x0  }
0xaa: {  	s25 =	rddreg [dreg:$0xf];
	[sflag:s14] =	ssyncadd.s32 $0xFFFFE000  }
0xab: {  	[hbm4b:s25+s2] =	stream.linear.scatter [tilespmem:s2], [sflag:$0x4], $0x8000, $0x38;
	[tilespmem:$0x18000] =	vst v63  }
0xac: {  	_ =	swait.ge [sflag:s6], $0x8000  }
0xad: {  	[sflag:s6] =	ssyncset.done $0x0  }
0xae: {  	s1 =	rddreg [dreg:$0x10];
	[sflag:s6] =	ssyncadd.s32 $0xFFFF8000  }
0xaf: {  	[tilespmem:s2], [sflag:$0x1] =	stream.linear.gather [hbm4b:s1+s2], $0x8000, $0x38;
	[tilespmem:$0x18000] =	vst v63  }
0xb0: {  	_ =	swait.ge [sflag:s20], $0x2000  }
0xb1: {  	[sflag:s20] =	ssyncset.done $0x0  }
0xb2: {  	[sflag:s20] =	ssyncadd.s32 $0xFFFFE000  }
0xb3: {  	_ =	swait.ge [sflag:s20], $0x2000  }
0xb4: {  	[sflag:s20] =	ssyncset.done $0x0  }
0xb5: {  	[sflag:s20] =	ssyncadd.s32 $0xFFFFE000  }
0xb6: {  	_ =	swait.ge [sflag:s20], $0x2000  }
0xb7: {  	[sflag:s20] =	ssyncset.done $0x0  }
0xb8: {  	[sflag:s20] =	ssyncadd.s32 $0xFFFFE000  }
0xb9: {  	_ =	swait.ge [sflag:s20], $0x2000  }
0xba: {  	[sflag:s20] =	ssyncset.done $0x0  }
0xbb: {  	s25 =	rddreg [dreg:$0x11];
	[sflag:s20] =	ssyncadd.s32 $0xFFFFE000  }
0xbc: {  	[hbm4b:s25+s2] =	stream.linear.scatter [tilespmem:s11], [sflag:$0x5], $0x8000, $0x38;
	[tilespmem:$0x18000] =	vst v63  }
0xbd: {  	_ =	swait.ge [sflag:s13], $0x8000  }
0xbe: {  	[sflag:s13] =	ssyncset.done $0x0  }
0xbf: {  	s1 =	rddreg [dreg:$0x12];
	[sflag:s13] =	ssyncadd.s32 $0xFFFF8000  }
0xc0: {  	[tilespmem:s11], [sflag:$0x2] =	stream.linear.gather [hbm4b:s1+s2], $0x8000, $0x38;
	[tilespmem:$0x18000] =	vst v63  }
0xc1: {  	_ =	swait.ge [sflag:s18], $0x8000  }
0xc2: {  	[sflag:s18] =	ssyncset.done $0x0  }
0xc3: {  	s25 =	rddreg [dreg:$0x13];
	[sflag:s18] =	ssyncadd.s32 $0xFFFF8000  }
0xc4: {  	[hbm4b:s25+s2] =	stream.linear.scatter [tilespmem:s12], [sflag:$0x6], $0x8000, $0x38;
	[tilespmem:$0x18000] =	vst v63  }
0xc5: {  	_ =	swait.ge [sflag:s9], $0x8000  }
0xc6: {  	[sflag:s9] =	ssyncset.done $0x0  }
0xc7: {  	s1 =	rddreg [dreg:$0x14];
	[sflag:s9] =	ssyncadd.s32 $0xFFFF8000  }
0xc8: {  	[tilespmem:s12], [sflag:$0x3] =	stream.linear.gather [hbm4b:s1+s2], $0x8000, $0x38;
	[tilespmem:$0x18000] =	vst v63  }
0xc9: {  	_ =	swait.ge [sflag:s14], $0x8000  }
0xca: {  	[sflag:s14] =	ssyncset.done $0x0  }
0xcb: {  	s25 =	rddreg [dreg:$0x15];
	[sflag:s14] =	ssyncadd.s32 $0xFFFF8000  }
0xcc: {  	[hbm4b:s25+s2] =	stream.linear.scatter [tilespmem:s2], [sflag:$0x4], $0x8000, $0x38;
	[tilespmem:$0x18000] =	vst v63  }
0xcd: {  	_ =	swait.ge [sflag:s6], $0x8000  }
0xce: {  	[sflag:s6] =	ssyncset.done $0x0  }
0xcf: {  	s1 =	rddreg [dreg:$0x16];
	[sflag:s6] =	ssyncadd.s32 $0xFFFF8000  }
0xd0: {  	[tilespmem:s2], [sflag:$0x1] =	stream.linear.gather [hbm4b:s1+s2], $0x8000, $0x38;
	[tilespmem:$0x18000] =	vst v63  }
0xd1: {  	_ =	swait.ge [sflag:s20], $0x8000  }
0xd2: {  	[sflag:s20] =	ssyncset.done $0x0  }
0xd3: {  	s25 =	rddreg [dreg:$0x17];
	[sflag:s20] =	ssyncadd.s32 $0xFFFF8000  }
0xd4: {  	[hbm4b:s25+s2] =	stream.linear.scatter [tilespmem:s11], [sflag:$0x5], $0x8000, $0x38;
	[tilespmem:$0x18000] =	vst v63  }
0xd5: {  	_ =	swait.ge [sflag:s13], $0x8000  }
0xd6: {  	[sflag:s13] =	ssyncset.done $0x0  }
0xd7: {  	s1 =	rddreg [dreg:$0x18];
	[sflag:s13] =	ssyncadd.s32 $0xFFFF8000  }
0xd8: {  	[tilespmem:s11], [sflag:$0x2] =	stream.linear.gather [hbm4b:s1+s2], $0x8000, $0x38;
	[tilespmem:$0x18000] =	vst v63  }
0xd9: {  	_ =	swait.ge [sflag:s18], $0x8000  }
0xda: {  	[sflag:s18] =	ssyncset.done $0x0  }
0xdb: {  	s25 =	rddreg [dreg:$0x19];
	[sflag:s18] =	ssyncadd.s32 $0xFFFF8000  }
0xdc: {  	[hbm4b:s25+s2] =	stream.linear.scatter [tilespmem:s12], [sflag:$0x6], $0x8000, $0x38;
	[tilespmem:$0x18000] =	vst v63  }
0xdd: {  	_ =	swait.ge [sflag:s9], $0x8000  }
0xde: {  	[sflag:s9] =	ssyncset.done $0x0  }
0xdf: {  	s1 =	rddreg [dreg:$0x1a];
	[sflag:s9] =	ssyncadd.s32 $0xFFFF8000  }
0xe0: {  	[tilespmem:s12], [sflag:$0x3] =	stream.linear.gather [hbm4b:s1+s2], $0x8000, $0x38;
	[tilespmem:$0x18000] =	vst v63  }
0xe1: {  	_ =	swait.ge [sflag:s14], $0x8000  }
0xe2: {  	[sflag:s14] =	ssyncset.done $0x0  }
0xe3: {  	s25 =	rddreg [dreg:$0x1b];
	[sflag:s14] =	ssyncadd.s32 $0xFFFF8000  }
0xe4: {  	[hbm4b:s25+s2] =	stream.linear.scatter [tilespmem:s2], [sflag:$0x4], $0x8000, $0x38;
	[tilespmem:$0x18000] =	vst v63  }
0xe5: {  	_ =	swait.ge [sflag:s6], $0x8000  }
0xe6: {  	[sflag:s6] =	ssyncset.done $0x0  }
0xe7: {  	s1 =	rddreg [dreg:$0x1c];
	[sflag:s6] =	ssyncadd.s32 $0xFFFF8000  }
0xe8: {  	[tilespmem:s2], [sflag:$0x1] =	stream.linear.gather [hbm4b:s1+s2], $0x8000, $0x38;
	[tilespmem:$0x18000] =	vst v63  }
0xe9: {  	_ =	swait.ge [sflag:s20], $0x8000  }
0xea: {  	[sflag:s20] =	ssyncset.done $0x0  }
0xeb: {  	s25 =	rddreg [dreg:$0x1d];
	[sflag:s20] =	ssyncadd.s32 $0xFFFF8000  }
0xec: {  	[hbm4b:s25+s2] =	stream.linear.scatter [tilespmem:s11], [sflag:$0x5], $0x8000, $0x38;
	[tilespmem:$0x18000] =	vst v63  }
0xed: {  	_ =	swait.ge [sflag:s13], $0x8000  }
0xee: {  	[sflag:s13] =	ssyncset.done $0x0  }
0xef: {  	s1 =	rddreg [dreg:$0x1e];
	[sflag:s13] =	ssyncadd.s32 $0xFFFF8000  }
0xf0: {  	[tilespmem:s11], [sflag:$0x2] =	stream.linear.gather [hbm4b:s1+s2], $0x8000, $0x38;
	[tilespmem:$0x18000] =	vst v63  }
0xf1: {  	_ =	swait.ge [sflag:s18], $0x8000  }
0xf2: {  	[sflag:s18] =	ssyncset.done $0x0  }
0xf3: {  	s25 =	rddreg [dreg:$0x1f];
	[sflag:s18] =	ssyncadd.s32 $0xFFFF8000  }
0xf4: {  	[hbm4b:s25+s2] =	stream.linear.scatter [tilespmem:s12], [sflag:$0x6], $0x8000, $0x38;
	[tilespmem:$0x18000] =	vst v63  }
0xf5: {  	_ =	swait.ge [sflag:s9], $0x8000  }
0xf6: {  	s1 =	sld [smem:$0x79E]  }
0xf7: {  	[sflag:s9] =	ssyncset.done $0x0  }
0xf8: {  	[sflag:s9] =	ssyncadd.s32 $0xFFFF8000  }
0xf9: {  	[tilespmem:s12], [sflag:$0x3] =	stream.linear.gather [hbm4b:s1+s2], $0x8000, $0x38;
	[tilespmem:$0x18000] =	vst v63  }
0xfa: {  	_ =	swait.ge [sflag:s14], $0x8000  }
0xfb: {  	s25 =	sld [smem:$0x79F]  }
0xfc: {  	[sflag:s14] =	ssyncset.done $0x0  }
0xfd: {  	[sflag:s14] =	ssyncadd.s32 $0xFFFF8000  }
0xfe: {  	[hbm4b:s25+s2] =	stream.linear.scatter [tilespmem:s2], [sflag:$0x4], $0x8000, $0x38;
	[tilespmem:$0x18000] =	vst v63  }
0xff: {  	_ =	swait.ge [sflag:s6], $0x8000  }
0x100: {  	s1 =	sld [smem:$0x7A0]  }
0x101: {  	[sflag:s6] =	ssyncset.done $0x0  }
0x102: {  	[sflag:s6] =	ssyncadd.s32 $0xFFFF8000  }
0x103: {  	[tilespmem:s2], [sflag:$0x1] =	stream.linear.gather [hbm4b:s1+s2], $0x8000, $0x38;
	[tilespmem:$0x18000] =	vst v63  }
0x104: {  	_ =	swait.ge [sflag:s20], $0x8000  }
0x105: {  	s25 =	sld [smem:$0x7A1]  }
0x106: {  	[sflag:s20] =	ssyncset.done $0x0  }
0x107: {  	[sflag:s20] =	ssyncadd.s32 $0xFFFF8000  }
0x108: {  	[hbm4b:s25+s2] =	stream.linear.scatter [tilespmem:s11], [sflag:$0x5], $0x8000, $0x38;
	[tilespmem:$0x18000] =	vst v63  }
0x109: {  	_ =	swait.ge [sflag:s13], $0x8000  }
0x10a: {  	s1 =	sld [smem:$0x7A2]  }
0x10b: {  	[sflag:s13] =	ssyncset.done $0x0  }
0x10c: {  	[sflag:s13] =	ssyncadd.s32 $0xFFFF8000  }
0x10d: {  	[tilespmem:s11], [sflag:$0x2] =	stream.linear.gather [hbm4b:s1+s2], $0x8000, $0x38;
	[tilespmem:$0x18000] =	vst v63  }
0x10e: {  	_ =	swait.ge [sflag:s18], $0x8000  }
0x10f: {  	s25 =	sld [smem:$0x7A3]  }
0x110: {  	[sflag:s18] =	ssyncset.done $0x0  }
0x111: {  	[sflag:s18] =	ssyncadd.s32 $0xFFFF8000  }
0x112: {  	[hbm4b:s25+s2] =	stream.linear.scatter [tilespmem:s12], [sflag:$0x6], $0x8000, $0x38;
	[tilespmem:$0x18000] =	vst v63  }
0x113: {  	_ =	swait.ge [sflag:s9], $0x8000  }
0x114: {  	s1 =	sld [smem:$0x7A4]  }
0x115: {  	[sflag:s9] =	ssyncset.done $0x0  }
0x116: {  	[sflag:s9] =	ssyncadd.s32 $0xFFFF8000  }
0x117: {  	[tilespmem:s12], [sflag:$0x3] =	stream.linear.gather [hbm4b:s1+s2], $0x8000, $0x38;
	[tilespmem:$0x18000] =	vst v63  }
0x118: {  	_ =	swait.ge [sflag:s14], $0x8000  }
0x119: {  	s25 =	sld [smem:$0x7A5]  }
0x11a: {  	[sflag:s14] =	ssyncset.done $0x0  }
0x11b: {  	[sflag:s14] =	ssyncadd.s32 $0xFFFF8000  }
0x11c: {  	[hbm4b:s25+s2] =	stream.linear.scatter [tilespmem:s2], [sflag:$0x4], $0x8000, $0x38;
	[tilespmem:$0x18000] =	vst v63  }
0x11d: {  	_ =	swait.ge [sflag:s6], $0x8000  }
0x11e: {  	s1 =	sld [smem:$0x7A6]  }
0x11f: {  	[sflag:s6] =	ssyncset.done $0x0  }
0x120: {  	[sflag:s6] =	ssyncadd.s32 $0xFFFF8000  }
0x121: {  	[tilespmem:s2], [sflag:$0x1] =	stream.linear.gather [hbm4b:s1+s2], $0x8000, $0x38;
	[tilespmem:$0x18000] =	vst v63  }
0x122: {  	_ =	swait.ge [sflag:s20], $0x8000  }
0x123: {  	s25 =	sld [smem:$0x7A7]  }
0x124: {  	[sflag:s20] =	ssyncset.done $0x0  }
0x125: {  	[sflag:s20] =	ssyncadd.s32 $0xFFFF8000  }
0x126: {  	[hbm4b:s25+s2] =	stream.linear.scatter [tilespmem:s11], [sflag:$0x5], $0x8000, $0x38;
	[tilespmem:$0x18000] =	vst v63  }
0x127: {  	_ =	swait.ge [sflag:s13], $0x8000  }
0x128: {  	s1 =	sld [smem:$0x7A8]  }
0x129: {  	[sflag:s13] =	ssyncset.done $0x0  }
0x12a: {  	[sflag:s13] =	ssyncadd.s32 $0xFFFF8000  }
0x12b: {  	[tilespmem:s11], [sflag:$0x2] =	stream.linear.gather [hbm4b:s1+s2], $0x8000, $0x38;
	[tilespmem:$0x18000] =	vst v63  }
0x12c: {  	_ =	swait.ge [sflag:s18], $0x8000  }
0x12d: {  	s25 =	sld [smem:$0x7A9]  }
0x12e: {  	[sflag:s18] =	ssyncset.done $0x0  }
0x12f: {  	[sflag:s18] =	ssyncadd.s32 $0xFFFF8000  }
0x130: {  	[hbm4b:s25+s2] =	stream.linear.scatter [tilespmem:s12], [sflag:$0x6], $0x8000, $0x38;
	[tilespmem:$0x18000] =	vst v63  }
0x131: {  	_ =	swait.ge [sflag:s9], $0x8000  }
0x132: {  	s1 =	sld [smem:$0x7AA]  }
0x133: {  	[sflag:s9] =	ssyncset.done $0x0  }
0x134: {  	[sflag:s9] =	ssyncadd.s32 $0xFFFF8000  }
0x135: {  	[tilespmem:s12], [sflag:$0x3] =	stream.linear.gather [hbm4b:s1+s2], $0x8000, $0x38;
	[tilespmem:$0x18000] =	vst v63  }
0x136: {  	_ =	swait.ge [sflag:s14], $0x8000  }
0x137: {  	s25 =	sld [smem:$0x7AB]  }
0x138: {  	[sflag:s14] =	ssyncset.done $0x0  }
0x139: {  	[sflag:s14] =	ssyncadd.s32 $0xFFFF8000  }
0x13a: {  	[hbm4b:s25+s2] =	stream.linear.scatter [tilespmem:s2], [sflag:$0x4], $0x8000, $0x38;
	[tilespmem:$0x18000] =	vst v63  }
0x13b: {  	_ =	swait.ge [sflag:s6], $0x8000  }
0x13c: {  	s1 =	sld [smem:$0x7AC]  }
0x13d: {  	[sflag:s6] =	ssyncset.done $0x0  }
0x13e: {  	[sflag:s6] =	ssyncadd.s32 $0xFFFF8000  }
0x13f: {  	[tilespmem:s2], [sflag:$0x1] =	stream.linear.gather [hbm4b:s1+s2], $0x8000, $0x38;
	[tilespmem:$0x18000] =	vst v63  }
0x140: {  	_ =	swait.ge [sflag:s20], $0x8000  }
0x141: {  	s25 =	sld [smem:$0x7AD]  }
0x142: {  	[sflag:s20] =	ssyncset.done $0x0  }
0x143: {  	[sflag:s20] =	ssyncadd.s32 $0xFFFF8000  }
0x144: {  	[hbm4b:s25+s2] =	stream.linear.scatter [tilespmem:s11], [sflag:$0x5], $0x8000, $0x38;
	[tilespmem:$0x18000] =	vst v63  }
0x145: {  	_ =	swait.ge [sflag:s13], $0x8000  }
0x146: {  	s1 =	sld [smem:$0x7AE]  }
0x147: {  	[sflag:s13] =	ssyncset.done $0x0  }
0x148: {  	[sflag:s13] =	ssyncadd.s32 $0xFFFF8000  }
0x149: {  	[tilespmem:s11], [sflag:$0x2] =	stream.linear.gather [hbm4b:s1+s2], $0x8000, $0x38;
	[tilespmem:$0x18000] =	vst v63  }
0x14a: {  	_ =	swait.ge [sflag:s18], $0x8000  }
0x14b: {  	s25 =	sld [smem:$0x7AF]  }
0x14c: {  	[sflag:s18] =	ssyncset.done $0x0  }
0x14d: {  	[sflag:s18] =	ssyncadd.s32 $0xFFFF8000  }
0x14e: {  	[hbm4b:s25+s2] =	stream.linear.scatter [tilespmem:s12], [sflag:$0x6], $0x8000, $0x38;
	[tilespmem:$0x18000] =	vst v63  }
0x14f: {  	_ =	swait.ge [sflag:s9], $0x8000  }
0x150: {  	s1 =	sld [smem:$0x7B0]  }
0x151: {  	[sflag:s9] =	ssyncset.done $0x0  }
0x152: {  	[sflag:s9] =	ssyncadd.s32 $0xFFFF8000  }
0x153: {  	[tilespmem:s12], [sflag:$0x3] =	stream.linear.gather [hbm4b:s1+s2], $0x8000, $0x38;
	[tilespmem:$0x18000] =	vst v63  }
0x154: {  	_ =	swait.ge [sflag:s14], $0x8000  }
0x155: {  	s25 =	sld [smem:$0x7B1]  }
0x156: {  	[sflag:s14] =	ssyncset.done $0x0  }
0x157: {  	[sflag:s14] =	ssyncadd.s32 $0xFFFF8000  }
0x158: {  	[hbm4b:s25+s2] =	stream.linear.scatter [tilespmem:s2], [sflag:$0x4], $0x8000, $0x38;
	[tilespmem:$0x18000] =	vst v63  }
0x159: {  	_ =	swait.ge [sflag:s6], $0x8000  }
0x15a: {  	s1 =	sld [smem:$0x7B2]  }
0x15b: {  	[sflag:s6] =	ssyncset.done $0x0  }
0x15c: {  	[sflag:s6] =	ssyncadd.s32 $0xFFFF8000  }
0x15d: {  	[tilespmem:s2], [sflag:$0x1] =	stream.linear.gather [hbm4b:s1+s2], $0x8000, $0x38;
	[tilespmem:$0x18000] =	vst v63  }
0x15e: {  	_ =	swait.ge [sflag:s20], $0x8000  }
0x15f: {  	s25 =	sld [smem:$0x7B3]  }
0x160: {  	[sflag:s20] =	ssyncset.done $0x0  }
0x161: {  	[sflag:s20] =	ssyncadd.s32 $0xFFFF8000  }
0x162: {  	[hbm4b:s25+s2] =	stream.linear.scatter [tilespmem:s11], [sflag:$0x5], $0x8000, $0x38;
	[tilespmem:$0x18000] =	vst v63  }
0x163: {  	_ =	swait.ge [sflag:s13], $0x8000  }
0x164: {  	s1 =	sld [smem:$0x7B4]  }
0x165: {  	[sflag:s13] =	ssyncset.done $0x0  }
0x166: {  	[sflag:s13] =	ssyncadd.s32 $0xFFFF8000  }
0x167: {  	[tilespmem:s11], [sflag:$0x2] =	stream.linear.gather [hbm4b:s1+s2], $0x8000, $0x38;
	[tilespmem:$0x18000] =	vst v63  }
0x168: {  	_ =	swait.ge [sflag:s18], $0x8000  }
0x169: {  	s25 =	sld [smem:$0x7B5]  }
0x16a: {  	[sflag:s18] =	ssyncset.done $0x0  }
0x16b: {  	[sflag:s18] =	ssyncadd.s32 $0xFFFF8000  }
0x16c: {  	[hbm4b:s25+s2] =	stream.linear.scatter [tilespmem:s12], [sflag:$0x6], $0x8000, $0x38;
	[tilespmem:$0x18000] =	vst v63  }
0x16d: {  	_ =	swait.ge [sflag:s9], $0x8000  }
0x16e: {  	s1 =	sld [smem:$0x7B6]  }
0x16f: {  	[sflag:s9] =	ssyncset.done $0x0  }
0x170: {  	[sflag:s9] =	ssyncadd.s32 $0xFFFF8000  }
0x171: {  	[tilespmem:s12], [sflag:$0x3] =	stream.linear.gather [hbm4b:s1+s2], $0x8000, $0x38;
	[tilespmem:$0x18000] =	vst v63  }
0x172: {  	_ =	swait.ge [sflag:s14], $0x8000  }
0x173: {  	s25 =	sld [smem:$0x7B7]  }
0x174: {  	[sflag:s14] =	ssyncset.done $0x0  }
0x175: {  	[sflag:s14] =	ssyncadd.s32 $0xFFFF8000  }
0x176: {  	[hbm4b:s25+s2] =	stream.linear.scatter [tilespmem:s2], [sflag:$0x4], $0x8000, $0x38;
	[tilespmem:$0x18000] =	vst v63  }
0x177: {  	_ =	swait.ge [sflag:s6], $0x8000  }
0x178: {  	s1 =	sld [smem:$0x7B8]  }
0x179: {  	[sflag:s6] =	ssyncset.done $0x0  }
0x17a: {  	[sflag:s6] =	ssyncadd.s32 $0xFFFF8000  }
0x17b: {  	[tilespmem:s2], [sflag:$0x1] =	stream.linear.gather [hbm4b:s1+s2], $0x8000, $0x38;
	[tilespmem:$0x18000] =	vst v63  }
0x17c: {  	_ =	swait.ge [sflag:s20], $0x8000  }
0x17d: {  	s25 =	sld [smem:$0x7B9]  }
0x17e: {  	[sflag:s20] =	ssyncset.done $0x0  }
0x17f: {  	[sflag:s20] =	ssyncadd.s32 $0xFFFF8000  }
0x180: {  	[hbm4b:s25+s2] =	stream.linear.scatter [tilespmem:s11], [sflag:$0x5], $0x8000, $0x38;
	[tilespmem:$0x18000] =	vst v63  }
0x181: {  	_ =	swait.ge [sflag:s13], $0x8000  }
0x182: {  	s1 =	sld [smem:$0x7BA]  }
0x183: {  	[sflag:s13] =	ssyncset.done $0x0  }
0x184: {  	[sflag:s13] =	ssyncadd.s32 $0xFFFF8000  }
0x185: {  	[tilespmem:s11], [sflag:$0x2] =	stream.linear.gather [hbm4b:s1+s2], $0x8000, $0x38;
	[tilespmem:$0x18000] =	vst v63  }
0x186: {  	_ =	swait.ge [sflag:s18], $0x8000  }
0x187: {  	s25 =	sld [smem:$0x7BB]  }
0x188: {  	[sflag:s18] =	ssyncset.done $0x0  }
0x189: {  	[sflag:s18] =	ssyncadd.s32 $0xFFFF8000  }
0x18a: {  	[hbm4b:s25+s2] =	stream.linear.scatter [tilespmem:s12], [sflag:$0x6], $0x8000, $0x38;
	[tilespmem:$0x18000] =	vst v63  }
0x18b: {  	_ =	swait.ge [sflag:s9], $0x8000  }
0x18c: {  	s1 =	sld [smem:$0x7BC]  }
0x18d: {  	[sflag:s9] =	ssyncset.done $0x0  }
0x18e: {  	[sflag:s9] =	ssyncadd.s32 $0xFFFF8000  }
0x18f: {  	[tilespmem:s12], [sflag:$0x3] =	stream.linear.gather [hbm4b:s1+s2], $0x8000, $0x38;
	[tilespmem:$0x18000] =	vst v63  }
0x190: {  	_ =	swait.ge [sflag:s14], $0x8000  }
0x191: {  	s25 =	sld [smem:$0x7BD]  }
0x192: {  	[sflag:s14] =	ssyncset.done $0x0  }
0x193: {  	[sflag:s14] =	ssyncadd.s32 $0xFFFF8000  }
0x194: {  	[hbm4b:s25+s2] =	stream.linear.scatter [tilespmem:s2], [sflag:$0x4], $0x8000, $0x38;
	[tilespmem:$0x18000] =	vst v63  }
0x195: {  	_ =	swait.ge [sflag:s6], $0x8000  }
0x196: {  	s1 =	sld [smem:$0x7BE]  }
0x197: {  	[sflag:s6] =	ssyncset.done $0x0  }
0x198: {  	[sflag:s6] =	ssyncadd.s32 $0xFFFF8000  }
0x199: {  	[tilespmem:s2], [sflag:$0x1] =	stream.linear.gather [hbm4b:s1+s2], $0x8000, $0x38;
	[tilespmem:$0x18000] =	vst v63  }
0x19a: {  	_ =	swait.ge [sflag:s20], $0x8000  }
0x19b: {  	s25 =	sld [smem:$0x7BF]  }
0x19c: {  	[sflag:s20] =	ssyncset.done $0x0  }
0x19d: {  	[sflag:s20] =	ssyncadd.s32 $0xFFFF8000  }
0x19e: {  	[hbm4b:s25+s2] =	stream.linear.scatter [tilespmem:s11], [sflag:$0x5], $0x8000, $0x38;
	[tilespmem:$0x18000] =	vst v63  }
0x19f: {  	_ =	swait.ge [sflag:s13], $0x8000  }
0x1a0: {  	s1 =	sld [smem:$0x7C0]  }
0x1a1: {  	[sflag:s13] =	ssyncset.done $0x0  }
0x1a2: {  	[sflag:s13] =	ssyncadd.s32 $0xFFFF8000  }
0x1a3: {  	[tilespmem:s11], [sflag:$0x2] =	stream.linear.gather [hbm4b:s1+s2], $0x8000, $0x38;
	[tilespmem:$0x18000] =	vst v63  }
0x1a4: {  	_ =	swait.ge [sflag:s18], $0x8000  }
0x1a5: {  	s25 =	sld [smem:$0x7C1]  }
0x1a6: {  	[sflag:s18] =	ssyncset.done $0x0  }
0x1a7: {  	[sflag:s18] =	ssyncadd.s32 $0xFFFF8000  }
0x1a8: {  	[hbm4b:s25+s2] =	stream.linear.scatter [tilespmem:s12], [sflag:$0x6], $0x8000, $0x38;
	[tilespmem:$0x18000] =	vst v63  }
0x1a9: {  	_ =	swait.ge [sflag:s9], $0x8000  }
0x1aa: {  	s1 =	sld [smem:$0x7C2]  }
0x1ab: {  	[sflag:s9] =	ssyncset.done $0x0  }
0x1ac: {  	[sflag:s9] =	ssyncadd.s32 $0xFFFF8000  }
0x1ad: {  	[tilespmem:s12], [sflag:$0x3] =	stream.linear.gather [hbm4b:s1+s2], $0x8000, $0x38;
	[tilespmem:$0x18000] =	vst v63  }
0x1ae: {  	_ =	swait.ge [sflag:s14], $0x8000  }
0x1af: {  	s25 =	sld [smem:$0x7C3]  }
0x1b0: {  	[sflag:s14] =	ssyncset.done $0x0  }
0x1b1: {  	[sflag:s14] =	ssyncadd.s32 $0xFFFF8000  }
0x1b2: {  	[hbm4b:s25+s2] =	stream.linear.scatter [tilespmem:s2], [sflag:$0x4], $0x8000, $0x38;
	[tilespmem:$0x18000] =	vst v63  }
0x1b3: {  	_ =	swait.ge [sflag:s6], $0x8000  }
0x1b4: {  	s1 =	sld [smem:$0x7C4]  }
0x1b5: {  	[sflag:s6] =	ssyncset.done $0x0  }
0x1b6: {  	[sflag:s6] =	ssyncadd.s32 $0xFFFF8000  }
0x1b7: {  	[tilespmem:s2], [sflag:$0x1] =	stream.linear.gather [hbm4b:s1+s2], $0x8000, $0x38;
	[tilespmem:$0x18000] =	vst v63  }
0x1b8: {  	_ =	swait.ge [sflag:s20], $0x8000  }
0x1b9: {  	s25 =	sld [smem:$0x7C5]  }
0x1ba: {  	[sflag:s20] =	ssyncset.done $0x0  }
0x1bb: {  	[sflag:s20] =	ssyncadd.s32 $0xFFFF8000  }
0x1bc: {  	[hbm4b:s25+s2] =	stream.linear.scatter [tilespmem:s11], [sflag:$0x5], $0x8000, $0x38;
	[tilespmem:$0x18000] =	vst v63  }
0x1bd: {  	_ =	swait.ge [sflag:s13], $0x8000  }
0x1be: {  	s1 =	sld [smem:$0x7C6]  }
0x1bf: {  	[sflag:s13] =	ssyncset.done $0x0  }
0x1c0: {  	[sflag:s13] =	ssyncadd.s32 $0xFFFF8000  }
0x1c1: {  	[tilespmem:s11], [sflag:$0x2] =	stream.linear.gather [hbm4b:s1+s2], $0x8000, $0x38;
	[tilespmem:$0x18000] =	vst v63  }
0x1c2: {  	_ =	swait.ge [sflag:s18], $0x8000  }
0x1c3: {  	s25 =	sld [smem:$0x7C7]  }
0x1c4: {  	[sflag:s18] =	ssyncset.done $0x0  }
0x1c5: {  	[sflag:s18] =	ssyncadd.s32 $0xFFFF8000  }
0x1c6: {  	[hbm4b:s25+s2] =	stream.linear.scatter [tilespmem:s12], [sflag:$0x6], $0x8000, $0x38;
	[tilespmem:$0x18000] =	vst v63  }
0x1c7: {  	_ =	swait.ge [sflag:s9], $0x8000  }
0x1c8: {  	s1 =	sld [smem:$0x7C8]  }
0x1c9: {  	[sflag:s9] =	ssyncset.done $0x0  }
0x1ca: {  	[sflag:s9] =	ssyncadd.s32 $0xFFFF8000  }
0x1cb: {  	[tilespmem:s12], [sflag:$0x3] =	stream.linear.gather [hbm4b:s1+s2], $0x8000, $0x38;
	[tilespmem:$0x18000] =	vst v63  }
0x1cc: {  	_ =	swait.ge [sflag:s14], $0x8000  }
0x1cd: {  	s25 =	sld [smem:$0x7C9]  }
0x1ce: {  	[sflag:s14] =	ssyncset.done $0x0  }
0x1cf: {  	[sflag:s14] =	ssyncadd.s32 $0xFFFF8000  }
0x1d0: {  	[hbm4b:s25+s2] =	stream.linear.scatter [tilespmem:s2], [sflag:$0x4], $0x8000, $0x38;
	[tilespmem:$0x18000] =	vst v63  }
0x1d1: {  	_ =	swait.ge [sflag:s6], $0x8000  }
0x1d2: {  	s1 =	sld [smem:$0x7CA]  }
0x1d3: {  	[sflag:s6] =	ssyncset.done $0x0  }
0x1d4: {  	[sflag:s6] =	ssyncadd.s32 $0xFFFF8000  }
0x1d5: {  	[tilespmem:s2], [sflag:$0x1] =	stream.linear.gather [hbm4b:s1+s2], $0x8000, $0x38;
	[tilespmem:$0x18000] =	vst v63  }
0x1d6: {  	_ =	swait.ge [sflag:s20], $0x8000  }
0x1d7: {  	s25 =	sld [smem:$0x7CB]  }
0x1d8: {  	[sflag:s20] =	ssyncset.done $0x0  }
0x1d9: {  	[sflag:s20] =	ssyncadd.s32 $0xFFFF8000  }
0x1da: {  	[hbm4b:s25+s2] =	stream.linear.scatter [tilespmem:s11], [sflag:$0x5], $0x8000, $0x38;
	[tilespmem:$0x18000] =	vst v63  }
0x1db: {  	_ =	swait.ge [sflag:s13], $0x8000  }
0x1dc: {  	s1 =	sld [smem:$0x7CC]  }
0x1dd: {  	[sflag:s13] =	ssyncset.done $0x0  }
0x1de: {  	[sflag:s13] =	ssyncadd.s32 $0xFFFF8000  }
0x1df: {  	[tilespmem:s11], [sflag:$0x2] =	stream.linear.gather [hbm4b:s1+s2], $0x8000, $0x38;
	[tilespmem:$0x18000] =	vst v63  }
0x1e0: {  	_ =	swait.ge [sflag:s18], $0x8000  }
0x1e1: {  	s25 =	sld [smem:$0x7CD]  }
0x1e2: {  	[sflag:s18] =	ssyncset.done $0x0  }
0x1e3: {  	[sflag:s18] =	ssyncadd.s32 $0xFFFF8000  }
0x1e4: {  	[hbm4b:s25+s2] =	stream.linear.scatter [tilespmem:s12], [sflag:$0x6], $0x8000, $0x38;
	[tilespmem:$0x18000] =	vst v63  }
0x1e5: {  	_ =	swait.ge [sflag:s9], $0x8000  }
0x1e6: {  	s1 =	sld [smem:$0x7CE]  }
0x1e7: {  	[sflag:s9] =	ssyncset.done $0x0  }
0x1e8: {  	[sflag:s9] =	ssyncadd.s32 $0xFFFF8000  }
0x1e9: {  	[tilespmem:s12], [sflag:$0x3] =	stream.linear.gather [hbm4b:s1+s2], $0x8000, $0x38;
	[tilespmem:$0x18000] =	vst v63  }
0x1ea: {  	_ =	swait.ge [sflag:s14], $0x8000  }
0x1eb: {  	s25 =	sld [smem:$0x7CF]  }
0x1ec: {  	[sflag:s14] =	ssyncset.done $0x0  }
0x1ed: {  	[sflag:s14] =	ssyncadd.s32 $0xFFFF8000  }
0x1ee: {  	[hbm4b:s25+s2] =	stream.linear.scatter [tilespmem:s2], [sflag:$0x4], $0x8000, $0x38;
	[tilespmem:$0x18000] =	vst v63  }
0x1ef: {  	_ =	swait.ge [sflag:s6], $0x8000  }
0x1f0: {  	s1 =	sld [smem:$0x7D0]  }
0x1f1: {  	[sflag:s6] =	ssyncset.done $0x0  }
0x1f2: {  	[sflag:s6] =	ssyncadd.s32 $0xFFFF8000  }
0x1f3: {  	[tilespmem:s2], [sflag:$0x1] =	stream.linear.gather [hbm4b:s1+s2], $0x8000, $0x38;
	[tilespmem:$0x18000] =	vst v63  }
0x1f4: {  	_ =	swait.ge [sflag:s20], $0x8000  }
0x1f5: {  	s25 =	sld [smem:$0x7D1]  }
0x1f6: {  	[sflag:s20] =	ssyncset.done $0x0  }
0x1f7: {  	[sflag:s20] =	ssyncadd.s32 $0xFFFF8000  }
0x1f8: {  	[hbm4b:s25+s2] =	stream.linear.scatter [tilespmem:s11], [sflag:$0x5], $0x8000, $0x38;
	[tilespmem:$0x18000] =	vst v63  }
0x1f9: {  	_ =	swait.ge [sflag:s13], $0x8000  }
0x1fa: {  	s1 =	sld [smem:$0x7D2]  }
0x1fb: {  	[sflag:s13] =	ssyncset.done $0x0  }
0x1fc: {  	[sflag:s13] =	ssyncadd.s32 $0xFFFF8000  }
0x1fd: {  	[tilespmem:s11], [sflag:$0x2] =	stream.linear.gather [hbm4b:s1+s2], $0x8000, $0x38;
	[tilespmem:$0x18000] =	vst v63  }
0x1fe: {  	_ =	swait.ge [sflag:s18], $0x8000  }
0x1ff: {  	s25 =	sld [smem:$0x7D3]  }
0x200: {  	[sflag:s18] =	ssyncset.done $0x0  }
0x201: {  	[sflag:s18] =	ssyncadd.s32 $0xFFFF8000  }
0x202: {  	[hbm4b:s25+s2] =	stream.linear.scatter [tilespmem:s12], [sflag:$0x6], $0x8000, $0x38;
	[tilespmem:$0x18000] =	vst v63  }
0x203: {  	_ =	swait.ge [sflag:s9], $0x8000  }
0x204: {  	s1 =	sld [smem:$0x7D4]  }
0x205: {  	[sflag:s9] =	ssyncset.done $0x0  }
0x206: {  	[sflag:s9] =	ssyncadd.s32 $0xFFFF8000  }
0x207: {  	[tilespmem:s12], [sflag:$0x3] =	stream.linear.gather [hbm4b:s1+s2], $0x8000, $0x38;
	[tilespmem:$0x18000] =	vst v63  }
0x208: {  	_ =	swait.ge [sflag:s14], $0x8000  }
0x209: {  	s25 =	sld [smem:$0x7D5]  }
0x20a: {  	[sflag:s14] =	ssyncset.done $0x0  }
0x20b: {  	[sflag:s14] =	ssyncadd.s32 $0xFFFF8000  }
0x20c: {  	[hbm4b:s25+s2] =	stream.linear.scatter [tilespmem:s2], [sflag:$0x4], $0x8000, $0x38;
	[tilespmem:$0x18000] =	vst v63  }
0x20d: {  	_ =	swait.ge [sflag:s6], $0x8000  }
0x20e: {  	s1 =	sld [smem:$0x7D6]  }
0x20f: {  	[sflag:s6] =	ssyncset.done $0x0  }
0x210: {  	[sflag:s6] =	ssyncadd.s32 $0xFFFF8000  }
0x211: {  	[tilespmem:s2], [sflag:$0x1] =	stream.linear.gather [hbm4b:s1+s2], $0x8000, $0x38;
	[tilespmem:$0x18000] =	vst v63  }
0x212: {  	_ =	swait.ge [sflag:s20], $0x8000  }
0x213: {  	s25 =	sld [smem:$0x7D7]  }
0x214: {  	[sflag:s20] =	ssyncset.done $0x0  }
0x215: {  	[sflag:s20] =	ssyncadd.s32 $0xFFFF8000  }
0x216: {  	[hbm4b:s25+s2] =	stream.linear.scatter [tilespmem:s11], [sflag:$0x5], $0x8000, $0x38;
	[tilespmem:$0x18000] =	vst v63  }
0x217: {  	_ =	swait.ge [sflag:s13], $0x8000  }
0x218: {  	s1 =	sld [smem:$0x7D8]  }
0x219: {  	[sflag:s13] =	ssyncset.done $0x0  }
0x21a: {  	[sflag:s13] =	ssyncadd.s32 $0xFFFF8000  }
0x21b: {  	[tilespmem:s11], [sflag:$0x2] =	stream.linear.gather [hbm4b:s1+s2], $0x8000, $0x38;
	[tilespmem:$0x18000] =	vst v63  }
0x21c: {  	_ =	swait.ge [sflag:s18], $0x8000  }
0x21d: {  	s25 =	sld [smem:$0x7D9]  }
0x21e: {  	[sflag:s18] =	ssyncset.done $0x0  }
0x21f: {  	[sflag:s18] =	ssyncadd.s32 $0xFFFF8000  }
0x220: {  	[hbm4b:s25+s2] =	stream.linear.scatter [tilespmem:s12], [sflag:$0x6], $0x8000, $0x38;
	[tilespmem:$0x18000] =	vst v63  }
0x221: {  	_ =	swait.ge [sflag:s9], $0x8000  }
0x222: {  	s1 =	sld [smem:$0x7DA]  }
0x223: {  	[sflag:s9] =	ssyncset.done $0x0  }
0x224: {  	[sflag:s9] =	ssyncadd.s32 $0xFFFF8000  }
0x225: {  	[tilespmem:s12], [sflag:$0x3] =	stream.linear.gather [hbm4b:s1+s2], $0x8000, $0x38;
	[tilespmem:$0x18000] =	vst v63  }
0x226: {  	_ =	swait.ge [sflag:s14], $0x8000  }
0x227: {  	s25 =	sld [smem:$0x7DB]  }
0x228: {  	[sflag:s14] =	ssyncset.done $0x0  }
0x229: {  	[sflag:s14] =	ssyncadd.s32 $0xFFFF8000  }
0x22a: {  	[hbm4b:s25+s2] =	stream.linear.scatter [tilespmem:s2], [sflag:$0x4], $0x8000, $0x38;
	[tilespmem:$0x18000] =	vst v63  }
0x22b: {  	_ =	swait.ge [sflag:s6], $0x8000  }
0x22c: {  	s1 =	sld [smem:$0x7DC]  }
0x22d: {  	[sflag:s6] =	ssyncset.done $0x0  }
0x22e: {  	[sflag:s6] =	ssyncadd.s32 $0xFFFF8000  }
0x22f: {  	[tilespmem:s2], [sflag:$0x1] =	stream.linear.gather [hbm4b:s1+s2], $0x8000, $0x38;
	[tilespmem:$0x18000] =	vst v63  }
0x230: {  	_ =	swait.ge [sflag:s20], $0x8000  }
0x231: {  	s25 =	sld [smem:$0x7DD]  }
0x232: {  	[sflag:s20] =	ssyncset.done $0x0  }
0x233: {  	[sflag:s20] =	ssyncadd.s32 $0xFFFF8000  }
0x234: {  	[hbm4b:s25+s2] =	stream.linear.scatter [tilespmem:s11], [sflag:$0x5], $0x8000, $0x38;
	[tilespmem:$0x18000] =	vst v63  }
0x235: {  	_ =	swait.ge [sflag:s13], $0x8000  }
0x236: {  	s1 =	sld [smem:$0x7DE]  }
0x237: {  	[sflag:s13] =	ssyncset.done $0x0  }
0x238: {  	[sflag:s13] =	ssyncadd.s32 $0xFFFF8000  }
0x239: {  	[tilespmem:s11], [sflag:$0x2] =	stream.linear.gather [hbm4b:s1+s2], $0x8000, $0x38;
	[tilespmem:$0x18000] =	vst v63  }
0x23a: {  	_ =	swait.ge [sflag:s18], $0x8000  }
0x23b: {  	s25 =	sld [smem:$0x7DF]  }
0x23c: {  	[sflag:s18] =	ssyncset.done $0x0  }
0x23d: {  	[sflag:s18] =	ssyncadd.s32 $0xFFFF8000  }
0x23e: {  	[hbm4b:s25+s2] =	stream.linear.scatter [tilespmem:s12], [sflag:$0x6], $0x8000, $0x38;
	[tilespmem:$0x18000] =	vst v63  }
0x23f: {  	_ =	swait.ge [sflag:s9], $0x8000  }
0x240: {  	s1 =	sld [smem:$0x7E0]  }
0x241: {  	[sflag:s9] =	ssyncset.done $0x0  }
0x242: {  	[sflag:s9] =	ssyncadd.s32 $0xFFFF8000  }
0x243: {  	[tilespmem:s12], [sflag:$0x3] =	stream.linear.gather [hbm4b:s1+s2], $0x8000, $0x38;
	[tilespmem:$0x18000] =	vst v63  }
0x244: {  	_ =	swait.ge [sflag:s14], $0x8000  }
0x245: {  	s25 =	sld [smem:$0x7E1]  }
0x246: {  	[sflag:s14] =	ssyncset.done $0x0  }
0x247: {  	[sflag:s14] =	ssyncadd.s32 $0xFFFF8000  }
0x248: {  	[hbm4b:s25+s2] =	stream.linear.scatter [tilespmem:s2], [sflag:$0x4], $0x8000, $0x38;
	[tilespmem:$0x18000] =	vst v63  }
0x249: {  	_ =	swait.ge [sflag:s6], $0x8000  }
0x24a: {  	s1 =	sld [smem:$0x7E2]  }
0x24b: {  	[sflag:s6] =	ssyncset.done $0x0  }
0x24c: {  	[sflag:s6] =	ssyncadd.s32 $0xFFFF8000  }
0x24d: {  	[tilespmem:s2], [sflag:$0x1] =	stream.linear.gather [hbm4b:s1+s2], $0x8000, $0x38;
	[tilespmem:$0x18000] =	vst v63  }
0x24e: {  	_ =	swait.ge [sflag:s20], $0x8000  }
0x24f: {  	s25 =	sld [smem:$0x7E3]  }
0x250: {  	[sflag:s20] =	ssyncset.done $0x0  }
0x251: {  	[sflag:s20] =	ssyncadd.s32 $0xFFFF8000  }
0x252: {  	[hbm4b:s25+s2] =	stream.linear.scatter [tilespmem:s11], [sflag:$0x5], $0x8000, $0x38;
	[tilespmem:$0x18000] =	vst v63  }
0x253: {  	_ =	swait.ge [sflag:s13], $0x8000  }
0x254: {  	s1 =	sld [smem:$0x7E4]  }
0x255: {  	[sflag:s13] =	ssyncset.done $0x0  }
0x256: {  	[sflag:s13] =	ssyncadd.s32 $0xFFFF8000  }
0x257: {  	[tilespmem:s11], [sflag:$0x2] =	stream.linear.gather [hbm4b:s1+s2], $0x8000, $0x38;
	[tilespmem:$0x18000] =	vst v63  }
0x258: {  	_ =	swait.ge [sflag:s18], $0x8000  }
0x259: {  	s25 =	sld [smem:$0x7E5]  }
0x25a: {  	[sflag:s18] =	ssyncset.done $0x0  }
0x25b: {  	[sflag:s18] =	ssyncadd.s32 $0xFFFF8000  }
0x25c: {  	[hbm4b:s25+s2] =	stream.linear.scatter [tilespmem:s12], [sflag:$0x6], $0x8000, $0x38;
	[tilespmem:$0x18000] =	vst v63  }
0x25d: {  	_ =	swait.ge [sflag:s9], $0x8000  }
0x25e: {  	s1 =	sld [smem:$0x7E6]  }
0x25f: {  	[sflag:s9] =	ssyncset.done $0x0  }
0x260: {  	[sflag:s9] =	ssyncadd.s32 $0xFFFF8000  }
0x261: {  	[tilespmem:s12], [sflag:$0x3] =	stream.linear.gather [hbm4b:s1+s2], $0x8000, $0x38;
	[tilespmem:$0x18000] =	vst v63  }
0x262: {  	_ =	swait.ge [sflag:s14], $0x8000  }
0x263: {  	s25 =	sld [smem:$0x7E7]  }
0x264: {  	[sflag:s14] =	ssyncset.done $0x0  }
0x265: {  	[sflag:s14] =	ssyncadd.s32 $0xFFFF8000  }
0x266: {  	[hbm4b:s25+s2] =	stream.linear.scatter [tilespmem:s2], [sflag:$0x4], $0x8000, $0x38;
	[tilespmem:$0x18000] =	vst v63  }
0x267: {  	_ =	swait.ge [sflag:s6], $0x8000  }
0x268: {  	s1 =	sld [smem:$0x7E8]  }
0x269: {  	[sflag:s6] =	ssyncset.done $0x0  }
0x26a: {  	[sflag:s6] =	ssyncadd.s32 $0xFFFF8000  }
0x26b: {  	[tilespmem:s2], [sflag:$0x1] =	stream.linear.gather [hbm4b:s1+s2], $0x8000, $0x38;
	[tilespmem:$0x18000] =	vst v63  }
0x26c: {  	_ =	swait.ge [sflag:s20], $0x8000  }
0x26d: {  	s25 =	sld [smem:$0x7E9]  }
0x26e: {  	[sflag:s20] =	ssyncset.done $0x0  }
0x26f: {  	[sflag:s20] =	ssyncadd.s32 $0xFFFF8000  }
0x270: {  	[hbm4b:s25+s2] =	stream.linear.scatter [tilespmem:s11], [sflag:$0x5], $0x8000, $0x38;
	[tilespmem:$0x18000] =	vst v63  }
0x271: {  	_ =	swait.ge [sflag:s13], $0x8000  }
0x272: {  	s1 =	sld [smem:$0x7EA]  }
0x273: {  	[sflag:s13] =	ssyncset.done $0x0  }
0x274: {  	[sflag:s13] =	ssyncadd.s32 $0xFFFF8000  }
0x275: {  	[tilespmem:s11], [sflag:$0x2] =	stream.linear.gather [hbm4b:s1+s2], $0x8000, $0x38;
	[tilespmem:$0x18000] =	vst v63  }
0x276: {  	_ =	swait.ge [sflag:s18], $0x8000  }
0x277: {  	s25 =	sld [smem:$0x7EB]  }
0x278: {  	[sflag:s18] =	ssyncset.done $0x0  }
0x279: {  	[sflag:s18] =	ssyncadd.s32 $0xFFFF8000  }
0x27a: {  	[hbm4b:s25+s2] =	stream.linear.scatter [tilespmem:s12], [sflag:$0x6], $0x8000, $0x38;
	[tilespmem:$0x18000] =	vst v63  }
0x27b: {  	_ =	swait.ge [sflag:s9], $0x8000  }
0x27c: {  	s1 =	sld [smem:$0x7EC]  }
0x27d: {  	[sflag:s9] =	ssyncset.done $0x0  }
0x27e: {  	[sflag:s9] =	ssyncadd.s32 $0xFFFF8000  }
0x27f: {  	[tilespmem:s12], [sflag:$0x3] =	stream.linear.gather [hbm4b:s1+s2], $0x8000, $0x38;
	[tilespmem:$0x18000] =	vst v63  }
0x280: {  	_ =	swait.ge [sflag:s14], $0x8000  }
0x281: {  	s25 =	sld [smem:$0x7ED]  }
0x282: {  	[sflag:s14] =	ssyncset.done $0x0  }
0x283: {  	[sflag:s14] =	ssyncadd.s32 $0xFFFF8000  }
0x284: {  	[hbm4b:s25+s2] =	stream.linear.scatter [tilespmem:s2], [sflag:$0x4], $0x8000, $0x38;
	[tilespmem:$0x18000] =	vst v63  }
0x285: {  	_ =	swait.ge [sflag:s6], $0x8000  }
0x286: {  	s1 =	sld [smem:$0x7EE]  }
0x287: {  	[sflag:s6] =	ssyncset.done $0x0  }
0x288: {  	[sflag:s6] =	ssyncadd.s32 $0xFFFF8000  }
0x289: {  	[tilespmem:s2], [sflag:$0x1] =	stream.linear.gather [hbm4b:s1+s2], $0x8000, $0x38;
	[tilespmem:$0x18000] =	vst v63  }
0x28a: {  	_ =	swait.ge [sflag:s20], $0x8000  }
0x28b: {  	s25 =	sld [smem:$0x7EF]  }
0x28c: {  	[sflag:s20] =	ssyncset.done $0x0  }
0x28d: {  	[sflag:s20] =	ssyncadd.s32 $0xFFFF8000  }
0x28e: {  	[hbm4b:s25+s2] =	stream.linear.scatter [tilespmem:s11], [sflag:$0x5], $0x8000, $0x38;
	[tilespmem:$0x18000] =	vst v63  }
0x28f: {  	_ =	swait.ge [sflag:s13], $0x8000  }
0x290: {  	s1 =	sld [smem:$0x7F0]  }
0x291: {  	[sflag:s13] =	ssyncset.done $0x0  }
0x292: {  	[sflag:s13] =	ssyncadd.s32 $0xFFFF8000  }
0x293: {  	[tilespmem:s11], [sflag:$0x2] =	stream.linear.gather [hbm4b:s1+s2], $0x8000, $0x38;
	[tilespmem:$0x18000] =	vst v63  }
0x294: {  	_ =	swait.ge [sflag:s18], $0x8000  }
0x295: {  	s25 =	sld [smem:$0x7F1]  }
0x296: {  	[sflag:s18] =	ssyncset.done $0x0  }
0x297: {  	[sflag:s18] =	ssyncadd.s32 $0xFFFF8000  }
0x298: {  	[hbm4b:s25+s2] =	stream.linear.scatter [tilespmem:s12], [sflag:$0x6], $0x8000, $0x38;
	[tilespmem:$0x18000] =	vst v63  }
0x299: {  	_ =	swait.ge [sflag:s9], $0x8000  }
0x29a: {  	s1 =	sld [smem:$0x7F2]  }
0x29b: {  	[sflag:s9] =	ssyncset.done $0x0  }
0x29c: {  	[sflag:s9] =	ssyncadd.s32 $0xFFFF8000  }
0x29d: {  	[tilespmem:s12], [sflag:$0x3] =	stream.linear.gather [hbm4b:s1+s2], $0x8000, $0x38;
	[tilespmem:$0x18000] =	vst v63  }
0x29e: {  	_ =	swait.ge [sflag:s14], $0x8000  }
0x29f: {  	s25 =	sld [smem:$0x7F3]  }
0x2a0: {  	[sflag:s14] =	ssyncset.done $0x0  }
0x2a1: {  	[sflag:s14] =	ssyncadd.s32 $0xFFFF8000  }
0x2a2: {  	[hbm4b:s25+s2] =	stream.linear.scatter [tilespmem:s2], [sflag:$0x4], $0x8000, $0x38;
	[tilespmem:$0x18000] =	vst v63  }
0x2a3: {  	_ =	swait.ge [sflag:s6], $0x8000  }
0x2a4: {  	s1 =	sld [smem:$0x7F4]  }
0x2a5: {  	[sflag:s6] =	ssyncset.done $0x0  }
0x2a6: {  	[sflag:s6] =	ssyncadd.s32 $0xFFFF8000  }
0x2a7: {  	[tilespmem:s2], [sflag:$0x1] =	stream.linear.gather [hbm4b:s1+s2], $0x8000, $0x38;
	[tilespmem:$0x18000] =	vst v63  }
0x2a8: {  	_ =	swait.ge [sflag:s20], $0x8000  }
0x2a9: {  	s25 =	sld [smem:$0x7F5]  }
0x2aa: {  	[sflag:s20] =	ssyncset.done $0x0  }
0x2ab: {  	[sflag:s20] =	ssyncadd.s32 $0xFFFF8000  }
0x2ac: {  	[hbm4b:s25+s2] =	stream.linear.scatter [tilespmem:s11], [sflag:$0x5], $0x8000, $0x38;
	[tilespmem:$0x18000] =	vst v63  }
0x2ad: {  	_ =	swait.ge [sflag:s13], $0x8000  }
0x2ae: {  	s1 =	sld [smem:$0x7F6]  }
0x2af: {  	[sflag:s13] =	ssyncset.done $0x0  }
0x2b0: {  	[sflag:s13] =	ssyncadd.s32 $0xFFFF8000  }
0x2b1: {  	[tilespmem:s11], [sflag:$0x2] =	stream.linear.gather [hbm4b:s1+s2], $0x8000, $0x38;
	[tilespmem:$0x18000] =	vst v63  }
0x2b2: {  	_ =	swait.ge [sflag:s18], $0x8000  }
0x2b3: {  	s25 =	sld [smem:$0x7F7]  }
0x2b4: {  	[sflag:s18] =	ssyncset.done $0x0  }
0x2b5: {  	[sflag:s18] =	ssyncadd.s32 $0xFFFF8000  }
0x2b6: {  	[hbm4b:s25+s2] =	stream.linear.scatter [tilespmem:s12], [sflag:$0x6], $0x8000, $0x38;
	[tilespmem:$0x18000] =	vst v63  }
0x2b7: {  	_ =	swait.ge [sflag:s9], $0x8000  }
0x2b8: {  	s1 =	sld [smem:$0x7F8]  }
0x2b9: {  	[sflag:s9] =	ssyncset.done $0x0  }
0x2ba: {  	[sflag:s9] =	ssyncadd.s32 $0xFFFF8000  }
0x2bb: {  	[tilespmem:s12], [sflag:$0x3] =	stream.linear.gather [hbm4b:s1+s2], $0x8000, $0x38;
	[tilespmem:$0x18000] =	vst v63  }
0x2bc: {  	_ =	swait.ge [sflag:s14], $0x8000  }
0x2bd: {  	s25 =	sld [smem:$0x7F9]  }
0x2be: {  	[sflag:s14] =	ssyncset.done $0x0  }
0x2bf: {  	[sflag:s14] =	ssyncadd.s32 $0xFFFF8000  }
0x2c0: {  	[hbm4b:s25+s2] =	stream.linear.scatter [tilespmem:s2], [sflag:$0x4], $0x8000, $0x38;
	[tilespmem:$0x18000] =	vst v63  }
0x2c1: {  	_ =	swait.ge [sflag:s6], $0x8000  }
0x2c2: {  	s1 =	sld [smem:$0x7FA]  }
0x2c3: {  	[sflag:s6] =	ssyncset.done $0x0  }
0x2c4: {  	[sflag:s6] =	ssyncadd.s32 $0xFFFF8000  }
0x2c5: {  	[tilespmem:s2], [sflag:$0x1] =	stream.linear.gather [hbm4b:s1+s2], $0x8000, $0x38;
	[tilespmem:$0x18000] =	vst v63  }
0x2c6: {  	_ =	swait.ge [sflag:s20], $0x8000  }
0x2c7: {  	s25 =	sld [smem:$0x7FB]  }
0x2c8: {  	[sflag:s20] =	ssyncset.done $0x0  }
0x2c9: {  	[sflag:s20] =	ssyncadd.s32 $0xFFFF8000  }
0x2ca: {  	[hbm4b:s25+s2] =	stream.linear.scatter [tilespmem:s11], [sflag:$0x5], $0x8000, $0x38;
	[tilespmem:$0x18000] =	vst v63  }
0x2cb: {  	_ =	swait.ge [sflag:s13], $0x8000  }
0x2cc: {  	s1 =	sld [smem:$0x7FC]  }
0x2cd: {  	[sflag:s13] =	ssyncset.done $0x0  }
0x2ce: {  	[sflag:s13] =	ssyncadd.s32 $0xFFFF8000  }
0x2cf: {  	[tilespmem:s11], [sflag:$0x2] =	stream.linear.gather [hbm4b:s1+s2], $0x8000, $0x38;
	[tilespmem:$0x18000] =	vst v63  }
0x2d0: {  	_ =	swait.ge [sflag:s18], $0x8000  }
0x2d1: {  	s25 =	sld [smem:$0x7FD]  }
0x2d2: {  	[sflag:s18] =	ssyncset.done $0x0  }
0x2d3: {  	[sflag:s18] =	ssyncadd.s32 $0xFFFF8000  }
0x2d4: {  	[hbm4b:s25+s2] =	stream.linear.scatter [tilespmem:s12], [sflag:$0x6], $0x8000, $0x38;
	[tilespmem:$0x18000] =	vst v63  }
0x2d5: {  	_ =	swait.ge [sflag:s9], $0x8000  }
0x2d6: {  	[sflag:s9] =	ssyncset.done $0x0  }
0x2d7: {  	[sflag:s9] =	ssyncadd.s32 $0xFFFF8000  }
0x2d8: {  	[tilespmem:s12], [sflag:$0x3] =	stream.linear.gather [hbm4b:s22+s2], $0x8000, $0x38;
	[tilespmem:$0x18000] =	vst v63  }
0x2d9: {  	_ =	swait.ge [sflag:s14], $0x8000  }
0x2da: {  	[sflag:s14] =	ssyncset.done $0x0  }
0x2db: {  	[sflag:s14] =	ssyncadd.s32 $0xFFFF8000  }
0x2dc: {  	[hbm4b:s21+s2] =	stream.linear.scatter [tilespmem:s2], [sflag:$0x4], $0x8000, $0x38;
	[tilespmem:$0x18000] =	vst v63  }
0x2dd: {  	_ =	swait.ge [sflag:s6], $0x8000  }
0x2de: {  	[sflag:s6] =	ssyncset.done $0x0  }
0x2df: {  	[sflag:s6] =	ssyncadd.s32 $0xFFFF8000  }
0x2e0: {  	[tilespmem:s2], [sflag:$0x1] =	stream.linear.gather [hbm4b:s19+s2], $0x8000, $0x38;
	[tilespmem:$0x18000] =	vst v63  }
0x2e1: {  	_ =	swait.ge [sflag:s20], $0x8000  }
0x2e2: {  	[sflag:s20] =	ssyncset.done $0x0  }
0x2e3: {  	[sflag:s20] =	ssyncadd.s32 $0xFFFF8000  }
0x2e4: {  	[hbm4b:s17+s2] =	stream.linear.scatter [tilespmem:s11], [sflag:$0x5], $0x8000, $0x38;
	[tilespmem:$0x18000] =	vst v63  }
0x2e5: {  	_ =	swait.ge [sflag:s13], $0x8000  }
0x2e6: {  	[sflag:s13] =	ssyncset.done $0x0  }
0x2e7: {  	[sflag:s13] =	ssyncadd.s32 $0xFFFF8000  }
0x2e8: {  	[tilespmem:s11], [sflag:$0x2] =	stream.linear.gather [hbm4b:s16+s2], $0x8000, $0x38;
	[tilespmem:$0x18000] =	vst v63  }
0x2e9: {  	_ =	swait.ge [sflag:s18], $0x8000  }
0x2ea: {  	[sflag:s18] =	ssyncset.done $0x0  }
0x2eb: {  	[sflag:s18] =	ssyncadd.s32 $0xFFFF8000  }
0x2ec: {  	[hbm4b:s15+s2] =	stream.linear.scatter [tilespmem:s12], [sflag:$0x6], $0x8000, $0x38;
	[tilespmem:$0x18000] =	vst v63  }
0x2ed: {  	_ =	swait.ge [sflag:s9], $0x8000  }
0x2ee: {  	[sflag:s9] =	ssyncset.done $0x0  }
0x2ef: {  	[sflag:s9] =	ssyncadd.s32 $0xFFFF8000  }
0x2f0: {  	[tilespmem:s12], [sflag:$0x3] =	stream.linear.gather [hbm4b:s10+s2], $0x8000, $0x38;
	[tilespmem:$0x18000] =	vst v63  }
0x2f1: {  	_ =	swait.ge [sflag:s14], $0x8000  }
0x2f2: {  	[sflag:s14] =	ssyncset.done $0x0  }
0x2f3: {  	[sflag:s14] =	ssyncadd.s32 $0xFFFF8000  }
0x2f4: {  	[hbm4b:s8+s2] =	stream.linear.scatter [tilespmem:s2], [sflag:$0x4], $0x8000, $0x38;
	[tilespmem:$0x18000] =	vst v63  }
0x2f5: {  	_ =	swait.ge [sflag:s6], $0x8000  }
0x2f6: {  	[sflag:s6] =	ssyncset.done $0x0  }
0x2f7: {  	[sflag:s6] =	ssyncadd.s32 $0xFFFF8000  }
0x2f8: {  	[tilespmem:s2], [sflag:$0x1] =	stream.linear.gather [hbm4b:s7+s2], $0x8000, $0x38;
	[tilespmem:$0x18000] =	vst v63  }
0x2f9: {  	_ =	swait.ge [sflag:s20], $0x8000  }
0x2fa: {  	[sflag:s20] =	ssyncset.done $0x0  }
0x2fb: {  	[sflag:s20] =	ssyncadd.s32 $0xFFFF8000  }
0x2fc: {  	[hbm4b:s5+s2] =	stream.linear.scatter [tilespmem:s11], [sflag:$0x5], $0x8000, $0x38;
	[tilespmem:$0x18000] =	vst v63  }
0x2fd: {  	_ =	swait.ge [sflag:s18], $0x8000  }
0x2fe: {  	[sflag:s18] =	ssyncset.done $0x0  }
0x2ff: {  	[sflag:s18] =	ssyncadd.s32 $0xFFFF8000  }
0x300: {  	[hbm4b:s4+s2] =	stream.linear.scatter [tilespmem:s12], [sflag:$0x6], $0x8000, $0x38;
	[tilespmem:$0x18000] =	vst v63  }
0x301: {  	_ =	swait.ge [sflag:s14], $0x8000  }
0x302: {  	[sflag:s14] =	ssyncset.done $0x0  }
0x303: {  	[sflag:s14] =	ssyncadd.s32 $0xFFFF8000  }
0x304: {  	[hbm4b:s3+s2] =	stream.linear.scatter [tilespmem:s2], [sflag:$0x4], $0x8000, $0x38;
	[tilespmem:$0x18000] =	vst v63  }
0x305: {  	_ =	swait.ge [sflag:s13], $0x8000  }
0x306: {  	[sflag:s13] =	ssyncset.done $0x0  }
0x307: {  	p1 =	sne.s32 s30, $0x1;
	[sflag:s13] =	ssyncadd.s32 $0xFFFF8000  }
.Ltmp1:
0x308: {  	_ =	swait.ge [sflag:s9], $0x8000;
	(pc) =	sbr.rel @!p1 .LBB2_3-.Ltmp1, $4  }
0x309: {  	[sflag:s9] =	ssyncset.done $0x0  }
0x30a: {  	[sflag:s9] =	ssyncadd.s32 $0xFFFF8000  }
0x30b: {  	p0 =	por $0x1, $0x1;
	_ =	swait.ge [sflag:s6], $0x8000  }
0x30c: {  	s0 =	sadd.s32 $0xFFFFFFFF, s30;
	s1 =	rddreg [dreg:$0x6];
	[sflag:s6] =	ssyncset.done $0x0  }
.LBB2_4:
0x30d: {  	[sflag:s6] =	ssyncadd.s32 $0xFFFF8000  }
0x30e: {  	[tilespmem:s2], [sflag:$0x1] =	stream.strided.gather [hbm4b:s1+s23], $0x2000, s24, s23, $0x38;
	[tilespmem:$0x18000] =	vst v63  }
0x30f: {  	s25 =	rddreg [dreg:$0x7];
	s30 =	simm.s32 $0x2000  }
0x310: {  	[tilespmem:s30], [sflag:$0x1] =	stream.strided.gather [hbm4b:s25+s23], $0x2000, s24, s23, $0x38;
	[tilespmem:$0x18000] =	vst v63  }
0x311: {  	s1 =	rddreg [dreg:$0x8]  }
0x312: {  	[tilespmem:s31], [sflag:$0x1] =	stream.strided.gather [hbm4b:s1+s23], $0x2000, s24, s23, $0x38;
	[tilespmem:$0x18000] =	vst v63  }
0x313: {  	s25 =	rddreg [dreg:$0x9];
	s30 =	simm.s32 $0x6000  }
0x314: {  	[tilespmem:s30], [sflag:$0x1] =	stream.strided.gather [hbm4b:s25+s23], $0x2000, s24, s23, $0x38;
	[tilespmem:$0x18000] =	vst v63  }
0x315: {  	s1 =	rddreg [dreg:$0xa]  }
0x316: {  	[tilespmem:s11], [sflag:$0x2] =	stream.strided.gather [hbm4b:s1+s23], $0x2000, s24, s23, $0x38;
	[tilespmem:$0x18000] =	vst v63  }
0x317: {  	s25 =	rddreg [dreg:$0xb]  }
0x318: {  	[tilespmem:s29], [sflag:$0x2] =	stream.strided.gather [hbm4b:s25+s23], $0x2000, s24, s23, $0x38;
	[tilespmem:$0x18000] =	vst v63  }
0x319: {  	s30 =	rddreg [dreg:$0xc]  }
0x31a: {  	[tilespmem:s28], [sflag:$0x2] =	stream.strided.gather [hbm4b:s30+s23], $0x2000, s24, s23, $0x38;
	[tilespmem:$0x18000] =	vst v63  }
0x31b: {  	s25 =	rddreg [dreg:$0xd]  }
0x31c: {  	[tilespmem:s26], [sflag:$0x2] =	stream.strided.gather [hbm4b:s25+s23], $0x2000, s24, s23, $0x38;
	[tilespmem:$0x18000] =	vst v63  }
0x31d: {  	s30 =	rddreg [dreg:$0xe]  }
0x31e: {  	[tilespmem:s12], [sflag:$0x3] =	stream.linear.gather [hbm4b:s30+s2], $0x8000, $0x38;
	[tilespmem:$0x18000] =	vst v63  }
0x31f: {  	_ =	swait.ge [sflag:s14], $0x2000  }
0x320: {  	[sflag:s14] =	ssyncset.done $0x0  }
0x321: {  	[sflag:s14] =	ssyncadd.s32 $0xFFFFE000  }
0x322: {  	_ =	swait.ge [sflag:s14], $0x2000  }
0x323: {  	[sflag:s14] =	ssyncset.done $0x0  }
0x324: {  	[sflag:s14] =	ssyncadd.s32 $0xFFFFE000  }
0x325: {  	_ =	swait.ge [sflag:s14], $0x2000  }
0x326: {  	[sflag:s14] =	ssyncset.done $0x0  }
0x327: {  	[sflag:s14] =	ssyncadd.s32 $0xFFFFE000  }
0x328: {  	_ =	swait.ge [sflag:s14], $0x2000  }
0x329: {  	[sflag:s14] =	ssyncset.done $0x0  }
0x32a: {  	s30 =	rddreg [dreg:$0xf];
	[sflag:s14] =	ssyncadd.s32 $0xFFFFE000  }
0x32b: {  	[hbm4b:s30+s2] =	stream.linear.scatter [tilespmem:s2], [sflag:$0x4], $0x8000, $0x38;
	[tilespmem:$0x18000] =	vst v63  }
0x32c: {  	_ =	swait.ge [sflag:s6], $0x8000  }
0x32d: {  	[sflag:s6] =	ssyncset.done $0x0  }
0x32e: {  	s25 =	rddreg [dreg:$0x10];
	[sflag:s6] =	ssyncadd.s32 $0xFFFF8000  }
0x32f: {  	[tilespmem:s2], [sflag:$0x1] =	stream.linear.gather [hbm4b:s25+s2], $0x8000, $0x38;
	[tilespmem:$0x18000] =	vst v63  }
0x330: {  	_ =	swait.ge [sflag:s20], $0x2000  }
0x331: {  	[sflag:s20] =	ssyncset.done $0x0  }
0x332: {  	[sflag:s20] =	ssyncadd.s32 $0xFFFFE000  }
0x333: {  	_ =	swait.ge [sflag:s20], $0x2000  }
0x334: {  	[sflag:s20] =	ssyncset.done $0x0  }
0x335: {  	[sflag:s20] =	ssyncadd.s32 $0xFFFFE000  }
0x336: {  	_ =	swait.ge [sflag:s20], $0x2000  }
0x337: {  	[sflag:s20] =	ssyncset.done $0x0  }
0x338: {  	[sflag:s20] =	ssyncadd.s32 $0xFFFFE000  }
0x339: {  	_ =	swait.ge [sflag:s20], $0x2000  }
0x33a: {  	[sflag:s20] =	ssyncset.done $0x0  }
0x33b: {  	s30 =	rddreg [dreg:$0x11];
	[sflag:s20] =	ssyncadd.s32 $0xFFFFE000  }
0x33c: {  	[hbm4b:s30+s2] =	stream.linear.scatter [tilespmem:s11], [sflag:$0x5], $0x8000, $0x38;
	[tilespmem:$0x18000] =	vst v63  }
0x33d: {  	_ =	swait.ge [sflag:s13], $0x8000  }
0x33e: {  	[sflag:s13] =	ssyncset.done $0x0  }
0x33f: {  	s25 =	rddreg [dreg:$0x12];
	[sflag:s13] =	ssyncadd.s32 $0xFFFF8000  }
0x340: {  	[tilespmem:s11], [sflag:$0x2] =	stream.linear.gather [hbm4b:s25+s2], $0x8000, $0x38;
	[tilespmem:$0x18000] =	vst v63  }
0x341: {  	_ =	swait.ge [sflag:s18], $0x8000  }
0x342: {  	[sflag:s18] =	ssyncset.done $0x0  }
0x343: {  	s30 =	rddreg [dreg:$0x13];
	[sflag:s18] =	ssyncadd.s32 $0xFFFF8000  }
0x344: {  	[hbm4b:s30+s2] =	stream.linear.scatter [tilespmem:s12], [sflag:$0x6], $0x8000, $0x38;
	[tilespmem:$0x18000] =	vst v63  }
0x345: {  	_ =	swait.ge [sflag:s9], $0x8000  }
0x346: {  	[sflag:s9] =	ssyncset.done $0x0  }
0x347: {  	s25 =	rddreg [dreg:$0x14];
	[sflag:s9] =	ssyncadd.s32 $0xFFFF8000  }
0x348: {  	[tilespmem:s12], [sflag:$0x3] =	stream.linear.gather [hbm4b:s25+s2], $0x8000, $0x38;
	[tilespmem:$0x18000] =	vst v63  }
0x349: {  	_ =	swait.ge [sflag:s14], $0x8000  }
0x34a: {  	[sflag:s14] =	ssyncset.done $0x0  }
0x34b: {  	s30 =	rddreg [dreg:$0x15];
	[sflag:s14] =	ssyncadd.s32 $0xFFFF8000  }
0x34c: {  	[hbm4b:s30+s2] =	stream.linear.scatter [tilespmem:s2], [sflag:$0x4], $0x8000, $0x38;
	[tilespmem:$0x18000] =	vst v63  }
0x34d: {  	_ =	swait.ge [sflag:s6], $0x8000  }
0x34e: {  	[sflag:s6] =	ssyncset.done $0x0  }
0x34f: {  	s25 =	rddreg [dreg:$0x16];
	[sflag:s6] =	ssyncadd.s32 $0xFFFF8000  }
0x350: {  	[tilespmem:s2], [sflag:$0x1] =	stream.linear.gather [hbm4b:s25+s2], $0x8000, $0x38;
	[tilespmem:$0x18000] =	vst v63  }
0x351: {  	_ =	swait.ge [sflag:s20], $0x8000  }
0x352: {  	[sflag:s20] =	ssyncset.done $0x0  }
0x353: {  	s30 =	rddreg [dreg:$0x17];
	[sflag:s20] =	ssyncadd.s32 $0xFFFF8000  }
0x354: {  	[hbm4b:s30+s2] =	stream.linear.scatter [tilespmem:s11], [sflag:$0x5], $0x8000, $0x38;
	[tilespmem:$0x18000] =	vst v63  }
0x355: {  	_ =	swait.ge [sflag:s13], $0x8000  }
0x356: {  	[sflag:s13] =	ssyncset.done $0x0  }
0x357: {  	s25 =	rddreg [dreg:$0x18];
	[sflag:s13] =	ssyncadd.s32 $0xFFFF8000  }
0x358: {  	[tilespmem:s11], [sflag:$0x2] =	stream.linear.gather [hbm4b:s25+s2], $0x8000, $0x38;
	[tilespmem:$0x18000] =	vst v63  }
0x359: {  	_ =	swait.ge [sflag:s18], $0x8000  }
0x35a: {  	[sflag:s18] =	ssyncset.done $0x0  }
0x35b: {  	s30 =	rddreg [dreg:$0x19];
	[sflag:s18] =	ssyncadd.s32 $0xFFFF8000  }
0x35c: {  	[hbm4b:s30+s2] =	stream.linear.scatter [tilespmem:s12], [sflag:$0x6], $0x8000, $0x38;
	[tilespmem:$0x18000] =	vst v63  }
0x35d: {  	_ =	swait.ge [sflag:s9], $0x8000  }
0x35e: {  	[sflag:s9] =	ssyncset.done $0x0  }
0x35f: {  	s25 =	rddreg [dreg:$0x1a];
	[sflag:s9] =	ssyncadd.s32 $0xFFFF8000  }
0x360: {  	[tilespmem:s12], [sflag:$0x3] =	stream.linear.gather [hbm4b:s25+s2], $0x8000, $0x38;
	[tilespmem:$0x18000] =	vst v63  }
0x361: {  	_ =	swait.ge [sflag:s14], $0x8000  }
0x362: {  	[sflag:s14] =	ssyncset.done $0x0  }
0x363: {  	s30 =	rddreg [dreg:$0x1b];
	[sflag:s14] =	ssyncadd.s32 $0xFFFF8000  }
0x364: {  	[hbm4b:s30+s2] =	stream.linear.scatter [tilespmem:s2], [sflag:$0x4], $0x8000, $0x38;
	[tilespmem:$0x18000] =	vst v63  }
0x365: {  	_ =	swait.ge [sflag:s6], $0x8000  }
0x366: {  	[sflag:s6] =	ssyncset.done $0x0  }
0x367: {  	s25 =	rddreg [dreg:$0x1c];
	[sflag:s6] =	ssyncadd.s32 $0xFFFF8000  }
0x368: {  	[tilespmem:s2], [sflag:$0x1] =	stream.linear.gather [hbm4b:s25+s2], $0x8000, $0x38;
	[tilespmem:$0x18000] =	vst v63  }
0x369: {  	_ =	swait.ge [sflag:s20], $0x8000  }
0x36a: {  	[sflag:s20] =	ssyncset.done $0x0  }
0x36b: {  	s30 =	rddreg [dreg:$0x1d];
	[sflag:s20] =	ssyncadd.s32 $0xFFFF8000  }
0x36c: {  	[hbm4b:s30+s2] =	stream.linear.scatter [tilespmem:s11], [sflag:$0x5], $0x8000, $0x38;
	[tilespmem:$0x18000] =	vst v63  }
0x36d: {  	_ =	swait.ge [sflag:s13], $0x8000  }
0x36e: {  	[sflag:s13] =	ssyncset.done $0x0  }
0x36f: {  	s25 =	rddreg [dreg:$0x1e];
	[sflag:s13] =	ssyncadd.s32 $0xFFFF8000  }
0x370: {  	[tilespmem:s11], [sflag:$0x2] =	stream.linear.gather [hbm4b:s25+s2], $0x8000, $0x38;
	[tilespmem:$0x18000] =	vst v63  }
0x371: {  	_ =	swait.ge [sflag:s18], $0x8000  }
0x372: {  	[sflag:s18] =	ssyncset.done $0x0  }
0x373: {  	s30 =	rddreg [dreg:$0x1f];
	[sflag:s18] =	ssyncadd.s32 $0xFFFF8000  }
0x374: {  	[hbm4b:s30+s2] =	stream.linear.scatter [tilespmem:s12], [sflag:$0x6], $0x8000, $0x38;
	[tilespmem:$0x18000] =	vst v63  }
0x375: {  	_ =	swait.ge [sflag:s9], $0x8000  }
0x376: {  	s25 =	sld [smem:$0x79E]  }
0x377: {  	[sflag:s9] =	ssyncset.done $0x0  }
0x378: {  	[sflag:s9] =	ssyncadd.s32 $0xFFFF8000  }
0x379: {  	[tilespmem:s12], [sflag:$0x3] =	stream.linear.gather [hbm4b:s25+s2], $0x8000, $0x38;
	[tilespmem:$0x18000] =	vst v63  }
0x37a: {  	_ =	swait.ge [sflag:s14], $0x8000  }
0x37b: {  	s30 =	sld [smem:$0x79F]  }
0x37c: {  	[sflag:s14] =	ssyncset.done $0x0  }
0x37d: {  	[sflag:s14] =	ssyncadd.s32 $0xFFFF8000  }
0x37e: {  	[hbm4b:s30+s2] =	stream.linear.scatter [tilespmem:s2], [sflag:$0x4], $0x8000, $0x38;
	[tilespmem:$0x18000] =	vst v63  }
0x37f: {  	_ =	swait.ge [sflag:s6], $0x8000  }
0x380: {  	s25 =	sld [smem:$0x7A0]  }
0x381: {  	[sflag:s6] =	ssyncset.done $0x0  }
0x382: {  	[sflag:s6] =	ssyncadd.s32 $0xFFFF8000  }
0x383: {  	[tilespmem:s2], [sflag:$0x1] =	stream.linear.gather [hbm4b:s25+s2], $0x8000, $0x38;
	[tilespmem:$0x18000] =	vst v63  }
0x384: {  	_ =	swait.ge [sflag:s20], $0x8000  }
0x385: {  	s30 =	sld [smem:$0x7A1]  }
0x386: {  	[sflag:s20] =	ssyncset.done $0x0  }
0x387: {  	[sflag:s20] =	ssyncadd.s32 $0xFFFF8000  }
0x388: {  	[hbm4b:s30+s2] =	stream.linear.scatter [tilespmem:s11], [sflag:$0x5], $0x8000, $0x38;
	[tilespmem:$0x18000] =	vst v63  }
0x389: {  	_ =	swait.ge [sflag:s13], $0x8000  }
0x38a: {  	s25 =	sld [smem:$0x7A2]  }
0x38b: {  	[sflag:s13] =	ssyncset.done $0x0  }
0x38c: {  	[sflag:s13] =	ssyncadd.s32 $0xFFFF8000  }
0x38d: {  	[tilespmem:s11], [sflag:$0x2] =	stream.linear.gather [hbm4b:s25+s2], $0x8000, $0x38;
	[tilespmem:$0x18000] =	vst v63  }
0x38e: {  	_ =	swait.ge [sflag:s18], $0x8000  }
0x38f: {  	s30 =	sld [smem:$0x7A3]  }
0x390: {  	[sflag:s18] =	ssyncset.done $0x0  }
0x391: {  	[sflag:s18] =	ssyncadd.s32 $0xFFFF8000  }
0x392: {  	[hbm4b:s30+s2] =	stream.linear.scatter [tilespmem:s12], [sflag:$0x6], $0x8000, $0x38;
	[tilespmem:$0x18000] =	vst v63  }
0x393: {  	_ =	swait.ge [sflag:s9], $0x8000  }
0x394: {  	s25 =	sld [smem:$0x7A4]  }
0x395: {  	[sflag:s9] =	ssyncset.done $0x0  }
0x396: {  	[sflag:s9] =	ssyncadd.s32 $0xFFFF8000  }
0x397: {  	[tilespmem:s12], [sflag:$0x3] =	stream.linear.gather [hbm4b:s25+s2], $0x8000, $0x38;
	[tilespmem:$0x18000] =	vst v63  }
0x398: {  	_ =	swait.ge [sflag:s14], $0x8000  }
0x399: {  	s30 =	sld [smem:$0x7A5]  }
0x39a: {  	[sflag:s14] =	ssyncset.done $0x0  }
0x39b: {  	[sflag:s14] =	ssyncadd.s32 $0xFFFF8000  }
0x39c: {  	[hbm4b:s30+s2] =	stream.linear.scatter [tilespmem:s2], [sflag:$0x4], $0x8000, $0x38;
	[tilespmem:$0x18000] =	vst v63  }
0x39d: {  	_ =	swait.ge [sflag:s6], $0x8000  }
0x39e: {  	s25 =	sld [smem:$0x7A6]  }
0x39f: {  	[sflag:s6] =	ssyncset.done $0x0  }
0x3a0: {  	[sflag:s6] =	ssyncadd.s32 $0xFFFF8000  }
0x3a1: {  	[tilespmem:s2], [sflag:$0x1] =	stream.linear.gather [hbm4b:s25+s2], $0x8000, $0x38;
	[tilespmem:$0x18000] =	vst v63  }
0x3a2: {  	_ =	swait.ge [sflag:s20], $0x8000  }
0x3a3: {  	s30 =	sld [smem:$0x7A7]  }
0x3a4: {  	[sflag:s20] =	ssyncset.done $0x0  }
0x3a5: {  	[sflag:s20] =	ssyncadd.s32 $0xFFFF8000  }
0x3a6: {  	[hbm4b:s30+s2] =	stream.linear.scatter [tilespmem:s11], [sflag:$0x5], $0x8000, $0x38;
	[tilespmem:$0x18000] =	vst v63  }
0x3a7: {  	_ =	swait.ge [sflag:s13], $0x8000  }
0x3a8: {  	s25 =	sld [smem:$0x7A8]  }
0x3a9: {  	[sflag:s13] =	ssyncset.done $0x0  }
0x3aa: {  	[sflag:s13] =	ssyncadd.s32 $0xFFFF8000  }
0x3ab: {  	[tilespmem:s11], [sflag:$0x2] =	stream.linear.gather [hbm4b:s25+s2], $0x8000, $0x38;
	[tilespmem:$0x18000] =	vst v63  }
0x3ac: {  	_ =	swait.ge [sflag:s18], $0x8000  }
0x3ad: {  	s30 =	sld [smem:$0x7A9]  }
0x3ae: {  	[sflag:s18] =	ssyncset.done $0x0  }
0x3af: {  	[sflag:s18] =	ssyncadd.s32 $0xFFFF8000  }
0x3b0: {  	[hbm4b:s30+s2] =	stream.linear.scatter [tilespmem:s12], [sflag:$0x6], $0x8000, $0x38;
	[tilespmem:$0x18000] =	vst v63  }
0x3b1: {  	_ =	swait.ge [sflag:s9], $0x8000  }
0x3b2: {  	s25 =	sld [smem:$0x7AA]  }
0x3b3: {  	[sflag:s9] =	ssyncset.done $0x0  }
0x3b4: {  	[sflag:s9] =	ssyncadd.s32 $0xFFFF8000  }
0x3b5: {  	[tilespmem:s12], [sflag:$0x3] =	stream.linear.gather [hbm4b:s25+s2], $0x8000, $0x38;
	[tilespmem:$0x18000] =	vst v63  }
0x3b6: {  	_ =	swait.ge [sflag:s14], $0x8000  }
0x3b7: {  	s30 =	sld [smem:$0x7AB]  }
0x3b8: {  	[sflag:s14] =	ssyncset.done $0x0  }
0x3b9: {  	[sflag:s14] =	ssyncadd.s32 $0xFFFF8000  }
0x3ba: {  	[hbm4b:s30+s2] =	stream.linear.scatter [tilespmem:s2], [sflag:$0x4], $0x8000, $0x38;
	[tilespmem:$0x18000] =	vst v63  }
0x3bb: {  	_ =	swait.ge [sflag:s6], $0x8000  }
0x3bc: {  	s25 =	sld [smem:$0x7AC]  }
0x3bd: {  	[sflag:s6] =	ssyncset.done $0x0  }
0x3be: {  	[sflag:s6] =	ssyncadd.s32 $0xFFFF8000  }
0x3bf: {  	[tilespmem:s2], [sflag:$0x1] =	stream.linear.gather [hbm4b:s25+s2], $0x8000, $0x38;
	[tilespmem:$0x18000] =	vst v63  }
0x3c0: {  	_ =	swait.ge [sflag:s20], $0x8000  }
0x3c1: {  	s30 =	sld [smem:$0x7AD]  }
0x3c2: {  	[sflag:s20] =	ssyncset.done $0x0  }
0x3c3: {  	[sflag:s20] =	ssyncadd.s32 $0xFFFF8000  }
0x3c4: {  	[hbm4b:s30+s2] =	stream.linear.scatter [tilespmem:s11], [sflag:$0x5], $0x8000, $0x38;
	[tilespmem:$0x18000] =	vst v63  }
0x3c5: {  	_ =	swait.ge [sflag:s13], $0x8000  }
0x3c6: {  	s25 =	sld [smem:$0x7AE]  }
0x3c7: {  	[sflag:s13] =	ssyncset.done $0x0  }
0x3c8: {  	[sflag:s13] =	ssyncadd.s32 $0xFFFF8000  }
0x3c9: {  	[tilespmem:s11], [sflag:$0x2] =	stream.linear.gather [hbm4b:s25+s2], $0x8000, $0x38;
	[tilespmem:$0x18000] =	vst v63  }
0x3ca: {  	_ =	swait.ge [sflag:s18], $0x8000  }
0x3cb: {  	s30 =	sld [smem:$0x7AF]  }
0x3cc: {  	[sflag:s18] =	ssyncset.done $0x0  }
0x3cd: {  	[sflag:s18] =	ssyncadd.s32 $0xFFFF8000  }
0x3ce: {  	[hbm4b:s30+s2] =	stream.linear.scatter [tilespmem:s12], [sflag:$0x6], $0x8000, $0x38;
	[tilespmem:$0x18000] =	vst v63  }
0x3cf: {  	_ =	swait.ge [sflag:s9], $0x8000  }
0x3d0: {  	s25 =	sld [smem:$0x7B0]  }
0x3d1: {  	[sflag:s9] =	ssyncset.done $0x0  }
0x3d2: {  	[sflag:s9] =	ssyncadd.s32 $0xFFFF8000  }
0x3d3: {  	[tilespmem:s12], [sflag:$0x3] =	stream.linear.gather [hbm4b:s25+s2], $0x8000, $0x38;
	[tilespmem:$0x18000] =	vst v63  }
0x3d4: {  	_ =	swait.ge [sflag:s14], $0x8000  }
0x3d5: {  	s30 =	sld [smem:$0x7B1]  }
0x3d6: {  	[sflag:s14] =	ssyncset.done $0x0  }
0x3d7: {  	[sflag:s14] =	ssyncadd.s32 $0xFFFF8000  }
0x3d8: {  	[hbm4b:s30+s2] =	stream.linear.scatter [tilespmem:s2], [sflag:$0x4], $0x8000, $0x38;
	[tilespmem:$0x18000] =	vst v63  }
0x3d9: {  	_ =	swait.ge [sflag:s6], $0x8000  }
0x3da: {  	s25 =	sld [smem:$0x7B2]  }
0x3db: {  	[sflag:s6] =	ssyncset.done $0x0  }
0x3dc: {  	[sflag:s6] =	ssyncadd.s32 $0xFFFF8000  }
0x3dd: {  	[tilespmem:s2], [sflag:$0x1] =	stream.linear.gather [hbm4b:s25+s2], $0x8000, $0x38;
	[tilespmem:$0x18000] =	vst v63  }
0x3de: {  	_ =	swait.ge [sflag:s20], $0x8000  }
0x3df: {  	s30 =	sld [smem:$0x7B3]  }
0x3e0: {  	[sflag:s20] =	ssyncset.done $0x0  }
0x3e1: {  	[sflag:s20] =	ssyncadd.s32 $0xFFFF8000  }
0x3e2: {  	[hbm4b:s30+s2] =	stream.linear.scatter [tilespmem:s11], [sflag:$0x5], $0x8000, $0x38;
	[tilespmem:$0x18000] =	vst v63  }
0x3e3: {  	_ =	swait.ge [sflag:s13], $0x8000  }
0x3e4: {  	s25 =	sld [smem:$0x7B4]  }
0x3e5: {  	[sflag:s13] =	ssyncset.done $0x0  }
0x3e6: {  	[sflag:s13] =	ssyncadd.s32 $0xFFFF8000  }
0x3e7: {  	[tilespmem:s11], [sflag:$0x2] =	stream.linear.gather [hbm4b:s25+s2], $0x8000, $0x38;
	[tilespmem:$0x18000] =	vst v63  }
0x3e8: {  	_ =	swait.ge [sflag:s18], $0x8000  }
0x3e9: {  	s30 =	sld [smem:$0x7B5]  }
0x3ea: {  	[sflag:s18] =	ssyncset.done $0x0  }
0x3eb: {  	[sflag:s18] =	ssyncadd.s32 $0xFFFF8000  }
0x3ec: {  	[hbm4b:s30+s2] =	stream.linear.scatter [tilespmem:s12], [sflag:$0x6], $0x8000, $0x38;
	[tilespmem:$0x18000] =	vst v63  }
0x3ed: {  	_ =	swait.ge [sflag:s9], $0x8000  }
0x3ee: {  	s25 =	sld [smem:$0x7B6]  }
0x3ef: {  	[sflag:s9] =	ssyncset.done $0x0  }
0x3f0: {  	[sflag:s9] =	ssyncadd.s32 $0xFFFF8000  }
0x3f1: {  	[tilespmem:s12], [sflag:$0x3] =	stream.linear.gather [hbm4b:s25+s2], $0x8000, $0x38;
	[tilespmem:$0x18000] =	vst v63  }
0x3f2: {  	_ =	swait.ge [sflag:s14], $0x8000  }
0x3f3: {  	s30 =	sld [smem:$0x7B7]  }
0x3f4: {  	[sflag:s14] =	ssyncset.done $0x0  }
0x3f5: {  	[sflag:s14] =	ssyncadd.s32 $0xFFFF8000  }
0x3f6: {  	[hbm4b:s30+s2] =	stream.linear.scatter [tilespmem:s2], [sflag:$0x4], $0x8000, $0x38;
	[tilespmem:$0x18000] =	vst v63  }
0x3f7: {  	_ =	swait.ge [sflag:s6], $0x8000  }
0x3f8: {  	s25 =	sld [smem:$0x7B8]  }
0x3f9: {  	[sflag:s6] =	ssyncset.done $0x0  }
0x3fa: {  	[sflag:s6] =	ssyncadd.s32 $0xFFFF8000  }
0x3fb: {  	[tilespmem:s2], [sflag:$0x1] =	stream.linear.gather [hbm4b:s25+s2], $0x8000, $0x38;
	[tilespmem:$0x18000] =	vst v63  }
0x3fc: {  	_ =	swait.ge [sflag:s20], $0x8000  }
0x3fd: {  	s30 =	sld [smem:$0x7B9]  }
0x3fe: {  	[sflag:s20] =	ssyncset.done $0x0  }
0x3ff: {  	[sflag:s20] =	ssyncadd.s32 $0xFFFF8000  }
0x400: {  	[hbm4b:s30+s2] =	stream.linear.scatter [tilespmem:s11], [sflag:$0x5], $0x8000, $0x38;
	[tilespmem:$0x18000] =	vst v63  }
0x401: {  	_ =	swait.ge [sflag:s13], $0x8000  }
0x402: {  	s25 =	sld [smem:$0x7BA]  }
0x403: {  	[sflag:s13] =	ssyncset.done $0x0  }
0x404: {  	[sflag:s13] =	ssyncadd.s32 $0xFFFF8000  }
0x405: {  	[tilespmem:s11], [sflag:$0x2] =	stream.linear.gather [hbm4b:s25+s2], $0x8000, $0x38;
	[tilespmem:$0x18000] =	vst v63  }
0x406: {  	_ =	swait.ge [sflag:s18], $0x8000  }
0x407: {  	s30 =	sld [smem:$0x7BB]  }
0x408: {  	[sflag:s18] =	ssyncset.done $0x0  }
0x409: {  	[sflag:s18] =	ssyncadd.s32 $0xFFFF8000  }
0x40a: {  	[hbm4b:s30+s2] =	stream.linear.scatter [tilespmem:s12], [sflag:$0x6], $0x8000, $0x38;
	[tilespmem:$0x18000] =	vst v63  }
0x40b: {  	_ =	swait.ge [sflag:s9], $0x8000  }
0x40c: {  	s25 =	sld [smem:$0x7BC]  }
0x40d: {  	[sflag:s9] =	ssyncset.done $0x0  }
0x40e: {  	[sflag:s9] =	ssyncadd.s32 $0xFFFF8000  }
0x40f: {  	[tilespmem:s12], [sflag:$0x3] =	stream.linear.gather [hbm4b:s25+s2], $0x8000, $0x38;
	[tilespmem:$0x18000] =	vst v63  }
0x410: {  	_ =	swait.ge [sflag:s14], $0x8000  }
0x411: {  	s30 =	sld [smem:$0x7BD]  }
0x412: {  	[sflag:s14] =	ssyncset.done $0x0  }
0x413: {  	[sflag:s14] =	ssyncadd.s32 $0xFFFF8000  }
0x414: {  	[hbm4b:s30+s2] =	stream.linear.scatter [tilespmem:s2], [sflag:$0x4], $0x8000, $0x38;
	[tilespmem:$0x18000] =	vst v63  }
0x415: {  	_ =	swait.ge [sflag:s6], $0x8000  }
0x416: {  	s25 =	sld [smem:$0x7BE]  }
0x417: {  	[sflag:s6] =	ssyncset.done $0x0  }
0x418: {  	[sflag:s6] =	ssyncadd.s32 $0xFFFF8000  }
0x419: {  	[tilespmem:s2], [sflag:$0x1] =	stream.linear.gather [hbm4b:s25+s2], $0x8000, $0x38;
	[tilespmem:$0x18000] =	vst v63  }
0x41a: {  	_ =	swait.ge [sflag:s20], $0x8000  }
0x41b: {  	s30 =	sld [smem:$0x7BF]  }
0x41c: {  	[sflag:s20] =	ssyncset.done $0x0  }
0x41d: {  	[sflag:s20] =	ssyncadd.s32 $0xFFFF8000  }
0x41e: {  	[hbm4b:s30+s2] =	stream.linear.scatter [tilespmem:s11], [sflag:$0x5], $0x8000, $0x38;
	[tilespmem:$0x18000] =	vst v63  }
0x41f: {  	_ =	swait.ge [sflag:s13], $0x8000  }
0x420: {  	s25 =	sld [smem:$0x7C0]  }
0x421: {  	[sflag:s13] =	ssyncset.done $0x0  }
0x422: {  	[sflag:s13] =	ssyncadd.s32 $0xFFFF8000  }
0x423: {  	[tilespmem:s11], [sflag:$0x2] =	stream.linear.gather [hbm4b:s25+s2], $0x8000, $0x38;
	[tilespmem:$0x18000] =	vst v63  }
0x424: {  	_ =	swait.ge [sflag:s18], $0x8000  }
0x425: {  	s30 =	sld [smem:$0x7C1]  }
0x426: {  	[sflag:s18] =	ssyncset.done $0x0  }
0x427: {  	[sflag:s18] =	ssyncadd.s32 $0xFFFF8000  }
0x428: {  	[hbm4b:s30+s2] =	stream.linear.scatter [tilespmem:s12], [sflag:$0x6], $0x8000, $0x38;
	[tilespmem:$0x18000] =	vst v63  }
0x429: {  	_ =	swait.ge [sflag:s9], $0x8000  }
0x42a: {  	s25 =	sld [smem:$0x7C2]  }
0x42b: {  	[sflag:s9] =	ssyncset.done $0x0  }
0x42c: {  	[sflag:s9] =	ssyncadd.s32 $0xFFFF8000  }
0x42d: {  	[tilespmem:s12], [sflag:$0x3] =	stream.linear.gather [hbm4b:s25+s2], $0x8000, $0x38;
	[tilespmem:$0x18000] =	vst v63  }
0x42e: {  	_ =	swait.ge [sflag:s14], $0x8000  }
0x42f: {  	s30 =	sld [smem:$0x7C3]  }
0x430: {  	[sflag:s14] =	ssyncset.done $0x0  }
0x431: {  	[sflag:s14] =	ssyncadd.s32 $0xFFFF8000  }
0x432: {  	[hbm4b:s30+s2] =	stream.linear.scatter [tilespmem:s2], [sflag:$0x4], $0x8000, $0x38;
	[tilespmem:$0x18000] =	vst v63  }
0x433: {  	_ =	swait.ge [sflag:s6], $0x8000  }
0x434: {  	s25 =	sld [smem:$0x7C4]  }
0x435: {  	[sflag:s6] =	ssyncset.done $0x0  }
0x436: {  	[sflag:s6] =	ssyncadd.s32 $0xFFFF8000  }
0x437: {  	[tilespmem:s2], [sflag:$0x1] =	stream.linear.gather [hbm4b:s25+s2], $0x8000, $0x38;
	[tilespmem:$0x18000] =	vst v63  }
0x438: {  	_ =	swait.ge [sflag:s20], $0x8000  }
0x439: {  	s30 =	sld [smem:$0x7C5]  }
0x43a: {  	[sflag:s20] =	ssyncset.done $0x0  }
0x43b: {  	[sflag:s20] =	ssyncadd.s32 $0xFFFF8000  }
0x43c: {  	[hbm4b:s30+s2] =	stream.linear.scatter [tilespmem:s11], [sflag:$0x5], $0x8000, $0x38;
	[tilespmem:$0x18000] =	vst v63  }
0x43d: {  	_ =	swait.ge [sflag:s13], $0x8000  }
0x43e: {  	s25 =	sld [smem:$0x7C6]  }
0x43f: {  	[sflag:s13] =	ssyncset.done $0x0  }
0x440: {  	[sflag:s13] =	ssyncadd.s32 $0xFFFF8000  }
0x441: {  	[tilespmem:s11], [sflag:$0x2] =	stream.linear.gather [hbm4b:s25+s2], $0x8000, $0x38;
	[tilespmem:$0x18000] =	vst v63  }
0x442: {  	_ =	swait.ge [sflag:s18], $0x8000  }
0x443: {  	s30 =	sld [smem:$0x7C7]  }
0x444: {  	[sflag:s18] =	ssyncset.done $0x0  }
0x445: {  	[sflag:s18] =	ssyncadd.s32 $0xFFFF8000  }
0x446: {  	[hbm4b:s30+s2] =	stream.linear.scatter [tilespmem:s12], [sflag:$0x6], $0x8000, $0x38;
	[tilespmem:$0x18000] =	vst v63  }
0x447: {  	_ =	swait.ge [sflag:s9], $0x8000  }
0x448: {  	s25 =	sld [smem:$0x7C8]  }
0x449: {  	[sflag:s9] =	ssyncset.done $0x0  }
0x44a: {  	[sflag:s9] =	ssyncadd.s32 $0xFFFF8000  }
0x44b: {  	[tilespmem:s12], [sflag:$0x3] =	stream.linear.gather [hbm4b:s25+s2], $0x8000, $0x38;
	[tilespmem:$0x18000] =	vst v63  }
0x44c: {  	_ =	swait.ge [sflag:s14], $0x8000  }
0x44d: {  	s30 =	sld [smem:$0x7C9]  }
0x44e: {  	[sflag:s14] =	ssyncset.done $0x0  }
0x44f: {  	[sflag:s14] =	ssyncadd.s32 $0xFFFF8000  }
0x450: {  	[hbm4b:s30+s2] =	stream.linear.scatter [tilespmem:s2], [sflag:$0x4], $0x8000, $0x38;
	[tilespmem:$0x18000] =	vst v63  }
0x451: {  	_ =	swait.ge [sflag:s6], $0x8000  }
0x452: {  	s25 =	sld [smem:$0x7CA]  }
0x453: {  	[sflag:s6] =	ssyncset.done $0x0  }
0x454: {  	[sflag:s6] =	ssyncadd.s32 $0xFFFF8000  }
0x455: {  	[tilespmem:s2], [sflag:$0x1] =	stream.linear.gather [hbm4b:s25+s2], $0x8000, $0x38;
	[tilespmem:$0x18000] =	vst v63  }
0x456: {  	_ =	swait.ge [sflag:s20], $0x8000  }
0x457: {  	s30 =	sld [smem:$0x7CB]  }
0x458: {  	[sflag:s20] =	ssyncset.done $0x0  }
0x459: {  	[sflag:s20] =	ssyncadd.s32 $0xFFFF8000  }
0x45a: {  	[hbm4b:s30+s2] =	stream.linear.scatter [tilespmem:s11], [sflag:$0x5], $0x8000, $0x38;
	[tilespmem:$0x18000] =	vst v63  }
0x45b: {  	_ =	swait.ge [sflag:s13], $0x8000  }
0x45c: {  	s25 =	sld [smem:$0x7CC]  }
0x45d: {  	[sflag:s13] =	ssyncset.done $0x0  }
0x45e: {  	[sflag:s13] =	ssyncadd.s32 $0xFFFF8000  }
0x45f: {  	[tilespmem:s11], [sflag:$0x2] =	stream.linear.gather [hbm4b:s25+s2], $0x8000, $0x38;
	[tilespmem:$0x18000] =	vst v63  }
0x460: {  	_ =	swait.ge [sflag:s18], $0x8000  }
0x461: {  	s30 =	sld [smem:$0x7CD]  }
0x462: {  	[sflag:s18] =	ssyncset.done $0x0  }
0x463: {  	[sflag:s18] =	ssyncadd.s32 $0xFFFF8000  }
0x464: {  	[hbm4b:s30+s2] =	stream.linear.scatter [tilespmem:s12], [sflag:$0x6], $0x8000, $0x38;
	[tilespmem:$0x18000] =	vst v63  }
0x465: {  	_ =	swait.ge [sflag:s9], $0x8000  }
0x466: {  	s25 =	sld [smem:$0x7CE]  }
0x467: {  	[sflag:s9] =	ssyncset.done $0x0  }
0x468: {  	[sflag:s9] =	ssyncadd.s32 $0xFFFF8000  }
0x469: {  	[tilespmem:s12], [sflag:$0x3] =	stream.linear.gather [hbm4b:s25+s2], $0x8000, $0x38;
	[tilespmem:$0x18000] =	vst v63  }
0x46a: {  	_ =	swait.ge [sflag:s14], $0x8000  }
0x46b: {  	s30 =	sld [smem:$0x7CF]  }
0x46c: {  	[sflag:s14] =	ssyncset.done $0x0  }
0x46d: {  	[sflag:s14] =	ssyncadd.s32 $0xFFFF8000  }
0x46e: {  	[hbm4b:s30+s2] =	stream.linear.scatter [tilespmem:s2], [sflag:$0x4], $0x8000, $0x38;
	[tilespmem:$0x18000] =	vst v63  }
0x46f: {  	_ =	swait.ge [sflag:s6], $0x8000  }
0x470: {  	s25 =	sld [smem:$0x7D0]  }
0x471: {  	[sflag:s6] =	ssyncset.done $0x0  }
0x472: {  	[sflag:s6] =	ssyncadd.s32 $0xFFFF8000  }
0x473: {  	[tilespmem:s2], [sflag:$0x1] =	stream.linear.gather [hbm4b:s25+s2], $0x8000, $0x38;
	[tilespmem:$0x18000] =	vst v63  }
0x474: {  	_ =	swait.ge [sflag:s20], $0x8000  }
0x475: {  	s30 =	sld [smem:$0x7D1]  }
0x476: {  	[sflag:s20] =	ssyncset.done $0x0  }
0x477: {  	[sflag:s20] =	ssyncadd.s32 $0xFFFF8000  }
0x478: {  	[hbm4b:s30+s2] =	stream.linear.scatter [tilespmem:s11], [sflag:$0x5], $0x8000, $0x38;
	[tilespmem:$0x18000] =	vst v63  }
0x479: {  	_ =	swait.ge [sflag:s13], $0x8000  }
0x47a: {  	s25 =	sld [smem:$0x7D2]  }
0x47b: {  	[sflag:s13] =	ssyncset.done $0x0  }
0x47c: {  	[sflag:s13] =	ssyncadd.s32 $0xFFFF8000  }
0x47d: {  	[tilespmem:s11], [sflag:$0x2] =	stream.linear.gather [hbm4b:s25+s2], $0x8000, $0x38;
	[tilespmem:$0x18000] =	vst v63  }
0x47e: {  	_ =	swait.ge [sflag:s18], $0x8000  }
0x47f: {  	s30 =	sld [smem:$0x7D3]  }
0x480: {  	[sflag:s18] =	ssyncset.done $0x0  }
0x481: {  	[sflag:s18] =	ssyncadd.s32 $0xFFFF8000  }
0x482: {  	[hbm4b:s30+s2] =	stream.linear.scatter [tilespmem:s12], [sflag:$0x6], $0x8000, $0x38;
	[tilespmem:$0x18000] =	vst v63  }
0x483: {  	_ =	swait.ge [sflag:s9], $0x8000  }
0x484: {  	s25 =	sld [smem:$0x7D4]  }
0x485: {  	[sflag:s9] =	ssyncset.done $0x0  }
0x486: {  	[sflag:s9] =	ssyncadd.s32 $0xFFFF8000  }
0x487: {  	[tilespmem:s12], [sflag:$0x3] =	stream.linear.gather [hbm4b:s25+s2], $0x8000, $0x38;
	[tilespmem:$0x18000] =	vst v63  }
0x488: {  	_ =	swait.ge [sflag:s14], $0x8000  }
0x489: {  	s30 =	sld [smem:$0x7D5]  }
0x48a: {  	[sflag:s14] =	ssyncset.done $0x0  }
0x48b: {  	[sflag:s14] =	ssyncadd.s32 $0xFFFF8000  }
0x48c: {  	[hbm4b:s30+s2] =	stream.linear.scatter [tilespmem:s2], [sflag:$0x4], $0x8000, $0x38;
	[tilespmem:$0x18000] =	vst v63  }
0x48d: {  	_ =	swait.ge [sflag:s6], $0x8000  }
0x48e: {  	s25 =	sld [smem:$0x7D6]  }
0x48f: {  	[sflag:s6] =	ssyncset.done $0x0  }
0x490: {  	[sflag:s6] =	ssyncadd.s32 $0xFFFF8000  }
0x491: {  	[tilespmem:s2], [sflag:$0x1] =	stream.linear.gather [hbm4b:s25+s2], $0x8000, $0x38;
	[tilespmem:$0x18000] =	vst v63  }
0x492: {  	_ =	swait.ge [sflag:s20], $0x8000  }
0x493: {  	s30 =	sld [smem:$0x7D7]  }
0x494: {  	[sflag:s20] =	ssyncset.done $0x0  }
0x495: {  	[sflag:s20] =	ssyncadd.s32 $0xFFFF8000  }
0x496: {  	[hbm4b:s30+s2] =	stream.linear.scatter [tilespmem:s11], [sflag:$0x5], $0x8000, $0x38;
	[tilespmem:$0x18000] =	vst v63  }
0x497: {  	_ =	swait.ge [sflag:s13], $0x8000  }
0x498: {  	s25 =	sld [smem:$0x7D8]  }
0x499: {  	[sflag:s13] =	ssyncset.done $0x0  }
0x49a: {  	[sflag:s13] =	ssyncadd.s32 $0xFFFF8000  }
0x49b: {  	[tilespmem:s11], [sflag:$0x2] =	stream.linear.gather [hbm4b:s25+s2], $0x8000, $0x38;
	[tilespmem:$0x18000] =	vst v63  }
0x49c: {  	_ =	swait.ge [sflag:s18], $0x8000  }
0x49d: {  	s30 =	sld [smem:$0x7D9]  }
0x49e: {  	[sflag:s18] =	ssyncset.done $0x0  }
0x49f: {  	[sflag:s18] =	ssyncadd.s32 $0xFFFF8000  }
0x4a0: {  	[hbm4b:s30+s2] =	stream.linear.scatter [tilespmem:s12], [sflag:$0x6], $0x8000, $0x38;
	[tilespmem:$0x18000] =	vst v63  }
0x4a1: {  	_ =	swait.ge [sflag:s9], $0x8000  }
0x4a2: {  	s25 =	sld [smem:$0x7DA]  }
0x4a3: {  	[sflag:s9] =	ssyncset.done $0x0  }
0x4a4: {  	[sflag:s9] =	ssyncadd.s32 $0xFFFF8000  }
0x4a5: {  	[tilespmem:s12], [sflag:$0x3] =	stream.linear.gather [hbm4b:s25+s2], $0x8000, $0x38;
	[tilespmem:$0x18000] =	vst v63  }
0x4a6: {  	_ =	swait.ge [sflag:s14], $0x8000  }
0x4a7: {  	s30 =	sld [smem:$0x7DB]  }
0x4a8: {  	[sflag:s14] =	ssyncset.done $0x0  }
0x4a9: {  	[sflag:s14] =	ssyncadd.s32 $0xFFFF8000  }
0x4aa: {  	[hbm4b:s30+s2] =	stream.linear.scatter [tilespmem:s2], [sflag:$0x4], $0x8000, $0x38;
	[tilespmem:$0x18000] =	vst v63  }
0x4ab: {  	_ =	swait.ge [sflag:s6], $0x8000  }
0x4ac: {  	s25 =	sld [smem:$0x7DC]  }
0x4ad: {  	[sflag:s6] =	ssyncset.done $0x0  }
0x4ae: {  	[sflag:s6] =	ssyncadd.s32 $0xFFFF8000  }
0x4af: {  	[tilespmem:s2], [sflag:$0x1] =	stream.linear.gather [hbm4b:s25+s2], $0x8000, $0x38;
	[tilespmem:$0x18000] =	vst v63  }
0x4b0: {  	_ =	swait.ge [sflag:s20], $0x8000  }
0x4b1: {  	s30 =	sld [smem:$0x7DD]  }
0x4b2: {  	[sflag:s20] =	ssyncset.done $0x0  }
0x4b3: {  	[sflag:s20] =	ssyncadd.s32 $0xFFFF8000  }
0x4b4: {  	[hbm4b:s30+s2] =	stream.linear.scatter [tilespmem:s11], [sflag:$0x5], $0x8000, $0x38;
	[tilespmem:$0x18000] =	vst v63  }
0x4b5: {  	_ =	swait.ge [sflag:s13], $0x8000  }
0x4b6: {  	s25 =	sld [smem:$0x7DE]  }
0x4b7: {  	[sflag:s13] =	ssyncset.done $0x0  }
0x4b8: {  	[sflag:s13] =	ssyncadd.s32 $0xFFFF8000  }
0x4b9: {  	[tilespmem:s11], [sflag:$0x2] =	stream.linear.gather [hbm4b:s25+s2], $0x8000, $0x38;
	[tilespmem:$0x18000] =	vst v63  }
0x4ba: {  	_ =	swait.ge [sflag:s18], $0x8000  }
0x4bb: {  	s30 =	sld [smem:$0x7DF]  }
0x4bc: {  	[sflag:s18] =	ssyncset.done $0x0  }
0x4bd: {  	[sflag:s18] =	ssyncadd.s32 $0xFFFF8000  }
0x4be: {  	[hbm4b:s30+s2] =	stream.linear.scatter [tilespmem:s12], [sflag:$0x6], $0x8000, $0x38;
	[tilespmem:$0x18000] =	vst v63  }
0x4bf: {  	_ =	swait.ge [sflag:s9], $0x8000  }
0x4c0: {  	s25 =	sld [smem:$0x7E0]  }
0x4c1: {  	[sflag:s9] =	ssyncset.done $0x0  }
0x4c2: {  	[sflag:s9] =	ssyncadd.s32 $0xFFFF8000  }
0x4c3: {  	[tilespmem:s12], [sflag:$0x3] =	stream.linear.gather [hbm4b:s25+s2], $0x8000, $0x38;
	[tilespmem:$0x18000] =	vst v63  }
0x4c4: {  	_ =	swait.ge [sflag:s14], $0x8000  }
0x4c5: {  	s30 =	sld [smem:$0x7E1]  }
0x4c6: {  	[sflag:s14] =	ssyncset.done $0x0  }
0x4c7: {  	[sflag:s14] =	ssyncadd.s32 $0xFFFF8000  }
0x4c8: {  	[hbm4b:s30+s2] =	stream.linear.scatter [tilespmem:s2], [sflag:$0x4], $0x8000, $0x38;
	[tilespmem:$0x18000] =	vst v63  }
0x4c9: {  	_ =	swait.ge [sflag:s6], $0x8000  }
0x4ca: {  	s25 =	sld [smem:$0x7E2]  }
0x4cb: {  	[sflag:s6] =	ssyncset.done $0x0  }
0x4cc: {  	[sflag:s6] =	ssyncadd.s32 $0xFFFF8000  }
0x4cd: {  	[tilespmem:s2], [sflag:$0x1] =	stream.linear.gather [hbm4b:s25+s2], $0x8000, $0x38;
	[tilespmem:$0x18000] =	vst v63  }
0x4ce: {  	_ =	swait.ge [sflag:s20], $0x8000  }
0x4cf: {  	s30 =	sld [smem:$0x7E3]  }
0x4d0: {  	[sflag:s20] =	ssyncset.done $0x0  }
0x4d1: {  	[sflag:s20] =	ssyncadd.s32 $0xFFFF8000  }
0x4d2: {  	[hbm4b:s30+s2] =	stream.linear.scatter [tilespmem:s11], [sflag:$0x5], $0x8000, $0x38;
	[tilespmem:$0x18000] =	vst v63  }
0x4d3: {  	_ =	swait.ge [sflag:s13], $0x8000  }
0x4d4: {  	s25 =	sld [smem:$0x7E4]  }
0x4d5: {  	[sflag:s13] =	ssyncset.done $0x0  }
0x4d6: {  	[sflag:s13] =	ssyncadd.s32 $0xFFFF8000  }
0x4d7: {  	[tilespmem:s11], [sflag:$0x2] =	stream.linear.gather [hbm4b:s25+s2], $0x8000, $0x38;
	[tilespmem:$0x18000] =	vst v63  }
0x4d8: {  	_ =	swait.ge [sflag:s18], $0x8000  }
0x4d9: {  	s30 =	sld [smem:$0x7E5]  }
0x4da: {  	[sflag:s18] =	ssyncset.done $0x0  }
0x4db: {  	[sflag:s18] =	ssyncadd.s32 $0xFFFF8000  }
0x4dc: {  	[hbm4b:s30+s2] =	stream.linear.scatter [tilespmem:s12], [sflag:$0x6], $0x8000, $0x38;
	[tilespmem:$0x18000] =	vst v63  }
0x4dd: {  	_ =	swait.ge [sflag:s9], $0x8000  }
0x4de: {  	s25 =	sld [smem:$0x7E6]  }
0x4df: {  	[sflag:s9] =	ssyncset.done $0x0  }
0x4e0: {  	[sflag:s9] =	ssyncadd.s32 $0xFFFF8000  }
0x4e1: {  	[tilespmem:s12], [sflag:$0x3] =	stream.linear.gather [hbm4b:s25+s2], $0x8000, $0x38;
	[tilespmem:$0x18000] =	vst v63  }
0x4e2: {  	_ =	swait.ge [sflag:s14], $0x8000  }
0x4e3: {  	s30 =	sld [smem:$0x7E7]  }
0x4e4: {  	[sflag:s14] =	ssyncset.done $0x0  }
0x4e5: {  	[sflag:s14] =	ssyncadd.s32 $0xFFFF8000  }
0x4e6: {  	[hbm4b:s30+s2] =	stream.linear.scatter [tilespmem:s2], [sflag:$0x4], $0x8000, $0x38;
	[tilespmem:$0x18000] =	vst v63  }
0x4e7: {  	_ =	swait.ge [sflag:s6], $0x8000  }
0x4e8: {  	s25 =	sld [smem:$0x7E8]  }
0x4e9: {  	[sflag:s6] =	ssyncset.done $0x0  }
0x4ea: {  	[sflag:s6] =	ssyncadd.s32 $0xFFFF8000  }
0x4eb: {  	[tilespmem:s2], [sflag:$0x1] =	stream.linear.gather [hbm4b:s25+s2], $0x8000, $0x38;
	[tilespmem:$0x18000] =	vst v63  }
0x4ec: {  	_ =	swait.ge [sflag:s20], $0x8000  }
0x4ed: {  	s30 =	sld [smem:$0x7E9]  }
0x4ee: {  	[sflag:s20] =	ssyncset.done $0x0  }
0x4ef: {  	[sflag:s20] =	ssyncadd.s32 $0xFFFF8000  }
0x4f0: {  	[hbm4b:s30+s2] =	stream.linear.scatter [tilespmem:s11], [sflag:$0x5], $0x8000, $0x38;
	[tilespmem:$0x18000] =	vst v63  }
0x4f1: {  	_ =	swait.ge [sflag:s13], $0x8000  }
0x4f2: {  	s25 =	sld [smem:$0x7EA]  }
0x4f3: {  	[sflag:s13] =	ssyncset.done $0x0  }
0x4f4: {  	[sflag:s13] =	ssyncadd.s32 $0xFFFF8000  }
0x4f5: {  	[tilespmem:s11], [sflag:$0x2] =	stream.linear.gather [hbm4b:s25+s2], $0x8000, $0x38;
	[tilespmem:$0x18000] =	vst v63  }
0x4f6: {  	_ =	swait.ge [sflag:s18], $0x8000  }
0x4f7: {  	s30 =	sld [smem:$0x7EB]  }
0x4f8: {  	[sflag:s18] =	ssyncset.done $0x0  }
0x4f9: {  	[sflag:s18] =	ssyncadd.s32 $0xFFFF8000  }
0x4fa: {  	[hbm4b:s30+s2] =	stream.linear.scatter [tilespmem:s12], [sflag:$0x6], $0x8000, $0x38;
	[tilespmem:$0x18000] =	vst v63  }
0x4fb: {  	_ =	swait.ge [sflag:s9], $0x8000  }
0x4fc: {  	s25 =	sld [smem:$0x7EC]  }
0x4fd: {  	[sflag:s9] =	ssyncset.done $0x0  }
0x4fe: {  	[sflag:s9] =	ssyncadd.s32 $0xFFFF8000  }
0x4ff: {  	[tilespmem:s12], [sflag:$0x3] =	stream.linear.gather [hbm4b:s25+s2], $0x8000, $0x38;
	[tilespmem:$0x18000] =	vst v63  }
0x500: {  	_ =	swait.ge [sflag:s14], $0x8000  }
0x501: {  	s30 =	sld [smem:$0x7ED]  }
0x502: {  	[sflag:s14] =	ssyncset.done $0x0  }
0x503: {  	[sflag:s14] =	ssyncadd.s32 $0xFFFF8000  }
0x504: {  	[hbm4b:s30+s2] =	stream.linear.scatter [tilespmem:s2], [sflag:$0x4], $0x8000, $0x38;
	[tilespmem:$0x18000] =	vst v63  }
0x505: {  	_ =	swait.ge [sflag:s6], $0x8000  }
0x506: {  	s25 =	sld [smem:$0x7EE]  }
0x507: {  	[sflag:s6] =	ssyncset.done $0x0  }
0x508: {  	[sflag:s6] =	ssyncadd.s32 $0xFFFF8000  }
0x509: {  	[tilespmem:s2], [sflag:$0x1] =	stream.linear.gather [hbm4b:s25+s2], $0x8000, $0x38;
	[tilespmem:$0x18000] =	vst v63  }
0x50a: {  	_ =	swait.ge [sflag:s20], $0x8000  }
0x50b: {  	s30 =	sld [smem:$0x7EF]  }
0x50c: {  	[sflag:s20] =	ssyncset.done $0x0  }
0x50d: {  	[sflag:s20] =	ssyncadd.s32 $0xFFFF8000  }
0x50e: {  	[hbm4b:s30+s2] =	stream.linear.scatter [tilespmem:s11], [sflag:$0x5], $0x8000, $0x38;
	[tilespmem:$0x18000] =	vst v63  }
0x50f: {  	_ =	swait.ge [sflag:s13], $0x8000  }
0x510: {  	s25 =	sld [smem:$0x7F0]  }
0x511: {  	[sflag:s13] =	ssyncset.done $0x0  }
0x512: {  	[sflag:s13] =	ssyncadd.s32 $0xFFFF8000  }
0x513: {  	[tilespmem:s11], [sflag:$0x2] =	stream.linear.gather [hbm4b:s25+s2], $0x8000, $0x38;
	[tilespmem:$0x18000] =	vst v63  }
0x514: {  	_ =	swait.ge [sflag:s18], $0x8000  }
0x515: {  	s30 =	sld [smem:$0x7F1]  }
0x516: {  	[sflag:s18] =	ssyncset.done $0x0  }
0x517: {  	[sflag:s18] =	ssyncadd.s32 $0xFFFF8000  }
0x518: {  	[hbm4b:s30+s2] =	stream.linear.scatter [tilespmem:s12], [sflag:$0x6], $0x8000, $0x38;
	[tilespmem:$0x18000] =	vst v63  }
0x519: {  	_ =	swait.ge [sflag:s9], $0x8000  }
0x51a: {  	s25 =	sld [smem:$0x7F2]  }
0x51b: {  	[sflag:s9] =	ssyncset.done $0x0  }
0x51c: {  	[sflag:s9] =	ssyncadd.s32 $0xFFFF8000  }
0x51d: {  	[tilespmem:s12], [sflag:$0x3] =	stream.linear.gather [hbm4b:s25+s2], $0x8000, $0x38;
	[tilespmem:$0x18000] =	vst v63  }
0x51e: {  	_ =	swait.ge [sflag:s14], $0x8000  }
0x51f: {  	s30 =	sld [smem:$0x7F3]  }
0x520: {  	[sflag:s14] =	ssyncset.done $0x0  }
0x521: {  	[sflag:s14] =	ssyncadd.s32 $0xFFFF8000  }
0x522: {  	[hbm4b:s30+s2] =	stream.linear.scatter [tilespmem:s2], [sflag:$0x4], $0x8000, $0x38;
	[tilespmem:$0x18000] =	vst v63  }
0x523: {  	_ =	swait.ge [sflag:s6], $0x8000  }
0x524: {  	s25 =	sld [smem:$0x7F4]  }
0x525: {  	[sflag:s6] =	ssyncset.done $0x0  }
0x526: {  	[sflag:s6] =	ssyncadd.s32 $0xFFFF8000  }
0x527: {  	[tilespmem:s2], [sflag:$0x1] =	stream.linear.gather [hbm4b:s25+s2], $0x8000, $0x38;
	[tilespmem:$0x18000] =	vst v63  }
0x528: {  	_ =	swait.ge [sflag:s20], $0x8000  }
0x529: {  	s30 =	sld [smem:$0x7F5]  }
0x52a: {  	[sflag:s20] =	ssyncset.done $0x0  }
0x52b: {  	[sflag:s20] =	ssyncadd.s32 $0xFFFF8000  }
0x52c: {  	[hbm4b:s30+s2] =	stream.linear.scatter [tilespmem:s11], [sflag:$0x5], $0x8000, $0x38;
	[tilespmem:$0x18000] =	vst v63  }
0x52d: {  	_ =	swait.ge [sflag:s13], $0x8000  }
0x52e: {  	s25 =	sld [smem:$0x7F6]  }
0x52f: {  	[sflag:s13] =	ssyncset.done $0x0  }
0x530: {  	[sflag:s13] =	ssyncadd.s32 $0xFFFF8000  }
0x531: {  	[tilespmem:s11], [sflag:$0x2] =	stream.linear.gather [hbm4b:s25+s2], $0x8000, $0x38;
	[tilespmem:$0x18000] =	vst v63  }
0x532: {  	_ =	swait.ge [sflag:s18], $0x8000  }
0x533: {  	s30 =	sld [smem:$0x7F7]  }
0x534: {  	[sflag:s18] =	ssyncset.done $0x0  }
0x535: {  	[sflag:s18] =	ssyncadd.s32 $0xFFFF8000  }
0x536: {  	[hbm4b:s30+s2] =	stream.linear.scatter [tilespmem:s12], [sflag:$0x6], $0x8000, $0x38;
	[tilespmem:$0x18000] =	vst v63  }
0x537: {  	_ =	swait.ge [sflag:s9], $0x8000  }
0x538: {  	s25 =	sld [smem:$0x7F8]  }
0x539: {  	[sflag:s9] =	ssyncset.done $0x0  }
0x53a: {  	[sflag:s9] =	ssyncadd.s32 $0xFFFF8000  }
0x53b: {  	[tilespmem:s12], [sflag:$0x3] =	stream.linear.gather [hbm4b:s25+s2], $0x8000, $0x38;
	[tilespmem:$0x18000] =	vst v63  }
0x53c: {  	_ =	swait.ge [sflag:s14], $0x8000  }
0x53d: {  	s30 =	sld [smem:$0x7F9]  }
0x53e: {  	[sflag:s14] =	ssyncset.done $0x0  }
0x53f: {  	[sflag:s14] =	ssyncadd.s32 $0xFFFF8000  }
0x540: {  	[hbm4b:s30+s2] =	stream.linear.scatter [tilespmem:s2], [sflag:$0x4], $0x8000, $0x38;
	[tilespmem:$0x18000] =	vst v63  }
0x541: {  	_ =	swait.ge [sflag:s6], $0x8000  }
0x542: {  	s25 =	sld [smem:$0x7FA]  }
0x543: {  	[sflag:s6] =	ssyncset.done $0x0  }
0x544: {  	[sflag:s6] =	ssyncadd.s32 $0xFFFF8000  }
0x545: {  	[tilespmem:s2], [sflag:$0x1] =	stream.linear.gather [hbm4b:s25+s2], $0x8000, $0x38;
	[tilespmem:$0x18000] =	vst v63  }
0x546: {  	_ =	swait.ge [sflag:s20], $0x8000  }
0x547: {  	s30 =	sld [smem:$0x7FB]  }
0x548: {  	[sflag:s20] =	ssyncset.done $0x0  }
0x549: {  	[sflag:s20] =	ssyncadd.s32 $0xFFFF8000  }
0x54a: {  	[hbm4b:s30+s2] =	stream.linear.scatter [tilespmem:s11], [sflag:$0x5], $0x8000, $0x38;
	[tilespmem:$0x18000] =	vst v63  }
0x54b: {  	_ =	swait.ge [sflag:s13], $0x8000  }
0x54c: {  	s25 =	sld [smem:$0x7FC]  }
0x54d: {  	[sflag:s13] =	ssyncset.done $0x0  }
0x54e: {  	[sflag:s13] =	ssyncadd.s32 $0xFFFF8000  }
0x54f: {  	[tilespmem:s11], [sflag:$0x2] =	stream.linear.gather [hbm4b:s25+s2], $0x8000, $0x38;
	[tilespmem:$0x18000] =	vst v63  }
0x550: {  	_ =	swait.ge [sflag:s18], $0x8000  }
0x551: {  	s30 =	sld [smem:$0x7FD]  }
0x552: {  	[sflag:s18] =	ssyncset.done $0x0  }
0x553: {  	[sflag:s18] =	ssyncadd.s32 $0xFFFF8000  }
0x554: {  	[hbm4b:s30+s2] =	stream.linear.scatter [tilespmem:s12], [sflag:$0x6], $0x8000, $0x38;
	[tilespmem:$0x18000] =	vst v63  }
0x555: {  	_ =	swait.ge [sflag:s9], $0x8000  }
0x556: {  	[sflag:s9] =	ssyncset.done $0x0  }
0x557: {  	[sflag:s9] =	ssyncadd.s32 $0xFFFF8000  }
0x558: {  	[tilespmem:s12], [sflag:$0x3] =	stream.linear.gather [hbm4b:s22+s2], $0x8000, $0x38;
	[tilespmem:$0x18000] =	vst v63  }
0x559: {  	_ =	swait.ge [sflag:s14], $0x8000  }
0x55a: {  	[sflag:s14] =	ssyncset.done $0x0  }
0x55b: {  	[sflag:s14] =	ssyncadd.s32 $0xFFFF8000  }
0x55c: {  	[hbm4b:s21+s2] =	stream.linear.scatter [tilespmem:s2], [sflag:$0x4], $0x8000, $0x38;
	[tilespmem:$0x18000] =	vst v63  }
0x55d: {  	_ =	swait.ge [sflag:s6], $0x8000  }
0x55e: {  	[sflag:s6] =	ssyncset.done $0x0  }
0x55f: {  	[sflag:s6] =	ssyncadd.s32 $0xFFFF8000  }
0x560: {  	[tilespmem:s2], [sflag:$0x1] =	stream.linear.gather [hbm4b:s19+s2], $0x8000, $0x38;
	[tilespmem:$0x18000] =	vst v63  }
0x561: {  	_ =	swait.ge [sflag:s20], $0x8000  }
0x562: {  	[sflag:s20] =	ssyncset.done $0x0  }
0x563: {  	[sflag:s20] =	ssyncadd.s32 $0xFFFF8000  }
0x564: {  	[hbm4b:s17+s2] =	stream.linear.scatter [tilespmem:s11], [sflag:$0x5], $0x8000, $0x38;
	[tilespmem:$0x18000] =	vst v63  }
0x565: {  	_ =	swait.ge [sflag:s13], $0x8000  }
0x566: {  	[sflag:s13] =	ssyncset.done $0x0  }
0x567: {  	[sflag:s13] =	ssyncadd.s32 $0xFFFF8000  }
0x568: {  	[tilespmem:s11], [sflag:$0x2] =	stream.linear.gather [hbm4b:s16+s2], $0x8000, $0x38;
	[tilespmem:$0x18000] =	vst v63  }
0x569: {  	_ =	swait.ge [sflag:s18], $0x8000  }
0x56a: {  	[sflag:s18] =	ssyncset.done $0x0  }
0x56b: {  	[sflag:s18] =	ssyncadd.s32 $0xFFFF8000  }
0x56c: {  	[hbm4b:s15+s2] =	stream.linear.scatter [tilespmem:s12], [sflag:$0x6], $0x8000, $0x38;
	[tilespmem:$0x18000] =	vst v63  }
0x56d: {  	_ =	swait.ge [sflag:s9], $0x8000  }
0x56e: {  	[sflag:s9] =	ssyncset.done $0x0  }
0x56f: {  	[sflag:s9] =	ssyncadd.s32 $0xFFFF8000  }
0x570: {  	[tilespmem:s12], [sflag:$0x3] =	stream.linear.gather [hbm4b:s10+s2], $0x8000, $0x38;
	[tilespmem:$0x18000] =	vst v63  }
0x571: {  	_ =	swait.ge [sflag:s14], $0x8000  }
0x572: {  	[sflag:s14] =	ssyncset.done $0x0  }
0x573: {  	[sflag:s14] =	ssyncadd.s32 $0xFFFF8000  }
0x574: {  	[hbm4b:s8+s2] =	stream.linear.scatter [tilespmem:s2], [sflag:$0x4], $0x8000, $0x38;
	[tilespmem:$0x18000] =	vst v63  }
0x575: {  	_ =	swait.ge [sflag:s6], $0x8000  }
0x576: {  	[sflag:s6] =	ssyncset.done $0x0  }
0x577: {  	[sflag:s6] =	ssyncadd.s32 $0xFFFF8000  }
0x578: {  	[tilespmem:s2], [sflag:$0x1] =	stream.linear.gather [hbm4b:s7+s2], $0x8000, $0x38;
	[tilespmem:$0x18000] =	vst v63  }
0x579: {  	_ =	swait.ge [sflag:s20], $0x8000  }
0x57a: {  	[sflag:s20] =	ssyncset.done $0x0  }
0x57b: {  	[sflag:s20] =	ssyncadd.s32 $0xFFFF8000  }
0x57c: {  	[hbm4b:s5+s2] =	stream.linear.scatter [tilespmem:s11], [sflag:$0x5], $0x8000, $0x38;
	[tilespmem:$0x18000] =	vst v63  }
0x57d: {  	_ =	swait.ge [sflag:s18], $0x8000  }
0x57e: {  	[sflag:s18] =	ssyncset.done $0x0  }
0x57f: {  	[sflag:s18] =	ssyncadd.s32 $0xFFFF8000  }
0x580: {  	[hbm4b:s4+s2] =	stream.linear.scatter [tilespmem:s12], [sflag:$0x6], $0x8000, $0x38;
	[tilespmem:$0x18000] =	vst v63  }
0x581: {  	_ =	swait.ge [sflag:s14], $0x8000  }
0x582: {  	[sflag:s14] =	ssyncset.done $0x0  }
0x583: {  	[sflag:s14] =	ssyncadd.s32 $0xFFFF8000  }
0x584: {  	[hbm4b:s3+s2] =	stream.linear.scatter [tilespmem:s2], [sflag:$0x4], $0x8000, $0x38;
	[tilespmem:$0x18000] =	vst v63  }
0x585: {  	_ =	swait.ge [sflag:s13], $0x8000  }
0x586: {  	[sflag:s13] =	ssyncset.done $0x0  }
0x587: {  	p1 =	sne.s32 s0, $0x1;
	[sflag:s13] =	ssyncadd.s32 $0xFFFF8000  }
.Ltmp2:
0x588: {  	_ =	swait.ge [sflag:s9], $0x8000;
	(pc) =	sbr.rel @p1 .LBB2_4-.Ltmp2, $4  }
0x589: {  	[sflag:s9] =	ssyncset.done $0x0  }
0x58a: {  	[sflag:s9] =	ssyncadd.s32 $0xFFFF8000  }
0x58b: {  	_ =	swait.ge [sflag:s6], $0x8000  }
0x58c: {  	s0 =	sadd.s32 $0xFFFFFFFF, s0;
	s1 =	rddreg [dreg:$0x6];
	[sflag:s6] =	ssyncset.done $0x0  }
0x58d: {  	s26 =	simm.s32 $0x2000;
	s31 =	simm.s32 $0x4000;
	s30 =	simm.s32 $0x6000  }
0x58e: {  	s29 =	simm.s32 $0xA000;
	s28 =	simm.s32 $0xC000;
	s25 =	rddreg [dreg:$0x5]  }
.LBB2_6:
0x58f: {  	[sflag:s6] =	ssyncadd.s32 @p0 $0xFFFF8000  }
0x590: {  	[tilespmem:s2], [sflag:$0x1] =	stream.strided.gather [hbm4b:s1+s23], $0x2000, s24, s23, $0x38;
	[tilespmem:$0x18000] =	vst v63  }
0x591: {  	s0 =	rddreg [dreg:$0x7]  }
0x592: {  	[tilespmem:s26], [sflag:$0x1] =	stream.strided.gather [hbm4b:s0+s23], $0x2000, s24, s23, $0x38;
	[tilespmem:$0x18000] =	vst v63  }
0x593: {  	s1 =	rddreg [dreg:$0x8]  }
0x594: {  	[tilespmem:s31], [sflag:$0x1] =	stream.strided.gather [hbm4b:s1+s23], $0x2000, s24, s23, $0x38;
	[tilespmem:$0x18000] =	vst v63  }
0x595: {  	s0 =	rddreg [dreg:$0x9]  }
0x596: {  	[tilespmem:s30], [sflag:$0x1] =	stream.strided.gather [hbm4b:s0+s23], $0x2000, s24, s23, $0x38;
	[tilespmem:$0x18000] =	vst v63  }
0x597: {  	s26 =	rddreg [dreg:$0xa]  }
0x598: {  	[tilespmem:s11], [sflag:$0x2] =	stream.strided.gather [hbm4b:s26+s23], $0x2000, s24, s23, $0x38;
	[tilespmem:$0x18000] =	vst v63  }
0x599: {  	s30 =	rddreg [dreg:$0xb]  }
0x59a: {  	[tilespmem:s29], [sflag:$0x2] =	stream.strided.gather [hbm4b:s30+s23], $0x2000, s24, s23, $0x38;
	[tilespmem:$0x18000] =	vst v63  }
0x59b: {  	s31 =	rddreg [dreg:$0xc]  }
0x59c: {  	[tilespmem:s28], [sflag:$0x2] =	stream.strided.gather [hbm4b:s31+s23], $0x2000, s24, s23, $0x38;
	[tilespmem:$0x18000] =	vst v63  }
0x59d: {  	s26 =	rddreg [dreg:$0xd];
	s29 =	simm.s32 $0xE000  }
0x59e: {  	[tilespmem:s29], [sflag:$0x2] =	stream.strided.gather [hbm4b:s26+s23], $0x2000, s24, s23, $0x38;
	[tilespmem:$0x18000] =	vst v63  }
0x59f: {  	s28 =	rddreg [dreg:$0xe]  }
0x5a0: {  	[tilespmem:s12], [sflag:$0x3] =	stream.linear.gather [hbm4b:s28+s2], $0x8000, $0x38;
	[tilespmem:$0x18000] =	vst v63  }
0x5a1: {  	_ =	swait.ge [sflag:s14], $0x2000  }
0x5a2: {  	[sflag:s14] =	ssyncset.done $0x0  }
0x5a3: {  	[sflag:s14] =	ssyncadd.s32 $0xFFFFE000  }
0x5a4: {  	_ =	swait.ge [sflag:s14], $0x2000  }
0x5a5: {  	[sflag:s14] =	ssyncset.done $0x0  }
0x5a6: {  	[sflag:s14] =	ssyncadd.s32 $0xFFFFE000  }
0x5a7: {  	_ =	swait.ge [sflag:s14], $0x2000  }
0x5a8: {  	[sflag:s14] =	ssyncset.done $0x0  }
0x5a9: {  	[sflag:s14] =	ssyncadd.s32 $0xFFFFE000  }
0x5aa: {  	_ =	swait.ge [sflag:s14], $0x2000  }
0x5ab: {  	[sflag:s14] =	ssyncset.done $0x0  }
0x5ac: {  	s30 =	rddreg [dreg:$0xf];
	[sflag:s14] =	ssyncadd.s32 $0xFFFFE000  }
0x5ad: {  	[hbm4b:s30+s2] =	stream.linear.scatter [tilespmem:s2], [sflag:$0x4], $0x8000, $0x38;
	[tilespmem:$0x18000] =	vst v63  }
0x5ae: {  	_ =	swait.ge [sflag:s6], $0x8000  }
0x5af: {  	[sflag:s6] =	ssyncset.done $0x0  }
0x5b0: {  	s31 =	rddreg [dreg:$0x10];
	[sflag:s6] =	ssyncadd.s32 $0xFFFF8000  }
0x5b1: {  	[tilespmem:s2], [sflag:$0x1] =	stream.linear.gather [hbm4b:s31+s2], $0x8000, $0x38;
	[tilespmem:$0x18000] =	vst v63  }
0x5b2: {  	_ =	swait.ge [sflag:s20], $0x2000  }
0x5b3: {  	[sflag:s20] =	ssyncset.done $0x0  }
0x5b4: {  	[sflag:s20] =	ssyncadd.s32 $0xFFFFE000  }
0x5b5: {  	_ =	swait.ge [sflag:s20], $0x2000  }
0x5b6: {  	[sflag:s20] =	ssyncset.done $0x0  }
0x5b7: {  	[sflag:s20] =	ssyncadd.s32 $0xFFFFE000  }
0x5b8: {  	_ =	swait.ge [sflag:s20], $0x2000  }
0x5b9: {  	[sflag:s20] =	ssyncset.done $0x0  }
0x5ba: {  	[sflag:s20] =	ssyncadd.s32 $0xFFFFE000  }
0x5bb: {  	_ =	swait.ge [sflag:s20], $0x2000  }
0x5bc: {  	[sflag:s20] =	ssyncset.done $0x0  }
0x5bd: {  	s1 =	rddreg [dreg:$0x11];
	[sflag:s20] =	ssyncadd.s32 $0xFFFFE000  }
0x5be: {  	[hbm4b:s1+s2] =	stream.linear.scatter [tilespmem:s11], [sflag:$0x5], $0x8000, $0x38;
	[tilespmem:$0x18000] =	vst v63  }
0x5bf: {  	_ =	swait.ge [sflag:s13], $0x8000  }
0x5c0: {  	[sflag:s13] =	ssyncset.done $0x0  }
0x5c1: {  	s23 =	rddreg [dreg:$0x12];
	[sflag:s13] =	ssyncadd.s32 $0xFFFF8000  }
0x5c2: {  	[tilespmem:s11], [sflag:$0x2] =	stream.linear.gather [hbm4b:s23+s2], $0x8000, $0x38;
	[tilespmem:$0x18000] =	vst v63  }
0x5c3: {  	_ =	swait.ge [sflag:s18], $0x8000  }
0x5c4: {  	[sflag:s18] =	ssyncset.done $0x0  }
0x5c5: {  	s24 =	rddreg [dreg:$0x13];
	[sflag:s18] =	ssyncadd.s32 $0xFFFF8000  }
0x5c6: {  	[hbm4b:s24+s2] =	stream.linear.scatter [tilespmem:s12], [sflag:$0x6], $0x8000, $0x38;
	[tilespmem:$0x18000] =	vst v63  }
0x5c7: {  	_ =	swait.ge [sflag:s9], $0x8000  }
0x5c8: {  	[sflag:s9] =	ssyncset.done $0x0  }
0x5c9: {  	s26 =	rddreg [dreg:$0x14];
	[sflag:s9] =	ssyncadd.s32 $0xFFFF8000  }
0x5ca: {  	[tilespmem:s12], [sflag:$0x3] =	stream.linear.gather [hbm4b:s26+s2], $0x8000, $0x38;
	[tilespmem:$0x18000] =	vst v63  }
0x5cb: {  	_ =	swait.ge [sflag:s14], $0x8000  }
0x5cc: {  	[sflag:s14] =	ssyncset.done $0x0  }
0x5cd: {  	s28 =	rddreg [dreg:$0x15];
	[sflag:s14] =	ssyncadd.s32 $0xFFFF8000  }
0x5ce: {  	[hbm4b:s28+s2] =	stream.linear.scatter [tilespmem:s2], [sflag:$0x4], $0x8000, $0x38;
	[tilespmem:$0x18000] =	vst v63  }
0x5cf: {  	_ =	swait.ge [sflag:s6], $0x8000  }
0x5d0: {  	[sflag:s6] =	ssyncset.done $0x0  }
0x5d1: {  	s29 =	rddreg [dreg:$0x16];
	[sflag:s6] =	ssyncadd.s32 $0xFFFF8000  }
0x5d2: {  	[tilespmem:s2], [sflag:$0x1] =	stream.linear.gather [hbm4b:s29+s2], $0x8000, $0x38;
	[tilespmem:$0x18000] =	vst v63  }
0x5d3: {  	_ =	swait.ge [sflag:s20], $0x8000  }
0x5d4: {  	[sflag:s20] =	ssyncset.done $0x0  }
0x5d5: {  	s30 =	rddreg [dreg:$0x17];
	[sflag:s20] =	ssyncadd.s32 $0xFFFF8000  }
0x5d6: {  	[hbm4b:s30+s2] =	stream.linear.scatter [tilespmem:s11], [sflag:$0x5], $0x8000, $0x38;
	[tilespmem:$0x18000] =	vst v63  }
0x5d7: {  	_ =	swait.ge [sflag:s13], $0x8000  }
0x5d8: {  	[sflag:s13] =	ssyncset.done $0x0  }
0x5d9: {  	s31 =	rddreg [dreg:$0x18];
	[sflag:s13] =	ssyncadd.s32 $0xFFFF8000  }
0x5da: {  	[tilespmem:s11], [sflag:$0x2] =	stream.linear.gather [hbm4b:s31+s2], $0x8000, $0x38;
	[tilespmem:$0x18000] =	vst v63  }
0x5db: {  	_ =	swait.ge [sflag:s18], $0x8000  }
0x5dc: {  	[sflag:s18] =	ssyncset.done $0x0  }
0x5dd: {  	s1 =	rddreg [dreg:$0x19];
	[sflag:s18] =	ssyncadd.s32 $0xFFFF8000  }
0x5de: {  	[hbm4b:s1+s2] =	stream.linear.scatter [tilespmem:s12], [sflag:$0x6], $0x8000, $0x38;
	[tilespmem:$0x18000] =	vst v63  }
0x5df: {  	_ =	swait.ge [sflag:s9], $0x8000  }
0x5e0: {  	[sflag:s9] =	ssyncset.done $0x0  }
0x5e1: {  	s23 =	rddreg [dreg:$0x1a];
	[sflag:s9] =	ssyncadd.s32 $0xFFFF8000  }
0x5e2: {  	[tilespmem:s12], [sflag:$0x3] =	stream.linear.gather [hbm4b:s23+s2], $0x8000, $0x38;
	[tilespmem:$0x18000] =	vst v63  }
0x5e3: {  	_ =	swait.ge [sflag:s14], $0x8000  }
0x5e4: {  	[sflag:s14] =	ssyncset.done $0x0  }
0x5e5: {  	s24 =	rddreg [dreg:$0x1b];
	[sflag:s14] =	ssyncadd.s32 $0xFFFF8000  }
0x5e6: {  	[hbm4b:s24+s2] =	stream.linear.scatter [tilespmem:s2], [sflag:$0x4], $0x8000, $0x38;
	[tilespmem:$0x18000] =	vst v63  }
0x5e7: {  	_ =	swait.ge [sflag:s6], $0x8000  }
0x5e8: {  	[sflag:s6] =	ssyncset.done $0x0  }
0x5e9: {  	s26 =	rddreg [dreg:$0x1c];
	[sflag:s6] =	ssyncadd.s32 $0xFFFF8000  }
0x5ea: {  	[tilespmem:s2], [sflag:$0x1] =	stream.linear.gather [hbm4b:s26+s2], $0x8000, $0x38;
	[tilespmem:$0x18000] =	vst v63  }
0x5eb: {  	_ =	swait.ge [sflag:s20], $0x8000  }
0x5ec: {  	[sflag:s20] =	ssyncset.done $0x0  }
0x5ed: {  	s28 =	rddreg [dreg:$0x1d];
	[sflag:s20] =	ssyncadd.s32 $0xFFFF8000  }
0x5ee: {  	[hbm4b:s28+s2] =	stream.linear.scatter [tilespmem:s11], [sflag:$0x5], $0x8000, $0x38;
	[tilespmem:$0x18000] =	vst v63  }
0x5ef: {  	_ =	swait.ge [sflag:s13], $0x8000  }
0x5f0: {  	[sflag:s13] =	ssyncset.done $0x0  }
0x5f1: {  	s29 =	rddreg [dreg:$0x1e];
	[sflag:s13] =	ssyncadd.s32 $0xFFFF8000  }
0x5f2: {  	[tilespmem:s11], [sflag:$0x2] =	stream.linear.gather [hbm4b:s29+s2], $0x8000, $0x38;
	[tilespmem:$0x18000] =	vst v63  }
0x5f3: {  	_ =	swait.ge [sflag:s18], $0x8000  }
0x5f4: {  	[sflag:s18] =	ssyncset.done $0x0  }
0x5f5: {  	s30 =	rddreg [dreg:$0x1f];
	[sflag:s18] =	ssyncadd.s32 $0xFFFF8000  }
0x5f6: {  	[hbm4b:s30+s2] =	stream.linear.scatter [tilespmem:s12], [sflag:$0x6], $0x8000, $0x38;
	[tilespmem:$0x18000] =	vst v63  }
0x5f7: {  	_ =	swait.ge [sflag:s9], $0x8000  }
0x5f8: {  	s31 =	sld [smem:$0x79E]  }
0x5f9: {  	[sflag:s9] =	ssyncset.done $0x0  }
0x5fa: {  	[sflag:s9] =	ssyncadd.s32 $0xFFFF8000  }
0x5fb: {  	[tilespmem:s12], [sflag:$0x3] =	stream.linear.gather [hbm4b:s31+s2], $0x8000, $0x38;
	[tilespmem:$0x18000] =	vst v63  }
0x5fc: {  	_ =	swait.ge [sflag:s14], $0x8000  }
0x5fd: {  	s1 =	sld [smem:$0x79F]  }
0x5fe: {  	[sflag:s14] =	ssyncset.done $0x0  }
0x5ff: {  	[sflag:s14] =	ssyncadd.s32 $0xFFFF8000  }
0x600: {  	[hbm4b:s1+s2] =	stream.linear.scatter [tilespmem:s2], [sflag:$0x4], $0x8000, $0x38;
	[tilespmem:$0x18000] =	vst v63  }
0x601: {  	_ =	swait.ge [sflag:s6], $0x8000  }
0x602: {  	s23 =	sld [smem:$0x7A0]  }
0x603: {  	[sflag:s6] =	ssyncset.done $0x0  }
0x604: {  	[sflag:s6] =	ssyncadd.s32 $0xFFFF8000  }
0x605: {  	[tilespmem:s2], [sflag:$0x1] =	stream.linear.gather [hbm4b:s23+s2], $0x8000, $0x38;
	[tilespmem:$0x18000] =	vst v63  }
0x606: {  	_ =	swait.ge [sflag:s20], $0x8000  }
0x607: {  	s24 =	sld [smem:$0x7A1]  }
0x608: {  	[sflag:s20] =	ssyncset.done $0x0  }
0x609: {  	[sflag:s20] =	ssyncadd.s32 $0xFFFF8000  }
0x60a: {  	[hbm4b:s24+s2] =	stream.linear.scatter [tilespmem:s11], [sflag:$0x5], $0x8000, $0x38;
	[tilespmem:$0x18000] =	vst v63  }
0x60b: {  	_ =	swait.ge [sflag:s13], $0x8000  }
0x60c: {  	s26 =	sld [smem:$0x7A2]  }
0x60d: {  	[sflag:s13] =	ssyncset.done $0x0  }
0x60e: {  	[sflag:s13] =	ssyncadd.s32 $0xFFFF8000  }
0x60f: {  	[tilespmem:s11], [sflag:$0x2] =	stream.linear.gather [hbm4b:s26+s2], $0x8000, $0x38;
	[tilespmem:$0x18000] =	vst v63  }
0x610: {  	_ =	swait.ge [sflag:s18], $0x8000  }
0x611: {  	s28 =	sld [smem:$0x7A3]  }
0x612: {  	[sflag:s18] =	ssyncset.done $0x0  }
0x613: {  	[sflag:s18] =	ssyncadd.s32 $0xFFFF8000  }
0x614: {  	[hbm4b:s28+s2] =	stream.linear.scatter [tilespmem:s12], [sflag:$0x6], $0x8000, $0x38;
	[tilespmem:$0x18000] =	vst v63  }
0x615: {  	_ =	swait.ge [sflag:s9], $0x8000  }
0x616: {  	s29 =	sld [smem:$0x7A4]  }
0x617: {  	[sflag:s9] =	ssyncset.done $0x0  }
0x618: {  	[sflag:s9] =	ssyncadd.s32 $0xFFFF8000  }
0x619: {  	[tilespmem:s12], [sflag:$0x3] =	stream.linear.gather [hbm4b:s29+s2], $0x8000, $0x38;
	[tilespmem:$0x18000] =	vst v63  }
0x61a: {  	_ =	swait.ge [sflag:s14], $0x8000  }
0x61b: {  	s30 =	sld [smem:$0x7A5]  }
0x61c: {  	[sflag:s14] =	ssyncset.done $0x0  }
0x61d: {  	[sflag:s14] =	ssyncadd.s32 $0xFFFF8000  }
0x61e: {  	[hbm4b:s30+s2] =	stream.linear.scatter [tilespmem:s2], [sflag:$0x4], $0x8000, $0x38;
	[tilespmem:$0x18000] =	vst v63  }
0x61f: {  	_ =	swait.ge [sflag:s6], $0x8000  }
0x620: {  	s31 =	sld [smem:$0x7A6]  }
0x621: {  	[sflag:s6] =	ssyncset.done $0x0  }
0x622: {  	[sflag:s6] =	ssyncadd.s32 $0xFFFF8000  }
0x623: {  	[tilespmem:s2], [sflag:$0x1] =	stream.linear.gather [hbm4b:s31+s2], $0x8000, $0x38;
	[tilespmem:$0x18000] =	vst v63  }
0x624: {  	_ =	swait.ge [sflag:s20], $0x8000  }
0x625: {  	s1 =	sld [smem:$0x7A7]  }
0x626: {  	[sflag:s20] =	ssyncset.done $0x0  }
0x627: {  	[sflag:s20] =	ssyncadd.s32 $0xFFFF8000  }
0x628: {  	[hbm4b:s1+s2] =	stream.linear.scatter [tilespmem:s11], [sflag:$0x5], $0x8000, $0x38;
	[tilespmem:$0x18000] =	vst v63  }
0x629: {  	_ =	swait.ge [sflag:s13], $0x8000  }
0x62a: {  	s23 =	sld [smem:$0x7A8]  }
0x62b: {  	[sflag:s13] =	ssyncset.done $0x0  }
0x62c: {  	[sflag:s13] =	ssyncadd.s32 $0xFFFF8000  }
0x62d: {  	[tilespmem:s11], [sflag:$0x2] =	stream.linear.gather [hbm4b:s23+s2], $0x8000, $0x38;
	[tilespmem:$0x18000] =	vst v63  }
0x62e: {  	_ =	swait.ge [sflag:s18], $0x8000  }
0x62f: {  	s24 =	sld [smem:$0x7A9]  }
0x630: {  	[sflag:s18] =	ssyncset.done $0x0  }
0x631: {  	[sflag:s18] =	ssyncadd.s32 $0xFFFF8000  }
0x632: {  	[hbm4b:s24+s2] =	stream.linear.scatter [tilespmem:s12], [sflag:$0x6], $0x8000, $0x38;
	[tilespmem:$0x18000] =	vst v63  }
0x633: {  	_ =	swait.ge [sflag:s9], $0x8000  }
0x634: {  	s26 =	sld [smem:$0x7AA]  }
0x635: {  	[sflag:s9] =	ssyncset.done $0x0  }
0x636: {  	[sflag:s9] =	ssyncadd.s32 $0xFFFF8000  }
0x637: {  	[tilespmem:s12], [sflag:$0x3] =	stream.linear.gather [hbm4b:s26+s2], $0x8000, $0x38;
	[tilespmem:$0x18000] =	vst v63  }
0x638: {  	_ =	swait.ge [sflag:s14], $0x8000  }
0x639: {  	s28 =	sld [smem:$0x7AB]  }
0x63a: {  	[sflag:s14] =	ssyncset.done $0x0  }
0x63b: {  	[sflag:s14] =	ssyncadd.s32 $0xFFFF8000  }
0x63c: {  	[hbm4b:s28+s2] =	stream.linear.scatter [tilespmem:s2], [sflag:$0x4], $0x8000, $0x38;
	[tilespmem:$0x18000] =	vst v63  }
0x63d: {  	_ =	swait.ge [sflag:s6], $0x8000  }
0x63e: {  	s29 =	sld [smem:$0x7AC]  }
0x63f: {  	[sflag:s6] =	ssyncset.done $0x0  }
0x640: {  	[sflag:s6] =	ssyncadd.s32 $0xFFFF8000  }
0x641: {  	[tilespmem:s2], [sflag:$0x1] =	stream.linear.gather [hbm4b:s29+s2], $0x8000, $0x38;
	[tilespmem:$0x18000] =	vst v63  }
0x642: {  	_ =	swait.ge [sflag:s20], $0x8000  }
0x643: {  	s30 =	sld [smem:$0x7AD]  }
0x644: {  	[sflag:s20] =	ssyncset.done $0x0  }
0x645: {  	[sflag:s20] =	ssyncadd.s32 $0xFFFF8000  }
0x646: {  	[hbm4b:s30+s2] =	stream.linear.scatter [tilespmem:s11], [sflag:$0x5], $0x8000, $0x38;
	[tilespmem:$0x18000] =	vst v63  }
0x647: {  	_ =	swait.ge [sflag:s13], $0x8000  }
0x648: {  	s31 =	sld [smem:$0x7AE]  }
0x649: {  	[sflag:s13] =	ssyncset.done $0x0  }
0x64a: {  	[sflag:s13] =	ssyncadd.s32 $0xFFFF8000  }
0x64b: {  	[tilespmem:s11], [sflag:$0x2] =	stream.linear.gather [hbm4b:s31+s2], $0x8000, $0x38;
	[tilespmem:$0x18000] =	vst v63  }
0x64c: {  	_ =	swait.ge [sflag:s18], $0x8000  }
0x64d: {  	s1 =	sld [smem:$0x7AF]  }
0x64e: {  	[sflag:s18] =	ssyncset.done $0x0  }
0x64f: {  	[sflag:s18] =	ssyncadd.s32 $0xFFFF8000  }
0x650: {  	[hbm4b:s1+s2] =	stream.linear.scatter [tilespmem:s12], [sflag:$0x6], $0x8000, $0x38;
	[tilespmem:$0x18000] =	vst v63  }
0x651: {  	_ =	swait.ge [sflag:s9], $0x8000  }
0x652: {  	s23 =	sld [smem:$0x7B0]  }
0x653: {  	[sflag:s9] =	ssyncset.done $0x0  }
0x654: {  	[sflag:s9] =	ssyncadd.s32 $0xFFFF8000  }
0x655: {  	[tilespmem:s12], [sflag:$0x3] =	stream.linear.gather [hbm4b:s23+s2], $0x8000, $0x38;
	[tilespmem:$0x18000] =	vst v63  }
0x656: {  	_ =	swait.ge [sflag:s14], $0x8000  }
0x657: {  	s24 =	sld [smem:$0x7B1]  }
0x658: {  	[sflag:s14] =	ssyncset.done $0x0  }
0x659: {  	[sflag:s14] =	ssyncadd.s32 $0xFFFF8000  }
0x65a: {  	[hbm4b:s24+s2] =	stream.linear.scatter [tilespmem:s2], [sflag:$0x4], $0x8000, $0x38;
	[tilespmem:$0x18000] =	vst v63  }
0x65b: {  	_ =	swait.ge [sflag:s6], $0x8000  }
0x65c: {  	s26 =	sld [smem:$0x7B2]  }
0x65d: {  	[sflag:s6] =	ssyncset.done $0x0  }
0x65e: {  	[sflag:s6] =	ssyncadd.s32 $0xFFFF8000  }
0x65f: {  	[tilespmem:s2], [sflag:$0x1] =	stream.linear.gather [hbm4b:s26+s2], $0x8000, $0x38;
	[tilespmem:$0x18000] =	vst v63  }
0x660: {  	_ =	swait.ge [sflag:s20], $0x8000  }
0x661: {  	s28 =	sld [smem:$0x7B3]  }
0x662: {  	[sflag:s20] =	ssyncset.done $0x0  }
0x663: {  	[sflag:s20] =	ssyncadd.s32 $0xFFFF8000  }
0x664: {  	[hbm4b:s28+s2] =	stream.linear.scatter [tilespmem:s11], [sflag:$0x5], $0x8000, $0x38;
	[tilespmem:$0x18000] =	vst v63  }
0x665: {  	_ =	swait.ge [sflag:s13], $0x8000  }
0x666: {  	s29 =	sld [smem:$0x7B4]  }
0x667: {  	[sflag:s13] =	ssyncset.done $0x0  }
0x668: {  	[sflag:s13] =	ssyncadd.s32 $0xFFFF8000  }
0x669: {  	[tilespmem:s11], [sflag:$0x2] =	stream.linear.gather [hbm4b:s29+s2], $0x8000, $0x38;
	[tilespmem:$0x18000] =	vst v63  }
0x66a: {  	_ =	swait.ge [sflag:s18], $0x8000  }
0x66b: {  	s30 =	sld [smem:$0x7B5]  }
0x66c: {  	[sflag:s18] =	ssyncset.done $0x0  }
0x66d: {  	[sflag:s18] =	ssyncadd.s32 $0xFFFF8000  }
0x66e: {  	[hbm4b:s30+s2] =	stream.linear.scatter [tilespmem:s12], [sflag:$0x6], $0x8000, $0x38;
	[tilespmem:$0x18000] =	vst v63  }
0x66f: {  	_ =	swait.ge [sflag:s9], $0x8000  }
0x670: {  	s31 =	sld [smem:$0x7B6]  }
0x671: {  	[sflag:s9] =	ssyncset.done $0x0  }
0x672: {  	[sflag:s9] =	ssyncadd.s32 $0xFFFF8000  }
0x673: {  	[tilespmem:s12], [sflag:$0x3] =	stream.linear.gather [hbm4b:s31+s2], $0x8000, $0x38;
	[tilespmem:$0x18000] =	vst v63  }
0x674: {  	_ =	swait.ge [sflag:s14], $0x8000  }
0x675: {  	s1 =	sld [smem:$0x7B7]  }
0x676: {  	[sflag:s14] =	ssyncset.done $0x0  }
0x677: {  	[sflag:s14] =	ssyncadd.s32 $0xFFFF8000  }
0x678: {  	[hbm4b:s1+s2] =	stream.linear.scatter [tilespmem:s2], [sflag:$0x4], $0x8000, $0x38;
	[tilespmem:$0x18000] =	vst v63  }
0x679: {  	_ =	swait.ge [sflag:s6], $0x8000  }
0x67a: {  	s23 =	sld [smem:$0x7B8]  }
0x67b: {  	[sflag:s6] =	ssyncset.done $0x0  }
0x67c: {  	[sflag:s6] =	ssyncadd.s32 $0xFFFF8000  }
0x67d: {  	[tilespmem:s2], [sflag:$0x1] =	stream.linear.gather [hbm4b:s23+s2], $0x8000, $0x38;
	[tilespmem:$0x18000] =	vst v63  }
0x67e: {  	_ =	swait.ge [sflag:s20], $0x8000  }
0x67f: {  	s24 =	sld [smem:$0x7B9]  }
0x680: {  	[sflag:s20] =	ssyncset.done $0x0  }
0x681: {  	[sflag:s20] =	ssyncadd.s32 $0xFFFF8000  }
0x682: {  	[hbm4b:s24+s2] =	stream.linear.scatter [tilespmem:s11], [sflag:$0x5], $0x8000, $0x38;
	[tilespmem:$0x18000] =	vst v63  }
0x683: {  	_ =	swait.ge [sflag:s13], $0x8000  }
0x684: {  	s26 =	sld [smem:$0x7BA]  }
0x685: {  	[sflag:s13] =	ssyncset.done $0x0  }
0x686: {  	[sflag:s13] =	ssyncadd.s32 $0xFFFF8000  }
0x687: {  	[tilespmem:s11], [sflag:$0x2] =	stream.linear.gather [hbm4b:s26+s2], $0x8000, $0x38;
	[tilespmem:$0x18000] =	vst v63  }
0x688: {  	_ =	swait.ge [sflag:s18], $0x8000  }
0x689: {  	s28 =	sld [smem:$0x7BB]  }
0x68a: {  	[sflag:s18] =	ssyncset.done $0x0  }
0x68b: {  	[sflag:s18] =	ssyncadd.s32 $0xFFFF8000  }
0x68c: {  	[hbm4b:s28+s2] =	stream.linear.scatter [tilespmem:s12], [sflag:$0x6], $0x8000, $0x38;
	[tilespmem:$0x18000] =	vst v63  }
0x68d: {  	_ =	swait.ge [sflag:s9], $0x8000  }
0x68e: {  	s29 =	sld [smem:$0x7BC]  }
0x68f: {  	[sflag:s9] =	ssyncset.done $0x0  }
0x690: {  	[sflag:s9] =	ssyncadd.s32 $0xFFFF8000  }
0x691: {  	[tilespmem:s12], [sflag:$0x3] =	stream.linear.gather [hbm4b:s29+s2], $0x8000, $0x38;
	[tilespmem:$0x18000] =	vst v63  }
0x692: {  	_ =	swait.ge [sflag:s14], $0x8000  }
0x693: {  	s30 =	sld [smem:$0x7BD]  }
0x694: {  	[sflag:s14] =	ssyncset.done $0x0  }
0x695: {  	[sflag:s14] =	ssyncadd.s32 $0xFFFF8000  }
0x696: {  	[hbm4b:s30+s2] =	stream.linear.scatter [tilespmem:s2], [sflag:$0x4], $0x8000, $0x38;
	[tilespmem:$0x18000] =	vst v63  }
0x697: {  	_ =	swait.ge [sflag:s6], $0x8000  }
0x698: {  	s31 =	sld [smem:$0x7BE]  }
0x699: {  	[sflag:s6] =	ssyncset.done $0x0  }
0x69a: {  	[sflag:s6] =	ssyncadd.s32 $0xFFFF8000  }
0x69b: {  	[tilespmem:s2], [sflag:$0x1] =	stream.linear.gather [hbm4b:s31+s2], $0x8000, $0x38;
	[tilespmem:$0x18000] =	vst v63  }
0x69c: {  	_ =	swait.ge [sflag:s20], $0x8000  }
0x69d: {  	s1 =	sld [smem:$0x7BF]  }
0x69e: {  	[sflag:s20] =	ssyncset.done $0x0  }
0x69f: {  	[sflag:s20] =	ssyncadd.s32 $0xFFFF8000  }
0x6a0: {  	[hbm4b:s1+s2] =	stream.linear.scatter [tilespmem:s11], [sflag:$0x5], $0x8000, $0x38;
	[tilespmem:$0x18000] =	vst v63  }
0x6a1: {  	_ =	swait.ge [sflag:s13], $0x8000  }
0x6a2: {  	s23 =	sld [smem:$0x7C0]  }
0x6a3: {  	[sflag:s13] =	ssyncset.done $0x0  }
0x6a4: {  	[sflag:s13] =	ssyncadd.s32 $0xFFFF8000  }
0x6a5: {  	[tilespmem:s11], [sflag:$0x2] =	stream.linear.gather [hbm4b:s23+s2], $0x8000, $0x38;
	[tilespmem:$0x18000] =	vst v63  }
0x6a6: {  	_ =	swait.ge [sflag:s18], $0x8000  }
0x6a7: {  	s24 =	sld [smem:$0x7C1]  }
0x6a8: {  	[sflag:s18] =	ssyncset.done $0x0  }
0x6a9: {  	[sflag:s18] =	ssyncadd.s32 $0xFFFF8000  }
0x6aa: {  	[hbm4b:s24+s2] =	stream.linear.scatter [tilespmem:s12], [sflag:$0x6], $0x8000, $0x38;
	[tilespmem:$0x18000] =	vst v63  }
0x6ab: {  	_ =	swait.ge [sflag:s9], $0x8000  }
0x6ac: {  	s26 =	sld [smem:$0x7C2]  }
0x6ad: {  	[sflag:s9] =	ssyncset.done $0x0  }
0x6ae: {  	[sflag:s9] =	ssyncadd.s32 $0xFFFF8000  }
0x6af: {  	[tilespmem:s12], [sflag:$0x3] =	stream.linear.gather [hbm4b:s26+s2], $0x8000, $0x38;
	[tilespmem:$0x18000] =	vst v63  }
0x6b0: {  	_ =	swait.ge [sflag:s14], $0x8000  }
0x6b1: {  	s28 =	sld [smem:$0x7C3]  }
0x6b2: {  	[sflag:s14] =	ssyncset.done $0x0  }
0x6b3: {  	[sflag:s14] =	ssyncadd.s32 $0xFFFF8000  }
0x6b4: {  	[hbm4b:s28+s2] =	stream.linear.scatter [tilespmem:s2], [sflag:$0x4], $0x8000, $0x38;
	[tilespmem:$0x18000] =	vst v63  }
0x6b5: {  	_ =	swait.ge [sflag:s6], $0x8000  }
0x6b6: {  	s29 =	sld [smem:$0x7C4]  }
0x6b7: {  	[sflag:s6] =	ssyncset.done $0x0  }
0x6b8: {  	[sflag:s6] =	ssyncadd.s32 $0xFFFF8000  }
0x6b9: {  	[tilespmem:s2], [sflag:$0x1] =	stream.linear.gather [hbm4b:s29+s2], $0x8000, $0x38;
	[tilespmem:$0x18000] =	vst v63  }
0x6ba: {  	_ =	swait.ge [sflag:s20], $0x8000  }
0x6bb: {  	s30 =	sld [smem:$0x7C5]  }
0x6bc: {  	[sflag:s20] =	ssyncset.done $0x0  }
0x6bd: {  	[sflag:s20] =	ssyncadd.s32 $0xFFFF8000  }
0x6be: {  	[hbm4b:s30+s2] =	stream.linear.scatter [tilespmem:s11], [sflag:$0x5], $0x8000, $0x38;
	[tilespmem:$0x18000] =	vst v63  }
0x6bf: {  	_ =	swait.ge [sflag:s13], $0x8000  }
0x6c0: {  	s31 =	sld [smem:$0x7C6]  }
0x6c1: {  	[sflag:s13] =	ssyncset.done $0x0  }
0x6c2: {  	[sflag:s13] =	ssyncadd.s32 $0xFFFF8000  }
0x6c3: {  	[tilespmem:s11], [sflag:$0x2] =	stream.linear.gather [hbm4b:s31+s2], $0x8000, $0x38;
	[tilespmem:$0x18000] =	vst v63  }
0x6c4: {  	_ =	swait.ge [sflag:s18], $0x8000  }
0x6c5: {  	s1 =	sld [smem:$0x7C7]  }
0x6c6: {  	[sflag:s18] =	ssyncset.done $0x0  }
0x6c7: {  	[sflag:s18] =	ssyncadd.s32 $0xFFFF8000  }
0x6c8: {  	[hbm4b:s1+s2] =	stream.linear.scatter [tilespmem:s12], [sflag:$0x6], $0x8000, $0x38;
	[tilespmem:$0x18000] =	vst v63  }
0x6c9: {  	_ =	swait.ge [sflag:s9], $0x8000  }
0x6ca: {  	s23 =	sld [smem:$0x7C8]  }
0x6cb: {  	[sflag:s9] =	ssyncset.done $0x0  }
0x6cc: {  	[sflag:s9] =	ssyncadd.s32 $0xFFFF8000  }
0x6cd: {  	[tilespmem:s12], [sflag:$0x3] =	stream.linear.gather [hbm4b:s23+s2], $0x8000, $0x38;
	[tilespmem:$0x18000] =	vst v63  }
0x6ce: {  	_ =	swait.ge [sflag:s14], $0x8000  }
0x6cf: {  	s24 =	sld [smem:$0x7C9]  }
0x6d0: {  	[sflag:s14] =	ssyncset.done $0x0  }
0x6d1: {  	[sflag:s14] =	ssyncadd.s32 $0xFFFF8000  }
0x6d2: {  	[hbm4b:s24+s2] =	stream.linear.scatter [tilespmem:s2], [sflag:$0x4], $0x8000, $0x38;
	[tilespmem:$0x18000] =	vst v63  }
0x6d3: {  	_ =	swait.ge [sflag:s6], $0x8000  }
0x6d4: {  	s26 =	sld [smem:$0x7CA]  }
0x6d5: {  	[sflag:s6] =	ssyncset.done $0x0  }
0x6d6: {  	[sflag:s6] =	ssyncadd.s32 $0xFFFF8000  }
0x6d7: {  	[tilespmem:s2], [sflag:$0x1] =	stream.linear.gather [hbm4b:s26+s2], $0x8000, $0x38;
	[tilespmem:$0x18000] =	vst v63  }
0x6d8: {  	_ =	swait.ge [sflag:s20], $0x8000  }
0x6d9: {  	s28 =	sld [smem:$0x7CB]  }
0x6da: {  	[sflag:s20] =	ssyncset.done $0x0  }
0x6db: {  	[sflag:s20] =	ssyncadd.s32 $0xFFFF8000  }
0x6dc: {  	[hbm4b:s28+s2] =	stream.linear.scatter [tilespmem:s11], [sflag:$0x5], $0x8000, $0x38;
	[tilespmem:$0x18000] =	vst v63  }
0x6dd: {  	_ =	swait.ge [sflag:s13], $0x8000  }
0x6de: {  	s29 =	sld [smem:$0x7CC]  }
0x6df: {  	[sflag:s13] =	ssyncset.done $0x0  }
0x6e0: {  	[sflag:s13] =	ssyncadd.s32 $0xFFFF8000  }
0x6e1: {  	[tilespmem:s11], [sflag:$0x2] =	stream.linear.gather [hbm4b:s29+s2], $0x8000, $0x38;
	[tilespmem:$0x18000] =	vst v63  }
0x6e2: {  	_ =	swait.ge [sflag:s18], $0x8000  }
0x6e3: {  	s30 =	sld [smem:$0x7CD]  }
0x6e4: {  	[sflag:s18] =	ssyncset.done $0x0  }
0x6e5: {  	[sflag:s18] =	ssyncadd.s32 $0xFFFF8000  }
0x6e6: {  	[hbm4b:s30+s2] =	stream.linear.scatter [tilespmem:s12], [sflag:$0x6], $0x8000, $0x38;
	[tilespmem:$0x18000] =	vst v63  }
0x6e7: {  	_ =	swait.ge [sflag:s9], $0x8000  }
0x6e8: {  	s31 =	sld [smem:$0x7CE]  }
0x6e9: {  	[sflag:s9] =	ssyncset.done $0x0  }
0x6ea: {  	[sflag:s9] =	ssyncadd.s32 $0xFFFF8000  }
0x6eb: {  	[tilespmem:s12], [sflag:$0x3] =	stream.linear.gather [hbm4b:s31+s2], $0x8000, $0x38;
	[tilespmem:$0x18000] =	vst v63  }
0x6ec: {  	_ =	swait.ge [sflag:s14], $0x8000  }
0x6ed: {  	s1 =	sld [smem:$0x7CF]  }
0x6ee: {  	[sflag:s14] =	ssyncset.done $0x0  }
0x6ef: {  	[sflag:s14] =	ssyncadd.s32 $0xFFFF8000  }
0x6f0: {  	[hbm4b:s1+s2] =	stream.linear.scatter [tilespmem:s2], [sflag:$0x4], $0x8000, $0x38;
	[tilespmem:$0x18000] =	vst v63  }
0x6f1: {  	_ =	swait.ge [sflag:s6], $0x8000  }
0x6f2: {  	s23 =	sld [smem:$0x7D0]  }
0x6f3: {  	[sflag:s6] =	ssyncset.done $0x0  }
0x6f4: {  	[sflag:s6] =	ssyncadd.s32 $0xFFFF8000  }
0x6f5: {  	[tilespmem:s2], [sflag:$0x1] =	stream.linear.gather [hbm4b:s23+s2], $0x8000, $0x38;
	[tilespmem:$0x18000] =	vst v63  }
0x6f6: {  	_ =	swait.ge [sflag:s20], $0x8000  }
0x6f7: {  	s24 =	sld [smem:$0x7D1]  }
0x6f8: {  	[sflag:s20] =	ssyncset.done $0x0  }
0x6f9: {  	[sflag:s20] =	ssyncadd.s32 $0xFFFF8000  }
0x6fa: {  	[hbm4b:s24+s2] =	stream.linear.scatter [tilespmem:s11], [sflag:$0x5], $0x8000, $0x38;
	[tilespmem:$0x18000] =	vst v63  }
0x6fb: {  	_ =	swait.ge [sflag:s13], $0x8000  }
0x6fc: {  	s26 =	sld [smem:$0x7D2]  }
0x6fd: {  	[sflag:s13] =	ssyncset.done $0x0  }
0x6fe: {  	[sflag:s13] =	ssyncadd.s32 $0xFFFF8000  }
0x6ff: {  	[tilespmem:s11], [sflag:$0x2] =	stream.linear.gather [hbm4b:s26+s2], $0x8000, $0x38;
	[tilespmem:$0x18000] =	vst v63  }
0x700: {  	_ =	swait.ge [sflag:s18], $0x8000  }
0x701: {  	s28 =	sld [smem:$0x7D3]  }
0x702: {  	[sflag:s18] =	ssyncset.done $0x0  }
0x703: {  	[sflag:s18] =	ssyncadd.s32 $0xFFFF8000  }
0x704: {  	[hbm4b:s28+s2] =	stream.linear.scatter [tilespmem:s12], [sflag:$0x6], $0x8000, $0x38;
	[tilespmem:$0x18000] =	vst v63  }
0x705: {  	_ =	swait.ge [sflag:s9], $0x8000  }
0x706: {  	s29 =	sld [smem:$0x7D4]  }
0x707: {  	[sflag:s9] =	ssyncset.done $0x0  }
0x708: {  	[sflag:s9] =	ssyncadd.s32 $0xFFFF8000  }
0x709: {  	[tilespmem:s12], [sflag:$0x3] =	stream.linear.gather [hbm4b:s29+s2], $0x8000, $0x38;
	[tilespmem:$0x18000] =	vst v63  }
0x70a: {  	_ =	swait.ge [sflag:s14], $0x8000  }
0x70b: {  	s30 =	sld [smem:$0x7D5]  }
0x70c: {  	[sflag:s14] =	ssyncset.done $0x0  }
0x70d: {  	[sflag:s14] =	ssyncadd.s32 $0xFFFF8000  }
0x70e: {  	[hbm4b:s30+s2] =	stream.linear.scatter [tilespmem:s2], [sflag:$0x4], $0x8000, $0x38;
	[tilespmem:$0x18000] =	vst v63  }
0x70f: {  	_ =	swait.ge [sflag:s6], $0x8000  }
0x710: {  	s31 =	sld [smem:$0x7D6]  }
0x711: {  	[sflag:s6] =	ssyncset.done $0x0  }
0x712: {  	[sflag:s6] =	ssyncadd.s32 $0xFFFF8000  }
0x713: {  	[tilespmem:s2], [sflag:$0x1] =	stream.linear.gather [hbm4b:s31+s2], $0x8000, $0x38;
	[tilespmem:$0x18000] =	vst v63  }
0x714: {  	_ =	swait.ge [sflag:s20], $0x8000  }
0x715: {  	s1 =	sld [smem:$0x7D7]  }
0x716: {  	[sflag:s20] =	ssyncset.done $0x0  }
0x717: {  	[sflag:s20] =	ssyncadd.s32 $0xFFFF8000  }
0x718: {  	[hbm4b:s1+s2] =	stream.linear.scatter [tilespmem:s11], [sflag:$0x5], $0x8000, $0x38;
	[tilespmem:$0x18000] =	vst v63  }
0x719: {  	_ =	swait.ge [sflag:s13], $0x8000  }
0x71a: {  	s23 =	sld [smem:$0x7D8]  }
0x71b: {  	[sflag:s13] =	ssyncset.done $0x0  }
0x71c: {  	[sflag:s13] =	ssyncadd.s32 $0xFFFF8000  }
0x71d: {  	[tilespmem:s11], [sflag:$0x2] =	stream.linear.gather [hbm4b:s23+s2], $0x8000, $0x38;
	[tilespmem:$0x18000] =	vst v63  }
0x71e: {  	_ =	swait.ge [sflag:s18], $0x8000  }
0x71f: {  	s24 =	sld [smem:$0x7D9]  }
0x720: {  	[sflag:s18] =	ssyncset.done $0x0  }
0x721: {  	[sflag:s18] =	ssyncadd.s32 $0xFFFF8000  }
0x722: {  	[hbm4b:s24+s2] =	stream.linear.scatter [tilespmem:s12], [sflag:$0x6], $0x8000, $0x38;
	[tilespmem:$0x18000] =	vst v63  }
0x723: {  	_ =	swait.ge [sflag:s9], $0x8000  }
0x724: {  	s26 =	sld [smem:$0x7DA]  }
0x725: {  	[sflag:s9] =	ssyncset.done $0x0  }
0x726: {  	[sflag:s9] =	ssyncadd.s32 $0xFFFF8000  }
0x727: {  	[tilespmem:s12], [sflag:$0x3] =	stream.linear.gather [hbm4b:s26+s2], $0x8000, $0x38;
	[tilespmem:$0x18000] =	vst v63  }
0x728: {  	_ =	swait.ge [sflag:s14], $0x8000  }
0x729: {  	s28 =	sld [smem:$0x7DB]  }
0x72a: {  	[sflag:s14] =	ssyncset.done $0x0  }
0x72b: {  	[sflag:s14] =	ssyncadd.s32 $0xFFFF8000  }
0x72c: {  	[hbm4b:s28+s2] =	stream.linear.scatter [tilespmem:s2], [sflag:$0x4], $0x8000, $0x38;
	[tilespmem:$0x18000] =	vst v63  }
0x72d: {  	_ =	swait.ge [sflag:s6], $0x8000  }
0x72e: {  	s29 =	sld [smem:$0x7DC]  }
0x72f: {  	[sflag:s6] =	ssyncset.done $0x0  }
0x730: {  	[sflag:s6] =	ssyncadd.s32 $0xFFFF8000  }
0x731: {  	[tilespmem:s2], [sflag:$0x1] =	stream.linear.gather [hbm4b:s29+s2], $0x8000, $0x38;
	[tilespmem:$0x18000] =	vst v63  }
0x732: {  	_ =	swait.ge [sflag:s20], $0x8000  }
0x733: {  	s30 =	sld [smem:$0x7DD]  }
0x734: {  	[sflag:s20] =	ssyncset.done $0x0  }
0x735: {  	[sflag:s20] =	ssyncadd.s32 $0xFFFF8000  }
0x736: {  	[hbm4b:s30+s2] =	stream.linear.scatter [tilespmem:s11], [sflag:$0x5], $0x8000, $0x38;
	[tilespmem:$0x18000] =	vst v63  }
0x737: {  	_ =	swait.ge [sflag:s13], $0x8000  }
0x738: {  	s31 =	sld [smem:$0x7DE]  }
0x739: {  	[sflag:s13] =	ssyncset.done $0x0  }
0x73a: {  	[sflag:s13] =	ssyncadd.s32 $0xFFFF8000  }
0x73b: {  	[tilespmem:s11], [sflag:$0x2] =	stream.linear.gather [hbm4b:s31+s2], $0x8000, $0x38;
	[tilespmem:$0x18000] =	vst v63  }
0x73c: {  	_ =	swait.ge [sflag:s18], $0x8000  }
0x73d: {  	s1 =	sld [smem:$0x7DF]  }
0x73e: {  	[sflag:s18] =	ssyncset.done $0x0  }
0x73f: {  	[sflag:s18] =	ssyncadd.s32 $0xFFFF8000  }
0x740: {  	[hbm4b:s1+s2] =	stream.linear.scatter [tilespmem:s12], [sflag:$0x6], $0x8000, $0x38;
	[tilespmem:$0x18000] =	vst v63  }
0x741: {  	_ =	swait.ge [sflag:s9], $0x8000  }
0x742: {  	s23 =	sld [smem:$0x7E0]  }
0x743: {  	[sflag:s9] =	ssyncset.done $0x0  }
0x744: {  	[sflag:s9] =	ssyncadd.s32 $0xFFFF8000  }
0x745: {  	[tilespmem:s12], [sflag:$0x3] =	stream.linear.gather [hbm4b:s23+s2], $0x8000, $0x38;
	[tilespmem:$0x18000] =	vst v63  }
0x746: {  	_ =	swait.ge [sflag:s14], $0x8000  }
0x747: {  	s24 =	sld [smem:$0x7E1]  }
0x748: {  	[sflag:s14] =	ssyncset.done $0x0  }
0x749: {  	[sflag:s14] =	ssyncadd.s32 $0xFFFF8000  }
0x74a: {  	[hbm4b:s24+s2] =	stream.linear.scatter [tilespmem:s2], [sflag:$0x4], $0x8000, $0x38;
	[tilespmem:$0x18000] =	vst v63  }
0x74b: {  	_ =	swait.ge [sflag:s6], $0x8000  }
0x74c: {  	s26 =	sld [smem:$0x7E2]  }
0x74d: {  	[sflag:s6] =	ssyncset.done $0x0  }
0x74e: {  	[sflag:s6] =	ssyncadd.s32 $0xFFFF8000  }
0x74f: {  	[tilespmem:s2], [sflag:$0x1] =	stream.linear.gather [hbm4b:s26+s2], $0x8000, $0x38;
	[tilespmem:$0x18000] =	vst v63  }
0x750: {  	_ =	swait.ge [sflag:s20], $0x8000  }
0x751: {  	s28 =	sld [smem:$0x7E3]  }
0x752: {  	[sflag:s20] =	ssyncset.done $0x0  }
0x753: {  	[sflag:s20] =	ssyncadd.s32 $0xFFFF8000  }
0x754: {  	[hbm4b:s28+s2] =	stream.linear.scatter [tilespmem:s11], [sflag:$0x5], $0x8000, $0x38;
	[tilespmem:$0x18000] =	vst v63  }
0x755: {  	_ =	swait.ge [sflag:s13], $0x8000  }
0x756: {  	s29 =	sld [smem:$0x7E4]  }
0x757: {  	[sflag:s13] =	ssyncset.done $0x0  }
0x758: {  	[sflag:s13] =	ssyncadd.s32 $0xFFFF8000  }
0x759: {  	[tilespmem:s11], [sflag:$0x2] =	stream.linear.gather [hbm4b:s29+s2], $0x8000, $0x38;
	[tilespmem:$0x18000] =	vst v63  }
0x75a: {  	_ =	swait.ge [sflag:s18], $0x8000  }
0x75b: {  	s30 =	sld [smem:$0x7E5]  }
0x75c: {  	[sflag:s18] =	ssyncset.done $0x0  }
0x75d: {  	[sflag:s18] =	ssyncadd.s32 $0xFFFF8000  }
0x75e: {  	[hbm4b:s30+s2] =	stream.linear.scatter [tilespmem:s12], [sflag:$0x6], $0x8000, $0x38;
	[tilespmem:$0x18000] =	vst v63  }
0x75f: {  	_ =	swait.ge [sflag:s9], $0x8000  }
0x760: {  	s31 =	sld [smem:$0x7E6]  }
0x761: {  	[sflag:s9] =	ssyncset.done $0x0  }
0x762: {  	[sflag:s9] =	ssyncadd.s32 $0xFFFF8000  }
0x763: {  	[tilespmem:s12], [sflag:$0x3] =	stream.linear.gather [hbm4b:s31+s2], $0x8000, $0x38;
	[tilespmem:$0x18000] =	vst v63  }
0x764: {  	_ =	swait.ge [sflag:s14], $0x8000  }
0x765: {  	s1 =	sld [smem:$0x7E7]  }
0x766: {  	[sflag:s14] =	ssyncset.done $0x0  }
0x767: {  	[sflag:s14] =	ssyncadd.s32 $0xFFFF8000  }
0x768: {  	[hbm4b:s1+s2] =	stream.linear.scatter [tilespmem:s2], [sflag:$0x4], $0x8000, $0x38;
	[tilespmem:$0x18000] =	vst v63  }
0x769: {  	_ =	swait.ge [sflag:s6], $0x8000  }
0x76a: {  	s23 =	sld [smem:$0x7E8]  }
0x76b: {  	[sflag:s6] =	ssyncset.done $0x0  }
0x76c: {  	[sflag:s6] =	ssyncadd.s32 $0xFFFF8000  }
0x76d: {  	[tilespmem:s2], [sflag:$0x1] =	stream.linear.gather [hbm4b:s23+s2], $0x8000, $0x38;
	[tilespmem:$0x18000] =	vst v63  }
0x76e: {  	_ =	swait.ge [sflag:s20], $0x8000  }
0x76f: {  	s24 =	sld [smem:$0x7E9]  }
0x770: {  	[sflag:s20] =	ssyncset.done $0x0  }
0x771: {  	[sflag:s20] =	ssyncadd.s32 $0xFFFF8000  }
0x772: {  	[hbm4b:s24+s2] =	stream.linear.scatter [tilespmem:s11], [sflag:$0x5], $0x8000, $0x38;
	[tilespmem:$0x18000] =	vst v63  }
0x773: {  	_ =	swait.ge [sflag:s13], $0x8000  }
0x774: {  	s26 =	sld [smem:$0x7EA]  }
0x775: {  	[sflag:s13] =	ssyncset.done $0x0  }
0x776: {  	[sflag:s13] =	ssyncadd.s32 $0xFFFF8000  }
0x777: {  	[tilespmem:s11], [sflag:$0x2] =	stream.linear.gather [hbm4b:s26+s2], $0x8000, $0x38;
	[tilespmem:$0x18000] =	vst v63  }
0x778: {  	_ =	swait.ge [sflag:s18], $0x8000  }
0x779: {  	s28 =	sld [smem:$0x7EB]  }
0x77a: {  	[sflag:s18] =	ssyncset.done $0x0  }
0x77b: {  	[sflag:s18] =	ssyncadd.s32 $0xFFFF8000  }
0x77c: {  	[hbm4b:s28+s2] =	stream.linear.scatter [tilespmem:s12], [sflag:$0x6], $0x8000, $0x38;
	[tilespmem:$0x18000] =	vst v63  }
0x77d: {  	_ =	swait.ge [sflag:s9], $0x8000  }
0x77e: {  	s29 =	sld [smem:$0x7EC]  }
0x77f: {  	[sflag:s9] =	ssyncset.done $0x0  }
0x780: {  	[sflag:s9] =	ssyncadd.s32 $0xFFFF8000  }
0x781: {  	[tilespmem:s12], [sflag:$0x3] =	stream.linear.gather [hbm4b:s29+s2], $0x8000, $0x38;
	[tilespmem:$0x18000] =	vst v63  }
0x782: {  	_ =	swait.ge [sflag:s14], $0x8000  }
0x783: {  	s30 =	sld [smem:$0x7ED]  }
0x784: {  	[sflag:s14] =	ssyncset.done $0x0  }
0x785: {  	[sflag:s14] =	ssyncadd.s32 $0xFFFF8000  }
0x786: {  	[hbm4b:s30+s2] =	stream.linear.scatter [tilespmem:s2], [sflag:$0x4], $0x8000, $0x38;
	[tilespmem:$0x18000] =	vst v63  }
0x787: {  	_ =	swait.ge [sflag:s6], $0x8000  }
0x788: {  	s31 =	sld [smem:$0x7EE]  }
0x789: {  	[sflag:s6] =	ssyncset.done $0x0  }
0x78a: {  	[sflag:s6] =	ssyncadd.s32 $0xFFFF8000  }
0x78b: {  	[tilespmem:s2], [sflag:$0x1] =	stream.linear.gather [hbm4b:s31+s2], $0x8000, $0x38;
	[tilespmem:$0x18000] =	vst v63  }
0x78c: {  	_ =	swait.ge [sflag:s20], $0x8000  }
0x78d: {  	s1 =	sld [smem:$0x7EF]  }
0x78e: {  	[sflag:s20] =	ssyncset.done $0x0  }
0x78f: {  	[sflag:s20] =	ssyncadd.s32 $0xFFFF8000  }
0x790: {  	[hbm4b:s1+s2] =	stream.linear.scatter [tilespmem:s11], [sflag:$0x5], $0x8000, $0x38;
	[tilespmem:$0x18000] =	vst v63  }
0x791: {  	_ =	swait.ge [sflag:s13], $0x8000  }
0x792: {  	s23 =	sld [smem:$0x7F0]  }
0x793: {  	[sflag:s13] =	ssyncset.done $0x0  }
0x794: {  	[sflag:s13] =	ssyncadd.s32 $0xFFFF8000  }
0x795: {  	[tilespmem:s11], [sflag:$0x2] =	stream.linear.gather [hbm4b:s23+s2], $0x8000, $0x38;
	[tilespmem:$0x18000] =	vst v63  }
0x796: {  	_ =	swait.ge [sflag:s18], $0x8000  }
0x797: {  	s24 =	sld [smem:$0x7F1]  }
0x798: {  	[sflag:s18] =	ssyncset.done $0x0  }
0x799: {  	[sflag:s18] =	ssyncadd.s32 $0xFFFF8000  }
0x79a: {  	[hbm4b:s24+s2] =	stream.linear.scatter [tilespmem:s12], [sflag:$0x6], $0x8000, $0x38;
	[tilespmem:$0x18000] =	vst v63  }
0x79b: {  	_ =	swait.ge [sflag:s9], $0x8000  }
0x79c: {  	s26 =	sld [smem:$0x7F2]  }
0x79d: {  	[sflag:s9] =	ssyncset.done $0x0  }
0x79e: {  	[sflag:s9] =	ssyncadd.s32 $0xFFFF8000  }
0x79f: {  	[tilespmem:s12], [sflag:$0x3] =	stream.linear.gather [hbm4b:s26+s2], $0x8000, $0x38;
	[tilespmem:$0x18000] =	vst v63  }
0x7a0: {  	_ =	swait.ge [sflag:s14], $0x8000  }
0x7a1: {  	s28 =	sld [smem:$0x7F3]  }
0x7a2: {  	[sflag:s14] =	ssyncset.done $0x0  }
0x7a3: {  	[sflag:s14] =	ssyncadd.s32 $0xFFFF8000  }
0x7a4: {  	[hbm4b:s28+s2] =	stream.linear.scatter [tilespmem:s2], [sflag:$0x4], $0x8000, $0x38;
	[tilespmem:$0x18000] =	vst v63  }
0x7a5: {  	_ =	swait.ge [sflag:s6], $0x8000  }
0x7a6: {  	s29 =	sld [smem:$0x7F4]  }
0x7a7: {  	[sflag:s6] =	ssyncset.done $0x0  }
0x7a8: {  	[sflag:s6] =	ssyncadd.s32 $0xFFFF8000  }
0x7a9: {  	[tilespmem:s2], [sflag:$0x1] =	stream.linear.gather [hbm4b:s29+s2], $0x8000, $0x38;
	[tilespmem:$0x18000] =	vst v63  }
0x7aa: {  	_ =	swait.ge [sflag:s20], $0x8000  }
0x7ab: {  	s30 =	sld [smem:$0x7F5]  }
0x7ac: {  	[sflag:s20] =	ssyncset.done $0x0  }
0x7ad: {  	[sflag:s20] =	ssyncadd.s32 $0xFFFF8000  }
0x7ae: {  	[hbm4b:s30+s2] =	stream.linear.scatter [tilespmem:s11], [sflag:$0x5], $0x8000, $0x38;
	[tilespmem:$0x18000] =	vst v63  }
0x7af: {  	_ =	swait.ge [sflag:s13], $0x8000  }
0x7b0: {  	s31 =	sld [smem:$0x7F6]  }
0x7b1: {  	[sflag:s13] =	ssyncset.done $0x0  }
0x7b2: {  	[sflag:s13] =	ssyncadd.s32 $0xFFFF8000  }
0x7b3: {  	[tilespmem:s11], [sflag:$0x2] =	stream.linear.gather [hbm4b:s31+s2], $0x8000, $0x38;
	[tilespmem:$0x18000] =	vst v63  }
0x7b4: {  	_ =	swait.ge [sflag:s18], $0x8000  }
0x7b5: {  	s1 =	sld [smem:$0x7F7]  }
0x7b6: {  	[sflag:s18] =	ssyncset.done $0x0  }
0x7b7: {  	[sflag:s18] =	ssyncadd.s32 $0xFFFF8000  }
0x7b8: {  	[hbm4b:s1+s2] =	stream.linear.scatter [tilespmem:s12], [sflag:$0x6], $0x8000, $0x38;
	[tilespmem:$0x18000] =	vst v63  }
0x7b9: {  	_ =	swait.ge [sflag:s9], $0x8000  }
0x7ba: {  	s23 =	sld [smem:$0x7F8]  }
0x7bb: {  	[sflag:s9] =	ssyncset.done $0x0  }
0x7bc: {  	[sflag:s9] =	ssyncadd.s32 $0xFFFF8000  }
0x7bd: {  	[tilespmem:s12], [sflag:$0x3] =	stream.linear.gather [hbm4b:s23+s2], $0x8000, $0x38;
	[tilespmem:$0x18000] =	vst v63  }
0x7be: {  	_ =	swait.ge [sflag:s14], $0x8000  }
0x7bf: {  	s24 =	sld [smem:$0x7F9]  }
0x7c0: {  	[sflag:s14] =	ssyncset.done $0x0  }
0x7c1: {  	[sflag:s14] =	ssyncadd.s32 $0xFFFF8000  }
0x7c2: {  	[hbm4b:s24+s2] =	stream.linear.scatter [tilespmem:s2], [sflag:$0x4], $0x8000, $0x38;
	[tilespmem:$0x18000] =	vst v63  }
0x7c3: {  	_ =	swait.ge [sflag:s6], $0x8000  }
0x7c4: {  	s26 =	sld [smem:$0x7FA]  }
0x7c5: {  	[sflag:s6] =	ssyncset.done $0x0  }
0x7c6: {  	[sflag:s6] =	ssyncadd.s32 $0xFFFF8000  }
0x7c7: {  	[tilespmem:s2], [sflag:$0x1] =	stream.linear.gather [hbm4b:s26+s2], $0x8000, $0x38;
	[tilespmem:$0x18000] =	vst v63  }
0x7c8: {  	_ =	swait.ge [sflag:s20], $0x8000  }
0x7c9: {  	s28 =	sld [smem:$0x7FB]  }
0x7ca: {  	[sflag:s20] =	ssyncset.done $0x0  }
0x7cb: {  	[sflag:s20] =	ssyncadd.s32 $0xFFFF8000  }
0x7cc: {  	[hbm4b:s28+s2] =	stream.linear.scatter [tilespmem:s11], [sflag:$0x5], $0x8000, $0x38;
	[tilespmem:$0x18000] =	vst v63  }
0x7cd: {  	_ =	swait.ge [sflag:s13], $0x8000  }
0x7ce: {  	s29 =	sld [smem:$0x7FC]  }
0x7cf: {  	[sflag:s13] =	ssyncset.done $0x0  }
0x7d0: {  	[sflag:s13] =	ssyncadd.s32 $0xFFFF8000  }
0x7d1: {  	[tilespmem:s11], [sflag:$0x2] =	stream.linear.gather [hbm4b:s29+s2], $0x8000, $0x38;
	[tilespmem:$0x18000] =	vst v63  }
0x7d2: {  	_ =	swait.ge [sflag:s18], $0x8000  }
0x7d3: {  	s30 =	sld [smem:$0x7FD]  }
0x7d4: {  	[sflag:s18] =	ssyncset.done $0x0  }
0x7d5: {  	[sflag:s18] =	ssyncadd.s32 $0xFFFF8000  }
0x7d6: {  	[hbm4b:s30+s2] =	stream.linear.scatter [tilespmem:s12], [sflag:$0x6], $0x8000, $0x38;
	[tilespmem:$0x18000] =	vst v63  }
0x7d7: {  	_ =	swait.ge [sflag:s9], $0x8000  }
0x7d8: {  	[sflag:s9] =	ssyncset.done $0x0  }
0x7d9: {  	[sflag:s9] =	ssyncadd.s32 $0xFFFF8000  }
0x7da: {  	[tilespmem:s12], [sflag:$0x3] =	stream.linear.gather [hbm4b:s22+s2], $0x8000, $0x38;
	[tilespmem:$0x18000] =	vst v63  }
0x7db: {  	_ =	swait.ge [sflag:s14], $0x8000  }
0x7dc: {  	[sflag:s14] =	ssyncset.done $0x0  }
0x7dd: {  	[sflag:s14] =	ssyncadd.s32 $0xFFFF8000  }
0x7de: {  	[hbm4b:s21+s2] =	stream.linear.scatter [tilespmem:s2], [sflag:$0x4], $0x8000, $0x38;
	[tilespmem:$0x18000] =	vst v63  }
0x7df: {  	_ =	swait.ge [sflag:s6], $0x8000  }
0x7e0: {  	[sflag:s6] =	ssyncset.done $0x0  }
0x7e1: {  	[sflag:s6] =	ssyncadd.s32 $0xFFFF8000  }
0x7e2: {  	[tilespmem:s2], [sflag:$0x1] =	stream.linear.gather [hbm4b:s19+s2], $0x8000, $0x38;
	[tilespmem:$0x18000] =	vst v63  }
0x7e3: {  	_ =	swait.ge [sflag:s20], $0x8000  }
0x7e4: {  	[sflag:s20] =	ssyncset.done $0x0  }
0x7e5: {  	[sflag:s20] =	ssyncadd.s32 $0xFFFF8000  }
0x7e6: {  	[hbm4b:s17+s2] =	stream.linear.scatter [tilespmem:s11], [sflag:$0x5], $0x8000, $0x38;
	[tilespmem:$0x18000] =	vst v63  }
0x7e7: {  	_ =	swait.ge [sflag:s13], $0x8000  }
0x7e8: {  	[sflag:s13] =	ssyncset.done $0x0  }
0x7e9: {  	[sflag:s13] =	ssyncadd.s32 $0xFFFF8000  }
0x7ea: {  	[tilespmem:s11], [sflag:$0x2] =	stream.linear.gather [hbm4b:s16+s2], $0x8000, $0x38;
	[tilespmem:$0x18000] =	vst v63  }
0x7eb: {  	_ =	swait.ge [sflag:s18], $0x8000  }
0x7ec: {  	[sflag:s18] =	ssyncset.done $0x0  }
0x7ed: {  	[sflag:s18] =	ssyncadd.s32 $0xFFFF8000  }
0x7ee: {  	[hbm4b:s15+s2] =	stream.linear.scatter [tilespmem:s12], [sflag:$0x6], $0x8000, $0x38;
	[tilespmem:$0x18000] =	vst v63  }
0x7ef: {  	_ =	swait.ge [sflag:s9], $0x8000  }
0x7f0: {  	[sflag:s9] =	ssyncset.done $0x0  }
0x7f1: {  	[sflag:s9] =	ssyncadd.s32 $0xFFFF8000  }
0x7f2: {  	[tilespmem:s12], [sflag:$0x3] =	stream.linear.gather [hbm4b:s10+s2], $0x8000, $0x38;
	[tilespmem:$0x18000] =	vst v63  }
0x7f3: {  	_ =	swait.ge [sflag:s14], $0x8000  }
0x7f4: {  	[sflag:s14] =	ssyncset.done $0x0  }
0x7f5: {  	[sflag:s14] =	ssyncadd.s32 $0xFFFF8000  }
0x7f6: {  	[hbm4b:s8+s2] =	stream.linear.scatter [tilespmem:s2], [sflag:$0x4], $0x8000, $0x38;
	[tilespmem:$0x18000] =	vst v63  }
0x7f7: {  	_ =	swait.ge [sflag:s6], $0x8000  }
0x7f8: {  	[sflag:s6] =	ssyncset.done $0x0  }
0x7f9: {  	[sflag:s6] =	ssyncadd.s32 $0xFFFF8000  }
0x7fa: {  	[tilespmem:s2], [sflag:$0x1] =	stream.linear.gather [hbm4b:s7+s2], $0x8000, $0x38;
	[tilespmem:$0x18000] =	vst v63  }
0x7fb: {  	_ =	swait.ge [sflag:s20], $0x8000  }
0x7fc: {  	[sflag:s20] =	ssyncset.done $0x0  }
0x7fd: {  	[sflag:s20] =	ssyncadd.s32 $0xFFFF8000  }
0x7fe: {  	[hbm4b:s5+s2] =	stream.linear.scatter [tilespmem:s11], [sflag:$0x5], $0x8000, $0x38;
	[tilespmem:$0x18000] =	vst v63  }
0x7ff: {  	_ =	swait.ge [sflag:s18], $0x8000  }
0x800: {  	[sflag:s18] =	ssyncset.done $0x0  }
0x801: {  	[sflag:s18] =	ssyncadd.s32 $0xFFFF8000  }
0x802: {  	[hbm4b:s4+s2] =	stream.linear.scatter [tilespmem:s12], [sflag:$0x6], $0x8000, $0x38;
	[tilespmem:$0x18000] =	vst v63  }
0x803: {  	_ =	swait.ge [sflag:s14], $0x8000  }
0x804: {  	[sflag:s14] =	ssyncset.done $0x0  }
0x805: {  	[sflag:s14] =	ssyncadd.s32 $0xFFFF8000  }
0x806: {  	[hbm4b:s3+s2] =	stream.linear.scatter [tilespmem:s2], [sflag:$0x4], $0x8000, $0x38;
	[tilespmem:$0x18000] =	vst v63  }
0x807: {  	_ =	swait.ge [sflag:s13], $0x8000  }
0x808: {  	[sflag:s13] =	ssyncset.done $0x0  }
0x809: {  	[sflag:s13] =	ssyncadd.s32 $0xFFFF8000  }
0x80a: {  	_ =	swait.ge [sflag:s9], $0x8000  }
0x80b: {  	[sflag:s9] =	ssyncset.done $0x0  }
0x80c: {  	[sflag:s9] =	ssyncadd.s32 $0xFFFF8000  }
0x80d: {  	_ =	swait.ge [sflag:s6], $0x8000  }
0x80e: {  	[sflag:s6] =	ssyncset.done $0x0  }
0x80f: {  	[sflag:s6] =	ssyncadd.s32 $0xFFFF8000  }
0x810: {  	_ =	sfence.sel $0x180000  }
0x811: {  	s31 =	stileid.u32;
	[bflag:$0x0] =	sbarrier.arrive $0xFFFF  }
0x812: {  	p0 =	sne.s32 s31, $0x0;
	_ =	strace $0x90000047  }
0x813: {  	s0 =	sadd.s32 @!p0 $0x100000, s25;
	[bflag:$0x2] =	sbarrier.arrive $0xFFFF  }
0x814: {  	[sflag:s0] =	ssyncadd.tile.s32 @!p0 $0x1;
	_ =	shalt  }
.LBB2_1:
.Ltmp3:
0x815: {  	(pc) =	sbr.rel .LBB2_6-.Ltmp3, $3  }
0x816: {  	_ =	sdelay $0x1  }
0x817: {  	s26 =	simm.s32 $0x2000;
	s31 =	simm.s32 $0x4000  }
0x818: {  	s30 =	simm.s32 $0x6000;
	s29 =	simm.s32 $0xA000;
	s28 =	simm.s32 $0xC000  }
.LBB2_3:
.Ltmp4:
0x819: {  	(pc) =	sbr.rel .LBB2_6-.Ltmp4, $3  }
0x81a: {  	_ =	sdelay $0x1  }
0x81b: {  	s26 =	simm.s32 $0x2000;
	s31 =	simm.s32 $0x4000;
	s30 =	simm.s32 $0x6000  }
0x81c: {  	s29 =	simm.s32 $0xA000;
	s28 =	simm.s32 $0xC000;
	s25 =	rddreg [dreg:$0x5]  }
.Lfunc_end2:
_tile_overlayer_lowered:
.L_overlay_start_2:
0x81d: {  	(tag) =	ssettag $0x2  }
0x81e: {  	s0 =	rddreg [dreg:$0x0];
	s2 =	stileid.u32  }
0x81f: {  	s1 =	rddreg [dreg:$0x1];
	p0 =	sne.s32 s2, $0x0  }
0x820: {  	s3 =	rddreg [dreg:$0x2];
	[bflag:$0x3] =	sbarrier.arrive $0xFFFF;
	s2 =	simm.s32 @!p0 $0x1C07  }
0x821: {  	[timem:s3], [sflag:s2] =	dma.local @!p0 [hbm:s0], s1  }
0x822: {  	s0 =	simm.s32 @!p0 $0x7  }
0x823: {  	_ =	swait.ge @!p0 [sflag:s0], s1  }
0x824: {  	s1 =	ssub.s32 @!p0 $0x0, s1;
	[sflag:s0] =	ssyncset.done @!p0 $0x0  }
0x825: {  	[sflag:s0] =	ssyncadd.s32 @!p0 s1  }
0x826: {  	[bflag:$0x3] =	sbarrier.arrive $0xFFFF  }
0x827: {  	_ =	shalt  }

</sc_bundles>
